<compile_context>
chip_gen: v7x
topology: tpu7x:2x2x1
jax: 0.10.2.dev20260603
libtpu: 0.0.44.dev20260713+nightly
codegen_flags: <defaults>
</compile_context>

<pallas_src>
import functools

import jax
import jax.numpy as jnp
from jax import lax
from jax.experimental import pallas as pl
from jax.experimental.pallas import tpu as pltpu
from jax.experimental.pallas import tpu_sc as plsc

_B = 16
_TOTAL = 512
_T = 128
_D = 1024
_OUT = 256

_BU = 16
_NS = 16
_NW = 32
_RPW = _TOTAL // _NW


def _emb_body(x_ref, w_ref, b_ref, o_ref):
    pooled = jnp.sum(x_ref[...], axis=1) * (1.0 / _T)
    emb = jnp.dot(pooled, w_ref[...],
                  preferred_element_type=jnp.float32) + b_ref[...]
    norm = jnp.sqrt(jnp.sum(emb * emb, axis=-1, keepdims=True))
    o_ref[...] = emb / (norm + 1e-8)


def _loss_body(p_ref, lab_ref, o_ref):
    m = jnp.max(p_ref[...], axis=0)
    lab = lab_ref[0, :]
    pos = jnp.where(lab > 0.0, 1.0 - m, 0.0)
    neg = jnp.where(lab < 0.0, jnp.maximum(m, 0.0), 0.0)
    o_ref[...] = jnp.reshape((jnp.sum(pos) + jnp.sum(neg)) / _B, (1, 1))


def _sc_seg_max(embs_hbm, cuts_hbm, out_hbm,
                an_v, q_v, cuts_v, max_v, sem_a, sem_g):
    wid = lax.axis_index("c") * _NS + lax.axis_index("s")
    base = wid * _RPW

    cp_an = pltpu.async_copy(embs_hbm.at[pl.ds(_B + base, _RPW)], an_v, sem_a)
    pltpu.sync_copy(cuts_hbm, cuts_v)

    lanes = lax.iota(jnp.int32, 16)
    j_vec = lanes + base
    cuts_vec = cuts_v[...]
    seg = jnp.zeros((16,), jnp.int32)
    for k in range(_B):
        seg = seg + jnp.where(cuts_vec[k] <= j_vec, 1, 0).astype(jnp.int32)

    pltpu.async_copy(embs_hbm.at[seg], q_v, sem_g).wait()
    cp_an.wait()

    def shuffle(v, idx):
        return lax.gather(
            v, jnp.reshape(idx, (16, 1)),
            dimension_numbers=lax.GatherDimensionNumbers(
                offset_dims=(), collapsed_slice_dims=(0,),
                start_index_map=(0,)),
            slice_sizes=(1,),
            mode=lax.GatherScatterMode.PROMISE_IN_BOUNDS)

    maxvec = jnp.full((16,), -1e30, jnp.float32)
    for r in range(_RPW):
        acc = jnp.zeros((16,), jnp.float32)
        for c in range(_OUT // 16):
            sl = pl.ds(c * 16, 16)
            acc = acc + an_v[r, sl] * q_v[r, sl]
        for sh in (8, 4, 2, 1):
            acc = acc + shuffle(acc, lax.bitwise_xor(lanes, sh))
        seg_r = shuffle(seg, jnp.full((16,), r, jnp.int32))
        maxvec = jnp.maximum(maxvec, jnp.where(lanes == seg_r, acc, -1e30))

    max_v[...] = maxvec
    pltpu.sync_copy(max_v, out_hbm.at[wid])


@functools.cache
def _sc_seg_max_call():
    return pl.kernel(
        _sc_seg_max,
        mesh=plsc.VectorSubcoreMesh(core_axis_name="c", subcore_axis_name="s"),
        out_type=jax.ShapeDtypeStruct((_NW, 16), jnp.float32),
        scratch_types=[
            pltpu.VMEM((_RPW, _OUT), jnp.float32),
            pltpu.VMEM((_RPW, _OUT), jnp.float32),
            pltpu.VMEM((16,), jnp.int32),
            pltpu.VMEM((16,), jnp.float32),
            pltpu.SemaphoreType.DMA,
            pltpu.SemaphoreType.DMA,
        ],
    )


def kernel(features, prefix_sums, labels, W, b):
    n_utt = _B + _TOTAL
    embs_n = pl.pallas_call(
        _emb_body,
        grid=(n_utt // _BU,),
        in_specs=[
            pl.BlockSpec((_BU, _T, _D), lambda i: (i, 0, 0)),
            pl.BlockSpec((_D, _OUT), lambda i: (0, 0)),
            pl.BlockSpec((1, _OUT), lambda i: (0, 0)),
        ],
        out_specs=pl.BlockSpec((_BU, _OUT), lambda i: (i, 0)),
        out_shape=jax.ShapeDtypeStruct((n_utt, _OUT), jnp.float32),
    )(features, W, jnp.reshape(b, (1, _OUT)))

    cuts = prefix_sums[1:]

    partial = _sc_seg_max_call()(embs_n, cuts)

    loss = pl.pallas_call(
        _loss_body,
        in_specs=[
            pl.BlockSpec((_NW, 16), lambda: (0, 0)),
            pl.BlockSpec((1, _B), lambda: (0, 0)),
        ],
        out_specs=pl.BlockSpec((1, 1), lambda: (0, 0)),
        out_shape=jax.ShapeDtypeStruct((1, 1), jnp.float32),
    )(partial, jnp.reshape(labels, (1, _B)))

    return jnp.reshape(loss, ())

# --- scband reference (transcript-rebuilt; emitter-appended) ---
"""Pipeline reference for scband-downstream-expert-75952201662794 (READ-ONLY COPY).

The authoritative reference and input builder live on the scoring server;
editing this copy changes nothing except your own understanding.
"""

import jax, jax.numpy as jnp
import numpy as np

B = 16        # batch_size (number of queries)
TOTAL = 512   # total number of audio candidate utterances (ragged, split by prefix_sums)
T = 128       # frames per utterance (features are stacked, so fixed length)
D = 1024      # upstream_dim
OUT = 256     # Model output embedding dim


def setup_inputs(seed: int = 0) -> dict:
    key = jax.random.key(seed)
    k1, k2, k3 = jax.random.split(key, 3)
    features = jax.random.normal(k1, (B + TOTAL, T, D), dtype=jnp.float32)
    # strictly increasing ragged boundaries: prefix_sums[0]=0, prefix_sums[-1]=TOTAL
    rng = np.random.default_rng(0)
    cuts = np.sort(rng.choice(np.arange(1, TOTAL), size=B - 1, replace=False))
    prefix_sums = jnp.asarray(np.concatenate([[0], cuts, [TOTAL]]), dtype=jnp.int32)
    labels = jnp.where(jax.random.uniform(k2, (B,)) > 0.5, 1.0, -1.0).astype(jnp.float32)
    # Model parameters: mean-pool over time + linear projection (s3prl-style utterance model)
    W = (jax.random.normal(k3, (D, OUT), dtype=jnp.float32) / np.sqrt(D)).astype(jnp.float32)
    b = jnp.zeros((OUT,), dtype=jnp.float32)
    return {"features": features, "prefix_sums": prefix_sums, "labels": labels, "W": W, "b": b}


def reference(features, prefix_sums, labels, W, b):
    # Model: mean pool over frames then linear -> one embedding per utterance
    embs = jnp.mean(features, axis=1) @ W + b              # [B+TOTAL, OUT]
    query_embs = embs[:B]                                   # [B, OUT]
    audio_embs = embs[B:]                                   # [TOTAL, OUT]
    # ragged segment id for each audio utterance from prefix_sums boundaries
    seg = jnp.searchsorted(prefix_sums[1:], jnp.arange(TOTAL, dtype=jnp.int32), side='right')  # [TOTAL]
    qn = query_embs / (jnp.linalg.norm(query_embs, axis=-1, keepdims=True) + 1e-8)
    an = audio_embs / (jnp.linalg.norm(audio_embs, axis=-1, keepdims=True) + 1e-8)
    sims = jnp.sum(qn[seg] * an, axis=-1)                   # cosine sim, gathered per segment
    max_similarities = jax.ops.segment_max(sims, seg, num_segments=B)  # [B]
    pos_mask = (labels > 0).astype(jnp.float32)
    neg_mask = (labels < 0).astype(jnp.float32)
    pos_loss = jnp.sum((1.0 - max_similarities) * pos_mask)
    neg_loss = jnp.sum(jnp.clip(max_similarities, 0.0, None) * neg_mask)
    loss = (pos_loss + neg_loss) / B
    return loss

if __name__ == "__main__":
    import jax
    _d = setup_inputs()
    print(jax.jit(kernel)(*tuple(_d.values())))

</pallas_src>

<mosaic_0001>
#map = affine_map<(d0, d1) -> (0, 0)>
#map1 = affine_map<(d0, d1) -> (0)>
module attributes {stable_mosaic.version = 14 : i64} {
  func.func @_sc_seg_max(%arg0: i32, %arg1: i32, %arg2: memref<528x256xf32, #tpu.memory_space<hbm>>, %arg3: memref<16xi32, #tpu.memory_space<hbm>>, %arg4: memref<32x16xf32, #tpu.memory_space<hbm>>, %arg5: memref<16x256xf32, #tpu.memory_space<vmem>>, %arg6: memref<16x256xf32, #tpu.memory_space<vmem>>, %arg7: memref<16xi32, #tpu.memory_space<vmem>>, %arg8: memref<16xf32, #tpu.memory_space<vmem>>, %arg9: memref<!tpu.dma_semaphore, #tpu.memory_space<semaphore_mem>>, %arg10: memref<!tpu.dma_semaphore, #tpu.memory_space<semaphore_mem>>) attributes {dimension_semantics = [#tpu.dimension_semantics<core_parallel>, #tpu.dimension_semantics<subcore_parallel>], iteration_bounds = array<i64: 2, 16>, scalar_prefetch = 0 : i64, scratch_operands = 6 : i64, tpu.core_type = #tpu.core_type<sc_vector_subcore>, window_params = [{transform_indices = #map}, {transform_indices = #map1}, {transform_indices = #map}]} {
    %mul3A = arith.constant 16 : i32
    %mul3A_0 = arith.muli %arg0, %mul3A : i32
    %add3A = arith.addi %mul3A_0, %arg1 : i32
    %mul3A_1 = arith.constant 16 : i32
    %mul3A_2 = arith.muli %add3A, %mul3A_1 : i32
    %add3A_3 = arith.constant 16 : i32
    %add3A_4 = arith.addi %add3A_3, %mul3A_2 : i32
    %dma_start3A = arith.constant 0 : i32
    %dma_start3A_5 = tpu.memref_slice %arg2[%add3A_4, %dma_start3A] : memref<528x256xf32, #tpu.memory_space<hbm>> -> memref<16x256xf32, #tpu.memory_space<hbm>>
    %dma_start3A_6 = arith.constant 0 : i32
    %dma_start3A_7 = tpu.memref_slice %arg2[%add3A_4, %dma_start3A_6] : memref<528x256xf32, #tpu.memory_space<hbm>> -> memref<16x256xf32, #tpu.memory_space<hbm>>
    tpu.enqueue_dma source(%dma_start3A_7 : memref<16x256xf32, #tpu.memory_space<hbm>>) target(%arg5 : memref<16x256xf32, #tpu.memory_space<vmem>>) target_semaphore(%arg9 : memref<!tpu.dma_semaphore, #tpu.memory_space<semaphore_mem>>)
    "tpu.region"() ({
      %run_scoped3A = tpu.sem_alloc : memref<!tpu.dma_semaphore, #tpu.memory_space<semaphore_mem>>
      tpu.enqueue_dma source(%arg3 : memref<16xi32, #tpu.memory_space<hbm>>) target(%arg7 : memref<16xi32, #tpu.memory_space<vmem>>) target_semaphore(%run_scoped3A : memref<!tpu.dma_semaphore, #tpu.memory_space<semaphore_mem>>)
      tpu.wait_dma2 semaphore(%run_scoped3A : memref<!tpu.dma_semaphore, #tpu.memory_space<semaphore_mem>>) src(%arg3 : memref<16xi32, #tpu.memory_space<hbm>>) dst(%arg7 : memref<16xi32, #tpu.memory_space<vmem>>)
      tpu.yield
    }) : () -> ()
    %iota3A = tpu.iota {dimensions = array<i32: 0>} : vector<16xi32>
    %add3A_8 = vector.broadcast %mul3A_2 : i32 to vector<16xi32>
    %add3A_9 = arith.addi %iota3A, %add3A_8 : vector<16xi32>
    %get3A = arith.constant 0 : index
    %get3A_10 = tpu.vector_load %arg7[%get3A] {strides = array<i32>} : memref<16xi32, #tpu.memory_space<vmem>>, vector<16xi32>,
    %get3A_11 = vector.shape_cast %get3A_10 : vector<16xi32> to vector<16xi32>
    %broadcast_in_dim3A = arith.constant 0 : i32
    %broadcast_in_dim3A_12 = vector.broadcast %broadcast_in_dim3A : i32 to vector<16xi32>
    %slice3A = vector.extract_strided_slice %get3A_11 {offsets = [0], sizes = [1], strides = [1]} : vector<16xi32> to vector<1xi32>
    %squeeze3A = vector.extract %slice3A[0] : i32 from vector<1xi32>
    %le3A = vector.broadcast %squeeze3A : i32 to vector<16xi32>
    %le3A_13 = arith.cmpi sle, %le3A, %add3A_9 : vector<16xi32>
    %jit3A = arith.constant 1 : i32
    %jit3A_14 = arith.constant 0 : i32
    %broadcast_in_dim3A_15 = vector.broadcast %jit3A : i32 to vector<16xi32>
    %broadcast_in_dim3A_16 = vector.broadcast %jit3A_14 : i32 to vector<16xi32>
    %select_n3A = arith.select %le3A_13, %broadcast_in_dim3A_15, %broadcast_in_dim3A_16 : vector<16xi1>, vector<16xi32>
    %add3A_17 = arith.addi %broadcast_in_dim3A_12, %select_n3A : vector<16xi32>
    %slice3A_18 = vector.extract_strided_slice %get3A_11 {offsets = [1], sizes = [1], strides = [1]} : vector<16xi32> to vector<1xi32>
    %squeeze3A_19 = vector.extract %slice3A_18[0] : i32 from vector<1xi32>
    %le3A_20 = vector.broadcast %squeeze3A_19 : i32 to vector<16xi32>
    %le3A_21 = arith.cmpi sle, %le3A_20, %add3A_9 : vector<16xi32>
    %jit3A_22 = arith.constant 1 : i32
    %jit3A_23 = arith.constant 0 : i32
    %broadcast_in_dim3A_24 = vector.broadcast %jit3A_22 : i32 to vector<16xi32>
    %broadcast_in_dim3A_25 = vector.broadcast %jit3A_23 : i32 to vector<16xi32>
    %select_n3A_26 = arith.select %le3A_21, %broadcast_in_dim3A_24, %broadcast_in_dim3A_25 : vector<16xi1>, vector<16xi32>
    %add3A_27 = arith.addi %add3A_17, %select_n3A_26 : vector<16xi32>
    %slice3A_28 = vector.extract_strided_slice %get3A_11 {offsets = [2], sizes = [1], strides = [1]} : vector<16xi32> to vector<1xi32>
    %squeeze3A_29 = vector.extract %slice3A_28[0] : i32 from vector<1xi32>
    %le3A_30 = vector.broadcast %squeeze3A_29 : i32 to vector<16xi32>
    %le3A_31 = arith.cmpi sle, %le3A_30, %add3A_9 : vector<16xi32>
    %jit3A_32 = arith.constant 1 : i32
    %jit3A_33 = arith.constant 0 : i32
    %broadcast_in_dim3A_34 = vector.broadcast %jit3A_32 : i32 to vector<16xi32>
    %broadcast_in_dim3A_35 = vector.broadcast %jit3A_33 : i32 to vector<16xi32>
    %select_n3A_36 = arith.select %le3A_31, %broadcast_in_dim3A_34, %broadcast_in_dim3A_35 : vector<16xi1>, vector<16xi32>
    %add3A_37 = arith.addi %add3A_27, %select_n3A_36 : vector<16xi32>
    %slice3A_38 = vector.extract_strided_slice %get3A_11 {offsets = [3], sizes = [1], strides = [1]} : vector<16xi32> to vector<1xi32>
    %squeeze3A_39 = vector.extract %slice3A_38[0] : i32 from vector<1xi32>
    %le3A_40 = vector.broadcast %squeeze3A_39 : i32 to vector<16xi32>
    %le3A_41 = arith.cmpi sle, %le3A_40, %add3A_9 : vector<16xi32>
    %jit3A_42 = arith.constant 1 : i32
    %jit3A_43 = arith.constant 0 : i32
    %broadcast_in_dim3A_44 = vector.broadcast %jit3A_42 : i32 to vector<16xi32>
    %broadcast_in_dim3A_45 = vector.broadcast %jit3A_43 : i32 to vector<16xi32>
    %select_n3A_46 = arith.select %le3A_41, %broadcast_in_dim3A_44, %broadcast_in_dim3A_45 : vector<16xi1>, vector<16xi32>
    %add3A_47 = arith.addi %add3A_37, %select_n3A_46 : vector<16xi32>
    %slice3A_48 = vector.extract_strided_slice %get3A_11 {offsets = [4], sizes = [1], strides = [1]} : vector<16xi32> to vector<1xi32>
    %squeeze3A_49 = vector.extract %slice3A_48[0] : i32 from vector<1xi32>
    %le3A_50 = vector.broadcast %squeeze3A_49 : i32 to vector<16xi32>
    %le3A_51 = arith.cmpi sle, %le3A_50, %add3A_9 : vector<16xi32>
    %jit3A_52 = arith.constant 1 : i32
    %jit3A_53 = arith.constant 0 : i32
    %broadcast_in_dim3A_54 = vector.broadcast %jit3A_52 : i32 to vector<16xi32>
    %broadcast_in_dim3A_55 = vector.broadcast %jit3A_53 : i32 to vector<16xi32>
    %select_n3A_56 = arith.select %le3A_51, %broadcast_in_dim3A_54, %broadcast_in_dim3A_55 : vector<16xi1>, vector<16xi32>
    %add3A_57 = arith.addi %add3A_47, %select_n3A_56 : vector<16xi32>
    %slice3A_58 = vector.extract_strided_slice %get3A_11 {offsets = [5], sizes = [1], strides = [1]} : vector<16xi32> to vector<1xi32>
    %squeeze3A_59 = vector.extract %slice3A_58[0] : i32 from vector<1xi32>
    %le3A_60 = vector.broadcast %squeeze3A_59 : i32 to vector<16xi32>
    %le3A_61 = arith.cmpi sle, %le3A_60, %add3A_9 : vector<16xi32>
    %jit3A_62 = arith.constant 1 : i32
    %jit3A_63 = arith.constant 0 : i32
    %broadcast_in_dim3A_64 = vector.broadcast %jit3A_62 : i32 to vector<16xi32>
    %broadcast_in_dim3A_65 = vector.broadcast %jit3A_63 : i32 to vector<16xi32>
    %select_n3A_66 = arith.select %le3A_61, %broadcast_in_dim3A_64, %broadcast_in_dim3A_65 : vector<16xi1>, vector<16xi32>
    %add3A_67 = arith.addi %add3A_57, %select_n3A_66 : vector<16xi32>
    %slice3A_68 = vector.extract_strided_slice %get3A_11 {offsets = [6], sizes = [1], strides = [1]} : vector<16xi32> to vector<1xi32>
    %squeeze3A_69 = vector.extract %slice3A_68[0] : i32 from vector<1xi32>
    %le3A_70 = vector.broadcast %squeeze3A_69 : i32 to vector<16xi32>
    %le3A_71 = arith.cmpi sle, %le3A_70, %add3A_9 : vector<16xi32>
    %jit3A_72 = arith.constant 1 : i32
    %jit3A_73 = arith.constant 0 : i32
    %broadcast_in_dim3A_74 = vector.broadcast %jit3A_72 : i32 to vector<16xi32>
    %broadcast_in_dim3A_75 = vector.broadcast %jit3A_73 : i32 to vector<16xi32>
    %select_n3A_76 = arith.select %le3A_71, %broadcast_in_dim3A_74, %broadcast_in_dim3A_75 : vector<16xi1>, vector<16xi32>
    %add3A_77 = arith.addi %add3A_67, %select_n3A_76 : vector<16xi32>
    %slice3A_78 = vector.extract_strided_slice %get3A_11 {offsets = [7], sizes = [1], strides = [1]} : vector<16xi32> to vector<1xi32>
    %squeeze3A_79 = vector.extract %slice3A_78[0] : i32 from vector<1xi32>
    %le3A_80 = vector.broadcast %squeeze3A_79 : i32 to vector<16xi32>
    %le3A_81 = arith.cmpi sle, %le3A_80, %add3A_9 : vector<16xi32>
    %jit3A_82 = arith.constant 1 : i32
    %jit3A_83 = arith.constant 0 : i32
    %broadcast_in_dim3A_84 = vector.broadcast %jit3A_82 : i32 to vector<16xi32>
    %broadcast_in_dim3A_85 = vector.broadcast %jit3A_83 : i32 to vector<16xi32>
    %select_n3A_86 = arith.select %le3A_81, %broadcast_in_dim3A_84, %broadcast_in_dim3A_85 : vector<16xi1>, vector<16xi32>
    %add3A_87 = arith.addi %add3A_77, %select_n3A_86 : vector<16xi32>
    %slice3A_88 = vector.extract_strided_slice %get3A_11 {offsets = [8], sizes = [1], strides = [1]} : vector<16xi32> to vector<1xi32>
    %squeeze3A_89 = vector.extract %slice3A_88[0] : i32 from vector<1xi32>
    %le3A_90 = vector.broadcast %squeeze3A_89 : i32 to vector<16xi32>
    %le3A_91 = arith.cmpi sle, %le3A_90, %add3A_9 : vector<16xi32>
    %jit3A_92 = arith.constant 1 : i32
    %jit3A_93 = arith.constant 0 : i32
    %broadcast_in_dim3A_94 = vector.broadcast %jit3A_92 : i32 to vector<16xi32>
    %broadcast_in_dim3A_95 = vector.broadcast %jit3A_93 : i32 to vector<16xi32>
    %select_n3A_96 = arith.select %le3A_91, %broadcast_in_dim3A_94, %broadcast_in_dim3A_95 : vector<16xi1>, vector<16xi32>
    %add3A_97 = arith.addi %add3A_87, %select_n3A_96 : vector<16xi32>
    %slice3A_98 = vector.extract_strided_slice %get3A_11 {offsets = [9], sizes = [1], strides = [1]} : vector<16xi32> to vector<1xi32>
    %squeeze3A_99 = vector.extract %slice3A_98[0] : i32 from vector<1xi32>
    %le3A_100 = vector.broadcast %squeeze3A_99 : i32 to vector<16xi32>
    %le3A_101 = arith.cmpi sle, %le3A_100, %add3A_9 : vector<16xi32>
    %jit3A_102 = arith.constant 1 : i32
    %jit3A_103 = arith.constant 0 : i32
    %broadcast_in_dim3A_104 = vector.broadcast %jit3A_102 : i32 to vector<16xi32>
    %broadcast_in_dim3A_105 = vector.broadcast %jit3A_103 : i32 to vector<16xi32>
    %select_n3A_106 = arith.select %le3A_101, %broadcast_in_dim3A_104, %broadcast_in_dim3A_105 : vector<16xi1>, vector<16xi32>
    %add3A_107 = arith.addi %add3A_97, %select_n3A_106 : vector<16xi32>
    %slice3A_108 = vector.extract_strided_slice %get3A_11 {offsets = [10], sizes = [1], strides = [1]} : vector<16xi32> to vector<1xi32>
    %squeeze3A_109 = vector.extract %slice3A_108[0] : i32 from vector<1xi32>
    %le3A_110 = vector.broadcast %squeeze3A_109 : i32 to vector<16xi32>
    %le3A_111 = arith.cmpi sle, %le3A_110, %add3A_9 : vector<16xi32>
    %jit3A_112 = arith.constant 1 : i32
    %jit3A_113 = arith.constant 0 : i32
    %broadcast_in_dim3A_114 = vector.broadcast %jit3A_112 : i32 to vector<16xi32>
    %broadcast_in_dim3A_115 = vector.broadcast %jit3A_113 : i32 to vector<16xi32>
    %select_n3A_116 = arith.select %le3A_111, %broadcast_in_dim3A_114, %broadcast_in_dim3A_115 : vector<16xi1>, vector<16xi32>
    %add3A_117 = arith.addi %add3A_107, %select_n3A_116 : vector<16xi32>
    %slice3A_118 = vector.extract_strided_slice %get3A_11 {offsets = [11], sizes = [1], strides = [1]} : vector<16xi32> to vector<1xi32>
    %squeeze3A_119 = vector.extract %slice3A_118[0] : i32 from vector<1xi32>
    %le3A_120 = vector.broadcast %squeeze3A_119 : i32 to vector<16xi32>
    %le3A_121 = arith.cmpi sle, %le3A_120, %add3A_9 : vector<16xi32>
    %jit3A_122 = arith.constant 1 : i32
    %jit3A_123 = arith.constant 0 : i32
    %broadcast_in_dim3A_124 = vector.broadcast %jit3A_122 : i32 to vector<16xi32>
    %broadcast_in_dim3A_125 = vector.broadcast %jit3A_123 : i32 to vector<16xi32>
    %select_n3A_126 = arith.select %le3A_121, %broadcast_in_dim3A_124, %broadcast_in_dim3A_125 : vector<16xi1>, vector<16xi32>
    %add3A_127 = arith.addi %add3A_117, %select_n3A_126 : vector<16xi32>
    %slice3A_128 = vector.extract_strided_slice %get3A_11 {offsets = [12], sizes = [1], strides = [1]} : vector<16xi32> to vector<1xi32>
    %squeeze3A_129 = vector.extract %slice3A_128[0] : i32 from vector<1xi32>
    %le3A_130 = vector.broadcast %squeeze3A_129 : i32 to vector<16xi32>
    %le3A_131 = arith.cmpi sle, %le3A_130, %add3A_9 : vector<16xi32>
    %jit3A_132 = arith.constant 1 : i32
    %jit3A_133 = arith.constant 0 : i32
    %broadcast_in_dim3A_134 = vector.broadcast %jit3A_132 : i32 to vector<16xi32>
    %broadcast_in_dim3A_135 = vector.broadcast %jit3A_133 : i32 to vector<16xi32>
    %select_n3A_136 = arith.select %le3A_131, %broadcast_in_dim3A_134, %broadcast_in_dim3A_135 : vector<16xi1>, vector<16xi32>
    %add3A_137 = arith.addi %add3A_127, %select_n3A_136 : vector<16xi32>
    %slice3A_138 = vector.extract_strided_slice %get3A_11 {offsets = [13], sizes = [1], strides = [1]} : vector<16xi32> to vector<1xi32>
    %squeeze3A_139 = vector.extract %slice3A_138[0] : i32 from vector<1xi32>
    %le3A_140 = vector.broadcast %squeeze3A_139 : i32 to vector<16xi32>
    %le3A_141 = arith.cmpi sle, %le3A_140, %add3A_9 : vector<16xi32>
    %jit3A_142 = arith.constant 1 : i32
    %jit3A_143 = arith.constant 0 : i32
    %broadcast_in_dim3A_144 = vector.broadcast %jit3A_142 : i32 to vector<16xi32>
    %broadcast_in_dim3A_145 = vector.broadcast %jit3A_143 : i32 to vector<16xi32>
    %select_n3A_146 = arith.select %le3A_141, %broadcast_in_dim3A_144, %broadcast_in_dim3A_145 : vector<16xi1>, vector<16xi32>
    %add3A_147 = arith.addi %add3A_137, %select_n3A_146 : vector<16xi32>
    %slice3A_148 = vector.extract_strided_slice %get3A_11 {offsets = [14], sizes = [1], strides = [1]} : vector<16xi32> to vector<1xi32>
    %squeeze3A_149 = vector.extract %slice3A_148[0] : i32 from vector<1xi32>
    %le3A_150 = vector.broadcast %squeeze3A_149 : i32 to vector<16xi32>
    %le3A_151 = arith.cmpi sle, %le3A_150, %add3A_9 : vector<16xi32>
    %jit3A_152 = arith.constant 1 : i32
    %jit3A_153 = arith.constant 0 : i32
    %broadcast_in_dim3A_154 = vector.broadcast %jit3A_152 : i32 to vector<16xi32>
    %broadcast_in_dim3A_155 = vector.broadcast %jit3A_153 : i32 to vector<16xi32>
    %select_n3A_156 = arith.select %le3A_151, %broadcast_in_dim3A_154, %broadcast_in_dim3A_155 : vector<16xi1>, vector<16xi32>
    %add3A_157 = arith.addi %add3A_147, %select_n3A_156 : vector<16xi32>
    %slice3A_158 = vector.extract_strided_slice %get3A_11 {offsets = [15], sizes = [1], strides = [1]} : vector<16xi32> to vector<1xi32>
    %squeeze3A_159 = vector.extract %slice3A_158[0] : i32 from vector<1xi32>
    %le3A_160 = vector.broadcast %squeeze3A_159 : i32 to vector<16xi32>
    %le3A_161 = arith.cmpi sle, %le3A_160, %add3A_9 : vector<16xi32>
    %jit3A_162 = arith.constant 1 : i32
    %jit3A_163 = arith.constant 0 : i32
    %broadcast_in_dim3A_164 = vector.broadcast %jit3A_162 : i32 to vector<16xi32>
    %broadcast_in_dim3A_165 = vector.broadcast %jit3A_163 : i32 to vector<16xi32>
    %select_n3A_166 = arith.select %le3A_161, %broadcast_in_dim3A_164, %broadcast_in_dim3A_165 : vector<16xi1>, vector<16xi32>
    %add3A_167 = arith.addi %add3A_157, %select_n3A_166 : vector<16xi32>
    %dma_start3A_168 = arith.constant 0 : i32
    %dma_start3A_169 = arith.constant 0 : i32
    %dma_start3A_170 = tpu.memref_slice %arg2[%dma_start3A_168, %dma_start3A_169] : memref<528x256xf32, #tpu.memory_space<hbm>> -> memref<528x256xf32, #tpu.memory_space<hbm>>
    tpu.enqueue_indirect_dma source(%dma_start3A_170 : memref<528x256xf32, #tpu.memory_space<hbm>>) target(%arg6 : memref<16x256xf32, #tpu.memory_space<vmem>>) offsets(%add3A_167 : vector<16xi32>) semaphore(%arg10 : memref<!tpu.dma_semaphore, #tpu.memory_space<semaphore_mem>>)
    %dma_wait3A = arith.constant 0 : i32
    %dma_wait3A_171 = arith.constant 0 : i32
    %dma_wait3A_172 = tpu.memref_slice %arg2[%dma_wait3A, %dma_wait3A_171] : memref<528x256xf32, #tpu.memory_space<hbm>> -> memref<528x256xf32, #tpu.memory_space<hbm>>
    tpu.wait_indirect_dma semaphore(%arg10 : memref<!tpu.dma_semaphore, #tpu.memory_space<semaphore_mem>>) src(%dma_wait3A_172 : memref<528x256xf32, #tpu.memory_space<hbm>>) dst(%arg6 : memref<16x256xf32, #tpu.memory_space<vmem>>)
    %dma_wait3A_173 = arith.constant 0 : i32
    %dma_wait3A_174 = tpu.memref_slice %arg2[%add3A_4, %dma_wait3A_173] : memref<528x256xf32, #tpu.memory_space<hbm>> -> memref<16x256xf32, #tpu.memory_space<hbm>>
    %dma_wait3A_175 = arith.constant 0 : i32
    %dma_wait3A_176 = tpu.memref_slice %arg2[%add3A_4, %dma_wait3A_175] : memref<528x256xf32, #tpu.memory_space<hbm>> -> memref<16x256xf32, #tpu.memory_space<hbm>>
    tpu.wait_dma2 semaphore(%arg9 : memref<!tpu.dma_semaphore, #tpu.memory_space<semaphore_mem>>) src(%dma_wait3A_176 : memref<16x256xf32, #tpu.memory_space<hbm>>) dst(%arg5 : memref<16x256xf32, #tpu.memory_space<vmem>>)
    %broadcast_in_dim3A_177 = arith.constant -1.000000e+30 : f32
    %broadcast_in_dim3A_178 = vector.broadcast %broadcast_in_dim3A_177 : f32 to vector<16xf32>
    %broadcast_in_dim3A_179 = arith.constant 0.000000e+00 : f32
    %broadcast_in_dim3A_180 = vector.broadcast %broadcast_in_dim3A_179 : f32 to vector<16xf32>
    %get3A_181 = arith.constant 0 : i32
    %get3A_182 = arith.index_cast %get3A_181 : i32 to index
    %get3A_183 = arith.constant 0 : index
    %get3A_184 = tpu.vector_load %arg5[%get3A_182, %get3A_183] {strides = array<i32>} : memref<16x256xf32, #tpu.memory_space<vmem>>, vector<1x16xf32>,
    %get3A_185 = vector.shape_cast %get3A_184 : vector<1x16xf32> to vector<16xf32>
    %get3A_186 = arith.constant 0 : i32
    %get3A_187 = arith.index_cast %get3A_186 : i32 to index
    %get3A_188 = arith.constant 0 : index
    %get3A_189 = tpu.vector_load %arg6[%get3A_187, %get3A_188] {strides = array<i32>} : memref<16x256xf32, #tpu.memory_space<vmem>>, vector<1x16xf32>,
    %get3A_190 = vector.shape_cast %get3A_189 : vector<1x16xf32> to vector<16xf32>
    %mul3A_191 = arith.mulf %get3A_185, %get3A_190 : vector<16xf32>
    %add3A_192 = arith.addf %broadcast_in_dim3A_180, %mul3A_191 : vector<16xf32>
    %get3A_193 = arith.constant 0 : i32
    %get3A_194 = arith.index_cast %get3A_193 : i32 to index
    %get3A_195 = arith.constant 16 : index
    %get3A_196 = tpu.vector_load %arg5[%get3A_194, %get3A_195] {strides = array<i32>} : memref<16x256xf32, #tpu.memory_space<vmem>>, vector<1x16xf32>,
    %get3A_197 = vector.shape_cast %get3A_196 : vector<1x16xf32> to vector<16xf32>
    %get3A_198 = arith.constant 0 : i32
    %get3A_199 = arith.index_cast %get3A_198 : i32 to index
    %get3A_200 = arith.constant 16 : index
    %get3A_201 = tpu.vector_load %arg6[%get3A_199, %get3A_200] {strides = array<i32>} : memref<16x256xf32, #tpu.memory_space<vmem>>, vector<1x16xf32>,
    %get3A_202 = vector.shape_cast %get3A_201 : vector<1x16xf32> to vector<16xf32>
    %mul3A_203 = arith.mulf %get3A_197, %get3A_202 : vector<16xf32>
    %add3A_204 = arith.addf %add3A_192, %mul3A_203 : vector<16xf32>
    %get3A_205 = arith.constant 0 : i32
    %get3A_206 = arith.index_cast %get3A_205 : i32 to index
    %get3A_207 = arith.constant 32 : index
    %get3A_208 = tpu.vector_load %arg5[%get3A_206, %get3A_207] {strides = array<i32>} : memref<16x256xf32, #tpu.memory_space<vmem>>, vector<1x16xf32>,
    %get3A_209 = vector.shape_cast %get3A_208 : vector<1x16xf32> to vector<16xf32>
    %get3A_210 = arith.constant 0 : i32
    %get3A_211 = arith.index_cast %get3A_210 : i32 to index
    %get3A_212 = arith.constant 32 : index
    %get3A_213 = tpu.vector_load %arg6[%get3A_211, %get3A_212] {strides = array<i32>} : memref<16x256xf32, #tpu.memory_space<vmem>>, vector<1x16xf32>,
    %get3A_214 = vector.shape_cast %get3A_213 : vector<1x16xf32> to vector<16xf32>
    %mul3A_215 = arith.mulf %get3A_209, %get3A_214 : vector<16xf32>
    %add3A_216 = arith.addf %add3A_204, %mul3A_215 : vector<16xf32>
    %get3A_217 = arith.constant 0 : i32
    %get3A_218 = arith.index_cast %get3A_217 : i32 to index
    %get3A_219 = arith.constant 48 : index
    %get3A_220 = tpu.vector_load %arg5[%get3A_218, %get3A_219] {strides = array<i32>} : memref<16x256xf32, #tpu.memory_space<vmem>>, vector<1x16xf32>,
    %get3A_221 = vector.shape_cast %get3A_220 : vector<1x16xf32> to vector<16xf32>
    %get3A_222 = arith.constant 0 : i32
    %get3A_223 = arith.index_cast %get3A_222 : i32 to index
    %get3A_224 = arith.constant 48 : index
    %get3A_225 = tpu.vector_load %arg6[%get3A_223, %get3A_224] {strides = array<i32>} : memref<16x256xf32, #tpu.memory_space<vmem>>, vector<1x16xf32>,
    %get3A_226 = vector.shape_cast %get3A_225 : vector<1x16xf32> to vector<16xf32>
    %mul3A_227 = arith.mulf %get3A_221, %get3A_226 : vector<16xf32>
    %add3A_228 = arith.addf %add3A_216, %mul3A_227 : vector<16xf32>
    %get3A_229 = arith.constant 0 : i32
    %get3A_230 = arith.index_cast %get3A_229 : i32 to index
    %get3A_231 = arith.constant 64 : index
    %get3A_232 = tpu.vector_load %arg5[%get3A_230, %get3A_231] {strides = array<i32>} : memref<16x256xf32, #tpu.memory_space<vmem>>, vector<1x16xf32>,
    %get3A_233 = vector.shape_cast %get3A_232 : vector<1x16xf32> to vector<16xf32>
    %get3A_234 = arith.constant 0 : i32
    %get3A_235 = arith.index_cast %get3A_234 : i32 to index
    %get3A_236 = arith.constant 64 : index
    %get3A_237 = tpu.vector_load %arg6[%get3A_235, %get3A_236] {strides = array<i32>} : memref<16x256xf32, #tpu.memory_space<vmem>>, vector<1x16xf32>,
    %get3A_238 = vector.shape_cast %get3A_237 : vector<1x16xf32> to vector<16xf32>
    %mul3A_239 = arith.mulf %get3A_233, %get3A_238 : vector<16xf32>
    %add3A_240 = arith.addf %add3A_228, %mul3A_239 : vector<16xf32>
    %get3A_241 = arith.constant 0 : i32
    %get3A_242 = arith.index_cast %get3A_241 : i32 to index
    %get3A_243 = arith.constant 80 : index
    %get3A_244 = tpu.vector_load %arg5[%get3A_242, %get3A_243] {strides = array<i32>} : memref<16x256xf32, #tpu.memory_space<vmem>>, vector<1x16xf32>,
    %get3A_245 = vector.shape_cast %get3A_244 : vector<1x16xf32> to vector<16xf32>
    %get3A_246 = arith.constant 0 : i32
    %get3A_247 = arith.index_cast %get3A_246 : i32 to index
    %get3A_248 = arith.constant 80 : index
    %get3A_249 = tpu.vector_load %arg6[%get3A_247, %get3A_248] {strides = array<i32>} : memref<16x256xf32, #tpu.memory_space<vmem>>, vector<1x16xf32>,
    %get3A_250 = vector.shape_cast %get3A_249 : vector<1x16xf32> to vector<16xf32>
    %mul3A_251 = arith.mulf %get3A_245, %get3A_250 : vector<16xf32>
    %add3A_252 = arith.addf %add3A_240, %mul3A_251 : vector<16xf32>
    %get3A_253 = arith.constant 0 : i32
    %get3A_254 = arith.index_cast %get3A_253 : i32 to index
    %get3A_255 = arith.constant 96 : index
    %get3A_256 = tpu.vector_load %arg5[%get3A_254, %get3A_255] {strides = array<i32>} : memref<16x256xf32, #tpu.memory_space<vmem>>, vector<1x16xf32>,
    %get3A_257 = vector.shape_cast %get3A_256 : vector<1x16xf32> to vector<16xf32>
    %get3A_258 = arith.constant 0 : i32
    %get3A_259 = arith.index_cast %get3A_258 : i32 to index
    %get3A_260 = arith.constant 96 : index
    %get3A_261 = tpu.vector_load %arg6[%get3A_259, %get3A_260] {strides = array<i32>} : memref<16x256xf32, #tpu.memory_space<vmem>>, vector<1x16xf32>,
    %get3A_262 = vector.shape_cast %get3A_261 : vector<1x16xf32> to vector<16xf32>
    %mul3A_263 = arith.mulf %get3A_257, %get3A_262 : vector<16xf32>
    %add3A_264 = arith.addf %add3A_252, %mul3A_263 : vector<16xf32>
    %get3A_265 = arith.constant 0 : i32
    %get3A_266 = arith.index_cast %get3A_265 : i32 to index
    %get3A_267 = arith.constant 112 : index
    %get3A_268 = tpu.vector_load %arg5[%get3A_266, %get3A_267] {strides = array<i32>} : memref<16x256xf32, #tpu.memory_space<vmem>>, vector<1x16xf32>,
    %get3A_269 = vector.shape_cast %get3A_268 : vector<1x16xf32> to vector<16xf32>
    %get3A_270 = arith.constant 0 : i32
    %get3A_271 = arith.index_cast %get3A_270 : i32 to index
    %get3A_272 = arith.constant 112 : index
    %get3A_273 = tpu.vector_load %arg6[%get3A_271, %get3A_272] {strides = array<i32>} : memref<16x256xf32, #tpu.memory_space<vmem>>, vector<1x16xf32>,
    %get3A_274 = vector.shape_cast %get3A_273 : vector<1x16xf32> to vector<16xf32>
    %mul3A_275 = arith.mulf %get3A_269, %get3A_274 : vector<16xf32>
    %add3A_276 = arith.addf %add3A_264, %mul3A_275 : vector<16xf32>
    %get3A_277 = arith.constant 0 : i32
    %get3A_278 = arith.index_cast %get3A_277 : i32 to index
    %get3A_279 = arith.constant 128 : index
    %get3A_280 = tpu.vector_load %arg5[%get3A_278, %get3A_279] {strides = array<i32>} : memref<16x256xf32, #tpu.memory_space<vmem>>, vector<1x16xf32>,
    %get3A_281 = vector.shape_cast %get3A_280 : vector<1x16xf32> to vector<16xf32>
    %get3A_282 = arith.constant 0 : i32
    %get3A_283 = arith.index_cast %get3A_282 : i32 to index
    %get3A_284 = arith.constant 128 : index
    %get3A_285 = tpu.vector_load %arg6[%get3A_283, %get3A_284] {strides = array<i32>} : memref<16x256xf32, #tpu.memory_space<vmem>>, vector<1x16xf32>,
    %get3A_286 = vector.shape_cast %get3A_285 : vector<1x16xf32> to vector<16xf32>
    %mul3A_287 = arith.mulf %get3A_281, %get3A_286 : vector<16xf32>
    %add3A_288 = arith.addf %add3A_276, %mul3A_287 : vector<16xf32>
    %get3A_289 = arith.constant 0 : i32
    %get3A_290 = arith.index_cast %get3A_289 : i32 to index
    %get3A_291 = arith.constant 144 : index
    %get3A_292 = tpu.vector_load %arg5[%get3A_290, %get3A_291] {strides = array<i32>} : memref<16x256xf32, #tpu.memory_space<vmem>>, vector<1x16xf32>,
    %get3A_293 = vector.shape_cast %get3A_292 : vector<1x16xf32> to vector<16xf32>
    %get3A_294 = arith.constant 0 : i32
    %get3A_295 = arith.index_cast %get3A_294 : i32 to index
    %get3A_296 = arith.constant 144 : index
    %get3A_297 = tpu.vector_load %arg6[%get3A_295, %get3A_296] {strides = array<i32>} : memref<16x256xf32, #tpu.memory_space<vmem>>, vector<1x16xf32>,
    %get3A_298 = vector.shape_cast %get3A_297 : vector<1x16xf32> to vector<16xf32>
    %mul3A_299 = arith.mulf %get3A_293, %get3A_298 : vector<16xf32>
    %add3A_300 = arith.addf %add3A_288, %mul3A_299 : vector<16xf32>
    %get3A_301 = arith.constant 0 : i32
    %get3A_302 = arith.index_cast %get3A_301 : i32 to index
    %get3A_303 = arith.constant 160 : index
    %get3A_304 = tpu.vector_load %arg5[%get3A_302, %get3A_303] {strides = array<i32>} : memref<16x256xf32, #tpu.memory_space<vmem>>, vector<1x16xf32>,
    %get3A_305 = vector.shape_cast %get3A_304 : vector<1x16xf32> to vector<16xf32>
    %get3A_306 = arith.constant 0 : i32
    %get3A_307 = arith.index_cast %get3A_306 : i32 to index
    %get3A_308 = arith.constant 160 : index
    %get3A_309 = tpu.vector_load %arg6[%get3A_307, %get3A_308] {strides = array<i32>} : memref<16x256xf32, #tpu.memory_space<vmem>>, vector<1x16xf32>,
    %get3A_310 = vector.shape_cast %get3A_309 : vector<1x16xf32> to vector<16xf32>
    %mul3A_311 = arith.mulf %get3A_305, %get3A_310 : vector<16xf32>
    %add3A_312 = arith.addf %add3A_300, %mul3A_311 : vector<16xf32>
    %get3A_313 = arith.constant 0 : i32
    %get3A_314 = arith.index_cast %get3A_313 : i32 to index
    %get3A_315 = arith.constant 176 : index
    %get3A_316 = tpu.vector_load %arg5[%get3A_314, %get3A_315] {strides = array<i32>} : memref<16x256xf32, #tpu.memory_space<vmem>>, vector<1x16xf32>,
    %get3A_317 = vector.shape_cast %get3A_316 : vector<1x16xf32> to vector<16xf32>
    %get3A_318 = arith.constant 0 : i32
    %get3A_319 = arith.index_cast %get3A_318 : i32 to index
    %get3A_320 = arith.constant 176 : index
    %get3A_321 = tpu.vector_load %arg6[%get3A_319, %get3A_320] {strides = array<i32>} : memref<16x256xf32, #tpu.memory_space<vmem>>, vector<1x16xf32>,
    %get3A_322 = vector.shape_cast %get3A_321 : vector<1x16xf32> to vector<16xf32>
    %mul3A_323 = arith.mulf %get3A_317, %get3A_322 : vector<16xf32>
    %add3A_324 = arith.addf %add3A_312, %mul3A_323 : vector<16xf32>
    %get3A_325 = arith.constant 0 : i32
    %get3A_326 = arith.index_cast %get3A_325 : i32 to index
    %get3A_327 = arith.constant 192 : index
    %get3A_328 = tpu.vector_load %arg5[%get3A_326, %get3A_327] {strides = array<i32>} : memref<16x256xf32, #tpu.memory_space<vmem>>, vector<1x16xf32>,
    %get3A_329 = vector.shape_cast %get3A_328 : vector<1x16xf32> to vector<16xf32>
    %get3A_330 = arith.constant 0 : i32
    %get3A_331 = arith.index_cast %get3A_330 : i32 to index
    %get3A_332 = arith.constant 192 : index
    %get3A_333 = tpu.vector_load %arg6[%get3A_331, %get3A_332] {strides = array<i32>} : memref<16x256xf32, #tpu.memory_space<vmem>>, vector<1x16xf32>,
    %get3A_334 = vector.shape_cast %get3A_333 : vector<1x16xf32> to vector<16xf32>
    %mul3A_335 = arith.mulf %get3A_329, %get3A_334 : vector<16xf32>
    %add3A_336 = arith.addf %add3A_324, %mul3A_335 : vector<16xf32>
    %get3A_337 = arith.constant 0 : i32
    %get3A_338 = arith.index_cast %get3A_337 : i32 to index
    %get3A_339 = arith.constant 208 : index
    %get3A_340 = tpu.vector_load %arg5[%get3A_338, %get3A_339] {strides = array<i32>} : memref<16x256xf32, #tpu.memory_space<vmem>>, vector<1x16xf32>,
    %get3A_341 = vector.shape_cast %get3A_340 : vector<1x16xf32> to vector<16xf32>
    %get3A_342 = arith.constant 0 : i32
    %get3A_343 = arith.index_cast %get3A_342 : i32 to index
    %get3A_344 = arith.constant 208 : index
    %get3A_345 = tpu.vector_load %arg6[%get3A_343, %get3A_344] {strides = array<i32>} : memref<16x256xf32, #tpu.memory_space<vmem>>, vector<1x16xf32>,
    %get3A_346 = vector.shape_cast %get3A_345 : vector<1x16xf32> to vector<16xf32>
    %mul3A_347 = arith.mulf %get3A_341, %get3A_346 : vector<16xf32>
    %add3A_348 = arith.addf %add3A_336, %mul3A_347 : vector<16xf32>
    %get3A_349 = arith.constant 0 : i32
    %get3A_350 = arith.index_cast %get3A_349 : i32 to index
    %get3A_351 = arith.constant 224 : index
    %get3A_352 = tpu.vector_load %arg5[%get3A_350, %get3A_351] {strides = array<i32>} : memref<16x256xf32, #tpu.memory_space<vmem>>, vector<1x16xf32>,
    %get3A_353 = vector.shape_cast %get3A_352 : vector<1x16xf32> to vector<16xf32>
    %get3A_354 = arith.constant 0 : i32
    %get3A_355 = arith.index_cast %get3A_354 : i32 to index
    %get3A_356 = arith.constant 224 : index
    %get3A_357 = tpu.vector_load %arg6[%get3A_355, %get3A_356] {strides = array<i32>} : memref<16x256xf32, #tpu.memory_space<vmem>>, vector<1x16xf32>,
    %get3A_358 = vector.shape_cast %get3A_357 : vector<1x16xf32> to vector<16xf32>
    %mul3A_359 = arith.mulf %get3A_353, %get3A_358 : vector<16xf32>
    %add3A_360 = arith.addf %add3A_348, %mul3A_359 : vector<16xf32>
    %get3A_361 = arith.constant 0 : i32
    %get3A_362 = arith.index_cast %get3A_361 : i32 to index
    %get3A_363 = arith.constant 240 : index
    %get3A_364 = tpu.vector_load %arg5[%get3A_362, %get3A_363] {strides = array<i32>} : memref<16x256xf32, #tpu.memory_space<vmem>>, vector<1x16xf32>,
    %get3A_365 = vector.shape_cast %get3A_364 : vector<1x16xf32> to vector<16xf32>
    %get3A_366 = arith.constant 0 : i32
    %get3A_367 = arith.index_cast %get3A_366 : i32 to index
    %get3A_368 = arith.constant 240 : index
    %get3A_369 = tpu.vector_load %arg6[%get3A_367, %get3A_368] {strides = array<i32>} : memref<16x256xf32, #tpu.memory_space<vmem>>, vector<1x16xf32>,
    %get3A_370 = vector.shape_cast %get3A_369 : vector<1x16xf32> to vector<16xf32>
    %mul3A_371 = arith.mulf %get3A_365, %get3A_370 : vector<16xf32>
    %add3A_372 = arith.addf %add3A_360, %mul3A_371 : vector<16xf32>
    %xor3A = arith.constant 8 : i32
    %xor3A_373 = vector.broadcast %xor3A : i32 to vector<16xi32>
    %xor3A_374 = arith.xori %iota3A, %xor3A_373 : vector<16xi32>
    %reshape3A = vector.shape_cast %xor3A_374 : vector<16xi32> to vector<16x1xi32>
    %gather3A = vector.shape_cast %reshape3A : vector<16x1xi32> to vector<16xi32>
    %gather3A_375 = tpu.dynamic_gather %add3A_372[%gather3A] in [0] : vector<16xf32>, vector<16xi32> -> vector<16xf32>
    %add3A_376 = arith.addf %add3A_372, %gather3A_375 : vector<16xf32>
    %xor3A_377 = arith.constant 4 : i32
    %xor3A_378 = vector.broadcast %xor3A_377 : i32 to vector<16xi32>
    %xor3A_379 = arith.xori %iota3A, %xor3A_378 : vector<16xi32>
    %reshape3A_380 = vector.shape_cast %xor3A_379 : vector<16xi32> to vector<16x1xi32>
    %gather3A_381 = vector.shape_cast %reshape3A_380 : vector<16x1xi32> to vector<16xi32>
    %gather3A_382 = tpu.dynamic_gather %add3A_376[%gather3A_381] in [0] : vector<16xf32>, vector<16xi32> -> vector<16xf32>
    %add3A_383 = arith.addf %add3A_376, %gather3A_382 : vector<16xf32>
    %xor3A_384 = arith.constant 2 : i32
    %xor3A_385 = vector.broadcast %xor3A_384 : i32 to vector<16xi32>
    %xor3A_386 = arith.xori %iota3A, %xor3A_385 : vector<16xi32>
    %reshape3A_387 = vector.shape_cast %xor3A_386 : vector<16xi32> to vector<16x1xi32>
    %gather3A_388 = vector.shape_cast %reshape3A_387 : vector<16x1xi32> to vector<16xi32>
    %gather3A_389 = tpu.dynamic_gather %add3A_383[%gather3A_388] in [0] : vector<16xf32>, vector<16xi32> -> vector<16xf32>
    %add3A_390 = arith.addf %add3A_383, %gather3A_389 : vector<16xf32>
    %xor3A_391 = arith.constant 1 : i32
    %xor3A_392 = vector.broadcast %xor3A_391 : i32 to vector<16xi32>
    %xor3A_393 = arith.xori %iota3A, %xor3A_392 : vector<16xi32>
    %reshape3A_394 = vector.shape_cast %xor3A_393 : vector<16xi32> to vector<16x1xi32>
    %gather3A_395 = vector.shape_cast %reshape3A_394 : vector<16x1xi32> to vector<16xi32>
    %gather3A_396 = tpu.dynamic_gather %add3A_390[%gather3A_395] in [0] : vector<16xf32>, vector<16xi32> -> vector<16xf32>
    %add3A_397 = arith.addf %add3A_390, %gather3A_396 : vector<16xf32>
    %broadcast_in_dim3A_398 = arith.constant 0 : i32
    %broadcast_in_dim3A_399 = vector.broadcast %broadcast_in_dim3A_398 : i32 to vector<16xi32>
    %reshape3A_400 = vector.shape_cast %broadcast_in_dim3A_399 : vector<16xi32> to vector<16x1xi32>
    %gather3A_401 = vector.shape_cast %reshape3A_400 : vector<16x1xi32> to vector<16xi32>
    %gather3A_402 = tpu.dynamic_gather %add3A_167[%gather3A_401] in [0] : vector<16xi32>, vector<16xi32> -> vector<16xi32>
    %eq3A = arith.cmpi eq, %iota3A, %gather3A_402 : vector<16xi32>
    %jit3A_403 = arith.constant -1.000000e+30 : f32
    %broadcast_in_dim3A_404 = vector.broadcast %jit3A_403 : f32 to vector<16xf32>
    %select_n3A_405 = arith.select %eq3A, %add3A_397, %broadcast_in_dim3A_404 : vector<16xi1>, vector<16xf32>
    %max3A = arith.maximumf %broadcast_in_dim3A_178, %select_n3A_405 : vector<16xf32>
    %broadcast_in_dim3A_406 = arith.constant 0.000000e+00 : f32
    %broadcast_in_dim3A_407 = vector.broadcast %broadcast_in_dim3A_406 : f32 to vector<16xf32>
    %get3A_408 = arith.constant 1 : i32
    %get3A_409 = arith.index_cast %get3A_408 : i32 to index
    %get3A_410 = arith.constant 0 : index
    %get3A_411 = tpu.vector_load %arg5[%get3A_409, %get3A_410] {strides = array<i32>} : memref<16x256xf32, #tpu.memory_space<vmem>>, vector<1x16xf32>,
    %get3A_412 = vector.shape_cast %get3A_411 : vector<1x16xf32> to vector<16xf32>
    %get3A_413 = arith.constant 1 : i32
    %get3A_414 = arith.index_cast %get3A_413 : i32 to index
    %get3A_415 = arith.constant 0 : index
    %get3A_416 = tpu.vector_load %arg6[%get3A_414, %get3A_415] {strides = array<i32>} : memref<16x256xf32, #tpu.memory_space<vmem>>, vector<1x16xf32>,
    %get3A_417 = vector.shape_cast %get3A_416 : vector<1x16xf32> to vector<16xf32>
    %mul3A_418 = arith.mulf %get3A_412, %get3A_417 : vector<16xf32>
    %add3A_419 = arith.addf %broadcast_in_dim3A_407, %mul3A_418 : vector<16xf32>
    %get3A_420 = arith.constant 1 : i32
    %get3A_421 = arith.index_cast %get3A_420 : i32 to index
    %get3A_422 = arith.constant 16 : index
    %get3A_423 = tpu.vector_load %arg5[%get3A_421, %get3A_422] {strides = array<i32>} : memref<16x256xf32, #tpu.memory_space<vmem>>, vector<1x16xf32>,
    %get3A_424 = vector.shape_cast %get3A_423 : vector<1x16xf32> to vector<16xf32>
    %get3A_425 = arith.constant 1 : i32
    %get3A_426 = arith.index_cast %get3A_425 : i32 to index
    %get3A_427 = arith.constant 16 : index
    %get3A_428 = tpu.vector_load %arg6[%get3A_426, %get3A_427] {strides = array<i32>} : memref<16x256xf32, #tpu.memory_space<vmem>>, vector<1x16xf32>,
    %get3A_429 = vector.shape_cast %get3A_428 : vector<1x16xf32> to vector<16xf32>
    %mul3A_430 = arith.mulf %get3A_424, %get3A_429 : vector<16xf32>
    %add3A_431 = arith.addf %add3A_419, %mul3A_430 : vector<16xf32>
    %get3A_432 = arith.constant 1 : i32
    %get3A_433 = arith.index_cast %get3A_432 : i32 to index
    %get3A_434 = arith.constant 32 : index
    %get3A_435 = tpu.vector_load %arg5[%get3A_433, %get3A_434] {strides = array<i32>} : memref<16x256xf32, #tpu.memory_space<vmem>>, vector<1x16xf32>,
    %get3A_436 = vector.shape_cast %get3A_435 : vector<1x16xf32> to vector<16xf32>
    %get3A_437 = arith.constant 1 : i32
    %get3A_438 = arith.index_cast %get3A_437 : i32 to index
    %get3A_439 = arith.constant 32 : index
    %get3A_440 = tpu.vector_load %arg6[%get3A_438, %get3A_439] {strides = array<i32>} : memref<16x256xf32, #tpu.memory_space<vmem>>, vector<1x16xf32>,
    %get3A_441 = vector.shape_cast %get3A_440 : vector<1x16xf32> to vector<16xf32>
    %mul3A_442 = arith.mulf %get3A_436, %get3A_441 : vector<16xf32>
    %add3A_443 = arith.addf %add3A_431, %mul3A_442 : vector<16xf32>
    %get3A_444 = arith.constant 1 : i32
    %get3A_445 = arith.index_cast %get3A_444 : i32 to index
    %get3A_446 = arith.constant 48 : index
    %get3A_447 = tpu.vector_load %arg5[%get3A_445, %get3A_446] {strides = array<i32>} : memref<16x256xf32, #tpu.memory_space<vmem>>, vector<1x16xf32>,
    %get3A_448 = vector.shape_cast %get3A_447 : vector<1x16xf32> to vector<16xf32>
    %get3A_449 = arith.constant 1 : i32
    %get3A_450 = arith.index_cast %get3A_449 : i32 to index
    %get3A_451 = arith.constant 48 : index
    %get3A_452 = tpu.vector_load %arg6[%get3A_450, %get3A_451] {strides = array<i32>} : memref<16x256xf32, #tpu.memory_space<vmem>>, vector<1x16xf32>,
    %get3A_453 = vector.shape_cast %get3A_452 : vector<1x16xf32> to vector<16xf32>
    %mul3A_454 = arith.mulf %get3A_448, %get3A_453 : vector<16xf32>
    %add3A_455 = arith.addf %add3A_443, %mul3A_454 : vector<16xf32>
    %get3A_456 = arith.constant 1 : i32
    %get3A_457 = arith.index_cast %get3A_456 : i32 to index
    %get3A_458 = arith.constant 64 : index
    %get3A_459 = tpu.vector_load %arg5[%get3A_457, %get3A_458] {strides = array<i32>} : memref<16x256xf32, #tpu.memory_space<vmem>>, vector<1x16xf32>,
    %get3A_460 = vector.shape_cast %get3A_459 : vector<1x16xf32> to vector<16xf32>
    %get3A_461 = arith.constant 1 : i32
    %get3A_462 = arith.index_cast %get3A_461 : i32 to index
    %get3A_463 = arith.constant 64 : index
    %get3A_464 = tpu.vector_load %arg6[%get3A_462, %get3A_463] {strides = array<i32>} : memref<16x256xf32, #tpu.memory_space<vmem>>, vector<1x16xf32>,
    %get3A_465 = vector.shape_cast %get3A_464 : vector<1x16xf32> to vector<16xf32>
    %mul3A_466 = arith.mulf %get3A_460, %get3A_465 : vector<16xf32>
    %add3A_467 = arith.addf %add3A_455, %mul3A_466 : vector<16xf32>
    %get3A_468 = arith.constant 1 : i32
    %get3A_469 = arith.index_cast %get3A_468 : i32 to index
    %get3A_470 = arith.constant 80 : index
    %get3A_471 = tpu.vector_load %arg5[%get3A_469, %get3A_470] {strides = array<i32>} : memref<16x256xf32, #tpu.memory_space<vmem>>, vector<1x16xf32>,
    %get3A_472 = vector.shape_cast %get3A_471 : vector<1x16xf32> to vector<16xf32>
    %get3A_473 = arith.constant 1 : i32
    %get3A_474 = arith.index_cast %get3A_473 : i32 to index
    %get3A_475 = arith.constant 80 : index
    %get3A_476 = tpu.vector_load %arg6[%get3A_474, %get3A_475] {strides = array<i32>} : memref<16x256xf32, #tpu.memory_space<vmem>>, vector<1x16xf32>,
    %get3A_477 = vector.shape_cast %get3A_476 : vector<1x16xf32> to vector<16xf32>
    %mul3A_478 = arith.mulf %get3A_472, %get3A_477 : vector<16xf32>
    %add3A_479 = arith.addf %add3A_467, %mul3A_478 : vector<16xf32>
    %get3A_480 = arith.constant 1 : i32
    %get3A_481 = arith.index_cast %get3A_480 : i32 to index
    %get3A_482 = arith.constant 96 : index
    %get3A_483 = tpu.vector_load %arg5[%get3A_481, %get3A_482] {strides = array<i32>} : memref<16x256xf32, #tpu.memory_space<vmem>>, vector<1x16xf32>,
    %get3A_484 = vector.shape_cast %get3A_483 : vector<1x16xf32> to vector<16xf32>
    %get3A_485 = arith.constant 1 : i32
    %get3A_486 = arith.index_cast %get3A_485 : i32 to index
    %get3A_487 = arith.constant 96 : index
    %get3A_488 = tpu.vector_load %arg6[%get3A_486, %get3A_487] {strides = array<i32>} : memref<16x256xf32, #tpu.memory_space<vmem>>, vector<1x16xf32>,
    %get3A_489 = vector.shape_cast %get3A_488 : vector<1x16xf32> to vector<16xf32>
    %mul3A_490 = arith.mulf %get3A_484, %get3A_489 : vector<16xf32>
    %add3A_491 = arith.addf %add3A_479, %mul3A_490 : vector<16xf32>
    %get3A_492 = arith.constant 1 : i32
    %get3A_493 = arith.index_cast %get3A_492 : i32 to index
    %get3A_494 = arith.constant 112 : index
    %get3A_495 = tpu.vector_load %arg5[%get3A_493, %get3A_494] {strides = array<i32>} : memref<16x256xf32, #tpu.memory_space<vmem>>, vector<1x16xf32>,
    %get3A_496 = vector.shape_cast %get3A_495 : vector<1x16xf32> to vector<16xf32>
    %get3A_497 = arith.constant 1 : i32
    %get3A_498 = arith.index_cast %get3A_497 : i32 to index
    %get3A_499 = arith.constant 112 : index
    %get3A_500 = tpu.vector_load %arg6[%get3A_498, %get3A_499] {strides = array<i32>} : memref<16x256xf32, #tpu.memory_space<vmem>>, vector<1x16xf32>,
    %get3A_501 = vector.shape_cast %get3A_500 : vector<1x16xf32> to vector<16xf32>
    %mul3A_502 = arith.mulf %get3A_496, %get3A_501 : vector<16xf32>
    %add3A_503 = arith.addf %add3A_491, %mul3A_502 : vector<16xf32>
    %get3A_504 = arith.constant 1 : i32
    %get3A_505 = arith.index_cast %get3A_504 : i32 to index
    %get3A_506 = arith.constant 128 : index
    %get3A_507 = tpu.vector_load %arg5[%get3A_505, %get3A_506] {strides = array<i32>} : memref<16x256xf32, #tpu.memory_space<vmem>>, vector<1x16xf32>,
    %get3A_508 = vector.shape_cast %get3A_507 : vector<1x16xf32> to vector<16xf32>
    %get3A_509 = arith.constant 1 : i32
    %get3A_510 = arith.index_cast %get3A_509 : i32 to index
    %get3A_511 = arith.constant 128 : index
    %get3A_512 = tpu.vector_load %arg6[%get3A_510, %get3A_511] {strides = array<i32>} : memref<16x256xf32, #tpu.memory_space<vmem>>, vector<1x16xf32>,
    %get3A_513 = vector.shape_cast %get3A_512 : vector<1x16xf32> to vector<16xf32>
    %mul3A_514 = arith.mulf %get3A_508, %get3A_513 : vector<16xf32>
    %add3A_515 = arith.addf %add3A_503, %mul3A_514 : vector<16xf32>
    %get3A_516 = arith.constant 1 : i32
    %get3A_517 = arith.index_cast %get3A_516 : i32 to index
    %get3A_518 = arith.constant 144 : index
    %get3A_519 = tpu.vector_load %arg5[%get3A_517, %get3A_518] {strides = array<i32>} : memref<16x256xf32, #tpu.memory_space<vmem>>, vector<1x16xf32>,
    %get3A_520 = vector.shape_cast %get3A_519 : vector<1x16xf32> to vector<16xf32>
    %get3A_521 = arith.constant 1 : i32
    %get3A_522 = arith.index_cast %get3A_521 : i32 to index
    %get3A_523 = arith.constant 144 : index
    %get3A_524 = tpu.vector_load %arg6[%get3A_522, %get3A_523] {strides = array<i32>} : memref<16x256xf32, #tpu.memory_space<vmem>>, vector<1x16xf32>,
    %get3A_525 = vector.shape_cast %get3A_524 : vector<1x16xf32> to vector<16xf32>
    %mul3A_526 = arith.mulf %get3A_520, %get3A_525 : vector<16xf32>
    %add3A_527 = arith.addf %add3A_515, %mul3A_526 : vector<16xf32>
    %get3A_528 = arith.constant 1 : i32
    %get3A_529 = arith.index_cast %get3A_528 : i32 to index
    %get3A_530 = arith.constant 160 : index
    %get3A_531 = tpu.vector_load %arg5[%get3A_529, %get3A_530] {strides = array<i32>} : memref<16x256xf32, #tpu.memory_space<vmem>>, vector<1x16xf32>,
    %get3A_532 = vector.shape_cast %get3A_531 : vector<1x16xf32> to vector<16xf32>
    %get3A_533 = arith.constant 1 : i32
    %get3A_534 = arith.index_cast %get3A_533 : i32 to index
    %get3A_535 = arith.constant 160 : index
    %get3A_536 = tpu.vector_load %arg6[%get3A_534, %get3A_535] {strides = array<i32>} : memref<16x256xf32, #tpu.memory_space<vmem>>, vector<1x16xf32>,
    %get3A_537 = vector.shape_cast %get3A_536 : vector<1x16xf32> to vector<16xf32>
    %mul3A_538 = arith.mulf %get3A_532, %get3A_537 : vector<16xf32>
    %add3A_539 = arith.addf %add3A_527, %mul3A_538 : vector<16xf32>
    %get3A_540 = arith.constant 1 : i32
    %get3A_541 = arith.index_cast %get3A_540 : i32 to index
    %get3A_542 = arith.constant 176 : index
    %get3A_543 = tpu.vector_load %arg5[%get3A_541, %get3A_542] {strides = array<i32>} : memref<16x256xf32, #tpu.memory_space<vmem>>, vector<1x16xf32>,
    %get3A_544 = vector.shape_cast %get3A_543 : vector<1x16xf32> to vector<16xf32>
    %get3A_545 = arith.constant 1 : i32
    %get3A_546 = arith.index_cast %get3A_545 : i32 to index
    %get3A_547 = arith.constant 176 : index
    %get3A_548 = tpu.vector_load %arg6[%get3A_546, %get3A_547] {strides = array<i32>} : memref<16x256xf32, #tpu.memory_space<vmem>>, vector<1x16xf32>,
    %get3A_549 = vector.shape_cast %get3A_548 : vector<1x16xf32> to vector<16xf32>
    %mul3A_550 = arith.mulf %get3A_544, %get3A_549 : vector<16xf32>
    %add3A_551 = arith.addf %add3A_539, %mul3A_550 : vector<16xf32>
    %get3A_552 = arith.constant 1 : i32
    %get3A_553 = arith.index_cast %get3A_552 : i32 to index
    %get3A_554 = arith.constant 192 : index
    %get3A_555 = tpu.vector_load %arg5[%get3A_553, %get3A_554] {strides = array<i32>} : memref<16x256xf32, #tpu.memory_space<vmem>>, vector<1x16xf32>,
    %get3A_556 = vector.shape_cast %get3A_555 : vector<1x16xf32> to vector<16xf32>
    %get3A_557 = arith.constant 1 : i32
    %get3A_558 = arith.index_cast %get3A_557 : i32 to index
    %get3A_559 = arith.constant 192 : index
    %get3A_560 = tpu.vector_load %arg6[%get3A_558, %get3A_559] {strides = array<i32>} : memref<16x256xf32, #tpu.memory_space<vmem>>, vector<1x16xf32>,
    %get3A_561 = vector.shape_cast %get3A_560 : vector<1x16xf32> to vector<16xf32>
    %mul3A_562 = arith.mulf %get3A_556, %get3A_561 : vector<16xf32>
    %add3A_563 = arith.addf %add3A_551, %mul3A_562 : vector<16xf32>
    %get3A_564 = arith.constant 1 : i32
    %get3A_565 = arith.index_cast %get3A_564 : i32 to index
    %get3A_566 = arith.constant 208 : index
    %get3A_567 = tpu.vector_load %arg5[%get3A_565, %get3A_566] {strides = array<i32>} : memref<16x256xf32, #tpu.memory_space<vmem>>, vector<1x16xf32>,
    %get3A_568 = vector.shape_cast %get3A_567 : vector<1x16xf32> to vector<16xf32>
    %get3A_569 = arith.constant 1 : i32
    %get3A_570 = arith.index_cast %get3A_569 : i32 to index
    %get3A_571 = arith.constant 208 : index
    %get3A_572 = tpu.vector_load %arg6[%get3A_570, %get3A_571] {strides = array<i32>} : memref<16x256xf32, #tpu.memory_space<vmem>>, vector<1x16xf32>,
    %get3A_573 = vector.shape_cast %get3A_572 : vector<1x16xf32> to vector<16xf32>
    %mul3A_574 = arith.mulf %get3A_568, %get3A_573 : vector<16xf32>
    %add3A_575 = arith.addf %add3A_563, %mul3A_574 : vector<16xf32>
    %get3A_576 = arith.constant 1 : i32
    %get3A_577 = arith.index_cast %get3A_576 : i32 to index
    %get3A_578 = arith.constant 224 : index
    %get3A_579 = tpu.vector_load %arg5[%get3A_577, %get3A_578] {strides = array<i32>} : memref<16x256xf32, #tpu.memory_space<vmem>>, vector<1x16xf32>,
    %get3A_580 = vector.shape_cast %get3A_579 : vector<1x16xf32> to vector<16xf32>
    %get3A_581 = arith.constant 1 : i32
    %get3A_582 = arith.index_cast %get3A_581 : i32 to index
    %get3A_583 = arith.constant 224 : index
    %get3A_584 = tpu.vector_load %arg6[%get3A_582, %get3A_583] {strides = array<i32>} : memref<16x256xf32, #tpu.memory_space<vmem>>, vector<1x16xf32>,
    %get3A_585 = vector.shape_cast %get3A_584 : vector<1x16xf32> to vector<16xf32>
    %mul3A_586 = arith.mulf %get3A_580, %get3A_585 : vector<16xf32>
    %add3A_587 = arith.addf %add3A_575, %mul3A_586 : vector<16xf32>
    %get3A_588 = arith.constant 1 : i32
    %get3A_589 = arith.index_cast %get3A_588 : i32 to index
    %get3A_590 = arith.constant 240 : index
    %get3A_591 = tpu.vector_load %arg5[%get3A_589, %get3A_590] {strides = array<i32>} : memref<16x256xf32, #tpu.memory_space<vmem>>, vector<1x16xf32>,
    %get3A_592 = vector.shape_cast %get3A_591 : vector<1x16xf32> to vector<16xf32>
    %get3A_593 = arith.constant 1 : i32
    %get3A_594 = arith.index_cast %get3A_593 : i32 to index
    %get3A_595 = arith.constant 240 : index
    %get3A_596 = tpu.vector_load %arg6[%get3A_594, %get3A_595] {strides = array<i32>} : memref<16x256xf32, #tpu.memory_space<vmem>>, vector<1x16xf32>,
    %get3A_597 = vector.shape_cast %get3A_596 : vector<1x16xf32> to vector<16xf32>
    %mul3A_598 = arith.mulf %get3A_592, %get3A_597 : vector<16xf32>
    %add3A_599 = arith.addf %add3A_587, %mul3A_598 : vector<16xf32>
    %xor3A_600 = arith.constant 8 : i32
    %xor3A_601 = vector.broadcast %xor3A_600 : i32 to vector<16xi32>
    %xor3A_602 = arith.xori %iota3A, %xor3A_601 : vector<16xi32>
    %reshape3A_603 = vector.shape_cast %xor3A_602 : vector<16xi32> to vector<16x1xi32>
    %gather3A_604 = vector.shape_cast %reshape3A_603 : vector<16x1xi32> to vector<16xi32>
    %gather3A_605 = tpu.dynamic_gather %add3A_599[%gather3A_604] in [0] : vector<16xf32>, vector<16xi32> -> vector<16xf32>
    %add3A_606 = arith.addf %add3A_599, %gather3A_605 : vector<16xf32>
    %xor3A_607 = arith.constant 4 : i32
    %xor3A_608 = vector.broadcast %xor3A_607 : i32 to vector<16xi32>
    %xor3A_609 = arith.xori %iota3A, %xor3A_608 : vector<16xi32>
    %reshape3A_610 = vector.shape_cast %xor3A_609 : vector<16xi32> to vector<16x1xi32>
    %gather3A_611 = vector.shape_cast %reshape3A_610 : vector<16x1xi32> to vector<16xi32>
    %gather3A_612 = tpu.dynamic_gather %add3A_606[%gather3A_611] in [0] : vector<16xf32>, vector<16xi32> -> vector<16xf32>
    %add3A_613 = arith.addf %add3A_606, %gather3A_612 : vector<16xf32>
    %xor3A_614 = arith.constant 2 : i32
    %xor3A_615 = vector.broadcast %xor3A_614 : i32 to vector<16xi32>
    %xor3A_616 = arith.xori %iota3A, %xor3A_615 : vector<16xi32>
    %reshape3A_617 = vector.shape_cast %xor3A_616 : vector<16xi32> to vector<16x1xi32>
    %gather3A_618 = vector.shape_cast %reshape3A_617 : vector<16x1xi32> to vector<16xi32>
    %gather3A_619 = tpu.dynamic_gather %add3A_613[%gather3A_618] in [0] : vector<16xf32>, vector<16xi32> -> vector<16xf32>
    %add3A_620 = arith.addf %add3A_613, %gather3A_619 : vector<16xf32>
    %xor3A_621 = arith.constant 1 : i32
    %xor3A_622 = vector.broadcast %xor3A_621 : i32 to vector<16xi32>
    %xor3A_623 = arith.xori %iota3A, %xor3A_622 : vector<16xi32>
    %reshape3A_624 = vector.shape_cast %xor3A_623 : vector<16xi32> to vector<16x1xi32>
    %gather3A_625 = vector.shape_cast %reshape3A_624 : vector<16x1xi32> to vector<16xi32>
    %gather3A_626 = tpu.dynamic_gather %add3A_620[%gather3A_625] in [0] : vector<16xf32>, vector<16xi32> -> vector<16xf32>
    %add3A_627 = arith.addf %add3A_620, %gather3A_626 : vector<16xf32>
    %broadcast_in_dim3A_628 = arith.constant 1 : i32
    %broadcast_in_dim3A_629 = vector.broadcast %broadcast_in_dim3A_628 : i32 to vector<16xi32>
    %reshape3A_630 = vector.shape_cast %broadcast_in_dim3A_629 : vector<16xi32> to vector<16x1xi32>
    %gather3A_631 = vector.shape_cast %reshape3A_630 : vector<16x1xi32> to vector<16xi32>
    %gather3A_632 = tpu.dynamic_gather %add3A_167[%gather3A_631] in [0] : vector<16xi32>, vector<16xi32> -> vector<16xi32>
    %eq3A_633 = arith.cmpi eq, %iota3A, %gather3A_632 : vector<16xi32>
    %jit3A_634 = arith.constant -1.000000e+30 : f32
    %broadcast_in_dim3A_635 = vector.broadcast %jit3A_634 : f32 to vector<16xf32>
    %select_n3A_636 = arith.select %eq3A_633, %add3A_627, %broadcast_in_dim3A_635 : vector<16xi1>, vector<16xf32>
    %max3A_637 = arith.maximumf %max3A, %select_n3A_636 : vector<16xf32>
    %broadcast_in_dim3A_638 = arith.constant 0.000000e+00 : f32
    %broadcast_in_dim3A_639 = vector.broadcast %broadcast_in_dim3A_638 : f32 to vector<16xf32>
    %get3A_640 = arith.constant 2 : i32
    %get3A_641 = arith.index_cast %get3A_640 : i32 to index
    %get3A_642 = arith.constant 0 : index
    %get3A_643 = tpu.vector_load %arg5[%get3A_641, %get3A_642] {strides = array<i32>} : memref<16x256xf32, #tpu.memory_space<vmem>>, vector<1x16xf32>,
    %get3A_644 = vector.shape_cast %get3A_643 : vector<1x16xf32> to vector<16xf32>
    %get3A_645 = arith.constant 2 : i32
    %get3A_646 = arith.index_cast %get3A_645 : i32 to index
    %get3A_647 = arith.constant 0 : index
    %get3A_648 = tpu.vector_load %arg6[%get3A_646, %get3A_647] {strides = array<i32>} : memref<16x256xf32, #tpu.memory_space<vmem>>, vector<1x16xf32>,
    %get3A_649 = vector.shape_cast %get3A_648 : vector<1x16xf32> to vector<16xf32>
    %mul3A_650 = arith.mulf %get3A_644, %get3A_649 : vector<16xf32>
    %add3A_651 = arith.addf %broadcast_in_dim3A_639, %mul3A_650 : vector<16xf32>
    %get3A_652 = arith.constant 2 : i32
    %get3A_653 = arith.index_cast %get3A_652 : i32 to index
    %get3A_654 = arith.constant 16 : index
    %get3A_655 = tpu.vector_load %arg5[%get3A_653, %get3A_654] {strides = array<i32>} : memref<16x256xf32, #tpu.memory_space<vmem>>, vector<1x16xf32>,
    %get3A_656 = vector.shape_cast %get3A_655 : vector<1x16xf32> to vector<16xf32>
    %get3A_657 = arith.constant 2 : i32
    %get3A_658 = arith.index_cast %get3A_657 : i32 to index
    %get3A_659 = arith.constant 16 : index
    %get3A_660 = tpu.vector_load %arg6[%get3A_658, %get3A_659] {strides = array<i32>} : memref<16x256xf32, #tpu.memory_space<vmem>>, vector<1x16xf32>,
    %get3A_661 = vector.shape_cast %get3A_660 : vector<1x16xf32> to vector<16xf32>
    %mul3A_662 = arith.mulf %get3A_656, %get3A_661 : vector<16xf32>
    %add3A_663 = arith.addf %add3A_651, %mul3A_662 : vector<16xf32>
    %get3A_664 = arith.constant 2 : i32
    %get3A_665 = arith.index_cast %get3A_664 : i32 to index
    %get3A_666 = arith.constant 32 : index
    %get3A_667 = tpu.vector_load %arg5[%get3A_665, %get3A_666] {strides = array<i32>} : memref<16x256xf32, #tpu.memory_space<vmem>>, vector<1x16xf32>,
    %get3A_668 = vector.shape_cast %get3A_667 : vector<1x16xf32> to vector<16xf32>
    %get3A_669 = arith.constant 2 : i32
    %get3A_670 = arith.index_cast %get3A_669 : i32 to index
    %get3A_671 = arith.constant 32 : index
    %get3A_672 = tpu.vector_load %arg6[%get3A_670, %get3A_671] {strides = array<i32>} : memref<16x256xf32, #tpu.memory_space<vmem>>, vector<1x16xf32>,
    %get3A_673 = vector.shape_cast %get3A_672 : vector<1x16xf32> to vector<16xf32>
    %mul3A_674 = arith.mulf %get3A_668, %get3A_673 : vector<16xf32>
    %add3A_675 = arith.addf %add3A_663, %mul3A_674 : vector<16xf32>
    %get3A_676 = arith.constant 2 : i32
    %get3A_677 = arith.index_cast %get3A_676 : i32 to index
    %get3A_678 = arith.constant 48 : index
    %get3A_679 = tpu.vector_load %arg5[%get3A_677, %get3A_678] {strides = array<i32>} : memref<16x256xf32, #tpu.memory_space<vmem>>, vector<1x16xf32>,
    %get3A_680 = vector.shape_cast %get3A_679 : vector<1x16xf32> to vector<16xf32>
    %get3A_681 = arith.constant 2 : i32
    %get3A_682 = arith.index_cast %get3A_681 : i32 to index
    %get3A_683 = arith.constant 48 : index
    %get3A_684 = tpu.vector_load %arg6[%get3A_682, %get3A_683] {strides = array<i32>} : memref<16x256xf32, #tpu.memory_space<vmem>>, vector<1x16xf32>,
    %get3A_685 = vector.shape_cast %get3A_684 : vector<1x16xf32> to vector<16xf32>
    %mul3A_686 = arith.mulf %get3A_680, %get3A_685 : vector<16xf32>
    %add3A_687 = arith.addf %add3A_675, %mul3A_686 : vector<16xf32>
    %get3A_688 = arith.constant 2 : i32
    %get3A_689 = arith.index_cast %get3A_688 : i32 to index
    %get3A_690 = arith.constant 64 : index
    %get3A_691 = tpu.vector_load %arg5[%get3A_689, %get3A_690] {strides = array<i32>} : memref<16x256xf32, #tpu.memory_space<vmem>>, vector<1x16xf32>,
    %get3A_692 = vector.shape_cast %get3A_691 : vector<1x16xf32> to vector<16xf32>
    %get3A_693 = arith.constant 2 : i32
    %get3A_694 = arith.index_cast %get3A_693 : i32 to index
    %get3A_695 = arith.constant 64 : index
    %get3A_696 = tpu.vector_load %arg6[%get3A_694, %get3A_695] {strides = array<i32>} : memref<16x256xf32, #tpu.memory_space<vmem>>, vector<1x16xf32>,
    %get3A_697 = vector.shape_cast %get3A_696 : vector<1x16xf32> to vector<16xf32>
    %mul3A_698 = arith.mulf %get3A_692, %get3A_697 : vector<16xf32>
    %add3A_699 = arith.addf %add3A_687, %mul3A_698 : vector<16xf32>
    %get3A_700 = arith.constant 2 : i32
    %get3A_701 = arith.index_cast %get3A_700 : i32 to index
    %get3A_702 = arith.constant 80 : index
    %get3A_703 = tpu.vector_load %arg5[%get3A_701, %get3A_702] {strides = array<i32>} : memref<16x256xf32, #tpu.memory_space<vmem>>, vector<1x16xf32>,
    %get3A_704 = vector.shape_cast %get3A_703 : vector<1x16xf32> to vector<16xf32>
    %get3A_705 = arith.constant 2 : i32
    %get3A_706 = arith.index_cast %get3A_705 : i32 to index
    %get3A_707 = arith.constant 80 : index
    %get3A_708 = tpu.vector_load %arg6[%get3A_706, %get3A_707] {strides = array<i32>} : memref<16x256xf32, #tpu.memory_space<vmem>>, vector<1x16xf32>,
    %get3A_709 = vector.shape_cast %get3A_708 : vector<1x16xf32> to vector<16xf32>
    %mul3A_710 = arith.mulf %get3A_704, %get3A_709 : vector<16xf32>
    %add3A_711 = arith.addf %add3A_699, %mul3A_710 : vector<16xf32>
    %get3A_712 = arith.constant 2 : i32
    %get3A_713 = arith.index_cast %get3A_712 : i32 to index
    %get3A_714 = arith.constant 96 : index
    %get3A_715 = tpu.vector_load %arg5[%get3A_713, %get3A_714] {strides = array<i32>} : memref<16x256xf32, #tpu.memory_space<vmem>>, vector<1x16xf32>,
    %get3A_716 = vector.shape_cast %get3A_715 : vector<1x16xf32> to vector<16xf32>
    %get3A_717 = arith.constant 2 : i32
    %get3A_718 = arith.index_cast %get3A_717 : i32 to index
    %get3A_719 = arith.constant 96 : index
    %get3A_720 = tpu.vector_load %arg6[%get3A_718, %get3A_719] {strides = array<i32>} : memref<16x256xf32, #tpu.memory_space<vmem>>, vector<1x16xf32>,
    %get3A_721 = vector.shape_cast %get3A_720 : vector<1x16xf32> to vector<16xf32>
    %mul3A_722 = arith.mulf %get3A_716, %get3A_721 : vector<16xf32>
    %add3A_723 = arith.addf %add3A_711, %mul3A_722 : vector<16xf32>
    %get3A_724 = arith.constant 2 : i32
    %get3A_725 = arith.index_cast %get3A_724 : i32 to index
    %get3A_726 = arith.constant 112 : index
    %get3A_727 = tpu.vector_load %arg5[%get3A_725, %get3A_726] {strides = array<i32>} : memref<16x256xf32, #tpu.memory_space<vmem>>, vector<1x16xf32>,
    %get3A_728 = vector.shape_cast %get3A_727 : vector<1x16xf32> to vector<16xf32>
    %get3A_729 = arith.constant 2 : i32
    %get3A_730 = arith.index_cast %get3A_729 : i32 to index
    %get3A_731 = arith.constant 112 : index
    %get3A_732 = tpu.vector_load %arg6[%get3A_730, %get3A_731] {strides = array<i32>} : memref<16x256xf32, #tpu.memory_space<vmem>>, vector<1x16xf32>,
    %get3A_733 = vector.shape_cast %get3A_732 : vector<1x16xf32> to vector<16xf32>
    %mul3A_734 = arith.mulf %get3A_728, %get3A_733 : vector<16xf32>
    %add3A_735 = arith.addf %add3A_723, %mul3A_734 : vector<16xf32>
    %get3A_736 = arith.constant 2 : i32
    %get3A_737 = arith.index_cast %get3A_736 : i32 to index
    %get3A_738 = arith.constant 128 : index
    %get3A_739 = tpu.vector_load %arg5[%get3A_737, %get3A_738] {strides = array<i32>} : memref<16x256xf32, #tpu.memory_space<vmem>>, vector<1x16xf32>,
    %get3A_740 = vector.shape_cast %get3A_739 : vector<1x16xf32> to vector<16xf32>
    %get3A_741 = arith.constant 2 : i32
    %get3A_742 = arith.index_cast %get3A_741 : i32 to index
    %get3A_743 = arith.constant 128 : index
    %get3A_744 = tpu.vector_load %arg6[%get3A_742, %get3A_743] {strides = array<i32>} : memref<16x256xf32, #tpu.memory_space<vmem>>, vector<1x16xf32>,
    %get3A_745 = vector.shape_cast %get3A_744 : vector<1x16xf32> to vector<16xf32>
    %mul3A_746 = arith.mulf %get3A_740, %get3A_745 : vector<16xf32>
    %add3A_747 = arith.addf %add3A_735, %mul3A_746 : vector<16xf32>
    %get3A_748 = arith.constant 2 : i32
    %get3A_749 = arith.index_cast %get3A_748 : i32 to index
    %get3A_750 = arith.constant 144 : index
    %get3A_751 = tpu.vector_load %arg5[%get3A_749, %get3A_750] {strides = array<i32>} : memref<16x256xf32, #tpu.memory_space<vmem>>, vector<1x16xf32>,
    %get3A_752 = vector.shape_cast %get3A_751 : vector<1x16xf32> to vector<16xf32>
    %get3A_753 = arith.constant 2 : i32
    %get3A_754 = arith.index_cast %get3A_753 : i32 to index
    %get3A_755 = arith.constant 144 : index
    %get3A_756 = tpu.vector_load %arg6[%get3A_754, %get3A_755] {strides = array<i32>} : memref<16x256xf32, #tpu.memory_space<vmem>>, vector<1x16xf32>,
    %get3A_757 = vector.shape_cast %get3A_756 : vector<1x16xf32> to vector<16xf32>
    %mul3A_758 = arith.mulf %get3A_752, %get3A_757 : vector<16xf32>
    %add3A_759 = arith.addf %add3A_747, %mul3A_758 : vector<16xf32>
    %get3A_760 = arith.constant 2 : i32
    %get3A_761 = arith.index_cast %get3A_760 : i32 to index
    %get3A_762 = arith.constant 160 : index
    %get3A_763 = tpu.vector_load %arg5[%get3A_761, %get3A_762] {strides = array<i32>} : memref<16x256xf32, #tpu.memory_space<vmem>>, vector<1x16xf32>,
    %get3A_764 = vector.shape_cast %get3A_763 : vector<1x16xf32> to vector<16xf32>
    %get3A_765 = arith.constant 2 : i32
    %get3A_766 = arith.index_cast %get3A_765 : i32 to index
    %get3A_767 = arith.constant 160 : index
    %get3A_768 = tpu.vector_load %arg6[%get3A_766, %get3A_767] {strides = array<i32>} : memref<16x256xf32, #tpu.memory_space<vmem>>, vector<1x16xf32>,
    %get3A_769 = vector.shape_cast %get3A_768 : vector<1x16xf32> to vector<16xf32>
    %mul3A_770 = arith.mulf %get3A_764, %get3A_769 : vector<16xf32>
    %add3A_771 = arith.addf %add3A_759, %mul3A_770 : vector<16xf32>
    %get3A_772 = arith.constant 2 : i32
    %get3A_773 = arith.index_cast %get3A_772 : i32 to index
    %get3A_774 = arith.constant 176 : index
    %get3A_775 = tpu.vector_load %arg5[%get3A_773, %get3A_774] {strides = array<i32>} : memref<16x256xf32, #tpu.memory_space<vmem>>, vector<1x16xf32>,
    %get3A_776 = vector.shape_cast %get3A_775 : vector<1x16xf32> to vector<16xf32>
    %get3A_777 = arith.constant 2 : i32
    %get3A_778 = arith.index_cast %get3A_777 : i32 to index
    %get3A_779 = arith.constant 176 : index
    %get3A_780 = tpu.vector_load %arg6[%get3A_778, %get3A_779] {strides = array<i32>} : memref<16x256xf32, #tpu.memory_space<vmem>>, vector<1x16xf32>,
    %get3A_781 = vector.shape_cast %get3A_780 : vector<1x16xf32> to vector<16xf32>
    %mul3A_782 = arith.mulf %get3A_776, %get3A_781 : vector<16xf32>
    %add3A_783 = arith.addf %add3A_771, %mul3A_782 : vector<16xf32>
    %get3A_784 = arith.constant 2 : i32
    %get3A_785 = arith.index_cast %get3A_784 : i32 to index
    %get3A_786 = arith.constant 192 : index
    %get3A_787 = tpu.vector_load %arg5[%get3A_785, %get3A_786] {strides = array<i32>} : memref<16x256xf32, #tpu.memory_space<vmem>>, vector<1x16xf32>,
    %get3A_788 = vector.shape_cast %get3A_787 : vector<1x16xf32> to vector<16xf32>
    %get3A_789 = arith.constant 2 : i32
    %get3A_790 = arith.index_cast %get3A_789 : i32 to index
    %get3A_791 = arith.constant 192 : index
    %get3A_792 = tpu.vector_load %arg6[%get3A_790, %get3A_791] {strides = array<i32>} : memref<16x256xf32, #tpu.memory_space<vmem>>, vector<1x16xf32>,
    %get3A_793 = vector.shape_cast %get3A_792 : vector<1x16xf32> to vector<16xf32>
    %mul3A_794 = arith.mulf %get3A_788, %get3A_793 : vector<16xf32>
    %add3A_795 = arith.addf %add3A_783, %mul3A_794 : vector<16xf32>
    %get3A_796 = arith.constant 2 : i32
    %get3A_797 = arith.index_cast %get3A_796 : i32 to index
    %get3A_798 = arith.constant 208 : index
    %get3A_799 = tpu.vector_load %arg5[%get3A_797, %get3A_798] {strides = array<i32>} : memref<16x256xf32, #tpu.memory_space<vmem>>, vector<1x16xf32>,
    %get3A_800 = vector.shape_cast %get3A_799 : vector<1x16xf32> to vector<16xf32>
    %get3A_801 = arith.constant 2 : i32
    %get3A_802 = arith.index_cast %get3A_801 : i32 to index
    %get3A_803 = arith.constant 208 : index
    %get3A_804 = tpu.vector_load %arg6[%get3A_802, %get3A_803] {strides = array<i32>} : memref<16x256xf32, #tpu.memory_space<vmem>>, vector<1x16xf32>,
    %get3A_805 = vector.shape_cast %get3A_804 : vector<1x16xf32> to vector<16xf32>
    %mul3A_806 = arith.mulf %get3A_800, %get3A_805 : vector<16xf32>
    %add3A_807 = arith.addf %add3A_795, %mul3A_806 : vector<16xf32>
    %get3A_808 = arith.constant 2 : i32
    %get3A_809 = arith.index_cast %get3A_808 : i32 to index
    %get3A_810 = arith.constant 224 : index
    %get3A_811 = tpu.vector_load %arg5[%get3A_809, %get3A_810] {strides = array<i32>} : memref<16x256xf32, #tpu.memory_space<vmem>>, vector<1x16xf32>,
    %get3A_812 = vector.shape_cast %get3A_811 : vector<1x16xf32> to vector<16xf32>
    %get3A_813 = arith.constant 2 : i32
    %get3A_814 = arith.index_cast %get3A_813 : i32 to index
    %get3A_815 = arith.constant 224 : index
    %get3A_816 = tpu.vector_load %arg6[%get3A_814, %get3A_815] {strides = array<i32>} : memref<16x256xf32, #tpu.memory_space<vmem>>, vector<1x16xf32>,
    %get3A_817 = vector.shape_cast %get3A_816 : vector<1x16xf32> to vector<16xf32>
    %mul3A_818 = arith.mulf %get3A_812, %get3A_817 : vector<16xf32>
    %add3A_819 = arith.addf %add3A_807, %mul3A_818 : vector<16xf32>
    %get3A_820 = arith.constant 2 : i32
    %get3A_821 = arith.index_cast %get3A_820 : i32 to index
    %get3A_822 = arith.constant 240 : index
    %get3A_823 = tpu.vector_load %arg5[%get3A_821, %get3A_822] {strides = array<i32>} : memref<16x256xf32, #tpu.memory_space<vmem>>, vector<1x16xf32>,
    %get3A_824 = vector.shape_cast %get3A_823 : vector<1x16xf32> to vector<16xf32>
    %get3A_825 = arith.constant 2 : i32
    %get3A_826 = arith.index_cast %get3A_825 : i32 to index
    %get3A_827 = arith.constant 240 : index
    %get3A_828 = tpu.vector_load %arg6[%get3A_826, %get3A_827] {strides = array<i32>} : memref<16x256xf32, #tpu.memory_space<vmem>>, vector<1x16xf32>,
    %get3A_829 = vector.shape_cast %get3A_828 : vector<1x16xf32> to vector<16xf32>
    %mul3A_830 = arith.mulf %get3A_824, %get3A_829 : vector<16xf32>
    %add3A_831 = arith.addf %add3A_819, %mul3A_830 : vector<16xf32>
    %xor3A_832 = arith.constant 8 : i32
    %xor3A_833 = vector.broadcast %xor3A_832 : i32 to vector<16xi32>
    %xor3A_834 = arith.xori %iota3A, %xor3A_833 : vector<16xi32>
    %reshape3A_835 = vector.shape_cast %xor3A_834 : vector<16xi32> to vector<16x1xi32>
    %gather3A_836 = vector.shape_cast %reshape3A_835 : vector<16x1xi32> to vector<16xi32>
    %gather3A_837 = tpu.dynamic_gather %add3A_831[%gather3A_836] in [0] : vector<16xf32>, vector<16xi32> -> vector<16xf32>
    %add3A_838 = arith.addf %add3A_831, %gather3A_837 : vector<16xf32>
    %xor3A_839 = arith.constant 4 : i32
    %xor3A_840 = vector.broadcast %xor3A_839 : i32 to vector<16xi32>
    %xor3A_841 = arith.xori %iota3A, %xor3A_840 : vector<16xi32>
    %reshape3A_842 = vector.shape_cast %xor3A_841 : vector<16xi32> to vector<16x1xi32>
    %gather3A_843 = vector.shape_cast %reshape3A_842 : vector<16x1xi32> to vector<16xi32>
    %gather3A_844 = tpu.dynamic_gather %add3A_838[%gather3A_843] in [0] : vector<16xf32>, vector<16xi32> -> vector<16xf32>
    %add3A_845 = arith.addf %add3A_838, %gather3A_844 : vector<16xf32>
    %xor3A_846 = arith.constant 2 : i32
    %xor3A_847 = vector.broadcast %xor3A_846 : i32 to vector<16xi32>
    %xor3A_848 = arith.xori %iota3A, %xor3A_847 : vector<16xi32>
    %reshape3A_849 = vector.shape_cast %xor3A_848 : vector<16xi32> to vector<16x1xi32>
    %gather3A_850 = vector.shape_cast %reshape3A_849 : vector<16x1xi32> to vector<16xi32>
    %gather3A_851 = tpu.dynamic_gather %add3A_845[%gather3A_850] in [0] : vector<16xf32>, vector<16xi32> -> vector<16xf32>
    %add3A_852 = arith.addf %add3A_845, %gather3A_851 : vector<16xf32>
    %xor3A_853 = arith.constant 1 : i32
    %xor3A_854 = vector.broadcast %xor3A_853 : i32 to vector<16xi32>
    %xor3A_855 = arith.xori %iota3A, %xor3A_854 : vector<16xi32>
    %reshape3A_856 = vector.shape_cast %xor3A_855 : vector<16xi32> to vector<16x1xi32>
    %gather3A_857 = vector.shape_cast %reshape3A_856 : vector<16x1xi32> to vector<16xi32>
    %gather3A_858 = tpu.dynamic_gather %add3A_852[%gather3A_857] in [0] : vector<16xf32>, vector<16xi32> -> vector<16xf32>
    %add3A_859 = arith.addf %add3A_852, %gather3A_858 : vector<16xf32>
    %broadcast_in_dim3A_860 = arith.constant 2 : i32
    %broadcast_in_dim3A_861 = vector.broadcast %broadcast_in_dim3A_860 : i32 to vector<16xi32>
    %reshape3A_862 = vector.shape_cast %broadcast_in_dim3A_861 : vector<16xi32> to vector<16x1xi32>
    %gather3A_863 = vector.shape_cast %reshape3A_862 : vector<16x1xi32> to vector<16xi32>
    %gather3A_864 = tpu.dynamic_gather %add3A_167[%gather3A_863] in [0] : vector<16xi32>, vector<16xi32> -> vector<16xi32>
    %eq3A_865 = arith.cmpi eq, %iota3A, %gather3A_864 : vector<16xi32>
    %jit3A_866 = arith.constant -1.000000e+30 : f32
    %broadcast_in_dim3A_867 = vector.broadcast %jit3A_866 : f32 to vector<16xf32>
    %select_n3A_868 = arith.select %eq3A_865, %add3A_859, %broadcast_in_dim3A_867 : vector<16xi1>, vector<16xf32>
    %max3A_869 = arith.maximumf %max3A_637, %select_n3A_868 : vector<16xf32>
    %broadcast_in_dim3A_870 = arith.constant 0.000000e+00 : f32
    %broadcast_in_dim3A_871 = vector.broadcast %broadcast_in_dim3A_870 : f32 to vector<16xf32>
    %get3A_872 = arith.constant 3 : i32
    %get3A_873 = arith.index_cast %get3A_872 : i32 to index
    %get3A_874 = arith.constant 0 : index
    %get3A_875 = tpu.vector_load %arg5[%get3A_873, %get3A_874] {strides = array<i32>} : memref<16x256xf32, #tpu.memory_space<vmem>>, vector<1x16xf32>,
    %get3A_876 = vector.shape_cast %get3A_875 : vector<1x16xf32> to vector<16xf32>
    %get3A_877 = arith.constant 3 : i32
    %get3A_878 = arith.index_cast %get3A_877 : i32 to index
    %get3A_879 = arith.constant 0 : index
    %get3A_880 = tpu.vector_load %arg6[%get3A_878, %get3A_879] {strides = array<i32>} : memref<16x256xf32, #tpu.memory_space<vmem>>, vector<1x16xf32>,
    %get3A_881 = vector.shape_cast %get3A_880 : vector<1x16xf32> to vector<16xf32>
    %mul3A_882 = arith.mulf %get3A_876, %get3A_881 : vector<16xf32>
    %add3A_883 = arith.addf %broadcast_in_dim3A_871, %mul3A_882 : vector<16xf32>
    %get3A_884 = arith.constant 3 : i32
    %get3A_885 = arith.index_cast %get3A_884 : i32 to index
    %get3A_886 = arith.constant 16 : index
    %get3A_887 = tpu.vector_load %arg5[%get3A_885, %get3A_886] {strides = array<i32>} : memref<16x256xf32, #tpu.memory_space<vmem>>, vector<1x16xf32>,
    %get3A_888 = vector.shape_cast %get3A_887 : vector<1x16xf32> to vector<16xf32>
    %get3A_889 = arith.constant 3 : i32
    %get3A_890 = arith.index_cast %get3A_889 : i32 to index
    %get3A_891 = arith.constant 16 : index
    %get3A_892 = tpu.vector_load %arg6[%get3A_890, %get3A_891] {strides = array<i32>} : memref<16x256xf32, #tpu.memory_space<vmem>>, vector<1x16xf32>,
    %get3A_893 = vector.shape_cast %get3A_892 : vector<1x16xf32> to vector<16xf32>
    %mul3A_894 = arith.mulf %get3A_888, %get3A_893 : vector<16xf32>
    %add3A_895 = arith.addf %add3A_883, %mul3A_894 : vector<16xf32>
    %get3A_896 = arith.constant 3 : i32
    %get3A_897 = arith.index_cast %get3A_896 : i32 to index
    %get3A_898 = arith.constant 32 : index
    %get3A_899 = tpu.vector_load %arg5[%get3A_897, %get3A_898] {strides = array<i32>} : memref<16x256xf32, #tpu.memory_space<vmem>>, vector<1x16xf32>,
    %get3A_900 = vector.shape_cast %get3A_899 : vector<1x16xf32> to vector<16xf32>
    %get3A_901 = arith.constant 3 : i32
    %get3A_902 = arith.index_cast %get3A_901 : i32 to index
    %get3A_903 = arith.constant 32 : index
    %get3A_904 = tpu.vector_load %arg6[%get3A_902, %get3A_903] {strides = array<i32>} : memref<16x256xf32, #tpu.memory_space<vmem>>, vector<1x16xf32>,
    %get3A_905 = vector.shape_cast %get3A_904 : vector<1x16xf32> to vector<16xf32>
    %mul3A_906 = arith.mulf %get3A_900, %get3A_905 : vector<16xf32>
    %add3A_907 = arith.addf %add3A_895, %mul3A_906 : vector<16xf32>
    %get3A_908 = arith.constant 3 : i32
    %get3A_909 = arith.index_cast %get3A_908 : i32 to index
    %get3A_910 = arith.constant 48 : index
    %get3A_911 = tpu.vector_load %arg5[%get3A_909, %get3A_910] {strides = array<i32>} : memref<16x256xf32, #tpu.memory_space<vmem>>, vector<1x16xf32>,
    %get3A_912 = vector.shape_cast %get3A_911 : vector<1x16xf32> to vector<16xf32>
    %get3A_913 = arith.constant 3 : i32
    %get3A_914 = arith.index_cast %get3A_913 : i32 to index
    %get3A_915 = arith.constant 48 : index
    %get3A_916 = tpu.vector_load %arg6[%get3A_914, %get3A_915] {strides = array<i32>} : memref<16x256xf32, #tpu.memory_space<vmem>>, vector<1x16xf32>,
    %get3A_917 = vector.shape_cast %get3A_916 : vector<1x16xf32> to vector<16xf32>
    %mul3A_918 = arith.mulf %get3A_912, %get3A_917 : vector<16xf32>
    %add3A_919 = arith.addf %add3A_907, %mul3A_918 : vector<16xf32>
    %get3A_920 = arith.constant 3 : i32
    %get3A_921 = arith.index_cast %get3A_920 : i32 to index
    %get3A_922 = arith.constant 64 : index
    %get3A_923 = tpu.vector_load %arg5[%get3A_921, %get3A_922] {strides = array<i32>} : memref<16x256xf32, #tpu.memory_space<vmem>>, vector<1x16xf32>,
    %get3A_924 = vector.shape_cast %get3A_923 : vector<1x16xf32> to vector<16xf32>
    %get3A_925 = arith.constant 3 : i32
    %get3A_926 = arith.index_cast %get3A_925 : i32 to index
    %get3A_927 = arith.constant 64 : index
    %get3A_928 = tpu.vector_load %arg6[%get3A_926, %get3A_927] {strides = array<i32>} : memref<16x256xf32, #tpu.memory_space<vmem>>, vector<1x16xf32>,
    %get3A_929 = vector.shape_cast %get3A_928 : vector<1x16xf32> to vector<16xf32>
    %mul3A_930 = arith.mulf %get3A_924, %get3A_929 : vector<16xf32>
    %add3A_931 = arith.addf %add3A_919, %mul3A_930 : vector<16xf32>
    %get3A_932 = arith.constant 3 : i32
    %get3A_933 = arith.index_cast %get3A_932 : i32 to index
    %get3A_934 = arith.constant 80 : index
    %get3A_935 = tpu.vector_load %arg5[%get3A_933, %get3A_934] {strides = array<i32>} : memref<16x256xf32, #tpu.memory_space<vmem>>, vector<1x16xf32>,
    %get3A_936 = vector.shape_cast %get3A_935 : vector<1x16xf32> to vector<16xf32>
    %get3A_937 = arith.constant 3 : i32
    %get3A_938 = arith.index_cast %get3A_937 : i32 to index
    %get3A_939 = arith.constant 80 : index
    %get3A_940 = tpu.vector_load %arg6[%get3A_938, %get3A_939] {strides = array<i32>} : memref<16x256xf32, #tpu.memory_space<vmem>>, vector<1x16xf32>,
    %get3A_941 = vector.shape_cast %get3A_940 : vector<1x16xf32> to vector<16xf32>
    %mul3A_942 = arith.mulf %get3A_936, %get3A_941 : vector<16xf32>
    %add3A_943 = arith.addf %add3A_931, %mul3A_942 : vector<16xf32>
    %get3A_944 = arith.constant 3 : i32
    %get3A_945 = arith.index_cast %get3A_944 : i32 to index
    %get3A_946 = arith.constant 96 : index
    %get3A_947 = tpu.vector_load %arg5[%get3A_945, %get3A_946] {strides = array<i32>} : memref<16x256xf32, #tpu.memory_space<vmem>>, vector<1x16xf32>,
    %get3A_948 = vector.shape_cast %get3A_947 : vector<1x16xf32> to vector<16xf32>
    %get3A_949 = arith.constant 3 : i32
    %get3A_950 = arith.index_cast %get3A_949 : i32 to index
    %get3A_951 = arith.constant 96 : index
    %get3A_952 = tpu.vector_load %arg6[%get3A_950, %get3A_951] {strides = array<i32>} : memref<16x256xf32, #tpu.memory_space<vmem>>, vector<1x16xf32>,
    %get3A_953 = vector.shape_cast %get3A_952 : vector<1x16xf32> to vector<16xf32>
    %mul3A_954 = arith.mulf %get3A_948, %get3A_953 : vector<16xf32>
    %add3A_955 = arith.addf %add3A_943, %mul3A_954 : vector<16xf32>
    %get3A_956 = arith.constant 3 : i32
    %get3A_957 = arith.index_cast %get3A_956 : i32 to index
    %get3A_958 = arith.constant 112 : index
    %get3A_959 = tpu.vector_load %arg5[%get3A_957, %get3A_958] {strides = array<i32>} : memref<16x256xf32, #tpu.memory_space<vmem>>, vector<1x16xf32>,
    %get3A_960 = vector.shape_cast %get3A_959 : vector<1x16xf32> to vector<16xf32>
    %get3A_961 = arith.constant 3 : i32
    %get3A_962 = arith.index_cast %get3A_961 : i32 to index
    %get3A_963 = arith.constant 112 : index
    %get3A_964 = tpu.vector_load %arg6[%get3A_962, %get3A_963] {strides = array<i32>} : memref<16x256xf32, #tpu.memory_space<vmem>>, vector<1x16xf32>,
    %get3A_965 = vector.shape_cast %get3A_964 : vector<1x16xf32> to vector<16xf32>
    %mul3A_966 = arith.mulf %get3A_960, %get3A_965 : vector<16xf32>
    %add3A_967 = arith.addf %add3A_955, %mul3A_966 : vector<16xf32>
    %get3A_968 = arith.constant 3 : i32
    %get3A_969 = arith.index_cast %get3A_968 : i32 to index
    %get3A_970 = arith.constant 128 : index
    %get3A_971 = tpu.vector_load %arg5[%get3A_969, %get3A_970] {strides = array<i32>} : memref<16x256xf32, #tpu.memory_space<vmem>>, vector<1x16xf32>,
    %get3A_972 = vector.shape_cast %get3A_971 : vector<1x16xf32> to vector<16xf32>
    %get3A_973 = arith.constant 3 : i32
    %get3A_974 = arith.index_cast %get3A_973 : i32 to index
    %get3A_975 = arith.constant 128 : index
    %get3A_976 = tpu.vector_load %arg6[%get3A_974, %get3A_975] {strides = array<i32>} : memref<16x256xf32, #tpu.memory_space<vmem>>, vector<1x16xf32>,
    %get3A_977 = vector.shape_cast %get3A_976 : vector<1x16xf32> to vector<16xf32>
    %mul3A_978 = arith.mulf %get3A_972, %get3A_977 : vector<16xf32>
    %add3A_979 = arith.addf %add3A_967, %mul3A_978 : vector<16xf32>
    %get3A_980 = arith.constant 3 : i32
    %get3A_981 = arith.index_cast %get3A_980 : i32 to index
    %get3A_982 = arith.constant 144 : index
    %get3A_983 = tpu.vector_load %arg5[%get3A_981, %get3A_982] {strides = array<i32>} : memref<16x256xf32, #tpu.memory_space<vmem>>, vector<1x16xf32>,
    %get3A_984 = vector.shape_cast %get3A_983 : vector<1x16xf32> to vector<16xf32>
    %get3A_985 = arith.constant 3 : i32
    %get3A_986 = arith.index_cast %get3A_985 : i32 to index
    %get3A_987 = arith.constant 144 : index
    %get3A_988 = tpu.vector_load %arg6[%get3A_986, %get3A_987] {strides = array<i32>} : memref<16x256xf32, #tpu.memory_space<vmem>>, vector<1x16xf32>,
    %get3A_989 = vector.shape_cast %get3A_988 : vector<1x16xf32> to vector<16xf32>
    %mul3A_990 = arith.mulf %get3A_984, %get3A_989 : vector<16xf32>
    %add3A_991 = arith.addf %add3A_979, %mul3A_990 : vector<16xf32>
    %get3A_992 = arith.constant 3 : i32
    %get3A_993 = arith.index_cast %get3A_992 : i32 to index
    %get3A_994 = arith.constant 160 : index
    %get3A_995 = tpu.vector_load %arg5[%get3A_993, %get3A_994] {strides = array<i32>} : memref<16x256xf32, #tpu.memory_space<vmem>>, vector<1x16xf32>,
    %get3A_996 = vector.shape_cast %get3A_995 : vector<1x16xf32> to vector<16xf32>
    %get3A_997 = arith.constant 3 : i32
    %get3A_998 = arith.index_cast %get3A_997 : i32 to index
    %get3A_999 = arith.constant 160 : index
    %get3A_1000 = tpu.vector_load %arg6[%get3A_998, %get3A_999] {strides = array<i32>} : memref<16x256xf32, #tpu.memory_space<vmem>>, vector<1x16xf32>,
    %get3A_1001 = vector.shape_cast %get3A_1000 : vector<1x16xf32> to vector<16xf32>
    %mul3A_1002 = arith.mulf %get3A_996, %get3A_1001 : vector<16xf32>
    %add3A_1003 = arith.addf %add3A_991, %mul3A_1002 : vector<16xf32>
    %get3A_1004 = arith.constant 3 : i32
    %get3A_1005 = arith.index_cast %get3A_1004 : i32 to index
    %get3A_1006 = arith.constant 176 : index
    %get3A_1007 = tpu.vector_load %arg5[%get3A_1005, %get3A_1006] {strides = array<i32>} : memref<16x256xf32, #tpu.memory_space<vmem>>, vector<1x16xf32>,
    %get3A_1008 = vector.shape_cast %get3A_1007 : vector<1x16xf32> to vector<16xf32>
    %get3A_1009 = arith.constant 3 : i32
    %get3A_1010 = arith.index_cast %get3A_1009 : i32 to index
    %get3A_1011 = arith.constant 176 : index
    %get3A_1012 = tpu.vector_load %arg6[%get3A_1010, %get3A_1011] {strides = array<i32>} : memref<16x256xf32, #tpu.memory_space<vmem>>, vector<1x16xf32>,
    %get3A_1013 = vector.shape_cast %get3A_1012 : vector<1x16xf32> to vector<16xf32>
    %mul3A_1014 = arith.mulf %get3A_1008, %get3A_1013 : vector<16xf32>
    %add3A_1015 = arith.addf %add3A_1003, %mul3A_1014 : vector<16xf32>
    %get3A_1016 = arith.constant 3 : i32
    %get3A_1017 = arith.index_cast %get3A_1016 : i32 to index
    %get3A_1018 = arith.constant 192 : index
    %get3A_1019 = tpu.vector_load %arg5[%get3A_1017, %get3A_1018] {strides = array<i32>} : memref<16x256xf32, #tpu.memory_space<vmem>>, vector<1x16xf32>,
    %get3A_1020 = vector.shape_cast %get3A_1019 : vector<1x16xf32> to vector<16xf32>
    %get3A_1021 = arith.constant 3 : i32
    %get3A_1022 = arith.index_cast %get3A_1021 : i32 to index
    %get3A_1023 = arith.constant 192 : index
    %get3A_1024 = tpu.vector_load %arg6[%get3A_1022, %get3A_1023] {strides = array<i32>} : memref<16x256xf32, #tpu.memory_space<vmem>>, vector<1x16xf32>,
    %get3A_1025 = vector.shape_cast %get3A_1024 : vector<1x16xf32> to vector<16xf32>
    %mul3A_1026 = arith.mulf %get3A_1020, %get3A_1025 : vector<16xf32>
    %add3A_1027 = arith.addf %add3A_1015, %mul3A_1026 : vector<16xf32>
    %get3A_1028 = arith.constant 3 : i32
    %get3A_1029 = arith.index_cast %get3A_1028 : i32 to index
    %get3A_1030 = arith.constant 208 : index
    %get3A_1031 = tpu.vector_load %arg5[%get3A_1029, %get3A_1030] {strides = array<i32>} : memref<16x256xf32, #tpu.memory_space<vmem>>, vector<1x16xf32>,
    %get3A_1032 = vector.shape_cast %get3A_1031 : vector<1x16xf32> to vector<16xf32>
    %get3A_1033 = arith.constant 3 : i32
    %get3A_1034 = arith.index_cast %get3A_1033 : i32 to index
    %get3A_1035 = arith.constant 208 : index
    %get3A_1036 = tpu.vector_load %arg6[%get3A_1034, %get3A_1035] {strides = array<i32>} : memref<16x256xf32, #tpu.memory_space<vmem>>, vector<1x16xf32>,
    %get3A_1037 = vector.shape_cast %get3A_1036 : vector<1x16xf32> to vector<16xf32>
    %mul3A_1038 = arith.mulf %get3A_1032, %get3A_1037 : vector<16xf32>
    %add3A_1039 = arith.addf %add3A_1027, %mul3A_1038 : vector<16xf32>
    %get3A_1040 = arith.constant 3 : i32
    %get3A_1041 = arith.index_cast %get3A_1040 : i32 to index
    %get3A_1042 = arith.constant 224 : index
    %get3A_1043 = tpu.vector_load %arg5[%get3A_1041, %get3A_1042] {strides = array<i32>} : memref<16x256xf32, #tpu.memory_space<vmem>>, vector<1x16xf32>,
    %get3A_1044 = vector.shape_cast %get3A_1043 : vector<1x16xf32> to vector<16xf32>
    %get3A_1045 = arith.constant 3 : i32
    %get3A_1046 = arith.index_cast %get3A_1045 : i32 to index
    %get3A_1047 = arith.constant 224 : index
    %get3A_1048 = tpu.vector_load %arg6[%get3A_1046, %get3A_1047] {strides = array<i32>} : memref<16x256xf32, #tpu.memory_space<vmem>>, vector<1x16xf32>,
    %get3A_1049 = vector.shape_cast %get3A_1048 : vector<1x16xf32> to vector<16xf32>
    %mul3A_1050 = arith.mulf %get3A_1044, %get3A_1049 : vector<16xf32>
    %add3A_1051 = arith.addf %add3A_1039, %mul3A_1050 : vector<16xf32>
    %get3A_1052 = arith.constant 3 : i32
    %get3A_1053 = arith.index_cast %get3A_1052 : i32 to index
    %get3A_1054 = arith.constant 240 : index
    %get3A_1055 = tpu.vector_load %arg5[%get3A_1053, %get3A_1054] {strides = array<i32>} : memref<16x256xf32, #tpu.memory_space<vmem>>, vector<1x16xf32>,
    %get3A_1056 = vector.shape_cast %get3A_1055 : vector<1x16xf32> to vector<16xf32>
    %get3A_1057 = arith.constant 3 : i32
    %get3A_1058 = arith.index_cast %get3A_1057 : i32 to index
    %get3A_1059 = arith.constant 240 : index
    %get3A_1060 = tpu.vector_load %arg6[%get3A_1058, %get3A_1059] {strides = array<i32>} : memref<16x256xf32, #tpu.memory_space<vmem>>, vector<1x16xf32>,
    %get3A_1061 = vector.shape_cast %get3A_1060 : vector<1x16xf32> to vector<16xf32>
    %mul3A_1062 = arith.mulf %get3A_1056, %get3A_1061 : vector<16xf32>
    %add3A_1063 = arith.addf %add3A_1051, %mul3A_1062 : vector<16xf32>
    %xor3A_1064 = arith.constant 8 : i32
    %xor3A_1065 = vector.broadcast %xor3A_1064 : i32 to vector<16xi32>
    %xor3A_1066 = arith.xori %iota3A, %xor3A_1065 : vector<16xi32>
    %reshape3A_1067 = vector.shape_cast %xor3A_1066 : vector<16xi32> to vector<16x1xi32>
    %gather3A_1068 = vector.shape_cast %reshape3A_1067 : vector<16x1xi32> to vector<16xi32>
    %gather3A_1069 = tpu.dynamic_gather %add3A_1063[%gather3A_1068] in [0] : vector<16xf32>, vector<16xi32> -> vector<16xf32>
    %add3A_1070 = arith.addf %add3A_1063, %gather3A_1069 : vector<16xf32>
    %xor3A_1071 = arith.constant 4 : i32
    %xor3A_1072 = vector.broadcast %xor3A_1071 : i32 to vector<16xi32>
    %xor3A_1073 = arith.xori %iota3A, %xor3A_1072 : vector<16xi32>
    %reshape3A_1074 = vector.shape_cast %xor3A_1073 : vector<16xi32> to vector<16x1xi32>
    %gather3A_1075 = vector.shape_cast %reshape3A_1074 : vector<16x1xi32> to vector<16xi32>
    %gather3A_1076 = tpu.dynamic_gather %add3A_1070[%gather3A_1075] in [0] : vector<16xf32>, vector<16xi32> -> vector<16xf32>
    %add3A_1077 = arith.addf %add3A_1070, %gather3A_1076 : vector<16xf32>
    %xor3A_1078 = arith.constant 2 : i32
    %xor3A_1079 = vector.broadcast %xor3A_1078 : i32 to vector<16xi32>
    %xor3A_1080 = arith.xori %iota3A, %xor3A_1079 : vector<16xi32>
    %reshape3A_1081 = vector.shape_cast %xor3A_1080 : vector<16xi32> to vector<16x1xi32>
    %gather3A_1082 = vector.shape_cast %reshape3A_1081 : vector<16x1xi32> to vector<16xi32>
    %gather3A_1083 = tpu.dynamic_gather %add3A_1077[%gather3A_1082] in [0] : vector<16xf32>, vector<16xi32> -> vector<16xf32>
    %add3A_1084 = arith.addf %add3A_1077, %gather3A_1083 : vector<16xf32>
    %xor3A_1085 = arith.constant 1 : i32
    %xor3A_1086 = vector.broadcast %xor3A_1085 : i32 to vector<16xi32>
    %xor3A_1087 = arith.xori %iota3A, %xor3A_1086 : vector<16xi32>
    %reshape3A_1088 = vector.shape_cast %xor3A_1087 : vector<16xi32> to vector<16x1xi32>
    %gather3A_1089 = vector.shape_cast %reshape3A_1088 : vector<16x1xi32> to vector<16xi32>
    %gather3A_1090 = tpu.dynamic_gather %add3A_1084[%gather3A_1089] in [0] : vector<16xf32>, vector<16xi32> -> vector<16xf32>
    %add3A_1091 = arith.addf %add3A_1084, %gather3A_1090 : vector<16xf32>
    %broadcast_in_dim3A_1092 = arith.constant 3 : i32
    %broadcast_in_dim3A_1093 = vector.broadcast %broadcast_in_dim3A_1092 : i32 to vector<16xi32>
    %reshape3A_1094 = vector.shape_cast %broadcast_in_dim3A_1093 : vector<16xi32> to vector<16x1xi32>
    %gather3A_1095 = vector.shape_cast %reshape3A_1094 : vector<16x1xi32> to vector<16xi32>
    %gather3A_1096 = tpu.dynamic_gather %add3A_167[%gather3A_1095] in [0] : vector<16xi32>, vector<16xi32> -> vector<16xi32>
    %eq3A_1097 = arith.cmpi eq, %iota3A, %gather3A_1096 : vector<16xi32>
    %jit3A_1098 = arith.constant -1.000000e+30 : f32
    %broadcast_in_dim3A_1099 = vector.broadcast %jit3A_1098 : f32 to vector<16xf32>
    %select_n3A_1100 = arith.select %eq3A_1097, %add3A_1091, %broadcast_in_dim3A_1099 : vector<16xi1>, vector<16xf32>
    %max3A_1101 = arith.maximumf %max3A_869, %select_n3A_1100 : vector<16xf32>
    %broadcast_in_dim3A_1102 = arith.constant 0.000000e+00 : f32
    %broadcast_in_dim3A_1103 = vector.broadcast %broadcast_in_dim3A_1102 : f32 to vector<16xf32>
    %get3A_1104 = arith.constant 4 : i32
    %get3A_1105 = arith.index_cast %get3A_1104 : i32 to index
    %get3A_1106 = arith.constant 0 : index
    %get3A_1107 = tpu.vector_load %arg5[%get3A_1105, %get3A_1106] {strides = array<i32>} : memref<16x256xf32, #tpu.memory_space<vmem>>, vector<1x16xf32>,
    %get3A_1108 = vector.shape_cast %get3A_1107 : vector<1x16xf32> to vector<16xf32>
    %get3A_1109 = arith.constant 4 : i32
    %get3A_1110 = arith.index_cast %get3A_1109 : i32 to index
    %get3A_1111 = arith.constant 0 : index
    %get3A_1112 = tpu.vector_load %arg6[%get3A_1110, %get3A_1111] {strides = array<i32>} : memref<16x256xf32, #tpu.memory_space<vmem>>, vector<1x16xf32>,
    %get3A_1113 = vector.shape_cast %get3A_1112 : vector<1x16xf32> to vector<16xf32>
    %mul3A_1114 = arith.mulf %get3A_1108, %get3A_1113 : vector<16xf32>
    %add3A_1115 = arith.addf %broadcast_in_dim3A_1103, %mul3A_1114 : vector<16xf32>
    %get3A_1116 = arith.constant 4 : i32
    %get3A_1117 = arith.index_cast %get3A_1116 : i32 to index
    %get3A_1118 = arith.constant 16 : index
    %get3A_1119 = tpu.vector_load %arg5[%get3A_1117, %get3A_1118] {strides = array<i32>} : memref<16x256xf32, #tpu.memory_space<vmem>>, vector<1x16xf32>,
    %get3A_1120 = vector.shape_cast %get3A_1119 : vector<1x16xf32> to vector<16xf32>
    %get3A_1121 = arith.constant 4 : i32
    %get3A_1122 = arith.index_cast %get3A_1121 : i32 to index
    %get3A_1123 = arith.constant 16 : index
    %get3A_1124 = tpu.vector_load %arg6[%get3A_1122, %get3A_1123] {strides = array<i32>} : memref<16x256xf32, #tpu.memory_space<vmem>>, vector<1x16xf32>,
    %get3A_1125 = vector.shape_cast %get3A_1124 : vector<1x16xf32> to vector<16xf32>
    %mul3A_1126 = arith.mulf %get3A_1120, %get3A_1125 : vector<16xf32>
    %add3A_1127 = arith.addf %add3A_1115, %mul3A_1126 : vector<16xf32>
    %get3A_1128 = arith.constant 4 : i32
    %get3A_1129 = arith.index_cast %get3A_1128 : i32 to index
    %get3A_1130 = arith.constant 32 : index
    %get3A_1131 = tpu.vector_load %arg5[%get3A_1129, %get3A_1130] {strides = array<i32>} : memref<16x256xf32, #tpu.memory_space<vmem>>, vector<1x16xf32>,
    %get3A_1132 = vector.shape_cast %get3A_1131 : vector<1x16xf32> to vector<16xf32>
    %get3A_1133 = arith.constant 4 : i32
    %get3A_1134 = arith.index_cast %get3A_1133 : i32 to index
    %get3A_1135 = arith.constant 32 : index
    %get3A_1136 = tpu.vector_load %arg6[%get3A_1134, %get3A_1135] {strides = array<i32>} : memref<16x256xf32, #tpu.memory_space<vmem>>, vector<1x16xf32>,
    %get3A_1137 = vector.shape_cast %get3A_1136 : vector<1x16xf32> to vector<16xf32>
    %mul3A_1138 = arith.mulf %get3A_1132, %get3A_1137 : vector<16xf32>
    %add3A_1139 = arith.addf %add3A_1127, %mul3A_1138 : vector<16xf32>
    %get3A_1140 = arith.constant 4 : i32
    %get3A_1141 = arith.index_cast %get3A_1140 : i32 to index
    %get3A_1142 = arith.constant 48 : index
    %get3A_1143 = tpu.vector_load %arg5[%get3A_1141, %get3A_1142] {strides = array<i32>} : memref<16x256xf32, #tpu.memory_space<vmem>>, vector<1x16xf32>,
    %get3A_1144 = vector.shape_cast %get3A_1143 : vector<1x16xf32> to vector<16xf32>
    %get3A_1145 = arith.constant 4 : i32
    %get3A_1146 = arith.index_cast %get3A_1145 : i32 to index
    %get3A_1147 = arith.constant 48 : index
    %get3A_1148 = tpu.vector_load %arg6[%get3A_1146, %get3A_1147] {strides = array<i32>} : memref<16x256xf32, #tpu.memory_space<vmem>>, vector<1x16xf32>,
    %get3A_1149 = vector.shape_cast %get3A_1148 : vector<1x16xf32> to vector<16xf32>
    %mul3A_1150 = arith.mulf %get3A_1144, %get3A_1149 : vector<16xf32>
    %add3A_1151 = arith.addf %add3A_1139, %mul3A_1150 : vector<16xf32>
    %get3A_1152 = arith.constant 4 : i32
    %get3A_1153 = arith.index_cast %get3A_1152 : i32 to index
    %get3A_1154 = arith.constant 64 : index
    %get3A_1155 = tpu.vector_load %arg5[%get3A_1153, %get3A_1154] {strides = array<i32>} : memref<16x256xf32, #tpu.memory_space<vmem>>, vector<1x16xf32>,
    %get3A_1156 = vector.shape_cast %get3A_1155 : vector<1x16xf32> to vector<16xf32>
    %get3A_1157 = arith.constant 4 : i32
    %get3A_1158 = arith.index_cast %get3A_1157 : i32 to index
    %get3A_1159 = arith.constant 64 : index
    %get3A_1160 = tpu.vector_load %arg6[%get3A_1158, %get3A_1159] {strides = array<i32>} : memref<16x256xf32, #tpu.memory_space<vmem>>, vector<1x16xf32>,
    %get3A_1161 = vector.shape_cast %get3A_1160 : vector<1x16xf32> to vector<16xf32>
    %mul3A_1162 = arith.mulf %get3A_1156, %get3A_1161 : vector<16xf32>
    %add3A_1163 = arith.addf %add3A_1151, %mul3A_1162 : vector<16xf32>
    %get3A_1164 = arith.constant 4 : i32
    %get3A_1165 = arith.index_cast %get3A_1164 : i32 to index
    %get3A_1166 = arith.constant 80 : index
    %get3A_1167 = tpu.vector_load %arg5[%get3A_1165, %get3A_1166] {strides = array<i32>} : memref<16x256xf32, #tpu.memory_space<vmem>>, vector<1x16xf32>,
    %get3A_1168 = vector.shape_cast %get3A_1167 : vector<1x16xf32> to vector<16xf32>
    %get3A_1169 = arith.constant 4 : i32
    %get3A_1170 = arith.index_cast %get3A_1169 : i32 to index
    %get3A_1171 = arith.constant 80 : index
    %get3A_1172 = tpu.vector_load %arg6[%get3A_1170, %get3A_1171] {strides = array<i32>} : memref<16x256xf32, #tpu.memory_space<vmem>>, vector<1x16xf32>,
    %get3A_1173 = vector.shape_cast %get3A_1172 : vector<1x16xf32> to vector<16xf32>
    %mul3A_1174 = arith.mulf %get3A_1168, %get3A_1173 : vector<16xf32>
    %add3A_1175 = arith.addf %add3A_1163, %mul3A_1174 : vector<16xf32>
    %get3A_1176 = arith.constant 4 : i32
    %get3A_1177 = arith.index_cast %get3A_1176 : i32 to index
    %get3A_1178 = arith.constant 96 : index
    %get3A_1179 = tpu.vector_load %arg5[%get3A_1177, %get3A_1178] {strides = array<i32>} : memref<16x256xf32, #tpu.memory_space<vmem>>, vector<1x16xf32>,
    %get3A_1180 = vector.shape_cast %get3A_1179 : vector<1x16xf32> to vector<16xf32>
    %get3A_1181 = arith.constant 4 : i32
    %get3A_1182 = arith.index_cast %get3A_1181 : i32 to index
    %get3A_1183 = arith.constant 96 : index
    %get3A_1184 = tpu.vector_load %arg6[%get3A_1182, %get3A_1183] {strides = array<i32>} : memref<16x256xf32, #tpu.memory_space<vmem>>, vector<1x16xf32>,
    %get3A_1185 = vector.shape_cast %get3A_1184 : vector<1x16xf32> to vector<16xf32>
    %mul3A_1186 = arith.mulf %get3A_1180, %get3A_1185 : vector<16xf32>
    %add3A_1187 = arith.addf %add3A_1175, %mul3A_1186 : vector<16xf32>
    %get3A_1188 = arith.constant 4 : i32
    %get3A_1189 = arith.index_cast %get3A_1188 : i32 to index
    %get3A_1190 = arith.constant 112 : index
    %get3A_1191 = tpu.vector_load %arg5[%get3A_1189, %get3A_1190] {strides = array<i32>} : memref<16x256xf32, #tpu.memory_space<vmem>>, vector<1x16xf32>,
    %get3A_1192 = vector.shape_cast %get3A_1191 : vector<1x16xf32> to vector<16xf32>
    %get3A_1193 = arith.constant 4 : i32
    %get3A_1194 = arith.index_cast %get3A_1193 : i32 to index
    %get3A_1195 = arith.constant 112 : index
    %get3A_1196 = tpu.vector_load %arg6[%get3A_1194, %get3A_1195] {strides = array<i32>} : memref<16x256xf32, #tpu.memory_space<vmem>>, vector<1x16xf32>,
    %get3A_1197 = vector.shape_cast %get3A_1196 : vector<1x16xf32> to vector<16xf32>
    %mul3A_1198 = arith.mulf %get3A_1192, %get3A_1197 : vector<16xf32>
    %add3A_1199 = arith.addf %add3A_1187, %mul3A_1198 : vector<16xf32>
    %get3A_1200 = arith.constant 4 : i32
    %get3A_1201 = arith.index_cast %get3A_1200 : i32 to index
    %get3A_1202 = arith.constant 128 : index
    %get3A_1203 = tpu.vector_load %arg5[%get3A_1201, %get3A_1202] {strides = array<i32>} : memref<16x256xf32, #tpu.memory_space<vmem>>, vector<1x16xf32>,
    %get3A_1204 = vector.shape_cast %get3A_1203 : vector<1x16xf32> to vector<16xf32>
    %get3A_1205 = arith.constant 4 : i32
    %get3A_1206 = arith.index_cast %get3A_1205 : i32 to index
    %get3A_1207 = arith.constant 128 : index
    %get3A_1208 = tpu.vector_load %arg6[%get3A_1206, %get3A_1207] {strides = array<i32>} : memref<16x256xf32, #tpu.memory_space<vmem>>, vector<1x16xf32>,
    %get3A_1209 = vector.shape_cast %get3A_1208 : vector<1x16xf32> to vector<16xf32>
    %mul3A_1210 = arith.mulf %get3A_1204, %get3A_1209 : vector<16xf32>
    %add3A_1211 = arith.addf %add3A_1199, %mul3A_1210 : vector<16xf32>
    %get3A_1212 = arith.constant 4 : i32
    %get3A_1213 = arith.index_cast %get3A_1212 : i32 to index
    %get3A_1214 = arith.constant 144 : index
    %get3A_1215 = tpu.vector_load %arg5[%get3A_1213, %get3A_1214] {strides = array<i32>} : memref<16x256xf32, #tpu.memory_space<vmem>>, vector<1x16xf32>,
    %get3A_1216 = vector.shape_cast %get3A_1215 : vector<1x16xf32> to vector<16xf32>
    %get3A_1217 = arith.constant 4 : i32
    %get3A_1218 = arith.index_cast %get3A_1217 : i32 to index
    %get3A_1219 = arith.constant 144 : index
    %get3A_1220 = tpu.vector_load %arg6[%get3A_1218, %get3A_1219] {strides = array<i32>} : memref<16x256xf32, #tpu.memory_space<vmem>>, vector<1x16xf32>,
    %get3A_1221 = vector.shape_cast %get3A_1220 : vector<1x16xf32> to vector<16xf32>
    %mul3A_1222 = arith.mulf %get3A_1216, %get3A_1221 : vector<16xf32>
    %add3A_1223 = arith.addf %add3A_1211, %mul3A_1222 : vector<16xf32>
    %get3A_1224 = arith.constant 4 : i32
    %get3A_1225 = arith.index_cast %get3A_1224 : i32 to index
    %get3A_1226 = arith.constant 160 : index
    %get3A_1227 = tpu.vector_load %arg5[%get3A_1225, %get3A_1226] {strides = array<i32>} : memref<16x256xf32, #tpu.memory_space<vmem>>, vector<1x16xf32>,
    %get3A_1228 = vector.shape_cast %get3A_1227 : vector<1x16xf32> to vector<16xf32>
    %get3A_1229 = arith.constant 4 : i32
    %get3A_1230 = arith.index_cast %get3A_1229 : i32 to index
    %get3A_1231 = arith.constant 160 : index
    %get3A_1232 = tpu.vector_load %arg6[%get3A_1230, %get3A_1231] {strides = array<i32>} : memref<16x256xf32, #tpu.memory_space<vmem>>, vector<1x16xf32>,
    %get3A_1233 = vector.shape_cast %get3A_1232 : vector<1x16xf32> to vector<16xf32>
    %mul3A_1234 = arith.mulf %get3A_1228, %get3A_1233 : vector<16xf32>
    %add3A_1235 = arith.addf %add3A_1223, %mul3A_1234 : vector<16xf32>
    %get3A_1236 = arith.constant 4 : i32
    %get3A_1237 = arith.index_cast %get3A_1236 : i32 to index
    %get3A_1238 = arith.constant 176 : index
    %get3A_1239 = tpu.vector_load %arg5[%get3A_1237, %get3A_1238] {strides = array<i32>} : memref<16x256xf32, #tpu.memory_space<vmem>>, vector<1x16xf32>,
    %get3A_1240 = vector.shape_cast %get3A_1239 : vector<1x16xf32> to vector<16xf32>
    %get3A_1241 = arith.constant 4 : i32
    %get3A_1242 = arith.index_cast %get3A_1241 : i32 to index
    %get3A_1243 = arith.constant 176 : index
    %get3A_1244 = tpu.vector_load %arg6[%get3A_1242, %get3A_1243] {strides = array<i32>} : memref<16x256xf32, #tpu.memory_space<vmem>>, vector<1x16xf32>,
    %get3A_1245 = vector.shape_cast %get3A_1244 : vector<1x16xf32> to vector<16xf32>
    %mul3A_1246 = arith.mulf %get3A_1240, %get3A_1245 : vector<16xf32>
    %add3A_1247 = arith.addf %add3A_1235, %mul3A_1246 : vector<16xf32>
    %get3A_1248 = arith.constant 4 : i32
    %get3A_1249 = arith.index_cast %get3A_1248 : i32 to index
    %get3A_1250 = arith.constant 192 : index
    %get3A_1251 = tpu.vector_load %arg5[%get3A_1249, %get3A_1250] {strides = array<i32>} : memref<16x256xf32, #tpu.memory_space<vmem>>, vector<1x16xf32>,
    %get3A_1252 = vector.shape_cast %get3A_1251 : vector<1x16xf32> to vector<16xf32>
    %get3A_1253 = arith.constant 4 : i32
    %get3A_1254 = arith.index_cast %get3A_1253 : i32 to index
    %get3A_1255 = arith.constant 192 : index
    %get3A_1256 = tpu.vector_load %arg6[%get3A_1254, %get3A_1255] {strides = array<i32>} : memref<16x256xf32, #tpu.memory_space<vmem>>, vector<1x16xf32>,
    %get3A_1257 = vector.shape_cast %get3A_1256 : vector<1x16xf32> to vector<16xf32>
    %mul3A_1258 = arith.mulf %get3A_1252, %get3A_1257 : vector<16xf32>
    %add3A_1259 = arith.addf %add3A_1247, %mul3A_1258 : vector<16xf32>
    %get3A_1260 = arith.constant 4 : i32
    %get3A_1261 = arith.index_cast %get3A_1260 : i32 to index
    %get3A_1262 = arith.constant 208 : index
    %get3A_1263 = tpu.vector_load %arg5[%get3A_1261, %get3A_1262] {strides = array<i32>} : memref<16x256xf32, #tpu.memory_space<vmem>>, vector<1x16xf32>,
    %get3A_1264 = vector.shape_cast %get3A_1263 : vector<1x16xf32> to vector<16xf32>
    %get3A_1265 = arith.constant 4 : i32
    %get3A_1266 = arith.index_cast %get3A_1265 : i32 to index
    %get3A_1267 = arith.constant 208 : index
    %get3A_1268 = tpu.vector_load %arg6[%get3A_1266, %get3A_1267] {strides = array<i32>} : memref<16x256xf32, #tpu.memory_space<vmem>>, vector<1x16xf32>,
    %get3A_1269 = vector.shape_cast %get3A_1268 : vector<1x16xf32> to vector<16xf32>
    %mul3A_1270 = arith.mulf %get3A_1264, %get3A_1269 : vector<16xf32>
    %add3A_1271 = arith.addf %add3A_1259, %mul3A_1270 : vector<16xf32>
    %get3A_1272 = arith.constant 4 : i32
    %get3A_1273 = arith.index_cast %get3A_1272 : i32 to index
    %get3A_1274 = arith.constant 224 : index
    %get3A_1275 = tpu.vector_load %arg5[%get3A_1273, %get3A_1274] {strides = array<i32>} : memref<16x256xf32, #tpu.memory_space<vmem>>, vector<1x16xf32>,
    %get3A_1276 = vector.shape_cast %get3A_1275 : vector<1x16xf32> to vector<16xf32>
    %get3A_1277 = arith.constant 4 : i32
    %get3A_1278 = arith.index_cast %get3A_1277 : i32 to index
    %get3A_1279 = arith.constant 224 : index
    %get3A_1280 = tpu.vector_load %arg6[%get3A_1278, %get3A_1279] {strides = array<i32>} : memref<16x256xf32, #tpu.memory_space<vmem>>, vector<1x16xf32>,
    %get3A_1281 = vector.shape_cast %get3A_1280 : vector<1x16xf32> to vector<16xf32>
    %mul3A_1282 = arith.mulf %get3A_1276, %get3A_1281 : vector<16xf32>
    %add3A_1283 = arith.addf %add3A_1271, %mul3A_1282 : vector<16xf32>
    %get3A_1284 = arith.constant 4 : i32
    %get3A_1285 = arith.index_cast %get3A_1284 : i32 to index
    %get3A_1286 = arith.constant 240 : index
    %get3A_1287 = tpu.vector_load %arg5[%get3A_1285, %get3A_1286] {strides = array<i32>} : memref<16x256xf32, #tpu.memory_space<vmem>>, vector<1x16xf32>,
    %get3A_1288 = vector.shape_cast %get3A_1287 : vector<1x16xf32> to vector<16xf32>
    %get3A_1289 = arith.constant 4 : i32
    %get3A_1290 = arith.index_cast %get3A_1289 : i32 to index
    %get3A_1291 = arith.constant 240 : index
    %get3A_1292 = tpu.vector_load %arg6[%get3A_1290, %get3A_1291] {strides = array<i32>} : memref<16x256xf32, #tpu.memory_space<vmem>>, vector<1x16xf32>,
    %get3A_1293 = vector.shape_cast %get3A_1292 : vector<1x16xf32> to vector<16xf32>
    %mul3A_1294 = arith.mulf %get3A_1288, %get3A_1293 : vector<16xf32>
    %add3A_1295 = arith.addf %add3A_1283, %mul3A_1294 : vector<16xf32>
    %xor3A_1296 = arith.constant 8 : i32
    %xor3A_1297 = vector.broadcast %xor3A_1296 : i32 to vector<16xi32>
    %xor3A_1298 = arith.xori %iota3A, %xor3A_1297 : vector<16xi32>
    %reshape3A_1299 = vector.shape_cast %xor3A_1298 : vector<16xi32> to vector<16x1xi32>
    %gather3A_1300 = vector.shape_cast %reshape3A_1299 : vector<16x1xi32> to vector<16xi32>
    %gather3A_1301 = tpu.dynamic_gather %add3A_1295[%gather3A_1300] in [0] : vector<16xf32>, vector<16xi32> -> vector<16xf32>
    %add3A_1302 = arith.addf %add3A_1295, %gather3A_1301 : vector<16xf32>
    %xor3A_1303 = arith.constant 4 : i32
    %xor3A_1304 = vector.broadcast %xor3A_1303 : i32 to vector<16xi32>
    %xor3A_1305 = arith.xori %iota3A, %xor3A_1304 : vector<16xi32>
    %reshape3A_1306 = vector.shape_cast %xor3A_1305 : vector<16xi32> to vector<16x1xi32>
    %gather3A_1307 = vector.shape_cast %reshape3A_1306 : vector<16x1xi32> to vector<16xi32>
    %gather3A_1308 = tpu.dynamic_gather %add3A_1302[%gather3A_1307] in [0] : vector<16xf32>, vector<16xi32> -> vector<16xf32>
    %add3A_1309 = arith.addf %add3A_1302, %gather3A_1308 : vector<16xf32>
    %xor3A_1310 = arith.constant 2 : i32
    %xor3A_1311 = vector.broadcast %xor3A_1310 : i32 to vector<16xi32>
    %xor3A_1312 = arith.xori %iota3A, %xor3A_1311 : vector<16xi32>
    %reshape3A_1313 = vector.shape_cast %xor3A_1312 : vector<16xi32> to vector<16x1xi32>
    %gather3A_1314 = vector.shape_cast %reshape3A_1313 : vector<16x1xi32> to vector<16xi32>
    %gather3A_1315 = tpu.dynamic_gather %add3A_1309[%gather3A_1314] in [0] : vector<16xf32>, vector<16xi32> -> vector<16xf32>
    %add3A_1316 = arith.addf %add3A_1309, %gather3A_1315 : vector<16xf32>
    %xor3A_1317 = arith.constant 1 : i32
    %xor3A_1318 = vector.broadcast %xor3A_1317 : i32 to vector<16xi32>
    %xor3A_1319 = arith.xori %iota3A, %xor3A_1318 : vector<16xi32>
    %reshape3A_1320 = vector.shape_cast %xor3A_1319 : vector<16xi32> to vector<16x1xi32>
    %gather3A_1321 = vector.shape_cast %reshape3A_1320 : vector<16x1xi32> to vector<16xi32>
    %gather3A_1322 = tpu.dynamic_gather %add3A_1316[%gather3A_1321] in [0] : vector<16xf32>, vector<16xi32> -> vector<16xf32>
    %add3A_1323 = arith.addf %add3A_1316, %gather3A_1322 : vector<16xf32>
    %broadcast_in_dim3A_1324 = arith.constant 4 : i32
    %broadcast_in_dim3A_1325 = vector.broadcast %broadcast_in_dim3A_1324 : i32 to vector<16xi32>
    %reshape3A_1326 = vector.shape_cast %broadcast_in_dim3A_1325 : vector<16xi32> to vector<16x1xi32>
    %gather3A_1327 = vector.shape_cast %reshape3A_1326 : vector<16x1xi32> to vector<16xi32>
    %gather3A_1328 = tpu.dynamic_gather %add3A_167[%gather3A_1327] in [0] : vector<16xi32>, vector<16xi32> -> vector<16xi32>
    %eq3A_1329 = arith.cmpi eq, %iota3A, %gather3A_1328 : vector<16xi32>
    %jit3A_1330 = arith.constant -1.000000e+30 : f32
    %broadcast_in_dim3A_1331 = vector.broadcast %jit3A_1330 : f32 to vector<16xf32>
    %select_n3A_1332 = arith.select %eq3A_1329, %add3A_1323, %broadcast_in_dim3A_1331 : vector<16xi1>, vector<16xf32>
    %max3A_1333 = arith.maximumf %max3A_1101, %select_n3A_1332 : vector<16xf32>
    %broadcast_in_dim3A_1334 = arith.constant 0.000000e+00 : f32
    %broadcast_in_dim3A_1335 = vector.broadcast %broadcast_in_dim3A_1334 : f32 to vector<16xf32>
    %get3A_1336 = arith.constant 5 : i32
    %get3A_1337 = arith.index_cast %get3A_1336 : i32 to index
    %get3A_1338 = arith.constant 0 : index
    %get3A_1339 = tpu.vector_load %arg5[%get3A_1337, %get3A_1338] {strides = array<i32>} : memref<16x256xf32, #tpu.memory_space<vmem>>, vector<1x16xf32>,
    %get3A_1340 = vector.shape_cast %get3A_1339 : vector<1x16xf32> to vector<16xf32>
    %get3A_1341 = arith.constant 5 : i32
    %get3A_1342 = arith.index_cast %get3A_1341 : i32 to index
    %get3A_1343 = arith.constant 0 : index
    %get3A_1344 = tpu.vector_load %arg6[%get3A_1342, %get3A_1343] {strides = array<i32>} : memref<16x256xf32, #tpu.memory_space<vmem>>, vector<1x16xf32>,
    %get3A_1345 = vector.shape_cast %get3A_1344 : vector<1x16xf32> to vector<16xf32>
    %mul3A_1346 = arith.mulf %get3A_1340, %get3A_1345 : vector<16xf32>
    %add3A_1347 = arith.addf %broadcast_in_dim3A_1335, %mul3A_1346 : vector<16xf32>
    %get3A_1348 = arith.constant 5 : i32
    %get3A_1349 = arith.index_cast %get3A_1348 : i32 to index
    %get3A_1350 = arith.constant 16 : index
    %get3A_1351 = tpu.vector_load %arg5[%get3A_1349, %get3A_1350] {strides = array<i32>} : memref<16x256xf32, #tpu.memory_space<vmem>>, vector<1x16xf32>,
    %get3A_1352 = vector.shape_cast %get3A_1351 : vector<1x16xf32> to vector<16xf32>
    %get3A_1353 = arith.constant 5 : i32
    %get3A_1354 = arith.index_cast %get3A_1353 : i32 to index
    %get3A_1355 = arith.constant 16 : index
    %get3A_1356 = tpu.vector_load %arg6[%get3A_1354, %get3A_1355] {strides = array<i32>} : memref<16x256xf32, #tpu.memory_space<vmem>>, vector<1x16xf32>,
    %get3A_1357 = vector.shape_cast %get3A_1356 : vector<1x16xf32> to vector<16xf32>
    %mul3A_1358 = arith.mulf %get3A_1352, %get3A_1357 : vector<16xf32>
    %add3A_1359 = arith.addf %add3A_1347, %mul3A_1358 : vector<16xf32>
    %get3A_1360 = arith.constant 5 : i32
    %get3A_1361 = arith.index_cast %get3A_1360 : i32 to index
    %get3A_1362 = arith.constant 32 : index
    %get3A_1363 = tpu.vector_load %arg5[%get3A_1361, %get3A_1362] {strides = array<i32>} : memref<16x256xf32, #tpu.memory_space<vmem>>, vector<1x16xf32>,
    %get3A_1364 = vector.shape_cast %get3A_1363 : vector<1x16xf32> to vector<16xf32>
    %get3A_1365 = arith.constant 5 : i32
    %get3A_1366 = arith.index_cast %get3A_1365 : i32 to index
    %get3A_1367 = arith.constant 32 : index
    %get3A_1368 = tpu.vector_load %arg6[%get3A_1366, %get3A_1367] {strides = array<i32>} : memref<16x256xf32, #tpu.memory_space<vmem>>, vector<1x16xf32>,
    %get3A_1369 = vector.shape_cast %get3A_1368 : vector<1x16xf32> to vector<16xf32>
    %mul3A_1370 = arith.mulf %get3A_1364, %get3A_1369 : vector<16xf32>
    %add3A_1371 = arith.addf %add3A_1359, %mul3A_1370 : vector<16xf32>
    %get3A_1372 = arith.constant 5 : i32
    %get3A_1373 = arith.index_cast %get3A_1372 : i32 to index
    %get3A_1374 = arith.constant 48 : index
    %get3A_1375 = tpu.vector_load %arg5[%get3A_1373, %get3A_1374] {strides = array<i32>} : memref<16x256xf32, #tpu.memory_space<vmem>>, vector<1x16xf32>,
    %get3A_1376 = vector.shape_cast %get3A_1375 : vector<1x16xf32> to vector<16xf32>
    %get3A_1377 = arith.constant 5 : i32
    %get3A_1378 = arith.index_cast %get3A_1377 : i32 to index
    %get3A_1379 = arith.constant 48 : index
    %get3A_1380 = tpu.vector_load %arg6[%get3A_1378, %get3A_1379] {strides = array<i32>} : memref<16x256xf32, #tpu.memory_space<vmem>>, vector<1x16xf32>,
    %get3A_1381 = vector.shape_cast %get3A_1380 : vector<1x16xf32> to vector<16xf32>
    %mul3A_1382 = arith.mulf %get3A_1376, %get3A_1381 : vector<16xf32>
    %add3A_1383 = arith.addf %add3A_1371, %mul3A_1382 : vector<16xf32>
    %get3A_1384 = arith.constant 5 : i32
    %get3A_1385 = arith.index_cast %get3A_1384 : i32 to index
    %get3A_1386 = arith.constant 64 : index
    %get3A_1387 = tpu.vector_load %arg5[%get3A_1385, %get3A_1386] {strides = array<i32>} : memref<16x256xf32, #tpu.memory_space<vmem>>, vector<1x16xf32>,
    %get3A_1388 = vector.shape_cast %get3A_1387 : vector<1x16xf32> to vector<16xf32>
    %get3A_1389 = arith.constant 5 : i32
    %get3A_1390 = arith.index_cast %get3A_1389 : i32 to index
    %get3A_1391 = arith.constant 64 : index
    %get3A_1392 = tpu.vector_load %arg6[%get3A_1390, %get3A_1391] {strides = array<i32>} : memref<16x256xf32, #tpu.memory_space<vmem>>, vector<1x16xf32>,
    %get3A_1393 = vector.shape_cast %get3A_1392 : vector<1x16xf32> to vector<16xf32>
    %mul3A_1394 = arith.mulf %get3A_1388, %get3A_1393 : vector<16xf32>
    %add3A_1395 = arith.addf %add3A_1383, %mul3A_1394 : vector<16xf32>
    %get3A_1396 = arith.constant 5 : i32
    %get3A_1397 = arith.index_cast %get3A_1396 : i32 to index
    %get3A_1398 = arith.constant 80 : index
    %get3A_1399 = tpu.vector_load %arg5[%get3A_1397, %get3A_1398] {strides = array<i32>} : memref<16x256xf32, #tpu.memory_space<vmem>>, vector<1x16xf32>,
    %get3A_1400 = vector.shape_cast %get3A_1399 : vector<1x16xf32> to vector<16xf32>
    %get3A_1401 = arith.constant 5 : i32
    %get3A_1402 = arith.index_cast %get3A_1401 : i32 to index
    %get3A_1403 = arith.constant 80 : index
    %get3A_1404 = tpu.vector_load %arg6[%get3A_1402, %get3A_1403] {strides = array<i32>} : memref<16x256xf32, #tpu.memory_space<vmem>>, vector<1x16xf32>,
    %get3A_1405 = vector.shape_cast %get3A_1404 : vector<1x16xf32> to vector<16xf32>
    %mul3A_1406 = arith.mulf %get3A_1400, %get3A_1405 : vector<16xf32>
    %add3A_1407 = arith.addf %add3A_1395, %mul3A_1406 : vector<16xf32>
    %get3A_1408 = arith.constant 5 : i32
    %get3A_1409 = arith.index_cast %get3A_1408 : i32 to index
    %get3A_1410 = arith.constant 96 : index
    %get3A_1411 = tpu.vector_load %arg5[%get3A_1409, %get3A_1410] {strides = array<i32>} : memref<16x256xf32, #tpu.memory_space<vmem>>, vector<1x16xf32>,
    %get3A_1412 = vector.shape_cast %get3A_1411 : vector<1x16xf32> to vector<16xf32>
    %get3A_1413 = arith.constant 5 : i32
    %get3A_1414 = arith.index_cast %get3A_1413 : i32 to index
    %get3A_1415 = arith.constant 96 : index
    %get3A_1416 = tpu.vector_load %arg6[%get3A_1414, %get3A_1415] {strides = array<i32>} : memref<16x256xf32, #tpu.memory_space<vmem>>, vector<1x16xf32>,
    %get3A_1417 = vector.shape_cast %get3A_1416 : vector<1x16xf32> to vector<16xf32>
    %mul3A_1418 = arith.mulf %get3A_1412, %get3A_1417 : vector<16xf32>
    %add3A_1419 = arith.addf %add3A_1407, %mul3A_1418 : vector<16xf32>
    %get3A_1420 = arith.constant 5 : i32
    %get3A_1421 = arith.index_cast %get3A_1420 : i32 to index
    %get3A_1422 = arith.constant 112 : index
    %get3A_1423 = tpu.vector_load %arg5[%get3A_1421, %get3A_1422] {strides = array<i32>} : memref<16x256xf32, #tpu.memory_space<vmem>>, vector<1x16xf32>,
    %get3A_1424 = vector.shape_cast %get3A_1423 : vector<1x16xf32> to vector<16xf32>
    %get3A_1425 = arith.constant 5 : i32
    %get3A_1426 = arith.index_cast %get3A_1425 : i32 to index
    %get3A_1427 = arith.constant 112 : index
    %get3A_1428 = tpu.vector_load %arg6[%get3A_1426, %get3A_1427] {strides = array<i32>} : memref<16x256xf32, #tpu.memory_space<vmem>>, vector<1x16xf32>,
    %get3A_1429 = vector.shape_cast %get3A_1428 : vector<1x16xf32> to vector<16xf32>
    %mul3A_1430 = arith.mulf %get3A_1424, %get3A_1429 : vector<16xf32>
    %add3A_1431 = arith.addf %add3A_1419, %mul3A_1430 : vector<16xf32>
    %get3A_1432 = arith.constant 5 : i32
    %get3A_1433 = arith.index_cast %get3A_1432 : i32 to index
    %get3A_1434 = arith.constant 128 : index
    %get3A_1435 = tpu.vector_load %arg5[%get3A_1433, %get3A_1434] {strides = array<i32>} : memref<16x256xf32, #tpu.memory_space<vmem>>, vector<1x16xf32>,
    %get3A_1436 = vector.shape_cast %get3A_1435 : vector<1x16xf32> to vector<16xf32>
    %get3A_1437 = arith.constant 5 : i32
    %get3A_1438 = arith.index_cast %get3A_1437 : i32 to index
    %get3A_1439 = arith.constant 128 : index
    %get3A_1440 = tpu.vector_load %arg6[%get3A_1438, %get3A_1439] {strides = array<i32>} : memref<16x256xf32, #tpu.memory_space<vmem>>, vector<1x16xf32>,
    %get3A_1441 = vector.shape_cast %get3A_1440 : vector<1x16xf32> to vector<16xf32>
    %mul3A_1442 = arith.mulf %get3A_1436, %get3A_1441 : vector<16xf32>
    %add3A_1443 = arith.addf %add3A_1431, %mul3A_1442 : vector<16xf32>
    %get3A_1444 = arith.constant 5 : i32
    %get3A_1445 = arith.index_cast %get3A_1444 : i32 to index
    %get3A_1446 = arith.constant 144 : index
    %get3A_1447 = tpu.vector_load %arg5[%get3A_1445, %get3A_1446] {strides = array<i32>} : memref<16x256xf32, #tpu.memory_space<vmem>>, vector<1x16xf32>,
    %get3A_1448 = vector.shape_cast %get3A_1447 : vector<1x16xf32> to vector<16xf32>
    %get3A_1449 = arith.constant 5 : i32
    %get3A_1450 = arith.index_cast %get3A_1449 : i32 to index
    %get3A_1451 = arith.constant 144 : index
    %get3A_1452 = tpu.vector_load %arg6[%get3A_1450, %get3A_1451] {strides = array<i32>} : memref<16x256xf32, #tpu.memory_space<vmem>>, vector<1x16xf32>,
    %get3A_1453 = vector.shape_cast %get3A_1452 : vector<1x16xf32> to vector<16xf32>
    %mul3A_1454 = arith.mulf %get3A_1448, %get3A_1453 : vector<16xf32>
    %add3A_1455 = arith.addf %add3A_1443, %mul3A_1454 : vector<16xf32>
    %get3A_1456 = arith.constant 5 : i32
    %get3A_1457 = arith.index_cast %get3A_1456 : i32 to index
    %get3A_1458 = arith.constant 160 : index
    %get3A_1459 = tpu.vector_load %arg5[%get3A_1457, %get3A_1458] {strides = array<i32>} : memref<16x256xf32, #tpu.memory_space<vmem>>, vector<1x16xf32>,
    %get3A_1460 = vector.shape_cast %get3A_1459 : vector<1x16xf32> to vector<16xf32>
    %get3A_1461 = arith.constant 5 : i32
    %get3A_1462 = arith.index_cast %get3A_1461 : i32 to index
    %get3A_1463 = arith.constant 160 : index
    %get3A_1464 = tpu.vector_load %arg6[%get3A_1462, %get3A_1463] {strides = array<i32>} : memref<16x256xf32, #tpu.memory_space<vmem>>, vector<1x16xf32>,
    %get3A_1465 = vector.shape_cast %get3A_1464 : vector<1x16xf32> to vector<16xf32>
    %mul3A_1466 = arith.mulf %get3A_1460, %get3A_1465 : vector<16xf32>
    %add3A_1467 = arith.addf %add3A_1455, %mul3A_1466 : vector<16xf32>
    %get3A_1468 = arith.constant 5 : i32
    %get3A_1469 = arith.index_cast %get3A_1468 : i32 to index
    %get3A_1470 = arith.constant 176 : index
    %get3A_1471 = tpu.vector_load %arg5[%get3A_1469, %get3A_1470] {strides = array<i32>} : memref<16x256xf32, #tpu.memory_space<vmem>>, vector<1x16xf32>,
    %get3A_1472 = vector.shape_cast %get3A_1471 : vector<1x16xf32> to vector<16xf32>
    %get3A_1473 = arith.constant 5 : i32
    %get3A_1474 = arith.index_cast %get3A_1473 : i32 to index
    %get3A_1475 = arith.constant 176 : index
    %get3A_1476 = tpu.vector_load %arg6[%get3A_1474, %get3A_1475] {strides = array<i32>} : memref<16x256xf32, #tpu.memory_space<vmem>>, vector<1x16xf32>,
    %get3A_1477 = vector.shape_cast %get3A_1476 : vector<1x16xf32> to vector<16xf32>
    %mul3A_1478 = arith.mulf %get3A_1472, %get3A_1477 : vector<16xf32>
    %add3A_1479 = arith.addf %add3A_1467, %mul3A_1478 : vector<16xf32>
    %get3A_1480 = arith.constant 5 : i32
    %get3A_1481 = arith.index_cast %get3A_1480 : i32 to index
    %get3A_1482 = arith.constant 192 : index
    %get3A_1483 = tpu.vector_load %arg5[%get3A_1481, %get3A_1482] {strides = array<i32>} : memref<16x256xf32, #tpu.memory_space<vmem>>, vector<1x16xf32>,
    %get3A_1484 = vector.shape_cast %get3A_1483 : vector<1x16xf32> to vector<16xf32>
    %get3A_1485 = arith.constant 5 : i32
    %get3A_1486 = arith.index_cast %get3A_1485 : i32 to index
    %get3A_1487 = arith.constant 192 : index
    %get3A_1488 = tpu.vector_load %arg6[%get3A_1486, %get3A_1487] {strides = array<i32>} : memref<16x256xf32, #tpu.memory_space<vmem>>, vector<1x16xf32>,
    %get3A_1489 = vector.shape_cast %get3A_1488 : vector<1x16xf32> to vector<16xf32>
    %mul3A_1490 = arith.mulf %get3A_1484, %get3A_1489 : vector<16xf32>
    %add3A_1491 = arith.addf %add3A_1479, %mul3A_1490 : vector<16xf32>
    %get3A_1492 = arith.constant 5 : i32
    %get3A_1493 = arith.index_cast %get3A_1492 : i32 to index
    %get3A_1494 = arith.constant 208 : index
    %get3A_1495 = tpu.vector_load %arg5[%get3A_1493, %get3A_1494] {strides = array<i32>} : memref<16x256xf32, #tpu.memory_space<vmem>>, vector<1x16xf32>,
    %get3A_1496 = vector.shape_cast %get3A_1495 : vector<1x16xf32> to vector<16xf32>
    %get3A_1497 = arith.constant 5 : i32
    %get3A_1498 = arith.index_cast %get3A_1497 : i32 to index
    %get3A_1499 = arith.constant 208 : index
    %get3A_1500 = tpu.vector_load %arg6[%get3A_1498, %get3A_1499] {strides = array<i32>} : memref<16x256xf32, #tpu.memory_space<vmem>>, vector<1x16xf32>,
    %get3A_1501 = vector.shape_cast %get3A_1500 : vector<1x16xf32> to vector<16xf32>
    %mul3A_1502 = arith.mulf %get3A_1496, %get3A_1501 : vector<16xf32>
    %add3A_1503 = arith.addf %add3A_1491, %mul3A_1502 : vector<16xf32>
    %get3A_1504 = arith.constant 5 : i32
    %get3A_1505 = arith.index_cast %get3A_1504 : i32 to index
    %get3A_1506 = arith.constant 224 : index
    %get3A_1507 = tpu.vector_load %arg5[%get3A_1505, %get3A_1506] {strides = array<i32>} : memref<16x256xf32, #tpu.memory_space<vmem>>, vector<1x16xf32>,
    %get3A_1508 = vector.shape_cast %get3A_1507 : vector<1x16xf32> to vector<16xf32>
    %get3A_1509 = arith.constant 5 : i32
    %get3A_1510 = arith.index_cast %get3A_1509 : i32 to index
    %get3A_1511 = arith.constant 224 : index
    %get3A_1512 = tpu.vector_load %arg6[%get3A_1510, %get3A_1511] {strides = array<i32>} : memref<16x256xf32, #tpu.memory_space<vmem>>, vector<1x16xf32>,
    %get3A_1513 = vector.shape_cast %get3A_1512 : vector<1x16xf32> to vector<16xf32>
    %mul3A_1514 = arith.mulf %get3A_1508, %get3A_1513 : vector<16xf32>
    %add3A_1515 = arith.addf %add3A_1503, %mul3A_1514 : vector<16xf32>
    %get3A_1516 = arith.constant 5 : i32
    %get3A_1517 = arith.index_cast %get3A_1516 : i32 to index
    %get3A_1518 = arith.constant 240 : index
    %get3A_1519 = tpu.vector_load %arg5[%get3A_1517, %get3A_1518] {strides = array<i32>} : memref<16x256xf32, #tpu.memory_space<vmem>>, vector<1x16xf32>,
    %get3A_1520 = vector.shape_cast %get3A_1519 : vector<1x16xf32> to vector<16xf32>
    %get3A_1521 = arith.constant 5 : i32
    %get3A_1522 = arith.index_cast %get3A_1521 : i32 to index
    %get3A_1523 = arith.constant 240 : index
    %get3A_1524 = tpu.vector_load %arg6[%get3A_1522, %get3A_1523] {strides = array<i32>} : memref<16x256xf32, #tpu.memory_space<vmem>>, vector<1x16xf32>,
    %get3A_1525 = vector.shape_cast %get3A_1524 : vector<1x16xf32> to vector<16xf32>
    %mul3A_1526 = arith.mulf %get3A_1520, %get3A_1525 : vector<16xf32>
    %add3A_1527 = arith.addf %add3A_1515, %mul3A_1526 : vector<16xf32>
    %xor3A_1528 = arith.constant 8 : i32
    %xor3A_1529 = vector.broadcast %xor3A_1528 : i32 to vector<16xi32>
    %xor3A_1530 = arith.xori %iota3A, %xor3A_1529 : vector<16xi32>
    %reshape3A_1531 = vector.shape_cast %xor3A_1530 : vector<16xi32> to vector<16x1xi32>
    %gather3A_1532 = vector.shape_cast %reshape3A_1531 : vector<16x1xi32> to vector<16xi32>
    %gather3A_1533 = tpu.dynamic_gather %add3A_1527[%gather3A_1532] in [0] : vector<16xf32>, vector<16xi32> -> vector<16xf32>
    %add3A_1534 = arith.addf %add3A_1527, %gather3A_1533 : vector<16xf32>
    %xor3A_1535 = arith.constant 4 : i32
    %xor3A_1536 = vector.broadcast %xor3A_1535 : i32 to vector<16xi32>
    %xor3A_1537 = arith.xori %iota3A, %xor3A_1536 : vector<16xi32>
    %reshape3A_1538 = vector.shape_cast %xor3A_1537 : vector<16xi32> to vector<16x1xi32>
    %gather3A_1539 = vector.shape_cast %reshape3A_1538 : vector<16x1xi32> to vector<16xi32>
    %gather3A_1540 = tpu.dynamic_gather %add3A_1534[%gather3A_1539] in [0] : vector<16xf32>, vector<16xi32> -> vector<16xf32>
    %add3A_1541 = arith.addf %add3A_1534, %gather3A_1540 : vector<16xf32>
    %xor3A_1542 = arith.constant 2 : i32
    %xor3A_1543 = vector.broadcast %xor3A_1542 : i32 to vector<16xi32>
    %xor3A_1544 = arith.xori %iota3A, %xor3A_1543 : vector<16xi32>
    %reshape3A_1545 = vector.shape_cast %xor3A_1544 : vector<16xi32> to vector<16x1xi32>
    %gather3A_1546 = vector.shape_cast %reshape3A_1545 : vector<16x1xi32> to vector<16xi32>
    %gather3A_1547 = tpu.dynamic_gather %add3A_1541[%gather3A_1546] in [0] : vector<16xf32>, vector<16xi32> -> vector<16xf32>
    %add3A_1548 = arith.addf %add3A_1541, %gather3A_1547 : vector<16xf32>
    %xor3A_1549 = arith.constant 1 : i32
    %xor3A_1550 = vector.broadcast %xor3A_1549 : i32 to vector<16xi32>
    %xor3A_1551 = arith.xori %iota3A, %xor3A_1550 : vector<16xi32>
    %reshape3A_1552 = vector.shape_cast %xor3A_1551 : vector<16xi32> to vector<16x1xi32>
    %gather3A_1553 = vector.shape_cast %reshape3A_1552 : vector<16x1xi32> to vector<16xi32>
    %gather3A_1554 = tpu.dynamic_gather %add3A_1548[%gather3A_1553] in [0] : vector<16xf32>, vector<16xi32> -> vector<16xf32>
    %add3A_1555 = arith.addf %add3A_1548, %gather3A_1554 : vector<16xf32>
    %broadcast_in_dim3A_1556 = arith.constant 5 : i32
    %broadcast_in_dim3A_1557 = vector.broadcast %broadcast_in_dim3A_1556 : i32 to vector<16xi32>
    %reshape3A_1558 = vector.shape_cast %broadcast_in_dim3A_1557 : vector<16xi32> to vector<16x1xi32>
    %gather3A_1559 = vector.shape_cast %reshape3A_1558 : vector<16x1xi32> to vector<16xi32>
    %gather3A_1560 = tpu.dynamic_gather %add3A_167[%gather3A_1559] in [0] : vector<16xi32>, vector<16xi32> -> vector<16xi32>
    %eq3A_1561 = arith.cmpi eq, %iota3A, %gather3A_1560 : vector<16xi32>
    %jit3A_1562 = arith.constant -1.000000e+30 : f32
    %broadcast_in_dim3A_1563 = vector.broadcast %jit3A_1562 : f32 to vector<16xf32>
    %select_n3A_1564 = arith.select %eq3A_1561, %add3A_1555, %broadcast_in_dim3A_1563 : vector<16xi1>, vector<16xf32>
    %max3A_1565 = arith.maximumf %max3A_1333, %select_n3A_1564 : vector<16xf32>
    %broadcast_in_dim3A_1566 = arith.constant 0.000000e+00 : f32
    %broadcast_in_dim3A_1567 = vector.broadcast %broadcast_in_dim3A_1566 : f32 to vector<16xf32>
    %get3A_1568 = arith.constant 6 : i32
    %get3A_1569 = arith.index_cast %get3A_1568 : i32 to index
    %get3A_1570 = arith.constant 0 : index
    %get3A_1571 = tpu.vector_load %arg5[%get3A_1569, %get3A_1570] {strides = array<i32>} : memref<16x256xf32, #tpu.memory_space<vmem>>, vector<1x16xf32>,
    %get3A_1572 = vector.shape_cast %get3A_1571 : vector<1x16xf32> to vector<16xf32>
    %get3A_1573 = arith.constant 6 : i32
    %get3A_1574 = arith.index_cast %get3A_1573 : i32 to index
    %get3A_1575 = arith.constant 0 : index
    %get3A_1576 = tpu.vector_load %arg6[%get3A_1574, %get3A_1575] {strides = array<i32>} : memref<16x256xf32, #tpu.memory_space<vmem>>, vector<1x16xf32>,
    %get3A_1577 = vector.shape_cast %get3A_1576 : vector<1x16xf32> to vector<16xf32>
    %mul3A_1578 = arith.mulf %get3A_1572, %get3A_1577 : vector<16xf32>
    %add3A_1579 = arith.addf %broadcast_in_dim3A_1567, %mul3A_1578 : vector<16xf32>
    %get3A_1580 = arith.constant 6 : i32
    %get3A_1581 = arith.index_cast %get3A_1580 : i32 to index
    %get3A_1582 = arith.constant 16 : index
    %get3A_1583 = tpu.vector_load %arg5[%get3A_1581, %get3A_1582] {strides = array<i32>} : memref<16x256xf32, #tpu.memory_space<vmem>>, vector<1x16xf32>,
    %get3A_1584 = vector.shape_cast %get3A_1583 : vector<1x16xf32> to vector<16xf32>
    %get3A_1585 = arith.constant 6 : i32
    %get3A_1586 = arith.index_cast %get3A_1585 : i32 to index
    %get3A_1587 = arith.constant 16 : index
    %get3A_1588 = tpu.vector_load %arg6[%get3A_1586, %get3A_1587] {strides = array<i32>} : memref<16x256xf32, #tpu.memory_space<vmem>>, vector<1x16xf32>,
    %get3A_1589 = vector.shape_cast %get3A_1588 : vector<1x16xf32> to vector<16xf32>
    %mul3A_1590 = arith.mulf %get3A_1584, %get3A_1589 : vector<16xf32>
    %add3A_1591 = arith.addf %add3A_1579, %mul3A_1590 : vector<16xf32>
    %get3A_1592 = arith.constant 6 : i32
    %get3A_1593 = arith.index_cast %get3A_1592 : i32 to index
    %get3A_1594 = arith.constant 32 : index
    %get3A_1595 = tpu.vector_load %arg5[%get3A_1593, %get3A_1594] {strides = array<i32>} : memref<16x256xf32, #tpu.memory_space<vmem>>, vector<1x16xf32>,
    %get3A_1596 = vector.shape_cast %get3A_1595 : vector<1x16xf32> to vector<16xf32>
    %get3A_1597 = arith.constant 6 : i32
    %get3A_1598 = arith.index_cast %get3A_1597 : i32 to index
    %get3A_1599 = arith.constant 32 : index
    %get3A_1600 = tpu.vector_load %arg6[%get3A_1598, %get3A_1599] {strides = array<i32>} : memref<16x256xf32, #tpu.memory_space<vmem>>, vector<1x16xf32>,
    %get3A_1601 = vector.shape_cast %get3A_1600 : vector<1x16xf32> to vector<16xf32>
    %mul3A_1602 = arith.mulf %get3A_1596, %get3A_1601 : vector<16xf32>
    %add3A_1603 = arith.addf %add3A_1591, %mul3A_1602 : vector<16xf32>
    %get3A_1604 = arith.constant 6 : i32
    %get3A_1605 = arith.index_cast %get3A_1604 : i32 to index
    %get3A_1606 = arith.constant 48 : index
    %get3A_1607 = tpu.vector_load %arg5[%get3A_1605, %get3A_1606] {strides = array<i32>} : memref<16x256xf32, #tpu.memory_space<vmem>>, vector<1x16xf32>,
    %get3A_1608 = vector.shape_cast %get3A_1607 : vector<1x16xf32> to vector<16xf32>
    %get3A_1609 = arith.constant 6 : i32
    %get3A_1610 = arith.index_cast %get3A_1609 : i32 to index
    %get3A_1611 = arith.constant 48 : index
    %get3A_1612 = tpu.vector_load %arg6[%get3A_1610, %get3A_1611] {strides = array<i32>} : memref<16x256xf32, #tpu.memory_space<vmem>>, vector<1x16xf32>,
    %get3A_1613 = vector.shape_cast %get3A_1612 : vector<1x16xf32> to vector<16xf32>
    %mul3A_1614 = arith.mulf %get3A_1608, %get3A_1613 : vector<16xf32>
    %add3A_1615 = arith.addf %add3A_1603, %mul3A_1614 : vector<16xf32>
    %get3A_1616 = arith.constant 6 : i32
    %get3A_1617 = arith.index_cast %get3A_1616 : i32 to index
    %get3A_1618 = arith.constant 64 : index
    %get3A_1619 = tpu.vector_load %arg5[%get3A_1617, %get3A_1618] {strides = array<i32>} : memref<16x256xf32, #tpu.memory_space<vmem>>, vector<1x16xf32>,
    %get3A_1620 = vector.shape_cast %get3A_1619 : vector<1x16xf32> to vector<16xf32>
    %get3A_1621 = arith.constant 6 : i32
    %get3A_1622 = arith.index_cast %get3A_1621 : i32 to index
    %get3A_1623 = arith.constant 64 : index
    %get3A_1624 = tpu.vector_load %arg6[%get3A_1622, %get3A_1623] {strides = array<i32>} : memref<16x256xf32, #tpu.memory_space<vmem>>, vector<1x16xf32>,
    %get3A_1625 = vector.shape_cast %get3A_1624 : vector<1x16xf32> to vector<16xf32>
    %mul3A_1626 = arith.mulf %get3A_1620, %get3A_1625 : vector<16xf32>
    %add3A_1627 = arith.addf %add3A_1615, %mul3A_1626 : vector<16xf32>
    %get3A_1628 = arith.constant 6 : i32
    %get3A_1629 = arith.index_cast %get3A_1628 : i32 to index
    %get3A_1630 = arith.constant 80 : index
    %get3A_1631 = tpu.vector_load %arg5[%get3A_1629, %get3A_1630] {strides = array<i32>} : memref<16x256xf32, #tpu.memory_space<vmem>>, vector<1x16xf32>,
    %get3A_1632 = vector.shape_cast %get3A_1631 : vector<1x16xf32> to vector<16xf32>
    %get3A_1633 = arith.constant 6 : i32
    %get3A_1634 = arith.index_cast %get3A_1633 : i32 to index
    %get3A_1635 = arith.constant 80 : index
    %get3A_1636 = tpu.vector_load %arg6[%get3A_1634, %get3A_1635] {strides = array<i32>} : memref<16x256xf32, #tpu.memory_space<vmem>>, vector<1x16xf32>,
    %get3A_1637 = vector.shape_cast %get3A_1636 : vector<1x16xf32> to vector<16xf32>
    %mul3A_1638 = arith.mulf %get3A_1632, %get3A_1637 : vector<16xf32>
    %add3A_1639 = arith.addf %add3A_1627, %mul3A_1638 : vector<16xf32>
    %get3A_1640 = arith.constant 6 : i32
    %get3A_1641 = arith.index_cast %get3A_1640 : i32 to index
    %get3A_1642 = arith.constant 96 : index
    %get3A_1643 = tpu.vector_load %arg5[%get3A_1641, %get3A_1642] {strides = array<i32>} : memref<16x256xf32, #tpu.memory_space<vmem>>, vector<1x16xf32>,
    %get3A_1644 = vector.shape_cast %get3A_1643 : vector<1x16xf32> to vector<16xf32>
    %get3A_1645 = arith.constant 6 : i32
    %get3A_1646 = arith.index_cast %get3A_1645 : i32 to index
    %get3A_1647 = arith.constant 96 : index
    %get3A_1648 = tpu.vector_load %arg6[%get3A_1646, %get3A_1647] {strides = array<i32>} : memref<16x256xf32, #tpu.memory_space<vmem>>, vector<1x16xf32>,
    %get3A_1649 = vector.shape_cast %get3A_1648 : vector<1x16xf32> to vector<16xf32>
    %mul3A_1650 = arith.mulf %get3A_1644, %get3A_1649 : vector<16xf32>
    %add3A_1651 = arith.addf %add3A_1639, %mul3A_1650 : vector<16xf32>
    %get3A_1652 = arith.constant 6 : i32
    %get3A_1653 = arith.index_cast %get3A_1652 : i32 to index
    %get3A_1654 = arith.constant 112 : index
    %get3A_1655 = tpu.vector_load %arg5[%get3A_1653, %get3A_1654] {strides = array<i32>} : memref<16x256xf32, #tpu.memory_space<vmem>>, vector<1x16xf32>,
    %get3A_1656 = vector.shape_cast %get3A_1655 : vector<1x16xf32> to vector<16xf32>
    %get3A_1657 = arith.constant 6 : i32
    %get3A_1658 = arith.index_cast %get3A_1657 : i32 to index
    %get3A_1659 = arith.constant 112 : index
    %get3A_1660 = tpu.vector_load %arg6[%get3A_1658, %get3A_1659] {strides = array<i32>} : memref<16x256xf32, #tpu.memory_space<vmem>>, vector<1x16xf32>,
    %get3A_1661 = vector.shape_cast %get3A_1660 : vector<1x16xf32> to vector<16xf32>
    %mul3A_1662 = arith.mulf %get3A_1656, %get3A_1661 : vector<16xf32>
    %add3A_1663 = arith.addf %add3A_1651, %mul3A_1662 : vector<16xf32>
    %get3A_1664 = arith.constant 6 : i32
    %get3A_1665 = arith.index_cast %get3A_1664 : i32 to index
    %get3A_1666 = arith.constant 128 : index
    %get3A_1667 = tpu.vector_load %arg5[%get3A_1665, %get3A_1666] {strides = array<i32>} : memref<16x256xf32, #tpu.memory_space<vmem>>, vector<1x16xf32>,
    %get3A_1668 = vector.shape_cast %get3A_1667 : vector<1x16xf32> to vector<16xf32>
    %get3A_1669 = arith.constant 6 : i32
    %get3A_1670 = arith.index_cast %get3A_1669 : i32 to index
    %get3A_1671 = arith.constant 128 : index
    %get3A_1672 = tpu.vector_load %arg6[%get3A_1670, %get3A_1671] {strides = array<i32>} : memref<16x256xf32, #tpu.memory_space<vmem>>, vector<1x16xf32>,
    %get3A_1673 = vector.shape_cast %get3A_1672 : vector<1x16xf32> to vector<16xf32>
    %mul3A_1674 = arith.mulf %get3A_1668, %get3A_1673 : vector<16xf32>
    %add3A_1675 = arith.addf %add3A_1663, %mul3A_1674 : vector<16xf32>
    %get3A_1676 = arith.constant 6 : i32
    %get3A_1677 = arith.index_cast %get3A_1676 : i32 to index
    %get3A_1678 = arith.constant 144 : index
    %get3A_1679 = tpu.vector_load %arg5[%get3A_1677, %get3A_1678] {strides = array<i32>} : memref<16x256xf32, #tpu.memory_space<vmem>>, vector<1x16xf32>,
    %get3A_1680 = vector.shape_cast %get3A_1679 : vector<1x16xf32> to vector<16xf32>
    %get3A_1681 = arith.constant 6 : i32
    %get3A_1682 = arith.index_cast %get3A_1681 : i32 to index
    %get3A_1683 = arith.constant 144 : index
    %get3A_1684 = tpu.vector_load %arg6[%get3A_1682, %get3A_1683] {strides = array<i32>} : memref<16x256xf32, #tpu.memory_space<vmem>>, vector<1x16xf32>,
    %get3A_1685 = vector.shape_cast %get3A_1684 : vector<1x16xf32> to vector<16xf32>
    %mul3A_1686 = arith.mulf %get3A_1680, %get3A_1685 : vector<16xf32>
    %add3A_1687 = arith.addf %add3A_1675, %mul3A_1686 : vector<16xf32>
    %get3A_1688 = arith.constant 6 : i32
    %get3A_1689 = arith.index_cast %get3A_1688 : i32 to index
    %get3A_1690 = arith.constant 160 : index
    %get3A_1691 = tpu.vector_load %arg5[%get3A_1689, %get3A_1690] {strides = array<i32>} : memref<16x256xf32, #tpu.memory_space<vmem>>, vector<1x16xf32>,
    %get3A_1692 = vector.shape_cast %get3A_1691 : vector<1x16xf32> to vector<16xf32>
    %get3A_1693 = arith.constant 6 : i32
    %get3A_1694 = arith.index_cast %get3A_1693 : i32 to index
    %get3A_1695 = arith.constant 160 : index
    %get3A_1696 = tpu.vector_load %arg6[%get3A_1694, %get3A_1695] {strides = array<i32>} : memref<16x256xf32, #tpu.memory_space<vmem>>, vector<1x16xf32>,
    %get3A_1697 = vector.shape_cast %get3A_1696 : vector<1x16xf32> to vector<16xf32>
    %mul3A_1698 = arith.mulf %get3A_1692, %get3A_1697 : vector<16xf32>
    %add3A_1699 = arith.addf %add3A_1687, %mul3A_1698 : vector<16xf32>
    %get3A_1700 = arith.constant 6 : i32
    %get3A_1701 = arith.index_cast %get3A_1700 : i32 to index
    %get3A_1702 = arith.constant 176 : index
    %get3A_1703 = tpu.vector_load %arg5[%get3A_1701, %get3A_1702] {strides = array<i32>} : memref<16x256xf32, #tpu.memory_space<vmem>>, vector<1x16xf32>,
    %get3A_1704 = vector.shape_cast %get3A_1703 : vector<1x16xf32> to vector<16xf32>
    %get3A_1705 = arith.constant 6 : i32
    %get3A_1706 = arith.index_cast %get3A_1705 : i32 to index
    %get3A_1707 = arith.constant 176 : index
    %get3A_1708 = tpu.vector_load %arg6[%get3A_1706, %get3A_1707] {strides = array<i32>} : memref<16x256xf32, #tpu.memory_space<vmem>>, vector<1x16xf32>,
    %get3A_1709 = vector.shape_cast %get3A_1708 : vector<1x16xf32> to vector<16xf32>
    %mul3A_1710 = arith.mulf %get3A_1704, %get3A_1709 : vector<16xf32>
    %add3A_1711 = arith.addf %add3A_1699, %mul3A_1710 : vector<16xf32>
    %get3A_1712 = arith.constant 6 : i32
    %get3A_1713 = arith.index_cast %get3A_1712 : i32 to index
    %get3A_1714 = arith.constant 192 : index
    %get3A_1715 = tpu.vector_load %arg5[%get3A_1713, %get3A_1714] {strides = array<i32>} : memref<16x256xf32, #tpu.memory_space<vmem>>, vector<1x16xf32>,
    %get3A_1716 = vector.shape_cast %get3A_1715 : vector<1x16xf32> to vector<16xf32>
    %get3A_1717 = arith.constant 6 : i32
    %get3A_1718 = arith.index_cast %get3A_1717 : i32 to index
    %get3A_1719 = arith.constant 192 : index
    %get3A_1720 = tpu.vector_load %arg6[%get3A_1718, %get3A_1719] {strides = array<i32>} : memref<16x256xf32, #tpu.memory_space<vmem>>, vector<1x16xf32>,
    %get3A_1721 = vector.shape_cast %get3A_1720 : vector<1x16xf32> to vector<16xf32>
    %mul3A_1722 = arith.mulf %get3A_1716, %get3A_1721 : vector<16xf32>
    %add3A_1723 = arith.addf %add3A_1711, %mul3A_1722 : vector<16xf32>
    %get3A_1724 = arith.constant 6 : i32
    %get3A_1725 = arith.index_cast %get3A_1724 : i32 to index
    %get3A_1726 = arith.constant 208 : index
    %get3A_1727 = tpu.vector_load %arg5[%get3A_1725, %get3A_1726] {strides = array<i32>} : memref<16x256xf32, #tpu.memory_space<vmem>>, vector<1x16xf32>,
    %get3A_1728 = vector.shape_cast %get3A_1727 : vector<1x16xf32> to vector<16xf32>
    %get3A_1729 = arith.constant 6 : i32
    %get3A_1730 = arith.index_cast %get3A_1729 : i32 to index
    %get3A_1731 = arith.constant 208 : index
    %get3A_1732 = tpu.vector_load %arg6[%get3A_1730, %get3A_1731] {strides = array<i32>} : memref<16x256xf32, #tpu.memory_space<vmem>>, vector<1x16xf32>,
    %get3A_1733 = vector.shape_cast %get3A_1732 : vector<1x16xf32> to vector<16xf32>
    %mul3A_1734 = arith.mulf %get3A_1728, %get3A_1733 : vector<16xf32>
    %add3A_1735 = arith.addf %add3A_1723, %mul3A_1734 : vector<16xf32>
    %get3A_1736 = arith.constant 6 : i32
    %get3A_1737 = arith.index_cast %get3A_1736 : i32 to index
    %get3A_1738 = arith.constant 224 : index
    %get3A_1739 = tpu.vector_load %arg5[%get3A_1737, %get3A_1738] {strides = array<i32>} : memref<16x256xf32, #tpu.memory_space<vmem>>, vector<1x16xf32>,
    %get3A_1740 = vector.shape_cast %get3A_1739 : vector<1x16xf32> to vector<16xf32>
    %get3A_1741 = arith.constant 6 : i32
    %get3A_1742 = arith.index_cast %get3A_1741 : i32 to index
    %get3A_1743 = arith.constant 224 : index
    %get3A_1744 = tpu.vector_load %arg6[%get3A_1742, %get3A_1743] {strides = array<i32>} : memref<16x256xf32, #tpu.memory_space<vmem>>, vector<1x16xf32>,
    %get3A_1745 = vector.shape_cast %get3A_1744 : vector<1x16xf32> to vector<16xf32>
    %mul3A_1746 = arith.mulf %get3A_1740, %get3A_1745 : vector<16xf32>
    %add3A_1747 = arith.addf %add3A_1735, %mul3A_1746 : vector<16xf32>
    %get3A_1748 = arith.constant 6 : i32
    %get3A_1749 = arith.index_cast %get3A_1748 : i32 to index
    %get3A_1750 = arith.constant 240 : index
    %get3A_1751 = tpu.vector_load %arg5[%get3A_1749, %get3A_1750] {strides = array<i32>} : memref<16x256xf32, #tpu.memory_space<vmem>>, vector<1x16xf32>,
    %get3A_1752 = vector.shape_cast %get3A_1751 : vector<1x16xf32> to vector<16xf32>
    %get3A_1753 = arith.constant 6 : i32
    %get3A_1754 = arith.index_cast %get3A_1753 : i32 to index
    %get3A_1755 = arith.constant 240 : index
    %get3A_1756 = tpu.vector_load %arg6[%get3A_1754, %get3A_1755] {strides = array<i32>} : memref<16x256xf32, #tpu.memory_space<vmem>>, vector<1x16xf32>,
    %get3A_1757 = vector.shape_cast %get3A_1756 : vector<1x16xf32> to vector<16xf32>
    %mul3A_1758 = arith.mulf %get3A_1752, %get3A_1757 : vector<16xf32>
    %add3A_1759 = arith.addf %add3A_1747, %mul3A_1758 : vector<16xf32>
    %xor3A_1760 = arith.constant 8 : i32
    %xor3A_1761 = vector.broadcast %xor3A_1760 : i32 to vector<16xi32>
    %xor3A_1762 = arith.xori %iota3A, %xor3A_1761 : vector<16xi32>
    %reshape3A_1763 = vector.shape_cast %xor3A_1762 : vector<16xi32> to vector<16x1xi32>
    %gather3A_1764 = vector.shape_cast %reshape3A_1763 : vector<16x1xi32> to vector<16xi32>
    %gather3A_1765 = tpu.dynamic_gather %add3A_1759[%gather3A_1764] in [0] : vector<16xf32>, vector<16xi32> -> vector<16xf32>
    %add3A_1766 = arith.addf %add3A_1759, %gather3A_1765 : vector<16xf32>
    %xor3A_1767 = arith.constant 4 : i32
    %xor3A_1768 = vector.broadcast %xor3A_1767 : i32 to vector<16xi32>
    %xor3A_1769 = arith.xori %iota3A, %xor3A_1768 : vector<16xi32>
    %reshape3A_1770 = vector.shape_cast %xor3A_1769 : vector<16xi32> to vector<16x1xi32>
    %gather3A_1771 = vector.shape_cast %reshape3A_1770 : vector<16x1xi32> to vector<16xi32>
    %gather3A_1772 = tpu.dynamic_gather %add3A_1766[%gather3A_1771] in [0] : vector<16xf32>, vector<16xi32> -> vector<16xf32>
    %add3A_1773 = arith.addf %add3A_1766, %gather3A_1772 : vector<16xf32>
    %xor3A_1774 = arith.constant 2 : i32
    %xor3A_1775 = vector.broadcast %xor3A_1774 : i32 to vector<16xi32>
    %xor3A_1776 = arith.xori %iota3A, %xor3A_1775 : vector<16xi32>
    %reshape3A_1777 = vector.shape_cast %xor3A_1776 : vector<16xi32> to vector<16x1xi32>
    %gather3A_1778 = vector.shape_cast %reshape3A_1777 : vector<16x1xi32> to vector<16xi32>
    %gather3A_1779 = tpu.dynamic_gather %add3A_1773[%gather3A_1778] in [0] : vector<16xf32>, vector<16xi32> -> vector<16xf32>
    %add3A_1780 = arith.addf %add3A_1773, %gather3A_1779 : vector<16xf32>
    %xor3A_1781 = arith.constant 1 : i32
    %xor3A_1782 = vector.broadcast %xor3A_1781 : i32 to vector<16xi32>
    %xor3A_1783 = arith.xori %iota3A, %xor3A_1782 : vector<16xi32>
    %reshape3A_1784 = vector.shape_cast %xor3A_1783 : vector<16xi32> to vector<16x1xi32>
    %gather3A_1785 = vector.shape_cast %reshape3A_1784 : vector<16x1xi32> to vector<16xi32>
    %gather3A_1786 = tpu.dynamic_gather %add3A_1780[%gather3A_1785] in [0] : vector<16xf32>, vector<16xi32> -> vector<16xf32>
    %add3A_1787 = arith.addf %add3A_1780, %gather3A_1786 : vector<16xf32>
    %broadcast_in_dim3A_1788 = arith.constant 6 : i32
    %broadcast_in_dim3A_1789 = vector.broadcast %broadcast_in_dim3A_1788 : i32 to vector<16xi32>
    %reshape3A_1790 = vector.shape_cast %broadcast_in_dim3A_1789 : vector<16xi32> to vector<16x1xi32>
    %gather3A_1791 = vector.shape_cast %reshape3A_1790 : vector<16x1xi32> to vector<16xi32>
    %gather3A_1792 = tpu.dynamic_gather %add3A_167[%gather3A_1791] in [0] : vector<16xi32>, vector<16xi32> -> vector<16xi32>
    %eq3A_1793 = arith.cmpi eq, %iota3A, %gather3A_1792 : vector<16xi32>
    %jit3A_1794 = arith.constant -1.000000e+30 : f32
    %broadcast_in_dim3A_1795 = vector.broadcast %jit3A_1794 : f32 to vector<16xf32>
    %select_n3A_1796 = arith.select %eq3A_1793, %add3A_1787, %broadcast_in_dim3A_1795 : vector<16xi1>, vector<16xf32>
    %max3A_1797 = arith.maximumf %max3A_1565, %select_n3A_1796 : vector<16xf32>
    %broadcast_in_dim3A_1798 = arith.constant 0.000000e+00 : f32
    %broadcast_in_dim3A_1799 = vector.broadcast %broadcast_in_dim3A_1798 : f32 to vector<16xf32>
    %get3A_1800 = arith.constant 7 : i32
    %get3A_1801 = arith.index_cast %get3A_1800 : i32 to index
    %get3A_1802 = arith.constant 0 : index
    %get3A_1803 = tpu.vector_load %arg5[%get3A_1801, %get3A_1802] {strides = array<i32>} : memref<16x256xf32, #tpu.memory_space<vmem>>, vector<1x16xf32>,
    %get3A_1804 = vector.shape_cast %get3A_1803 : vector<1x16xf32> to vector<16xf32>
    %get3A_1805 = arith.constant 7 : i32
    %get3A_1806 = arith.index_cast %get3A_1805 : i32 to index
    %get3A_1807 = arith.constant 0 : index
    %get3A_1808 = tpu.vector_load %arg6[%get3A_1806, %get3A_1807] {strides = array<i32>} : memref<16x256xf32, #tpu.memory_space<vmem>>, vector<1x16xf32>,
    %get3A_1809 = vector.shape_cast %get3A_1808 : vector<1x16xf32> to vector<16xf32>
    %mul3A_1810 = arith.mulf %get3A_1804, %get3A_1809 : vector<16xf32>
    %add3A_1811 = arith.addf %broadcast_in_dim3A_1799, %mul3A_1810 : vector<16xf32>
    %get3A_1812 = arith.constant 7 : i32
    %get3A_1813 = arith.index_cast %get3A_1812 : i32 to index
    %get3A_1814 = arith.constant 16 : index
    %get3A_1815 = tpu.vector_load %arg5[%get3A_1813, %get3A_1814] {strides = array<i32>} : memref<16x256xf32, #tpu.memory_space<vmem>>, vector<1x16xf32>,
    %get3A_1816 = vector.shape_cast %get3A_1815 : vector<1x16xf32> to vector<16xf32>
    %get3A_1817 = arith.constant 7 : i32
    %get3A_1818 = arith.index_cast %get3A_1817 : i32 to index
    %get3A_1819 = arith.constant 16 : index
    %get3A_1820 = tpu.vector_load %arg6[%get3A_1818, %get3A_1819] {strides = array<i32>} : memref<16x256xf32, #tpu.memory_space<vmem>>, vector<1x16xf32>,
    %get3A_1821 = vector.shape_cast %get3A_1820 : vector<1x16xf32> to vector<16xf32>
    %mul3A_1822 = arith.mulf %get3A_1816, %get3A_1821 : vector<16xf32>
    %add3A_1823 = arith.addf %add3A_1811, %mul3A_1822 : vector<16xf32>
    %get3A_1824 = arith.constant 7 : i32
    %get3A_1825 = arith.index_cast %get3A_1824 : i32 to index
    %get3A_1826 = arith.constant 32 : index
    %get3A_1827 = tpu.vector_load %arg5[%get3A_1825, %get3A_1826] {strides = array<i32>} : memref<16x256xf32, #tpu.memory_space<vmem>>, vector<1x16xf32>,
    %get3A_1828 = vector.shape_cast %get3A_1827 : vector<1x16xf32> to vector<16xf32>
    %get3A_1829 = arith.constant 7 : i32
    %get3A_1830 = arith.index_cast %get3A_1829 : i32 to index
    %get3A_1831 = arith.constant 32 : index
    %get3A_1832 = tpu.vector_load %arg6[%get3A_1830, %get3A_1831] {strides = array<i32>} : memref<16x256xf32, #tpu.memory_space<vmem>>, vector<1x16xf32>,
    %get3A_1833 = vector.shape_cast %get3A_1832 : vector<1x16xf32> to vector<16xf32>
    %mul3A_1834 = arith.mulf %get3A_1828, %get3A_1833 : vector<16xf32>
    %add3A_1835 = arith.addf %add3A_1823, %mul3A_1834 : vector<16xf32>
    %get3A_1836 = arith.constant 7 : i32
    %get3A_1837 = arith.index_cast %get3A_1836 : i32 to index
    %get3A_1838 = arith.constant 48 : index
    %get3A_1839 = tpu.vector_load %arg5[%get3A_1837, %get3A_1838] {strides = array<i32>} : memref<16x256xf32, #tpu.memory_space<vmem>>, vector<1x16xf32>,
    %get3A_1840 = vector.shape_cast %get3A_1839 : vector<1x16xf32> to vector<16xf32>
    %get3A_1841 = arith.constant 7 : i32
    %get3A_1842 = arith.index_cast %get3A_1841 : i32 to index
    %get3A_1843 = arith.constant 48 : index
    %get3A_1844 = tpu.vector_load %arg6[%get3A_1842, %get3A_1843] {strides = array<i32>} : memref<16x256xf32, #tpu.memory_space<vmem>>, vector<1x16xf32>,
    %get3A_1845 = vector.shape_cast %get3A_1844 : vector<1x16xf32> to vector<16xf32>
    %mul3A_1846 = arith.mulf %get3A_1840, %get3A_1845 : vector<16xf32>
    %add3A_1847 = arith.addf %add3A_1835, %mul3A_1846 : vector<16xf32>
    %get3A_1848 = arith.constant 7 : i32
    %get3A_1849 = arith.index_cast %get3A_1848 : i32 to index
    %get3A_1850 = arith.constant 64 : index
    %get3A_1851 = tpu.vector_load %arg5[%get3A_1849, %get3A_1850] {strides = array<i32>} : memref<16x256xf32, #tpu.memory_space<vmem>>, vector<1x16xf32>,
    %get3A_1852 = vector.shape_cast %get3A_1851 : vector<1x16xf32> to vector<16xf32>
    %get3A_1853 = arith.constant 7 : i32
    %get3A_1854 = arith.index_cast %get3A_1853 : i32 to index
    %get3A_1855 = arith.constant 64 : index
    %get3A_1856 = tpu.vector_load %arg6[%get3A_1854, %get3A_1855] {strides = array<i32>} : memref<16x256xf32, #tpu.memory_space<vmem>>, vector<1x16xf32>,
    %get3A_1857 = vector.shape_cast %get3A_1856 : vector<1x16xf32> to vector<16xf32>
    %mul3A_1858 = arith.mulf %get3A_1852, %get3A_1857 : vector<16xf32>
    %add3A_1859 = arith.addf %add3A_1847, %mul3A_1858 : vector<16xf32>
    %get3A_1860 = arith.constant 7 : i32
    %get3A_1861 = arith.index_cast %get3A_1860 : i32 to index
    %get3A_1862 = arith.constant 80 : index
    %get3A_1863 = tpu.vector_load %arg5[%get3A_1861, %get3A_1862] {strides = array<i32>} : memref<16x256xf32, #tpu.memory_space<vmem>>, vector<1x16xf32>,
    %get3A_1864 = vector.shape_cast %get3A_1863 : vector<1x16xf32> to vector<16xf32>
    %get3A_1865 = arith.constant 7 : i32
    %get3A_1866 = arith.index_cast %get3A_1865 : i32 to index
    %get3A_1867 = arith.constant 80 : index
    %get3A_1868 = tpu.vector_load %arg6[%get3A_1866, %get3A_1867] {strides = array<i32>} : memref<16x256xf32, #tpu.memory_space<vmem>>, vector<1x16xf32>,
    %get3A_1869 = vector.shape_cast %get3A_1868 : vector<1x16xf32> to vector<16xf32>
    %mul3A_1870 = arith.mulf %get3A_1864, %get3A_1869 : vector<16xf32>
    %add3A_1871 = arith.addf %add3A_1859, %mul3A_1870 : vector<16xf32>
    %get3A_1872 = arith.constant 7 : i32
    %get3A_1873 = arith.index_cast %get3A_1872 : i32 to index
    %get3A_1874 = arith.constant 96 : index
    %get3A_1875 = tpu.vector_load %arg5[%get3A_1873, %get3A_1874] {strides = array<i32>} : memref<16x256xf32, #tpu.memory_space<vmem>>, vector<1x16xf32>,
    %get3A_1876 = vector.shape_cast %get3A_1875 : vector<1x16xf32> to vector<16xf32>
    %get3A_1877 = arith.constant 7 : i32
    %get3A_1878 = arith.index_cast %get3A_1877 : i32 to index
    %get3A_1879 = arith.constant 96 : index
    %get3A_1880 = tpu.vector_load %arg6[%get3A_1878, %get3A_1879] {strides = array<i32>} : memref<16x256xf32, #tpu.memory_space<vmem>>, vector<1x16xf32>,
    %get3A_1881 = vector.shape_cast %get3A_1880 : vector<1x16xf32> to vector<16xf32>
    %mul3A_1882 = arith.mulf %get3A_1876, %get3A_1881 : vector<16xf32>
    %add3A_1883 = arith.addf %add3A_1871, %mul3A_1882 : vector<16xf32>
    %get3A_1884 = arith.constant 7 : i32
    %get3A_1885 = arith.index_cast %get3A_1884 : i32 to index
    %get3A_1886 = arith.constant 112 : index
    %get3A_1887 = tpu.vector_load %arg5[%get3A_1885, %get3A_1886] {strides = array<i32>} : memref<16x256xf32, #tpu.memory_space<vmem>>, vector<1x16xf32>,
    %get3A_1888 = vector.shape_cast %get3A_1887 : vector<1x16xf32> to vector<16xf32>
    %get3A_1889 = arith.constant 7 : i32
    %get3A_1890 = arith.index_cast %get3A_1889 : i32 to index
    %get3A_1891 = arith.constant 112 : index
    %get3A_1892 = tpu.vector_load %arg6[%get3A_1890, %get3A_1891] {strides = array<i32>} : memref<16x256xf32, #tpu.memory_space<vmem>>, vector<1x16xf32>,
    %get3A_1893 = vector.shape_cast %get3A_1892 : vector<1x16xf32> to vector<16xf32>
    %mul3A_1894 = arith.mulf %get3A_1888, %get3A_1893 : vector<16xf32>
    %add3A_1895 = arith.addf %add3A_1883, %mul3A_1894 : vector<16xf32>
    %get3A_1896 = arith.constant 7 : i32
    %get3A_1897 = arith.index_cast %get3A_1896 : i32 to index
    %get3A_1898 = arith.constant 128 : index
    %get3A_1899 = tpu.vector_load %arg5[%get3A_1897, %get3A_1898] {strides = array<i32>} : memref<16x256xf32, #tpu.memory_space<vmem>>, vector<1x16xf32>,
    %get3A_1900 = vector.shape_cast %get3A_1899 : vector<1x16xf32> to vector<16xf32>
    %get3A_1901 = arith.constant 7 : i32
    %get3A_1902 = arith.index_cast %get3A_1901 : i32 to index
    %get3A_1903 = arith.constant 128 : index
    %get3A_1904 = tpu.vector_load %arg6[%get3A_1902, %get3A_1903] {strides = array<i32>} : memref<16x256xf32, #tpu.memory_space<vmem>>, vector<1x16xf32>,
    %get3A_1905 = vector.shape_cast %get3A_1904 : vector<1x16xf32> to vector<16xf32>
    %mul3A_1906 = arith.mulf %get3A_1900, %get3A_1905 : vector<16xf32>
    %add3A_1907 = arith.addf %add3A_1895, %mul3A_1906 : vector<16xf32>
    %get3A_1908 = arith.constant 7 : i32
    %get3A_1909 = arith.index_cast %get3A_1908 : i32 to index
    %get3A_1910 = arith.constant 144 : index
    %get3A_1911 = tpu.vector_load %arg5[%get3A_1909, %get3A_1910] {strides = array<i32>} : memref<16x256xf32, #tpu.memory_space<vmem>>, vector<1x16xf32>,
    %get3A_1912 = vector.shape_cast %get3A_1911 : vector<1x16xf32> to vector<16xf32>
    %get3A_1913 = arith.constant 7 : i32
    %get3A_1914 = arith.index_cast %get3A_1913 : i32 to index
    %get3A_1915 = arith.constant 144 : index
    %get3A_1916 = tpu.vector_load %arg6[%get3A_1914, %get3A_1915] {strides = array<i32>} : memref<16x256xf32, #tpu.memory_space<vmem>>, vector<1x16xf32>,
    %get3A_1917 = vector.shape_cast %get3A_1916 : vector<1x16xf32> to vector<16xf32>
    %mul3A_1918 = arith.mulf %get3A_1912, %get3A_1917 : vector<16xf32>
    %add3A_1919 = arith.addf %add3A_1907, %mul3A_1918 : vector<16xf32>
    %get3A_1920 = arith.constant 7 : i32
    %get3A_1921 = arith.index_cast %get3A_1920 : i32 to index
    %get3A_1922 = arith.constant 160 : index
    %get3A_1923 = tpu.vector_load %arg5[%get3A_1921, %get3A_1922] {strides = array<i32>} : memref<16x256xf32, #tpu.memory_space<vmem>>, vector<1x16xf32>,
    %get3A_1924 = vector.shape_cast %get3A_1923 : vector<1x16xf32> to vector<16xf32>
    %get3A_1925 = arith.constant 7 : i32
    %get3A_1926 = arith.index_cast %get3A_1925 : i32 to index
    %get3A_1927 = arith.constant 160 : index
    %get3A_1928 = tpu.vector_load %arg6[%get3A_1926, %get3A_1927] {strides = array<i32>} : memref<16x256xf32, #tpu.memory_space<vmem>>, vector<1x16xf32>,
    %get3A_1929 = vector.shape_cast %get3A_1928 : vector<1x16xf32> to vector<16xf32>
    %mul3A_1930 = arith.mulf %get3A_1924, %get3A_1929 : vector<16xf32>
    %add3A_1931 = arith.addf %add3A_1919, %mul3A_1930 : vector<16xf32>
    %get3A_1932 = arith.constant 7 : i32
    %get3A_1933 = arith.index_cast %get3A_1932 : i32 to index
    %get3A_1934 = arith.constant 176 : index
    %get3A_1935 = tpu.vector_load %arg5[%get3A_1933, %get3A_1934] {strides = array<i32>} : memref<16x256xf32, #tpu.memory_space<vmem>>, vector<1x16xf32>,
    %get3A_1936 = vector.shape_cast %get3A_1935 : vector<1x16xf32> to vector<16xf32>
    %get3A_1937 = arith.constant 7 : i32
    %get3A_1938 = arith.index_cast %get3A_1937 : i32 to index
    %get3A_1939 = arith.constant 176 : index
    %get3A_1940 = tpu.vector_load %arg6[%get3A_1938, %get3A_1939] {strides = array<i32>} : memref<16x256xf32, #tpu.memory_space<vmem>>, vector<1x16xf32>,
    %get3A_1941 = vector.shape_cast %get3A_1940 : vector<1x16xf32> to vector<16xf32>
    %mul3A_1942 = arith.mulf %get3A_1936, %get3A_1941 : vector<16xf32>
    %add3A_1943 = arith.addf %add3A_1931, %mul3A_1942 : vector<16xf32>
    %get3A_1944 = arith.constant 7 : i32
    %get3A_1945 = arith.index_cast %get3A_1944 : i32 to index
    %get3A_1946 = arith.constant 192 : index
    %get3A_1947 = tpu.vector_load %arg5[%get3A_1945, %get3A_1946] {strides = array<i32>} : memref<16x256xf32, #tpu.memory_space<vmem>>, vector<1x16xf32>,
    %get3A_1948 = vector.shape_cast %get3A_1947 : vector<1x16xf32> to vector<16xf32>
    %get3A_1949 = arith.constant 7 : i32
    %get3A_1950 = arith.index_cast %get3A_1949 : i32 to index
    %get3A_1951 = arith.constant 192 : index
    %get3A_1952 = tpu.vector_load %arg6[%get3A_1950, %get3A_1951] {strides = array<i32>} : memref<16x256xf32, #tpu.memory_space<vmem>>, vector<1x16xf32>,
    %get3A_1953 = vector.shape_cast %get3A_1952 : vector<1x16xf32> to vector<16xf32>
    %mul3A_1954 = arith.mulf %get3A_1948, %get3A_1953 : vector<16xf32>
    %add3A_1955 = arith.addf %add3A_1943, %mul3A_1954 : vector<16xf32>
    %get3A_1956 = arith.constant 7 : i32
    %get3A_1957 = arith.index_cast %get3A_1956 : i32 to index
    %get3A_1958 = arith.constant 208 : index
    %get3A_1959 = tpu.vector_load %arg5[%get3A_1957, %get3A_1958] {strides = array<i32>} : memref<16x256xf32, #tpu.memory_space<vmem>>, vector<1x16xf32>,
    %get3A_1960 = vector.shape_cast %get3A_1959 : vector<1x16xf32> to vector<16xf32>
    %get3A_1961 = arith.constant 7 : i32
    %get3A_1962 = arith.index_cast %get3A_1961 : i32 to index
    %get3A_1963 = arith.constant 208 : index
    %get3A_1964 = tpu.vector_load %arg6[%get3A_1962, %get3A_1963] {strides = array<i32>} : memref<16x256xf32, #tpu.memory_space<vmem>>, vector<1x16xf32>,
    %get3A_1965 = vector.shape_cast %get3A_1964 : vector<1x16xf32> to vector<16xf32>
    %mul3A_1966 = arith.mulf %get3A_1960, %get3A_1965 : vector<16xf32>
    %add3A_1967 = arith.addf %add3A_1955, %mul3A_1966 : vector<16xf32>
    %get3A_1968 = arith.constant 7 : i32
    %get3A_1969 = arith.index_cast %get3A_1968 : i32 to index
    %get3A_1970 = arith.constant 224 : index
    %get3A_1971 = tpu.vector_load %arg5[%get3A_1969, %get3A_1970] {strides = array<i32>} : memref<16x256xf32, #tpu.memory_space<vmem>>, vector<1x16xf32>,
    %get3A_1972 = vector.shape_cast %get3A_1971 : vector<1x16xf32> to vector<16xf32>
    %get3A_1973 = arith.constant 7 : i32
    %get3A_1974 = arith.index_cast %get3A_1973 : i32 to index
    %get3A_1975 = arith.constant 224 : index
    %get3A_1976 = tpu.vector_load %arg6[%get3A_1974, %get3A_1975] {strides = array<i32>} : memref<16x256xf32, #tpu.memory_space<vmem>>, vector<1x16xf32>,
    %get3A_1977 = vector.shape_cast %get3A_1976 : vector<1x16xf32> to vector<16xf32>
    %mul3A_1978 = arith.mulf %get3A_1972, %get3A_1977 : vector<16xf32>
    %add3A_1979 = arith.addf %add3A_1967, %mul3A_1978 : vector<16xf32>
    %get3A_1980 = arith.constant 7 : i32
    %get3A_1981 = arith.index_cast %get3A_1980 : i32 to index
    %get3A_1982 = arith.constant 240 : index
    %get3A_1983 = tpu.vector_load %arg5[%get3A_1981, %get3A_1982] {strides = array<i32>} : memref<16x256xf32, #tpu.memory_space<vmem>>, vector<1x16xf32>,
    %get3A_1984 = vector.shape_cast %get3A_1983 : vector<1x16xf32> to vector<16xf32>
    %get3A_1985 = arith.constant 7 : i32
    %get3A_1986 = arith.index_cast %get3A_1985 : i32 to index
    %get3A_1987 = arith.constant 240 : index
    %get3A_1988 = tpu.vector_load %arg6[%get3A_1986, %get3A_1987] {strides = array<i32>} : memref<16x256xf32, #tpu.memory_space<vmem>>, vector<1x16xf32>,
    %get3A_1989 = vector.shape_cast %get3A_1988 : vector<1x16xf32> to vector<16xf32>
    %mul3A_1990 = arith.mulf %get3A_1984, %get3A_1989 : vector<16xf32>
    %add3A_1991 = arith.addf %add3A_1979, %mul3A_1990 : vector<16xf32>
    %xor3A_1992 = arith.constant 8 : i32
    %xor3A_1993 = vector.broadcast %xor3A_1992 : i32 to vector<16xi32>
    %xor3A_1994 = arith.xori %iota3A, %xor3A_1993 : vector<16xi32>
    %reshape3A_1995 = vector.shape_cast %xor3A_1994 : vector<16xi32> to vector<16x1xi32>
    %gather3A_1996 = vector.shape_cast %reshape3A_1995 : vector<16x1xi32> to vector<16xi32>
    %gather3A_1997 = tpu.dynamic_gather %add3A_1991[%gather3A_1996] in [0] : vector<16xf32>, vector<16xi32> -> vector<16xf32>
    %add3A_1998 = arith.addf %add3A_1991, %gather3A_1997 : vector<16xf32>
    %xor3A_1999 = arith.constant 4 : i32
    %xor3A_2000 = vector.broadcast %xor3A_1999 : i32 to vector<16xi32>
    %xor3A_2001 = arith.xori %iota3A, %xor3A_2000 : vector<16xi32>
    %reshape3A_2002 = vector.shape_cast %xor3A_2001 : vector<16xi32> to vector<16x1xi32>
    %gather3A_2003 = vector.shape_cast %reshape3A_2002 : vector<16x1xi32> to vector<16xi32>
    %gather3A_2004 = tpu.dynamic_gather %add3A_1998[%gather3A_2003] in [0] : vector<16xf32>, vector<16xi32> -> vector<16xf32>
    %add3A_2005 = arith.addf %add3A_1998, %gather3A_2004 : vector<16xf32>
    %xor3A_2006 = arith.constant 2 : i32
    %xor3A_2007 = vector.broadcast %xor3A_2006 : i32 to vector<16xi32>
    %xor3A_2008 = arith.xori %iota3A, %xor3A_2007 : vector<16xi32>
    %reshape3A_2009 = vector.shape_cast %xor3A_2008 : vector<16xi32> to vector<16x1xi32>
    %gather3A_2010 = vector.shape_cast %reshape3A_2009 : vector<16x1xi32> to vector<16xi32>
    %gather3A_2011 = tpu.dynamic_gather %add3A_2005[%gather3A_2010] in [0] : vector<16xf32>, vector<16xi32> -> vector<16xf32>
    %add3A_2012 = arith.addf %add3A_2005, %gather3A_2011 : vector<16xf32>
    %xor3A_2013 = arith.constant 1 : i32
    %xor3A_2014 = vector.broadcast %xor3A_2013 : i32 to vector<16xi32>
    %xor3A_2015 = arith.xori %iota3A, %xor3A_2014 : vector<16xi32>
    %reshape3A_2016 = vector.shape_cast %xor3A_2015 : vector<16xi32> to vector<16x1xi32>
    %gather3A_2017 = vector.shape_cast %reshape3A_2016 : vector<16x1xi32> to vector<16xi32>
    %gather3A_2018 = tpu.dynamic_gather %add3A_2012[%gather3A_2017] in [0] : vector<16xf32>, vector<16xi32> -> vector<16xf32>
    %add3A_2019 = arith.addf %add3A_2012, %gather3A_2018 : vector<16xf32>
    %broadcast_in_dim3A_2020 = arith.constant 7 : i32
    %broadcast_in_dim3A_2021 = vector.broadcast %broadcast_in_dim3A_2020 : i32 to vector<16xi32>
    %reshape3A_2022 = vector.shape_cast %broadcast_in_dim3A_2021 : vector<16xi32> to vector<16x1xi32>
    %gather3A_2023 = vector.shape_cast %reshape3A_2022 : vector<16x1xi32> to vector<16xi32>
    %gather3A_2024 = tpu.dynamic_gather %add3A_167[%gather3A_2023] in [0] : vector<16xi32>, vector<16xi32> -> vector<16xi32>
    %eq3A_2025 = arith.cmpi eq, %iota3A, %gather3A_2024 : vector<16xi32>
    %jit3A_2026 = arith.constant -1.000000e+30 : f32
    %broadcast_in_dim3A_2027 = vector.broadcast %jit3A_2026 : f32 to vector<16xf32>
    %select_n3A_2028 = arith.select %eq3A_2025, %add3A_2019, %broadcast_in_dim3A_2027 : vector<16xi1>, vector<16xf32>
    %max3A_2029 = arith.maximumf %max3A_1797, %select_n3A_2028 : vector<16xf32>
    %broadcast_in_dim3A_2030 = arith.constant 0.000000e+00 : f32
    %broadcast_in_dim3A_2031 = vector.broadcast %broadcast_in_dim3A_2030 : f32 to vector<16xf32>
    %get3A_2032 = arith.constant 8 : i32
    %get3A_2033 = arith.index_cast %get3A_2032 : i32 to index
    %get3A_2034 = arith.constant 0 : index
    %get3A_2035 = tpu.vector_load %arg5[%get3A_2033, %get3A_2034] {strides = array<i32>} : memref<16x256xf32, #tpu.memory_space<vmem>>, vector<1x16xf32>,
    %get3A_2036 = vector.shape_cast %get3A_2035 : vector<1x16xf32> to vector<16xf32>
    %get3A_2037 = arith.constant 8 : i32
    %get3A_2038 = arith.index_cast %get3A_2037 : i32 to index
    %get3A_2039 = arith.constant 0 : index
    %get3A_2040 = tpu.vector_load %arg6[%get3A_2038, %get3A_2039] {strides = array<i32>} : memref<16x256xf32, #tpu.memory_space<vmem>>, vector<1x16xf32>,
    %get3A_2041 = vector.shape_cast %get3A_2040 : vector<1x16xf32> to vector<16xf32>
    %mul3A_2042 = arith.mulf %get3A_2036, %get3A_2041 : vector<16xf32>
    %add3A_2043 = arith.addf %broadcast_in_dim3A_2031, %mul3A_2042 : vector<16xf32>
    %get3A_2044 = arith.constant 8 : i32
    %get3A_2045 = arith.index_cast %get3A_2044 : i32 to index
    %get3A_2046 = arith.constant 16 : index
    %get3A_2047 = tpu.vector_load %arg5[%get3A_2045, %get3A_2046] {strides = array<i32>} : memref<16x256xf32, #tpu.memory_space<vmem>>, vector<1x16xf32>,
    %get3A_2048 = vector.shape_cast %get3A_2047 : vector<1x16xf32> to vector<16xf32>
    %get3A_2049 = arith.constant 8 : i32
    %get3A_2050 = arith.index_cast %get3A_2049 : i32 to index
    %get3A_2051 = arith.constant 16 : index
    %get3A_2052 = tpu.vector_load %arg6[%get3A_2050, %get3A_2051] {strides = array<i32>} : memref<16x256xf32, #tpu.memory_space<vmem>>, vector<1x16xf32>,
    %get3A_2053 = vector.shape_cast %get3A_2052 : vector<1x16xf32> to vector<16xf32>
    %mul3A_2054 = arith.mulf %get3A_2048, %get3A_2053 : vector<16xf32>
    %add3A_2055 = arith.addf %add3A_2043, %mul3A_2054 : vector<16xf32>
    %get3A_2056 = arith.constant 8 : i32
    %get3A_2057 = arith.index_cast %get3A_2056 : i32 to index
    %get3A_2058 = arith.constant 32 : index
    %get3A_2059 = tpu.vector_load %arg5[%get3A_2057, %get3A_2058] {strides = array<i32>} : memref<16x256xf32, #tpu.memory_space<vmem>>, vector<1x16xf32>,
    %get3A_2060 = vector.shape_cast %get3A_2059 : vector<1x16xf32> to vector<16xf32>
    %get3A_2061 = arith.constant 8 : i32
    %get3A_2062 = arith.index_cast %get3A_2061 : i32 to index
    %get3A_2063 = arith.constant 32 : index
    %get3A_2064 = tpu.vector_load %arg6[%get3A_2062, %get3A_2063] {strides = array<i32>} : memref<16x256xf32, #tpu.memory_space<vmem>>, vector<1x16xf32>,
    %get3A_2065 = vector.shape_cast %get3A_2064 : vector<1x16xf32> to vector<16xf32>
    %mul3A_2066 = arith.mulf %get3A_2060, %get3A_2065 : vector<16xf32>
    %add3A_2067 = arith.addf %add3A_2055, %mul3A_2066 : vector<16xf32>
    %get3A_2068 = arith.constant 8 : i32
    %get3A_2069 = arith.index_cast %get3A_2068 : i32 to index
    %get3A_2070 = arith.constant 48 : index
    %get3A_2071 = tpu.vector_load %arg5[%get3A_2069, %get3A_2070] {strides = array<i32>} : memref<16x256xf32, #tpu.memory_space<vmem>>, vector<1x16xf32>,
    %get3A_2072 = vector.shape_cast %get3A_2071 : vector<1x16xf32> to vector<16xf32>
    %get3A_2073 = arith.constant 8 : i32
    %get3A_2074 = arith.index_cast %get3A_2073 : i32 to index
    %get3A_2075 = arith.constant 48 : index
    %get3A_2076 = tpu.vector_load %arg6[%get3A_2074, %get3A_2075] {strides = array<i32>} : memref<16x256xf32, #tpu.memory_space<vmem>>, vector<1x16xf32>,
    %get3A_2077 = vector.shape_cast %get3A_2076 : vector<1x16xf32> to vector<16xf32>
    %mul3A_2078 = arith.mulf %get3A_2072, %get3A_2077 : vector<16xf32>
    %add3A_2079 = arith.addf %add3A_2067, %mul3A_2078 : vector<16xf32>
    %get3A_2080 = arith.constant 8 : i32
    %get3A_2081 = arith.index_cast %get3A_2080 : i32 to index
    %get3A_2082 = arith.constant 64 : index
    %get3A_2083 = tpu.vector_load %arg5[%get3A_2081, %get3A_2082] {strides = array<i32>} : memref<16x256xf32, #tpu.memory_space<vmem>>, vector<1x16xf32>,
    %get3A_2084 = vector.shape_cast %get3A_2083 : vector<1x16xf32> to vector<16xf32>
    %get3A_2085 = arith.constant 8 : i32
    %get3A_2086 = arith.index_cast %get3A_2085 : i32 to index
    %get3A_2087 = arith.constant 64 : index
    %get3A_2088 = tpu.vector_load %arg6[%get3A_2086, %get3A_2087] {strides = array<i32>} : memref<16x256xf32, #tpu.memory_space<vmem>>, vector<1x16xf32>,
    %get3A_2089 = vector.shape_cast %get3A_2088 : vector<1x16xf32> to vector<16xf32>
    %mul3A_2090 = arith.mulf %get3A_2084, %get3A_2089 : vector<16xf32>
    %add3A_2091 = arith.addf %add3A_2079, %mul3A_2090 : vector<16xf32>
    %get3A_2092 = arith.constant 8 : i32
    %get3A_2093 = arith.index_cast %get3A_2092 : i32 to index
    %get3A_2094 = arith.constant 80 : index
    %get3A_2095 = tpu.vector_load %arg5[%get3A_2093, %get3A_2094] {strides = array<i32>} : memref<16x256xf32, #tpu.memory_space<vmem>>, vector<1x16xf32>,
    %get3A_2096 = vector.shape_cast %get3A_2095 : vector<1x16xf32> to vector<16xf32>
    %get3A_2097 = arith.constant 8 : i32
    %get3A_2098 = arith.index_cast %get3A_2097 : i32 to index
    %get3A_2099 = arith.constant 80 : index
    %get3A_2100 = tpu.vector_load %arg6[%get3A_2098, %get3A_2099] {strides = array<i32>} : memref<16x256xf32, #tpu.memory_space<vmem>>, vector<1x16xf32>,
    %get3A_2101 = vector.shape_cast %get3A_2100 : vector<1x16xf32> to vector<16xf32>
    %mul3A_2102 = arith.mulf %get3A_2096, %get3A_2101 : vector<16xf32>
    %add3A_2103 = arith.addf %add3A_2091, %mul3A_2102 : vector<16xf32>
    %get3A_2104 = arith.constant 8 : i32
    %get3A_2105 = arith.index_cast %get3A_2104 : i32 to index
    %get3A_2106 = arith.constant 96 : index
    %get3A_2107 = tpu.vector_load %arg5[%get3A_2105, %get3A_2106] {strides = array<i32>} : memref<16x256xf32, #tpu.memory_space<vmem>>, vector<1x16xf32>,
    %get3A_2108 = vector.shape_cast %get3A_2107 : vector<1x16xf32> to vector<16xf32>
    %get3A_2109 = arith.constant 8 : i32
    %get3A_2110 = arith.index_cast %get3A_2109 : i32 to index
    %get3A_2111 = arith.constant 96 : index
    %get3A_2112 = tpu.vector_load %arg6[%get3A_2110, %get3A_2111] {strides = array<i32>} : memref<16x256xf32, #tpu.memory_space<vmem>>, vector<1x16xf32>,
    %get3A_2113 = vector.shape_cast %get3A_2112 : vector<1x16xf32> to vector<16xf32>
    %mul3A_2114 = arith.mulf %get3A_2108, %get3A_2113 : vector<16xf32>
    %add3A_2115 = arith.addf %add3A_2103, %mul3A_2114 : vector<16xf32>
    %get3A_2116 = arith.constant 8 : i32
    %get3A_2117 = arith.index_cast %get3A_2116 : i32 to index
    %get3A_2118 = arith.constant 112 : index
    %get3A_2119 = tpu.vector_load %arg5[%get3A_2117, %get3A_2118] {strides = array<i32>} : memref<16x256xf32, #tpu.memory_space<vmem>>, vector<1x16xf32>,
    %get3A_2120 = vector.shape_cast %get3A_2119 : vector<1x16xf32> to vector<16xf32>
    %get3A_2121 = arith.constant 8 : i32
    %get3A_2122 = arith.index_cast %get3A_2121 : i32 to index
    %get3A_2123 = arith.constant 112 : index
    %get3A_2124 = tpu.vector_load %arg6[%get3A_2122, %get3A_2123] {strides = array<i32>} : memref<16x256xf32, #tpu.memory_space<vmem>>, vector<1x16xf32>,
    %get3A_2125 = vector.shape_cast %get3A_2124 : vector<1x16xf32> to vector<16xf32>
    %mul3A_2126 = arith.mulf %get3A_2120, %get3A_2125 : vector<16xf32>
    %add3A_2127 = arith.addf %add3A_2115, %mul3A_2126 : vector<16xf32>
    %get3A_2128 = arith.constant 8 : i32
    %get3A_2129 = arith.index_cast %get3A_2128 : i32 to index
    %get3A_2130 = arith.constant 128 : index
    %get3A_2131 = tpu.vector_load %arg5[%get3A_2129, %get3A_2130] {strides = array<i32>} : memref<16x256xf32, #tpu.memory_space<vmem>>, vector<1x16xf32>,
    %get3A_2132 = vector.shape_cast %get3A_2131 : vector<1x16xf32> to vector<16xf32>
    %get3A_2133 = arith.constant 8 : i32
    %get3A_2134 = arith.index_cast %get3A_2133 : i32 to index
    %get3A_2135 = arith.constant 128 : index
    %get3A_2136 = tpu.vector_load %arg6[%get3A_2134, %get3A_2135] {strides = array<i32>} : memref<16x256xf32, #tpu.memory_space<vmem>>, vector<1x16xf32>,
    %get3A_2137 = vector.shape_cast %get3A_2136 : vector<1x16xf32> to vector<16xf32>
    %mul3A_2138 = arith.mulf %get3A_2132, %get3A_2137 : vector<16xf32>
    %add3A_2139 = arith.addf %add3A_2127, %mul3A_2138 : vector<16xf32>
    %get3A_2140 = arith.constant 8 : i32
    %get3A_2141 = arith.index_cast %get3A_2140 : i32 to index
    %get3A_2142 = arith.constant 144 : index
    %get3A_2143 = tpu.vector_load %arg5[%get3A_2141, %get3A_2142] {strides = array<i32>} : memref<16x256xf32, #tpu.memory_space<vmem>>, vector<1x16xf32>,
    %get3A_2144 = vector.shape_cast %get3A_2143 : vector<1x16xf32> to vector<16xf32>
    %get3A_2145 = arith.constant 8 : i32
    %get3A_2146 = arith.index_cast %get3A_2145 : i32 to index
    %get3A_2147 = arith.constant 144 : index
    %get3A_2148 = tpu.vector_load %arg6[%get3A_2146, %get3A_2147] {strides = array<i32>} : memref<16x256xf32, #tpu.memory_space<vmem>>, vector<1x16xf32>,
    %get3A_2149 = vector.shape_cast %get3A_2148 : vector<1x16xf32> to vector<16xf32>
    %mul3A_2150 = arith.mulf %get3A_2144, %get3A_2149 : vector<16xf32>
    %add3A_2151 = arith.addf %add3A_2139, %mul3A_2150 : vector<16xf32>
    %get3A_2152 = arith.constant 8 : i32
    %get3A_2153 = arith.index_cast %get3A_2152 : i32 to index
    %get3A_2154 = arith.constant 160 : index
    %get3A_2155 = tpu.vector_load %arg5[%get3A_2153, %get3A_2154] {strides = array<i32>} : memref<16x256xf32, #tpu.memory_space<vmem>>, vector<1x16xf32>,
    %get3A_2156 = vector.shape_cast %get3A_2155 : vector<1x16xf32> to vector<16xf32>
    %get3A_2157 = arith.constant 8 : i32
    %get3A_2158 = arith.index_cast %get3A_2157 : i32 to index
    %get3A_2159 = arith.constant 160 : index
    %get3A_2160 = tpu.vector_load %arg6[%get3A_2158, %get3A_2159] {strides = array<i32>} : memref<16x256xf32, #tpu.memory_space<vmem>>, vector<1x16xf32>,
    %get3A_2161 = vector.shape_cast %get3A_2160 : vector<1x16xf32> to vector<16xf32>
    %mul3A_2162 = arith.mulf %get3A_2156, %get3A_2161 : vector<16xf32>
    %add3A_2163 = arith.addf %add3A_2151, %mul3A_2162 : vector<16xf32>
    %get3A_2164 = arith.constant 8 : i32
    %get3A_2165 = arith.index_cast %get3A_2164 : i32 to index
    %get3A_2166 = arith.constant 176 : index
    %get3A_2167 = tpu.vector_load %arg5[%get3A_2165, %get3A_2166] {strides = array<i32>} : memref<16x256xf32, #tpu.memory_space<vmem>>, vector<1x16xf32>,
    %get3A_2168 = vector.shape_cast %get3A_2167 : vector<1x16xf32> to vector<16xf32>
    %get3A_2169 = arith.constant 8 : i32
    %get3A_2170 = arith.index_cast %get3A_2169 : i32 to index
    %get3A_2171 = arith.constant 176 : index
    %get3A_2172 = tpu.vector_load %arg6[%get3A_2170, %get3A_2171] {strides = array<i32>} : memref<16x256xf32, #tpu.memory_space<vmem>>, vector<1x16xf32>,
    %get3A_2173 = vector.shape_cast %get3A_2172 : vector<1x16xf32> to vector<16xf32>
    %mul3A_2174 = arith.mulf %get3A_2168, %get3A_2173 : vector<16xf32>
    %add3A_2175 = arith.addf %add3A_2163, %mul3A_2174 : vector<16xf32>
    %get3A_2176 = arith.constant 8 : i32
    %get3A_2177 = arith.index_cast %get3A_2176 : i32 to index
    %get3A_2178 = arith.constant 192 : index
    %get3A_2179 = tpu.vector_load %arg5[%get3A_2177, %get3A_2178] {strides = array<i32>} : memref<16x256xf32, #tpu.memory_space<vmem>>, vector<1x16xf32>,
    %get3A_2180 = vector.shape_cast %get3A_2179 : vector<1x16xf32> to vector<16xf32>
    %get3A_2181 = arith.constant 8 : i32
    %get3A_2182 = arith.index_cast %get3A_2181 : i32 to index
    %get3A_2183 = arith.constant 192 : index
    %get3A_2184 = tpu.vector_load %arg6[%get3A_2182, %get3A_2183] {strides = array<i32>} : memref<16x256xf32, #tpu.memory_space<vmem>>, vector<1x16xf32>,
    %get3A_2185 = vector.shape_cast %get3A_2184 : vector<1x16xf32> to vector<16xf32>
    %mul3A_2186 = arith.mulf %get3A_2180, %get3A_2185 : vector<16xf32>
    %add3A_2187 = arith.addf %add3A_2175, %mul3A_2186 : vector<16xf32>
    %get3A_2188 = arith.constant 8 : i32
    %get3A_2189 = arith.index_cast %get3A_2188 : i32 to index
    %get3A_2190 = arith.constant 208 : index
    %get3A_2191 = tpu.vector_load %arg5[%get3A_2189, %get3A_2190] {strides = array<i32>} : memref<16x256xf32, #tpu.memory_space<vmem>>, vector<1x16xf32>,
    %get3A_2192 = vector.shape_cast %get3A_2191 : vector<1x16xf32> to vector<16xf32>
    %get3A_2193 = arith.constant 8 : i32
    %get3A_2194 = arith.index_cast %get3A_2193 : i32 to index
    %get3A_2195 = arith.constant 208 : index
    %get3A_2196 = tpu.vector_load %arg6[%get3A_2194, %get3A_2195] {strides = array<i32>} : memref<16x256xf32, #tpu.memory_space<vmem>>, vector<1x16xf32>,
    %get3A_2197 = vector.shape_cast %get3A_2196 : vector<1x16xf32> to vector<16xf32>
    %mul3A_2198 = arith.mulf %get3A_2192, %get3A_2197 : vector<16xf32>
    %add3A_2199 = arith.addf %add3A_2187, %mul3A_2198 : vector<16xf32>
    %get3A_2200 = arith.constant 8 : i32
    %get3A_2201 = arith.index_cast %get3A_2200 : i32 to index
    %get3A_2202 = arith.constant 224 : index
    %get3A_2203 = tpu.vector_load %arg5[%get3A_2201, %get3A_2202] {strides = array<i32>} : memref<16x256xf32, #tpu.memory_space<vmem>>, vector<1x16xf32>,
    %get3A_2204 = vector.shape_cast %get3A_2203 : vector<1x16xf32> to vector<16xf32>
    %get3A_2205 = arith.constant 8 : i32
    %get3A_2206 = arith.index_cast %get3A_2205 : i32 to index
    %get3A_2207 = arith.constant 224 : index
    %get3A_2208 = tpu.vector_load %arg6[%get3A_2206, %get3A_2207] {strides = array<i32>} : memref<16x256xf32, #tpu.memory_space<vmem>>, vector<1x16xf32>,
    %get3A_2209 = vector.shape_cast %get3A_2208 : vector<1x16xf32> to vector<16xf32>
    %mul3A_2210 = arith.mulf %get3A_2204, %get3A_2209 : vector<16xf32>
    %add3A_2211 = arith.addf %add3A_2199, %mul3A_2210 : vector<16xf32>
    %get3A_2212 = arith.constant 8 : i32
    %get3A_2213 = arith.index_cast %get3A_2212 : i32 to index
    %get3A_2214 = arith.constant 240 : index
    %get3A_2215 = tpu.vector_load %arg5[%get3A_2213, %get3A_2214] {strides = array<i32>} : memref<16x256xf32, #tpu.memory_space<vmem>>, vector<1x16xf32>,
    %get3A_2216 = vector.shape_cast %get3A_2215 : vector<1x16xf32> to vector<16xf32>
    %get3A_2217 = arith.constant 8 : i32
    %get3A_2218 = arith.index_cast %get3A_2217 : i32 to index
    %get3A_2219 = arith.constant 240 : index
    %get3A_2220 = tpu.vector_load %arg6[%get3A_2218, %get3A_2219] {strides = array<i32>} : memref<16x256xf32, #tpu.memory_space<vmem>>, vector<1x16xf32>,
    %get3A_2221 = vector.shape_cast %get3A_2220 : vector<1x16xf32> to vector<16xf32>
    %mul3A_2222 = arith.mulf %get3A_2216, %get3A_2221 : vector<16xf32>
    %add3A_2223 = arith.addf %add3A_2211, %mul3A_2222 : vector<16xf32>
    %xor3A_2224 = arith.constant 8 : i32
    %xor3A_2225 = vector.broadcast %xor3A_2224 : i32 to vector<16xi32>
    %xor3A_2226 = arith.xori %iota3A, %xor3A_2225 : vector<16xi32>
    %reshape3A_2227 = vector.shape_cast %xor3A_2226 : vector<16xi32> to vector<16x1xi32>
    %gather3A_2228 = vector.shape_cast %reshape3A_2227 : vector<16x1xi32> to vector<16xi32>
    %gather3A_2229 = tpu.dynamic_gather %add3A_2223[%gather3A_2228] in [0] : vector<16xf32>, vector<16xi32> -> vector<16xf32>
    %add3A_2230 = arith.addf %add3A_2223, %gather3A_2229 : vector<16xf32>
    %xor3A_2231 = arith.constant 4 : i32
    %xor3A_2232 = vector.broadcast %xor3A_2231 : i32 to vector<16xi32>
    %xor3A_2233 = arith.xori %iota3A, %xor3A_2232 : vector<16xi32>
    %reshape3A_2234 = vector.shape_cast %xor3A_2233 : vector<16xi32> to vector<16x1xi32>
    %gather3A_2235 = vector.shape_cast %reshape3A_2234 : vector<16x1xi32> to vector<16xi32>
    %gather3A_2236 = tpu.dynamic_gather %add3A_2230[%gather3A_2235] in [0] : vector<16xf32>, vector<16xi32> -> vector<16xf32>
    %add3A_2237 = arith.addf %add3A_2230, %gather3A_2236 : vector<16xf32>
    %xor3A_2238 = arith.constant 2 : i32
    %xor3A_2239 = vector.broadcast %xor3A_2238 : i32 to vector<16xi32>
    %xor3A_2240 = arith.xori %iota3A, %xor3A_2239 : vector<16xi32>
    %reshape3A_2241 = vector.shape_cast %xor3A_2240 : vector<16xi32> to vector<16x1xi32>
    %gather3A_2242 = vector.shape_cast %reshape3A_2241 : vector<16x1xi32> to vector<16xi32>
    %gather3A_2243 = tpu.dynamic_gather %add3A_2237[%gather3A_2242] in [0] : vector<16xf32>, vector<16xi32> -> vector<16xf32>
    %add3A_2244 = arith.addf %add3A_2237, %gather3A_2243 : vector<16xf32>
    %xor3A_2245 = arith.constant 1 : i32
    %xor3A_2246 = vector.broadcast %xor3A_2245 : i32 to vector<16xi32>
    %xor3A_2247 = arith.xori %iota3A, %xor3A_2246 : vector<16xi32>
    %reshape3A_2248 = vector.shape_cast %xor3A_2247 : vector<16xi32> to vector<16x1xi32>
    %gather3A_2249 = vector.shape_cast %reshape3A_2248 : vector<16x1xi32> to vector<16xi32>
    %gather3A_2250 = tpu.dynamic_gather %add3A_2244[%gather3A_2249] in [0] : vector<16xf32>, vector<16xi32> -> vector<16xf32>
    %add3A_2251 = arith.addf %add3A_2244, %gather3A_2250 : vector<16xf32>
    %broadcast_in_dim3A_2252 = arith.constant 8 : i32
    %broadcast_in_dim3A_2253 = vector.broadcast %broadcast_in_dim3A_2252 : i32 to vector<16xi32>
    %reshape3A_2254 = vector.shape_cast %broadcast_in_dim3A_2253 : vector<16xi32> to vector<16x1xi32>
    %gather3A_2255 = vector.shape_cast %reshape3A_2254 : vector<16x1xi32> to vector<16xi32>
    %gather3A_2256 = tpu.dynamic_gather %add3A_167[%gather3A_2255] in [0] : vector<16xi32>, vector<16xi32> -> vector<16xi32>
    %eq3A_2257 = arith.cmpi eq, %iota3A, %gather3A_2256 : vector<16xi32>
    %jit3A_2258 = arith.constant -1.000000e+30 : f32
    %broadcast_in_dim3A_2259 = vector.broadcast %jit3A_2258 : f32 to vector<16xf32>
    %select_n3A_2260 = arith.select %eq3A_2257, %add3A_2251, %broadcast_in_dim3A_2259 : vector<16xi1>, vector<16xf32>
    %max3A_2261 = arith.maximumf %max3A_2029, %select_n3A_2260 : vector<16xf32>
    %broadcast_in_dim3A_2262 = arith.constant 0.000000e+00 : f32
    %broadcast_in_dim3A_2263 = vector.broadcast %broadcast_in_dim3A_2262 : f32 to vector<16xf32>
    %get3A_2264 = arith.constant 9 : i32
    %get3A_2265 = arith.index_cast %get3A_2264 : i32 to index
    %get3A_2266 = arith.constant 0 : index
    %get3A_2267 = tpu.vector_load %arg5[%get3A_2265, %get3A_2266] {strides = array<i32>} : memref<16x256xf32, #tpu.memory_space<vmem>>, vector<1x16xf32>,
    %get3A_2268 = vector.shape_cast %get3A_2267 : vector<1x16xf32> to vector<16xf32>
    %get3A_2269 = arith.constant 9 : i32
    %get3A_2270 = arith.index_cast %get3A_2269 : i32 to index
    %get3A_2271 = arith.constant 0 : index
    %get3A_2272 = tpu.vector_load %arg6[%get3A_2270, %get3A_2271] {strides = array<i32>} : memref<16x256xf32, #tpu.memory_space<vmem>>, vector<1x16xf32>,
    %get3A_2273 = vector.shape_cast %get3A_2272 : vector<1x16xf32> to vector<16xf32>
    %mul3A_2274 = arith.mulf %get3A_2268, %get3A_2273 : vector<16xf32>
    %add3A_2275 = arith.addf %broadcast_in_dim3A_2263, %mul3A_2274 : vector<16xf32>
    %get3A_2276 = arith.constant 9 : i32
    %get3A_2277 = arith.index_cast %get3A_2276 : i32 to index
    %get3A_2278 = arith.constant 16 : index
    %get3A_2279 = tpu.vector_load %arg5[%get3A_2277, %get3A_2278] {strides = array<i32>} : memref<16x256xf32, #tpu.memory_space<vmem>>, vector<1x16xf32>,
    %get3A_2280 = vector.shape_cast %get3A_2279 : vector<1x16xf32> to vector<16xf32>
    %get3A_2281 = arith.constant 9 : i32
    %get3A_2282 = arith.index_cast %get3A_2281 : i32 to index
    %get3A_2283 = arith.constant 16 : index
    %get3A_2284 = tpu.vector_load %arg6[%get3A_2282, %get3A_2283] {strides = array<i32>} : memref<16x256xf32, #tpu.memory_space<vmem>>, vector<1x16xf32>,
    %get3A_2285 = vector.shape_cast %get3A_2284 : vector<1x16xf32> to vector<16xf32>
    %mul3A_2286 = arith.mulf %get3A_2280, %get3A_2285 : vector<16xf32>
    %add3A_2287 = arith.addf %add3A_2275, %mul3A_2286 : vector<16xf32>
    %get3A_2288 = arith.constant 9 : i32
    %get3A_2289 = arith.index_cast %get3A_2288 : i32 to index
    %get3A_2290 = arith.constant 32 : index
    %get3A_2291 = tpu.vector_load %arg5[%get3A_2289, %get3A_2290] {strides = array<i32>} : memref<16x256xf32, #tpu.memory_space<vmem>>, vector<1x16xf32>,
    %get3A_2292 = vector.shape_cast %get3A_2291 : vector<1x16xf32> to vector<16xf32>
    %get3A_2293 = arith.constant 9 : i32
    %get3A_2294 = arith.index_cast %get3A_2293 : i32 to index
    %get3A_2295 = arith.constant 32 : index
    %get3A_2296 = tpu.vector_load %arg6[%get3A_2294, %get3A_2295] {strides = array<i32>} : memref<16x256xf32, #tpu.memory_space<vmem>>, vector<1x16xf32>,
    %get3A_2297 = vector.shape_cast %get3A_2296 : vector<1x16xf32> to vector<16xf32>
    %mul3A_2298 = arith.mulf %get3A_2292, %get3A_2297 : vector<16xf32>
    %add3A_2299 = arith.addf %add3A_2287, %mul3A_2298 : vector<16xf32>
    %get3A_2300 = arith.constant 9 : i32
    %get3A_2301 = arith.index_cast %get3A_2300 : i32 to index
    %get3A_2302 = arith.constant 48 : index
    %get3A_2303 = tpu.vector_load %arg5[%get3A_2301, %get3A_2302] {strides = array<i32>} : memref<16x256xf32, #tpu.memory_space<vmem>>, vector<1x16xf32>,
    %get3A_2304 = vector.shape_cast %get3A_2303 : vector<1x16xf32> to vector<16xf32>
    %get3A_2305 = arith.constant 9 : i32
    %get3A_2306 = arith.index_cast %get3A_2305 : i32 to index
    %get3A_2307 = arith.constant 48 : index
    %get3A_2308 = tpu.vector_load %arg6[%get3A_2306, %get3A_2307] {strides = array<i32>} : memref<16x256xf32, #tpu.memory_space<vmem>>, vector<1x16xf32>,
    %get3A_2309 = vector.shape_cast %get3A_2308 : vector<1x16xf32> to vector<16xf32>
    %mul3A_2310 = arith.mulf %get3A_2304, %get3A_2309 : vector<16xf32>
    %add3A_2311 = arith.addf %add3A_2299, %mul3A_2310 : vector<16xf32>
    %get3A_2312 = arith.constant 9 : i32
    %get3A_2313 = arith.index_cast %get3A_2312 : i32 to index
    %get3A_2314 = arith.constant 64 : index
    %get3A_2315 = tpu.vector_load %arg5[%get3A_2313, %get3A_2314] {strides = array<i32>} : memref<16x256xf32, #tpu.memory_space<vmem>>, vector<1x16xf32>,
    %get3A_2316 = vector.shape_cast %get3A_2315 : vector<1x16xf32> to vector<16xf32>
    %get3A_2317 = arith.constant 9 : i32
    %get3A_2318 = arith.index_cast %get3A_2317 : i32 to index
    %get3A_2319 = arith.constant 64 : index
    %get3A_2320 = tpu.vector_load %arg6[%get3A_2318, %get3A_2319] {strides = array<i32>} : memref<16x256xf32, #tpu.memory_space<vmem>>, vector<1x16xf32>,
    %get3A_2321 = vector.shape_cast %get3A_2320 : vector<1x16xf32> to vector<16xf32>
    %mul3A_2322 = arith.mulf %get3A_2316, %get3A_2321 : vector<16xf32>
    %add3A_2323 = arith.addf %add3A_2311, %mul3A_2322 : vector<16xf32>
    %get3A_2324 = arith.constant 9 : i32
    %get3A_2325 = arith.index_cast %get3A_2324 : i32 to index
    %get3A_2326 = arith.constant 80 : index
    %get3A_2327 = tpu.vector_load %arg5[%get3A_2325, %get3A_2326] {strides = array<i32>} : memref<16x256xf32, #tpu.memory_space<vmem>>, vector<1x16xf32>,
    %get3A_2328 = vector.shape_cast %get3A_2327 : vector<1x16xf32> to vector<16xf32>
    %get3A_2329 = arith.constant 9 : i32
    %get3A_2330 = arith.index_cast %get3A_2329 : i32 to index
    %get3A_2331 = arith.constant 80 : index
    %get3A_2332 = tpu.vector_load %arg6[%get3A_2330, %get3A_2331] {strides = array<i32>} : memref<16x256xf32, #tpu.memory_space<vmem>>, vector<1x16xf32>,
    %get3A_2333 = vector.shape_cast %get3A_2332 : vector<1x16xf32> to vector<16xf32>
    %mul3A_2334 = arith.mulf %get3A_2328, %get3A_2333 : vector<16xf32>
    %add3A_2335 = arith.addf %add3A_2323, %mul3A_2334 : vector<16xf32>
    %get3A_2336 = arith.constant 9 : i32
    %get3A_2337 = arith.index_cast %get3A_2336 : i32 to index
    %get3A_2338 = arith.constant 96 : index
    %get3A_2339 = tpu.vector_load %arg5[%get3A_2337, %get3A_2338] {strides = array<i32>} : memref<16x256xf32, #tpu.memory_space<vmem>>, vector<1x16xf32>,
    %get3A_2340 = vector.shape_cast %get3A_2339 : vector<1x16xf32> to vector<16xf32>
    %get3A_2341 = arith.constant 9 : i32
    %get3A_2342 = arith.index_cast %get3A_2341 : i32 to index
    %get3A_2343 = arith.constant 96 : index
    %get3A_2344 = tpu.vector_load %arg6[%get3A_2342, %get3A_2343] {strides = array<i32>} : memref<16x256xf32, #tpu.memory_space<vmem>>, vector<1x16xf32>,
    %get3A_2345 = vector.shape_cast %get3A_2344 : vector<1x16xf32> to vector<16xf32>
    %mul3A_2346 = arith.mulf %get3A_2340, %get3A_2345 : vector<16xf32>
    %add3A_2347 = arith.addf %add3A_2335, %mul3A_2346 : vector<16xf32>
    %get3A_2348 = arith.constant 9 : i32
    %get3A_2349 = arith.index_cast %get3A_2348 : i32 to index
    %get3A_2350 = arith.constant 112 : index
    %get3A_2351 = tpu.vector_load %arg5[%get3A_2349, %get3A_2350] {strides = array<i32>} : memref<16x256xf32, #tpu.memory_space<vmem>>, vector<1x16xf32>,
    %get3A_2352 = vector.shape_cast %get3A_2351 : vector<1x16xf32> to vector<16xf32>
    %get3A_2353 = arith.constant 9 : i32
    %get3A_2354 = arith.index_cast %get3A_2353 : i32 to index
    %get3A_2355 = arith.constant 112 : index
    %get3A_2356 = tpu.vector_load %arg6[%get3A_2354, %get3A_2355] {strides = array<i32>} : memref<16x256xf32, #tpu.memory_space<vmem>>, vector<1x16xf32>,
    %get3A_2357 = vector.shape_cast %get3A_2356 : vector<1x16xf32> to vector<16xf32>
    %mul3A_2358 = arith.mulf %get3A_2352, %get3A_2357 : vector<16xf32>
    %add3A_2359 = arith.addf %add3A_2347, %mul3A_2358 : vector<16xf32>
    %get3A_2360 = arith.constant 9 : i32
    %get3A_2361 = arith.index_cast %get3A_2360 : i32 to index
    %get3A_2362 = arith.constant 128 : index
    %get3A_2363 = tpu.vector_load %arg5[%get3A_2361, %get3A_2362] {strides = array<i32>} : memref<16x256xf32, #tpu.memory_space<vmem>>, vector<1x16xf32>,
    %get3A_2364 = vector.shape_cast %get3A_2363 : vector<1x16xf32> to vector<16xf32>
    %get3A_2365 = arith.constant 9 : i32
    %get3A_2366 = arith.index_cast %get3A_2365 : i32 to index
    %get3A_2367 = arith.constant 128 : index
    %get3A_2368 = tpu.vector_load %arg6[%get3A_2366, %get3A_2367] {strides = array<i32>} : memref<16x256xf32, #tpu.memory_space<vmem>>, vector<1x16xf32>,
    %get3A_2369 = vector.shape_cast %get3A_2368 : vector<1x16xf32> to vector<16xf32>
    %mul3A_2370 = arith.mulf %get3A_2364, %get3A_2369 : vector<16xf32>
    %add3A_2371 = arith.addf %add3A_2359, %mul3A_2370 : vector<16xf32>
    %get3A_2372 = arith.constant 9 : i32
    %get3A_2373 = arith.index_cast %get3A_2372 : i32 to index
    %get3A_2374 = arith.constant 144 : index
    %get3A_2375 = tpu.vector_load %arg5[%get3A_2373, %get3A_2374] {strides = array<i32>} : memref<16x256xf32, #tpu.memory_space<vmem>>, vector<1x16xf32>,
    %get3A_2376 = vector.shape_cast %get3A_2375 : vector<1x16xf32> to vector<16xf32>
    %get3A_2377 = arith.constant 9 : i32
    %get3A_2378 = arith.index_cast %get3A_2377 : i32 to index
    %get3A_2379 = arith.constant 144 : index
    %get3A_2380 = tpu.vector_load %arg6[%get3A_2378, %get3A_2379] {strides = array<i32>} : memref<16x256xf32, #tpu.memory_space<vmem>>, vector<1x16xf32>,
    %get3A_2381 = vector.shape_cast %get3A_2380 : vector<1x16xf32> to vector<16xf32>
    %mul3A_2382 = arith.mulf %get3A_2376, %get3A_2381 : vector<16xf32>
    %add3A_2383 = arith.addf %add3A_2371, %mul3A_2382 : vector<16xf32>
    %get3A_2384 = arith.constant 9 : i32
    %get3A_2385 = arith.index_cast %get3A_2384 : i32 to index
    %get3A_2386 = arith.constant 160 : index
    %get3A_2387 = tpu.vector_load %arg5[%get3A_2385, %get3A_2386] {strides = array<i32>} : memref<16x256xf32, #tpu.memory_space<vmem>>, vector<1x16xf32>,
    %get3A_2388 = vector.shape_cast %get3A_2387 : vector<1x16xf32> to vector<16xf32>
    %get3A_2389 = arith.constant 9 : i32
    %get3A_2390 = arith.index_cast %get3A_2389 : i32 to index
    %get3A_2391 = arith.constant 160 : index
    %get3A_2392 = tpu.vector_load %arg6[%get3A_2390, %get3A_2391] {strides = array<i32>} : memref<16x256xf32, #tpu.memory_space<vmem>>, vector<1x16xf32>,
    %get3A_2393 = vector.shape_cast %get3A_2392 : vector<1x16xf32> to vector<16xf32>
    %mul3A_2394 = arith.mulf %get3A_2388, %get3A_2393 : vector<16xf32>
    %add3A_2395 = arith.addf %add3A_2383, %mul3A_2394 : vector<16xf32>
    %get3A_2396 = arith.constant 9 : i32
    %get3A_2397 = arith.index_cast %get3A_2396 : i32 to index
    %get3A_2398 = arith.constant 176 : index
    %get3A_2399 = tpu.vector_load %arg5[%get3A_2397, %get3A_2398] {strides = array<i32>} : memref<16x256xf32, #tpu.memory_space<vmem>>, vector<1x16xf32>,
    %get3A_2400 = vector.shape_cast %get3A_2399 : vector<1x16xf32> to vector<16xf32>
    %get3A_2401 = arith.constant 9 : i32
    %get3A_2402 = arith.index_cast %get3A_2401 : i32 to index
    %get3A_2403 = arith.constant 176 : index
    %get3A_2404 = tpu.vector_load %arg6[%get3A_2402, %get3A_2403] {strides = array<i32>} : memref<16x256xf32, #tpu.memory_space<vmem>>, vector<1x16xf32>,
    %get3A_2405 = vector.shape_cast %get3A_2404 : vector<1x16xf32> to vector<16xf32>
    %mul3A_2406 = arith.mulf %get3A_2400, %get3A_2405 : vector<16xf32>
    %add3A_2407 = arith.addf %add3A_2395, %mul3A_2406 : vector<16xf32>
    %get3A_2408 = arith.constant 9 : i32
    %get3A_2409 = arith.index_cast %get3A_2408 : i32 to index
    %get3A_2410 = arith.constant 192 : index
    %get3A_2411 = tpu.vector_load %arg5[%get3A_2409, %get3A_2410] {strides = array<i32>} : memref<16x256xf32, #tpu.memory_space<vmem>>, vector<1x16xf32>,
    %get3A_2412 = vector.shape_cast %get3A_2411 : vector<1x16xf32> to vector<16xf32>
    %get3A_2413 = arith.constant 9 : i32
    %get3A_2414 = arith.index_cast %get3A_2413 : i32 to index
    %get3A_2415 = arith.constant 192 : index
    %get3A_2416 = tpu.vector_load %arg6[%get3A_2414, %get3A_2415] {strides = array<i32>} : memref<16x256xf32, #tpu.memory_space<vmem>>, vector<1x16xf32>,
    %get3A_2417 = vector.shape_cast %get3A_2416 : vector<1x16xf32> to vector<16xf32>
    %mul3A_2418 = arith.mulf %get3A_2412, %get3A_2417 : vector<16xf32>
    %add3A_2419 = arith.addf %add3A_2407, %mul3A_2418 : vector<16xf32>
    %get3A_2420 = arith.constant 9 : i32
    %get3A_2421 = arith.index_cast %get3A_2420 : i32 to index
    %get3A_2422 = arith.constant 208 : index
    %get3A_2423 = tpu.vector_load %arg5[%get3A_2421, %get3A_2422] {strides = array<i32>} : memref<16x256xf32, #tpu.memory_space<vmem>>, vector<1x16xf32>,
    %get3A_2424 = vector.shape_cast %get3A_2423 : vector<1x16xf32> to vector<16xf32>
    %get3A_2425 = arith.constant 9 : i32
    %get3A_2426 = arith.index_cast %get3A_2425 : i32 to index
    %get3A_2427 = arith.constant 208 : index
    %get3A_2428 = tpu.vector_load %arg6[%get3A_2426, %get3A_2427] {strides = array<i32>} : memref<16x256xf32, #tpu.memory_space<vmem>>, vector<1x16xf32>,
    %get3A_2429 = vector.shape_cast %get3A_2428 : vector<1x16xf32> to vector<16xf32>
    %mul3A_2430 = arith.mulf %get3A_2424, %get3A_2429 : vector<16xf32>
    %add3A_2431 = arith.addf %add3A_2419, %mul3A_2430 : vector<16xf32>
    %get3A_2432 = arith.constant 9 : i32
    %get3A_2433 = arith.index_cast %get3A_2432 : i32 to index
    %get3A_2434 = arith.constant 224 : index
    %get3A_2435 = tpu.vector_load %arg5[%get3A_2433, %get3A_2434] {strides = array<i32>} : memref<16x256xf32, #tpu.memory_space<vmem>>, vector<1x16xf32>,
    %get3A_2436 = vector.shape_cast %get3A_2435 : vector<1x16xf32> to vector<16xf32>
    %get3A_2437 = arith.constant 9 : i32
    %get3A_2438 = arith.index_cast %get3A_2437 : i32 to index
    %get3A_2439 = arith.constant 224 : index
    %get3A_2440 = tpu.vector_load %arg6[%get3A_2438, %get3A_2439] {strides = array<i32>} : memref<16x256xf32, #tpu.memory_space<vmem>>, vector<1x16xf32>,
    %get3A_2441 = vector.shape_cast %get3A_2440 : vector<1x16xf32> to vector<16xf32>
    %mul3A_2442 = arith.mulf %get3A_2436, %get3A_2441 : vector<16xf32>
    %add3A_2443 = arith.addf %add3A_2431, %mul3A_2442 : vector<16xf32>
    %get3A_2444 = arith.constant 9 : i32
    %get3A_2445 = arith.index_cast %get3A_2444 : i32 to index
    %get3A_2446 = arith.constant 240 : index
    %get3A_2447 = tpu.vector_load %arg5[%get3A_2445, %get3A_2446] {strides = array<i32>} : memref<16x256xf32, #tpu.memory_space<vmem>>, vector<1x16xf32>,
    %get3A_2448 = vector.shape_cast %get3A_2447 : vector<1x16xf32> to vector<16xf32>
    %get3A_2449 = arith.constant 9 : i32
    %get3A_2450 = arith.index_cast %get3A_2449 : i32 to index
    %get3A_2451 = arith.constant 240 : index
    %get3A_2452 = tpu.vector_load %arg6[%get3A_2450, %get3A_2451] {strides = array<i32>} : memref<16x256xf32, #tpu.memory_space<vmem>>, vector<1x16xf32>,
    %get3A_2453 = vector.shape_cast %get3A_2452 : vector<1x16xf32> to vector<16xf32>
    %mul3A_2454 = arith.mulf %get3A_2448, %get3A_2453 : vector<16xf32>
    %add3A_2455 = arith.addf %add3A_2443, %mul3A_2454 : vector<16xf32>
    %xor3A_2456 = arith.constant 8 : i32
    %xor3A_2457 = vector.broadcast %xor3A_2456 : i32 to vector<16xi32>
    %xor3A_2458 = arith.xori %iota3A, %xor3A_2457 : vector<16xi32>
    %reshape3A_2459 = vector.shape_cast %xor3A_2458 : vector<16xi32> to vector<16x1xi32>
    %gather3A_2460 = vector.shape_cast %reshape3A_2459 : vector<16x1xi32> to vector<16xi32>
    %gather3A_2461 = tpu.dynamic_gather %add3A_2455[%gather3A_2460] in [0] : vector<16xf32>, vector<16xi32> -> vector<16xf32>
    %add3A_2462 = arith.addf %add3A_2455, %gather3A_2461 : vector<16xf32>
    %xor3A_2463 = arith.constant 4 : i32
    %xor3A_2464 = vector.broadcast %xor3A_2463 : i32 to vector<16xi32>
    %xor3A_2465 = arith.xori %iota3A, %xor3A_2464 : vector<16xi32>
    %reshape3A_2466 = vector.shape_cast %xor3A_2465 : vector<16xi32> to vector<16x1xi32>
    %gather3A_2467 = vector.shape_cast %reshape3A_2466 : vector<16x1xi32> to vector<16xi32>
    %gather3A_2468 = tpu.dynamic_gather %add3A_2462[%gather3A_2467] in [0] : vector<16xf32>, vector<16xi32> -> vector<16xf32>
    %add3A_2469 = arith.addf %add3A_2462, %gather3A_2468 : vector<16xf32>
    %xor3A_2470 = arith.constant 2 : i32
    %xor3A_2471 = vector.broadcast %xor3A_2470 : i32 to vector<16xi32>
    %xor3A_2472 = arith.xori %iota3A, %xor3A_2471 : vector<16xi32>
    %reshape3A_2473 = vector.shape_cast %xor3A_2472 : vector<16xi32> to vector<16x1xi32>
    %gather3A_2474 = vector.shape_cast %reshape3A_2473 : vector<16x1xi32> to vector<16xi32>
    %gather3A_2475 = tpu.dynamic_gather %add3A_2469[%gather3A_2474] in [0] : vector<16xf32>, vector<16xi32> -> vector<16xf32>
    %add3A_2476 = arith.addf %add3A_2469, %gather3A_2475 : vector<16xf32>
    %xor3A_2477 = arith.constant 1 : i32
    %xor3A_2478 = vector.broadcast %xor3A_2477 : i32 to vector<16xi32>
    %xor3A_2479 = arith.xori %iota3A, %xor3A_2478 : vector<16xi32>
    %reshape3A_2480 = vector.shape_cast %xor3A_2479 : vector<16xi32> to vector<16x1xi32>
    %gather3A_2481 = vector.shape_cast %reshape3A_2480 : vector<16x1xi32> to vector<16xi32>
    %gather3A_2482 = tpu.dynamic_gather %add3A_2476[%gather3A_2481] in [0] : vector<16xf32>, vector<16xi32> -> vector<16xf32>
    %add3A_2483 = arith.addf %add3A_2476, %gather3A_2482 : vector<16xf32>
    %broadcast_in_dim3A_2484 = arith.constant 9 : i32
    %broadcast_in_dim3A_2485 = vector.broadcast %broadcast_in_dim3A_2484 : i32 to vector<16xi32>
    %reshape3A_2486 = vector.shape_cast %broadcast_in_dim3A_2485 : vector<16xi32> to vector<16x1xi32>
    %gather3A_2487 = vector.shape_cast %reshape3A_2486 : vector<16x1xi32> to vector<16xi32>
    %gather3A_2488 = tpu.dynamic_gather %add3A_167[%gather3A_2487] in [0] : vector<16xi32>, vector<16xi32> -> vector<16xi32>
    %eq3A_2489 = arith.cmpi eq, %iota3A, %gather3A_2488 : vector<16xi32>
    %jit3A_2490 = arith.constant -1.000000e+30 : f32
    %broadcast_in_dim3A_2491 = vector.broadcast %jit3A_2490 : f32 to vector<16xf32>
    %select_n3A_2492 = arith.select %eq3A_2489, %add3A_2483, %broadcast_in_dim3A_2491 : vector<16xi1>, vector<16xf32>
    %max3A_2493 = arith.maximumf %max3A_2261, %select_n3A_2492 : vector<16xf32>
    %broadcast_in_dim3A_2494 = arith.constant 0.000000e+00 : f32
    %broadcast_in_dim3A_2495 = vector.broadcast %broadcast_in_dim3A_2494 : f32 to vector<16xf32>
    %get3A_2496 = arith.constant 10 : i32
    %get3A_2497 = arith.index_cast %get3A_2496 : i32 to index
    %get3A_2498 = arith.constant 0 : index
    %get3A_2499 = tpu.vector_load %arg5[%get3A_2497, %get3A_2498] {strides = array<i32>} : memref<16x256xf32, #tpu.memory_space<vmem>>, vector<1x16xf32>,
    %get3A_2500 = vector.shape_cast %get3A_2499 : vector<1x16xf32> to vector<16xf32>
    %get3A_2501 = arith.constant 10 : i32
    %get3A_2502 = arith.index_cast %get3A_2501 : i32 to index
    %get3A_2503 = arith.constant 0 : index
    %get3A_2504 = tpu.vector_load %arg6[%get3A_2502, %get3A_2503] {strides = array<i32>} : memref<16x256xf32, #tpu.memory_space<vmem>>, vector<1x16xf32>,
    %get3A_2505 = vector.shape_cast %get3A_2504 : vector<1x16xf32> to vector<16xf32>
    %mul3A_2506 = arith.mulf %get3A_2500, %get3A_2505 : vector<16xf32>
    %add3A_2507 = arith.addf %broadcast_in_dim3A_2495, %mul3A_2506 : vector<16xf32>
    %get3A_2508 = arith.constant 10 : i32
    %get3A_2509 = arith.index_cast %get3A_2508 : i32 to index
    %get3A_2510 = arith.constant 16 : index
    %get3A_2511 = tpu.vector_load %arg5[%get3A_2509, %get3A_2510] {strides = array<i32>} : memref<16x256xf32, #tpu.memory_space<vmem>>, vector<1x16xf32>,
    %get3A_2512 = vector.shape_cast %get3A_2511 : vector<1x16xf32> to vector<16xf32>
    %get3A_2513 = arith.constant 10 : i32
    %get3A_2514 = arith.index_cast %get3A_2513 : i32 to index
    %get3A_2515 = arith.constant 16 : index
    %get3A_2516 = tpu.vector_load %arg6[%get3A_2514, %get3A_2515] {strides = array<i32>} : memref<16x256xf32, #tpu.memory_space<vmem>>, vector<1x16xf32>,
    %get3A_2517 = vector.shape_cast %get3A_2516 : vector<1x16xf32> to vector<16xf32>
    %mul3A_2518 = arith.mulf %get3A_2512, %get3A_2517 : vector<16xf32>
    %add3A_2519 = arith.addf %add3A_2507, %mul3A_2518 : vector<16xf32>
    %get3A_2520 = arith.constant 10 : i32
    %get3A_2521 = arith.index_cast %get3A_2520 : i32 to index
    %get3A_2522 = arith.constant 32 : index
    %get3A_2523 = tpu.vector_load %arg5[%get3A_2521, %get3A_2522] {strides = array<i32>} : memref<16x256xf32, #tpu.memory_space<vmem>>, vector<1x16xf32>,
    %get3A_2524 = vector.shape_cast %get3A_2523 : vector<1x16xf32> to vector<16xf32>
    %get3A_2525 = arith.constant 10 : i32
    %get3A_2526 = arith.index_cast %get3A_2525 : i32 to index
    %get3A_2527 = arith.constant 32 : index
    %get3A_2528 = tpu.vector_load %arg6[%get3A_2526, %get3A_2527] {strides = array<i32>} : memref<16x256xf32, #tpu.memory_space<vmem>>, vector<1x16xf32>,
    %get3A_2529 = vector.shape_cast %get3A_2528 : vector<1x16xf32> to vector<16xf32>
    %mul3A_2530 = arith.mulf %get3A_2524, %get3A_2529 : vector<16xf32>
    %add3A_2531 = arith.addf %add3A_2519, %mul3A_2530 : vector<16xf32>
    %get3A_2532 = arith.constant 10 : i32
    %get3A_2533 = arith.index_cast %get3A_2532 : i32 to index
    %get3A_2534 = arith.constant 48 : index
    %get3A_2535 = tpu.vector_load %arg5[%get3A_2533, %get3A_2534] {strides = array<i32>} : memref<16x256xf32, #tpu.memory_space<vmem>>, vector<1x16xf32>,
    %get3A_2536 = vector.shape_cast %get3A_2535 : vector<1x16xf32> to vector<16xf32>
    %get3A_2537 = arith.constant 10 : i32
    %get3A_2538 = arith.index_cast %get3A_2537 : i32 to index
    %get3A_2539 = arith.constant 48 : index
    %get3A_2540 = tpu.vector_load %arg6[%get3A_2538, %get3A_2539] {strides = array<i32>} : memref<16x256xf32, #tpu.memory_space<vmem>>, vector<1x16xf32>,
    %get3A_2541 = vector.shape_cast %get3A_2540 : vector<1x16xf32> to vector<16xf32>
    %mul3A_2542 = arith.mulf %get3A_2536, %get3A_2541 : vector<16xf32>
    %add3A_2543 = arith.addf %add3A_2531, %mul3A_2542 : vector<16xf32>
    %get3A_2544 = arith.constant 10 : i32
    %get3A_2545 = arith.index_cast %get3A_2544 : i32 to index
    %get3A_2546 = arith.constant 64 : index
    %get3A_2547 = tpu.vector_load %arg5[%get3A_2545, %get3A_2546] {strides = array<i32>} : memref<16x256xf32, #tpu.memory_space<vmem>>, vector<1x16xf32>,
    %get3A_2548 = vector.shape_cast %get3A_2547 : vector<1x16xf32> to vector<16xf32>
    %get3A_2549 = arith.constant 10 : i32
    %get3A_2550 = arith.index_cast %get3A_2549 : i32 to index
    %get3A_2551 = arith.constant 64 : index
    %get3A_2552 = tpu.vector_load %arg6[%get3A_2550, %get3A_2551] {strides = array<i32>} : memref<16x256xf32, #tpu.memory_space<vmem>>, vector<1x16xf32>,
    %get3A_2553 = vector.shape_cast %get3A_2552 : vector<1x16xf32> to vector<16xf32>
    %mul3A_2554 = arith.mulf %get3A_2548, %get3A_2553 : vector<16xf32>
    %add3A_2555 = arith.addf %add3A_2543, %mul3A_2554 : vector<16xf32>
    %get3A_2556 = arith.constant 10 : i32
    %get3A_2557 = arith.index_cast %get3A_2556 : i32 to index
    %get3A_2558 = arith.constant 80 : index
    %get3A_2559 = tpu.vector_load %arg5[%get3A_2557, %get3A_2558] {strides = array<i32>} : memref<16x256xf32, #tpu.memory_space<vmem>>, vector<1x16xf32>,
    %get3A_2560 = vector.shape_cast %get3A_2559 : vector<1x16xf32> to vector<16xf32>
    %get3A_2561 = arith.constant 10 : i32
    %get3A_2562 = arith.index_cast %get3A_2561 : i32 to index
    %get3A_2563 = arith.constant 80 : index
    %get3A_2564 = tpu.vector_load %arg6[%get3A_2562, %get3A_2563] {strides = array<i32>} : memref<16x256xf32, #tpu.memory_space<vmem>>, vector<1x16xf32>,
    %get3A_2565 = vector.shape_cast %get3A_2564 : vector<1x16xf32> to vector<16xf32>
    %mul3A_2566 = arith.mulf %get3A_2560, %get3A_2565 : vector<16xf32>
    %add3A_2567 = arith.addf %add3A_2555, %mul3A_2566 : vector<16xf32>
    %get3A_2568 = arith.constant 10 : i32
    %get3A_2569 = arith.index_cast %get3A_2568 : i32 to index
    %get3A_2570 = arith.constant 96 : index
    %get3A_2571 = tpu.vector_load %arg5[%get3A_2569, %get3A_2570] {strides = array<i32>} : memref<16x256xf32, #tpu.memory_space<vmem>>, vector<1x16xf32>,
    %get3A_2572 = vector.shape_cast %get3A_2571 : vector<1x16xf32> to vector<16xf32>
    %get3A_2573 = arith.constant 10 : i32
    %get3A_2574 = arith.index_cast %get3A_2573 : i32 to index
    %get3A_2575 = arith.constant 96 : index
    %get3A_2576 = tpu.vector_load %arg6[%get3A_2574, %get3A_2575] {strides = array<i32>} : memref<16x256xf32, #tpu.memory_space<vmem>>, vector<1x16xf32>,
    %get3A_2577 = vector.shape_cast %get3A_2576 : vector<1x16xf32> to vector<16xf32>
    %mul3A_2578 = arith.mulf %get3A_2572, %get3A_2577 : vector<16xf32>
    %add3A_2579 = arith.addf %add3A_2567, %mul3A_2578 : vector<16xf32>
    %get3A_2580 = arith.constant 10 : i32
    %get3A_2581 = arith.index_cast %get3A_2580 : i32 to index
    %get3A_2582 = arith.constant 112 : index
    %get3A_2583 = tpu.vector_load %arg5[%get3A_2581, %get3A_2582] {strides = array<i32>} : memref<16x256xf32, #tpu.memory_space<vmem>>, vector<1x16xf32>,
    %get3A_2584 = vector.shape_cast %get3A_2583 : vector<1x16xf32> to vector<16xf32>
    %get3A_2585 = arith.constant 10 : i32
    %get3A_2586 = arith.index_cast %get3A_2585 : i32 to index
    %get3A_2587 = arith.constant 112 : index
    %get3A_2588 = tpu.vector_load %arg6[%get3A_2586, %get3A_2587] {strides = array<i32>} : memref<16x256xf32, #tpu.memory_space<vmem>>, vector<1x16xf32>,
    %get3A_2589 = vector.shape_cast %get3A_2588 : vector<1x16xf32> to vector<16xf32>
    %mul3A_2590 = arith.mulf %get3A_2584, %get3A_2589 : vector<16xf32>
    %add3A_2591 = arith.addf %add3A_2579, %mul3A_2590 : vector<16xf32>
    %get3A_2592 = arith.constant 10 : i32
    %get3A_2593 = arith.index_cast %get3A_2592 : i32 to index
    %get3A_2594 = arith.constant 128 : index
    %get3A_2595 = tpu.vector_load %arg5[%get3A_2593, %get3A_2594] {strides = array<i32>} : memref<16x256xf32, #tpu.memory_space<vmem>>, vector<1x16xf32>,
    %get3A_2596 = vector.shape_cast %get3A_2595 : vector<1x16xf32> to vector<16xf32>
    %get3A_2597 = arith.constant 10 : i32
    %get3A_2598 = arith.index_cast %get3A_2597 : i32 to index
    %get3A_2599 = arith.constant 128 : index
    %get3A_2600 = tpu.vector_load %arg6[%get3A_2598, %get3A_2599] {strides = array<i32>} : memref<16x256xf32, #tpu.memory_space<vmem>>, vector<1x16xf32>,
    %get3A_2601 = vector.shape_cast %get3A_2600 : vector<1x16xf32> to vector<16xf32>
    %mul3A_2602 = arith.mulf %get3A_2596, %get3A_2601 : vector<16xf32>
    %add3A_2603 = arith.addf %add3A_2591, %mul3A_2602 : vector<16xf32>
    %get3A_2604 = arith.constant 10 : i32
    %get3A_2605 = arith.index_cast %get3A_2604 : i32 to index
    %get3A_2606 = arith.constant 144 : index
    %get3A_2607 = tpu.vector_load %arg5[%get3A_2605, %get3A_2606] {strides = array<i32>} : memref<16x256xf32, #tpu.memory_space<vmem>>, vector<1x16xf32>,
    %get3A_2608 = vector.shape_cast %get3A_2607 : vector<1x16xf32> to vector<16xf32>
    %get3A_2609 = arith.constant 10 : i32
    %get3A_2610 = arith.index_cast %get3A_2609 : i32 to index
    %get3A_2611 = arith.constant 144 : index
    %get3A_2612 = tpu.vector_load %arg6[%get3A_2610, %get3A_2611] {strides = array<i32>} : memref<16x256xf32, #tpu.memory_space<vmem>>, vector<1x16xf32>,
    %get3A_2613 = vector.shape_cast %get3A_2612 : vector<1x16xf32> to vector<16xf32>
    %mul3A_2614 = arith.mulf %get3A_2608, %get3A_2613 : vector<16xf32>
    %add3A_2615 = arith.addf %add3A_2603, %mul3A_2614 : vector<16xf32>
    %get3A_2616 = arith.constant 10 : i32
    %get3A_2617 = arith.index_cast %get3A_2616 : i32 to index
    %get3A_2618 = arith.constant 160 : index
    %get3A_2619 = tpu.vector_load %arg5[%get3A_2617, %get3A_2618] {strides = array<i32>} : memref<16x256xf32, #tpu.memory_space<vmem>>, vector<1x16xf32>,
    %get3A_2620 = vector.shape_cast %get3A_2619 : vector<1x16xf32> to vector<16xf32>
    %get3A_2621 = arith.constant 10 : i32
    %get3A_2622 = arith.index_cast %get3A_2621 : i32 to index
    %get3A_2623 = arith.constant 160 : index
    %get3A_2624 = tpu.vector_load %arg6[%get3A_2622, %get3A_2623] {strides = array<i32>} : memref<16x256xf32, #tpu.memory_space<vmem>>, vector<1x16xf32>,
    %get3A_2625 = vector.shape_cast %get3A_2624 : vector<1x16xf32> to vector<16xf32>
    %mul3A_2626 = arith.mulf %get3A_2620, %get3A_2625 : vector<16xf32>
    %add3A_2627 = arith.addf %add3A_2615, %mul3A_2626 : vector<16xf32>
    %get3A_2628 = arith.constant 10 : i32
    %get3A_2629 = arith.index_cast %get3A_2628 : i32 to index
    %get3A_2630 = arith.constant 176 : index
    %get3A_2631 = tpu.vector_load %arg5[%get3A_2629, %get3A_2630] {strides = array<i32>} : memref<16x256xf32, #tpu.memory_space<vmem>>, vector<1x16xf32>,
    %get3A_2632 = vector.shape_cast %get3A_2631 : vector<1x16xf32> to vector<16xf32>
    %get3A_2633 = arith.constant 10 : i32
    %get3A_2634 = arith.index_cast %get3A_2633 : i32 to index
    %get3A_2635 = arith.constant 176 : index
    %get3A_2636 = tpu.vector_load %arg6[%get3A_2634, %get3A_2635] {strides = array<i32>} : memref<16x256xf32, #tpu.memory_space<vmem>>, vector<1x16xf32>,
    %get3A_2637 = vector.shape_cast %get3A_2636 : vector<1x16xf32> to vector<16xf32>
    %mul3A_2638 = arith.mulf %get3A_2632, %get3A_2637 : vector<16xf32>
    %add3A_2639 = arith.addf %add3A_2627, %mul3A_2638 : vector<16xf32>
    %get3A_2640 = arith.constant 10 : i32
    %get3A_2641 = arith.index_cast %get3A_2640 : i32 to index
    %get3A_2642 = arith.constant 192 : index
    %get3A_2643 = tpu.vector_load %arg5[%get3A_2641, %get3A_2642] {strides = array<i32>} : memref<16x256xf32, #tpu.memory_space<vmem>>, vector<1x16xf32>,
    %get3A_2644 = vector.shape_cast %get3A_2643 : vector<1x16xf32> to vector<16xf32>
    %get3A_2645 = arith.constant 10 : i32
    %get3A_2646 = arith.index_cast %get3A_2645 : i32 to index
    %get3A_2647 = arith.constant 192 : index
    %get3A_2648 = tpu.vector_load %arg6[%get3A_2646, %get3A_2647] {strides = array<i32>} : memref<16x256xf32, #tpu.memory_space<vmem>>, vector<1x16xf32>,
    %get3A_2649 = vector.shape_cast %get3A_2648 : vector<1x16xf32> to vector<16xf32>
    %mul3A_2650 = arith.mulf %get3A_2644, %get3A_2649 : vector<16xf32>
    %add3A_2651 = arith.addf %add3A_2639, %mul3A_2650 : vector<16xf32>
    %get3A_2652 = arith.constant 10 : i32
    %get3A_2653 = arith.index_cast %get3A_2652 : i32 to index
    %get3A_2654 = arith.constant 208 : index
    %get3A_2655 = tpu.vector_load %arg5[%get3A_2653, %get3A_2654] {strides = array<i32>} : memref<16x256xf32, #tpu.memory_space<vmem>>, vector<1x16xf32>,
    %get3A_2656 = vector.shape_cast %get3A_2655 : vector<1x16xf32> to vector<16xf32>
    %get3A_2657 = arith.constant 10 : i32
    %get3A_2658 = arith.index_cast %get3A_2657 : i32 to index
    %get3A_2659 = arith.constant 208 : index
    %get3A_2660 = tpu.vector_load %arg6[%get3A_2658, %get3A_2659] {strides = array<i32>} : memref<16x256xf32, #tpu.memory_space<vmem>>, vector<1x16xf32>,
    %get3A_2661 = vector.shape_cast %get3A_2660 : vector<1x16xf32> to vector<16xf32>
    %mul3A_2662 = arith.mulf %get3A_2656, %get3A_2661 : vector<16xf32>
    %add3A_2663 = arith.addf %add3A_2651, %mul3A_2662 : vector<16xf32>
    %get3A_2664 = arith.constant 10 : i32
    %get3A_2665 = arith.index_cast %get3A_2664 : i32 to index
    %get3A_2666 = arith.constant 224 : index
    %get3A_2667 = tpu.vector_load %arg5[%get3A_2665, %get3A_2666] {strides = array<i32>} : memref<16x256xf32, #tpu.memory_space<vmem>>, vector<1x16xf32>,
    %get3A_2668 = vector.shape_cast %get3A_2667 : vector<1x16xf32> to vector<16xf32>
    %get3A_2669 = arith.constant 10 : i32
    %get3A_2670 = arith.index_cast %get3A_2669 : i32 to index
    %get3A_2671 = arith.constant 224 : index
    %get3A_2672 = tpu.vector_load %arg6[%get3A_2670, %get3A_2671] {strides = array<i32>} : memref<16x256xf32, #tpu.memory_space<vmem>>, vector<1x16xf32>,
    %get3A_2673 = vector.shape_cast %get3A_2672 : vector<1x16xf32> to vector<16xf32>
    %mul3A_2674 = arith.mulf %get3A_2668, %get3A_2673 : vector<16xf32>
    %add3A_2675 = arith.addf %add3A_2663, %mul3A_2674 : vector<16xf32>
    %get3A_2676 = arith.constant 10 : i32
    %get3A_2677 = arith.index_cast %get3A_2676 : i32 to index
    %get3A_2678 = arith.constant 240 : index
    %get3A_2679 = tpu.vector_load %arg5[%get3A_2677, %get3A_2678] {strides = array<i32>} : memref<16x256xf32, #tpu.memory_space<vmem>>, vector<1x16xf32>,
    %get3A_2680 = vector.shape_cast %get3A_2679 : vector<1x16xf32> to vector<16xf32>
    %get3A_2681 = arith.constant 10 : i32
    %get3A_2682 = arith.index_cast %get3A_2681 : i32 to index
    %get3A_2683 = arith.constant 240 : index
    %get3A_2684 = tpu.vector_load %arg6[%get3A_2682, %get3A_2683] {strides = array<i32>} : memref<16x256xf32, #tpu.memory_space<vmem>>, vector<1x16xf32>,
    %get3A_2685 = vector.shape_cast %get3A_2684 : vector<1x16xf32> to vector<16xf32>
    %mul3A_2686 = arith.mulf %get3A_2680, %get3A_2685 : vector<16xf32>
    %add3A_2687 = arith.addf %add3A_2675, %mul3A_2686 : vector<16xf32>
    %xor3A_2688 = arith.constant 8 : i32
    %xor3A_2689 = vector.broadcast %xor3A_2688 : i32 to vector<16xi32>
    %xor3A_2690 = arith.xori %iota3A, %xor3A_2689 : vector<16xi32>
    %reshape3A_2691 = vector.shape_cast %xor3A_2690 : vector<16xi32> to vector<16x1xi32>
    %gather3A_2692 = vector.shape_cast %reshape3A_2691 : vector<16x1xi32> to vector<16xi32>
    %gather3A_2693 = tpu.dynamic_gather %add3A_2687[%gather3A_2692] in [0] : vector<16xf32>, vector<16xi32> -> vector<16xf32>
    %add3A_2694 = arith.addf %add3A_2687, %gather3A_2693 : vector<16xf32>
    %xor3A_2695 = arith.constant 4 : i32
    %xor3A_2696 = vector.broadcast %xor3A_2695 : i32 to vector<16xi32>
    %xor3A_2697 = arith.xori %iota3A, %xor3A_2696 : vector<16xi32>
    %reshape3A_2698 = vector.shape_cast %xor3A_2697 : vector<16xi32> to vector<16x1xi32>
    %gather3A_2699 = vector.shape_cast %reshape3A_2698 : vector<16x1xi32> to vector<16xi32>
    %gather3A_2700 = tpu.dynamic_gather %add3A_2694[%gather3A_2699] in [0] : vector<16xf32>, vector<16xi32> -> vector<16xf32>
    %add3A_2701 = arith.addf %add3A_2694, %gather3A_2700 : vector<16xf32>
    %xor3A_2702 = arith.constant 2 : i32
    %xor3A_2703 = vector.broadcast %xor3A_2702 : i32 to vector<16xi32>
    %xor3A_2704 = arith.xori %iota3A, %xor3A_2703 : vector<16xi32>
    %reshape3A_2705 = vector.shape_cast %xor3A_2704 : vector<16xi32> to vector<16x1xi32>
    %gather3A_2706 = vector.shape_cast %reshape3A_2705 : vector<16x1xi32> to vector<16xi32>
    %gather3A_2707 = tpu.dynamic_gather %add3A_2701[%gather3A_2706] in [0] : vector<16xf32>, vector<16xi32> -> vector<16xf32>
    %add3A_2708 = arith.addf %add3A_2701, %gather3A_2707 : vector<16xf32>
    %xor3A_2709 = arith.constant 1 : i32
    %xor3A_2710 = vector.broadcast %xor3A_2709 : i32 to vector<16xi32>
    %xor3A_2711 = arith.xori %iota3A, %xor3A_2710 : vector<16xi32>
    %reshape3A_2712 = vector.shape_cast %xor3A_2711 : vector<16xi32> to vector<16x1xi32>
    %gather3A_2713 = vector.shape_cast %reshape3A_2712 : vector<16x1xi32> to vector<16xi32>
    %gather3A_2714 = tpu.dynamic_gather %add3A_2708[%gather3A_2713] in [0] : vector<16xf32>, vector<16xi32> -> vector<16xf32>
    %add3A_2715 = arith.addf %add3A_2708, %gather3A_2714 : vector<16xf32>
    %broadcast_in_dim3A_2716 = arith.constant 10 : i32
    %broadcast_in_dim3A_2717 = vector.broadcast %broadcast_in_dim3A_2716 : i32 to vector<16xi32>
    %reshape3A_2718 = vector.shape_cast %broadcast_in_dim3A_2717 : vector<16xi32> to vector<16x1xi32>
    %gather3A_2719 = vector.shape_cast %reshape3A_2718 : vector<16x1xi32> to vector<16xi32>
    %gather3A_2720 = tpu.dynamic_gather %add3A_167[%gather3A_2719] in [0] : vector<16xi32>, vector<16xi32> -> vector<16xi32>
    %eq3A_2721 = arith.cmpi eq, %iota3A, %gather3A_2720 : vector<16xi32>
    %jit3A_2722 = arith.constant -1.000000e+30 : f32
    %broadcast_in_dim3A_2723 = vector.broadcast %jit3A_2722 : f32 to vector<16xf32>
    %select_n3A_2724 = arith.select %eq3A_2721, %add3A_2715, %broadcast_in_dim3A_2723 : vector<16xi1>, vector<16xf32>
    %max3A_2725 = arith.maximumf %max3A_2493, %select_n3A_2724 : vector<16xf32>
    %broadcast_in_dim3A_2726 = arith.constant 0.000000e+00 : f32
    %broadcast_in_dim3A_2727 = vector.broadcast %broadcast_in_dim3A_2726 : f32 to vector<16xf32>
    %get3A_2728 = arith.constant 11 : i32
    %get3A_2729 = arith.index_cast %get3A_2728 : i32 to index
    %get3A_2730 = arith.constant 0 : index
    %get3A_2731 = tpu.vector_load %arg5[%get3A_2729, %get3A_2730] {strides = array<i32>} : memref<16x256xf32, #tpu.memory_space<vmem>>, vector<1x16xf32>,
    %get3A_2732 = vector.shape_cast %get3A_2731 : vector<1x16xf32> to vector<16xf32>
    %get3A_2733 = arith.constant 11 : i32
    %get3A_2734 = arith.index_cast %get3A_2733 : i32 to index
    %get3A_2735 = arith.constant 0 : index
    %get3A_2736 = tpu.vector_load %arg6[%get3A_2734, %get3A_2735] {strides = array<i32>} : memref<16x256xf32, #tpu.memory_space<vmem>>, vector<1x16xf32>,
    %get3A_2737 = vector.shape_cast %get3A_2736 : vector<1x16xf32> to vector<16xf32>
    %mul3A_2738 = arith.mulf %get3A_2732, %get3A_2737 : vector<16xf32>
    %add3A_2739 = arith.addf %broadcast_in_dim3A_2727, %mul3A_2738 : vector<16xf32>
    %get3A_2740 = arith.constant 11 : i32
    %get3A_2741 = arith.index_cast %get3A_2740 : i32 to index
    %get3A_2742 = arith.constant 16 : index
    %get3A_2743 = tpu.vector_load %arg5[%get3A_2741, %get3A_2742] {strides = array<i32>} : memref<16x256xf32, #tpu.memory_space<vmem>>, vector<1x16xf32>,
    %get3A_2744 = vector.shape_cast %get3A_2743 : vector<1x16xf32> to vector<16xf32>
    %get3A_2745 = arith.constant 11 : i32
    %get3A_2746 = arith.index_cast %get3A_2745 : i32 to index
    %get3A_2747 = arith.constant 16 : index
    %get3A_2748 = tpu.vector_load %arg6[%get3A_2746, %get3A_2747] {strides = array<i32>} : memref<16x256xf32, #tpu.memory_space<vmem>>, vector<1x16xf32>,
    %get3A_2749 = vector.shape_cast %get3A_2748 : vector<1x16xf32> to vector<16xf32>
    %mul3A_2750 = arith.mulf %get3A_2744, %get3A_2749 : vector<16xf32>
    %add3A_2751 = arith.addf %add3A_2739, %mul3A_2750 : vector<16xf32>
    %get3A_2752 = arith.constant 11 : i32
    %get3A_2753 = arith.index_cast %get3A_2752 : i32 to index
    %get3A_2754 = arith.constant 32 : index
    %get3A_2755 = tpu.vector_load %arg5[%get3A_2753, %get3A_2754] {strides = array<i32>} : memref<16x256xf32, #tpu.memory_space<vmem>>, vector<1x16xf32>,
    %get3A_2756 = vector.shape_cast %get3A_2755 : vector<1x16xf32> to vector<16xf32>
    %get3A_2757 = arith.constant 11 : i32
    %get3A_2758 = arith.index_cast %get3A_2757 : i32 to index
    %get3A_2759 = arith.constant 32 : index
    %get3A_2760 = tpu.vector_load %arg6[%get3A_2758, %get3A_2759] {strides = array<i32>} : memref<16x256xf32, #tpu.memory_space<vmem>>, vector<1x16xf32>,
    %get3A_2761 = vector.shape_cast %get3A_2760 : vector<1x16xf32> to vector<16xf32>
    %mul3A_2762 = arith.mulf %get3A_2756, %get3A_2761 : vector<16xf32>
    %add3A_2763 = arith.addf %add3A_2751, %mul3A_2762 : vector<16xf32>
    %get3A_2764 = arith.constant 11 : i32
    %get3A_2765 = arith.index_cast %get3A_2764 : i32 to index
    %get3A_2766 = arith.constant 48 : index
    %get3A_2767 = tpu.vector_load %arg5[%get3A_2765, %get3A_2766] {strides = array<i32>} : memref<16x256xf32, #tpu.memory_space<vmem>>, vector<1x16xf32>,
    %get3A_2768 = vector.shape_cast %get3A_2767 : vector<1x16xf32> to vector<16xf32>
    %get3A_2769 = arith.constant 11 : i32
    %get3A_2770 = arith.index_cast %get3A_2769 : i32 to index
    %get3A_2771 = arith.constant 48 : index
    %get3A_2772 = tpu.vector_load %arg6[%get3A_2770, %get3A_2771] {strides = array<i32>} : memref<16x256xf32, #tpu.memory_space<vmem>>, vector<1x16xf32>,
    %get3A_2773 = vector.shape_cast %get3A_2772 : vector<1x16xf32> to vector<16xf32>
    %mul3A_2774 = arith.mulf %get3A_2768, %get3A_2773 : vector<16xf32>
    %add3A_2775 = arith.addf %add3A_2763, %mul3A_2774 : vector<16xf32>
    %get3A_2776 = arith.constant 11 : i32
    %get3A_2777 = arith.index_cast %get3A_2776 : i32 to index
    %get3A_2778 = arith.constant 64 : index
    %get3A_2779 = tpu.vector_load %arg5[%get3A_2777, %get3A_2778] {strides = array<i32>} : memref<16x256xf32, #tpu.memory_space<vmem>>, vector<1x16xf32>,
    %get3A_2780 = vector.shape_cast %get3A_2779 : vector<1x16xf32> to vector<16xf32>
    %get3A_2781 = arith.constant 11 : i32
    %get3A_2782 = arith.index_cast %get3A_2781 : i32 to index
    %get3A_2783 = arith.constant 64 : index
    %get3A_2784 = tpu.vector_load %arg6[%get3A_2782, %get3A_2783] {strides = array<i32>} : memref<16x256xf32, #tpu.memory_space<vmem>>, vector<1x16xf32>,
    %get3A_2785 = vector.shape_cast %get3A_2784 : vector<1x16xf32> to vector<16xf32>
    %mul3A_2786 = arith.mulf %get3A_2780, %get3A_2785 : vector<16xf32>
    %add3A_2787 = arith.addf %add3A_2775, %mul3A_2786 : vector<16xf32>
    %get3A_2788 = arith.constant 11 : i32
    %get3A_2789 = arith.index_cast %get3A_2788 : i32 to index
    %get3A_2790 = arith.constant 80 : index
    %get3A_2791 = tpu.vector_load %arg5[%get3A_2789, %get3A_2790] {strides = array<i32>} : memref<16x256xf32, #tpu.memory_space<vmem>>, vector<1x16xf32>,
    %get3A_2792 = vector.shape_cast %get3A_2791 : vector<1x16xf32> to vector<16xf32>
    %get3A_2793 = arith.constant 11 : i32
    %get3A_2794 = arith.index_cast %get3A_2793 : i32 to index
    %get3A_2795 = arith.constant 80 : index
    %get3A_2796 = tpu.vector_load %arg6[%get3A_2794, %get3A_2795] {strides = array<i32>} : memref<16x256xf32, #tpu.memory_space<vmem>>, vector<1x16xf32>,
    %get3A_2797 = vector.shape_cast %get3A_2796 : vector<1x16xf32> to vector<16xf32>
    %mul3A_2798 = arith.mulf %get3A_2792, %get3A_2797 : vector<16xf32>
    %add3A_2799 = arith.addf %add3A_2787, %mul3A_2798 : vector<16xf32>
    %get3A_2800 = arith.constant 11 : i32
    %get3A_2801 = arith.index_cast %get3A_2800 : i32 to index
    %get3A_2802 = arith.constant 96 : index
    %get3A_2803 = tpu.vector_load %arg5[%get3A_2801, %get3A_2802] {strides = array<i32>} : memref<16x256xf32, #tpu.memory_space<vmem>>, vector<1x16xf32>,
    %get3A_2804 = vector.shape_cast %get3A_2803 : vector<1x16xf32> to vector<16xf32>
    %get3A_2805 = arith.constant 11 : i32
    %get3A_2806 = arith.index_cast %get3A_2805 : i32 to index
    %get3A_2807 = arith.constant 96 : index
    %get3A_2808 = tpu.vector_load %arg6[%get3A_2806, %get3A_2807] {strides = array<i32>} : memref<16x256xf32, #tpu.memory_space<vmem>>, vector<1x16xf32>,
    %get3A_2809 = vector.shape_cast %get3A_2808 : vector<1x16xf32> to vector<16xf32>
    %mul3A_2810 = arith.mulf %get3A_2804, %get3A_2809 : vector<16xf32>
    %add3A_2811 = arith.addf %add3A_2799, %mul3A_2810 : vector<16xf32>
    %get3A_2812 = arith.constant 11 : i32
    %get3A_2813 = arith.index_cast %get3A_2812 : i32 to index
    %get3A_2814 = arith.constant 112 : index
    %get3A_2815 = tpu.vector_load %arg5[%get3A_2813, %get3A_2814] {strides = array<i32>} : memref<16x256xf32, #tpu.memory_space<vmem>>, vector<1x16xf32>,
    %get3A_2816 = vector.shape_cast %get3A_2815 : vector<1x16xf32> to vector<16xf32>
    %get3A_2817 = arith.constant 11 : i32
    %get3A_2818 = arith.index_cast %get3A_2817 : i32 to index
    %get3A_2819 = arith.constant 112 : index
    %get3A_2820 = tpu.vector_load %arg6[%get3A_2818, %get3A_2819] {strides = array<i32>} : memref<16x256xf32, #tpu.memory_space<vmem>>, vector<1x16xf32>,
    %get3A_2821 = vector.shape_cast %get3A_2820 : vector<1x16xf32> to vector<16xf32>
    %mul3A_2822 = arith.mulf %get3A_2816, %get3A_2821 : vector<16xf32>
    %add3A_2823 = arith.addf %add3A_2811, %mul3A_2822 : vector<16xf32>
    %get3A_2824 = arith.constant 11 : i32
    %get3A_2825 = arith.index_cast %get3A_2824 : i32 to index
    %get3A_2826 = arith.constant 128 : index
    %get3A_2827 = tpu.vector_load %arg5[%get3A_2825, %get3A_2826] {strides = array<i32>} : memref<16x256xf32, #tpu.memory_space<vmem>>, vector<1x16xf32>,
    %get3A_2828 = vector.shape_cast %get3A_2827 : vector<1x16xf32> to vector<16xf32>
    %get3A_2829 = arith.constant 11 : i32
    %get3A_2830 = arith.index_cast %get3A_2829 : i32 to index
    %get3A_2831 = arith.constant 128 : index
    %get3A_2832 = tpu.vector_load %arg6[%get3A_2830, %get3A_2831] {strides = array<i32>} : memref<16x256xf32, #tpu.memory_space<vmem>>, vector<1x16xf32>,
    %get3A_2833 = vector.shape_cast %get3A_2832 : vector<1x16xf32> to vector<16xf32>
    %mul3A_2834 = arith.mulf %get3A_2828, %get3A_2833 : vector<16xf32>
    %add3A_2835 = arith.addf %add3A_2823, %mul3A_2834 : vector<16xf32>
    %get3A_2836 = arith.constant 11 : i32
    %get3A_2837 = arith.index_cast %get3A_2836 : i32 to index
    %get3A_2838 = arith.constant 144 : index
    %get3A_2839 = tpu.vector_load %arg5[%get3A_2837, %get3A_2838] {strides = array<i32>} : memref<16x256xf32, #tpu.memory_space<vmem>>, vector<1x16xf32>,
    %get3A_2840 = vector.shape_cast %get3A_2839 : vector<1x16xf32> to vector<16xf32>
    %get3A_2841 = arith.constant 11 : i32
    %get3A_2842 = arith.index_cast %get3A_2841 : i32 to index
    %get3A_2843 = arith.constant 144 : index
    %get3A_2844 = tpu.vector_load %arg6[%get3A_2842, %get3A_2843] {strides = array<i32>} : memref<16x256xf32, #tpu.memory_space<vmem>>, vector<1x16xf32>,
    %get3A_2845 = vector.shape_cast %get3A_2844 : vector<1x16xf32> to vector<16xf32>
    %mul3A_2846 = arith.mulf %get3A_2840, %get3A_2845 : vector<16xf32>
    %add3A_2847 = arith.addf %add3A_2835, %mul3A_2846 : vector<16xf32>
    %get3A_2848 = arith.constant 11 : i32
    %get3A_2849 = arith.index_cast %get3A_2848 : i32 to index
    %get3A_2850 = arith.constant 160 : index
    %get3A_2851 = tpu.vector_load %arg5[%get3A_2849, %get3A_2850] {strides = array<i32>} : memref<16x256xf32, #tpu.memory_space<vmem>>, vector<1x16xf32>,
    %get3A_2852 = vector.shape_cast %get3A_2851 : vector<1x16xf32> to vector<16xf32>
    %get3A_2853 = arith.constant 11 : i32
    %get3A_2854 = arith.index_cast %get3A_2853 : i32 to index
    %get3A_2855 = arith.constant 160 : index
    %get3A_2856 = tpu.vector_load %arg6[%get3A_2854, %get3A_2855] {strides = array<i32>} : memref<16x256xf32, #tpu.memory_space<vmem>>, vector<1x16xf32>,
    %get3A_2857 = vector.shape_cast %get3A_2856 : vector<1x16xf32> to vector<16xf32>
    %mul3A_2858 = arith.mulf %get3A_2852, %get3A_2857 : vector<16xf32>
    %add3A_2859 = arith.addf %add3A_2847, %mul3A_2858 : vector<16xf32>
    %get3A_2860 = arith.constant 11 : i32
    %get3A_2861 = arith.index_cast %get3A_2860 : i32 to index
    %get3A_2862 = arith.constant 176 : index
    %get3A_2863 = tpu.vector_load %arg5[%get3A_2861, %get3A_2862] {strides = array<i32>} : memref<16x256xf32, #tpu.memory_space<vmem>>, vector<1x16xf32>,
    %get3A_2864 = vector.shape_cast %get3A_2863 : vector<1x16xf32> to vector<16xf32>
    %get3A_2865 = arith.constant 11 : i32
    %get3A_2866 = arith.index_cast %get3A_2865 : i32 to index
    %get3A_2867 = arith.constant 176 : index
    %get3A_2868 = tpu.vector_load %arg6[%get3A_2866, %get3A_2867] {strides = array<i32>} : memref<16x256xf32, #tpu.memory_space<vmem>>, vector<1x16xf32>,
    %get3A_2869 = vector.shape_cast %get3A_2868 : vector<1x16xf32> to vector<16xf32>
    %mul3A_2870 = arith.mulf %get3A_2864, %get3A_2869 : vector<16xf32>
    %add3A_2871 = arith.addf %add3A_2859, %mul3A_2870 : vector<16xf32>
    %get3A_2872 = arith.constant 11 : i32
    %get3A_2873 = arith.index_cast %get3A_2872 : i32 to index
    %get3A_2874 = arith.constant 192 : index
    %get3A_2875 = tpu.vector_load %arg5[%get3A_2873, %get3A_2874] {strides = array<i32>} : memref<16x256xf32, #tpu.memory_space<vmem>>, vector<1x16xf32>,
    %get3A_2876 = vector.shape_cast %get3A_2875 : vector<1x16xf32> to vector<16xf32>
    %get3A_2877 = arith.constant 11 : i32
    %get3A_2878 = arith.index_cast %get3A_2877 : i32 to index
    %get3A_2879 = arith.constant 192 : index
    %get3A_2880 = tpu.vector_load %arg6[%get3A_2878, %get3A_2879] {strides = array<i32>} : memref<16x256xf32, #tpu.memory_space<vmem>>, vector<1x16xf32>,
    %get3A_2881 = vector.shape_cast %get3A_2880 : vector<1x16xf32> to vector<16xf32>
    %mul3A_2882 = arith.mulf %get3A_2876, %get3A_2881 : vector<16xf32>
    %add3A_2883 = arith.addf %add3A_2871, %mul3A_2882 : vector<16xf32>
    %get3A_2884 = arith.constant 11 : i32
    %get3A_2885 = arith.index_cast %get3A_2884 : i32 to index
    %get3A_2886 = arith.constant 208 : index
    %get3A_2887 = tpu.vector_load %arg5[%get3A_2885, %get3A_2886] {strides = array<i32>} : memref<16x256xf32, #tpu.memory_space<vmem>>, vector<1x16xf32>,
    %get3A_2888 = vector.shape_cast %get3A_2887 : vector<1x16xf32> to vector<16xf32>
    %get3A_2889 = arith.constant 11 : i32
    %get3A_2890 = arith.index_cast %get3A_2889 : i32 to index
    %get3A_2891 = arith.constant 208 : index
    %get3A_2892 = tpu.vector_load %arg6[%get3A_2890, %get3A_2891] {strides = array<i32>} : memref<16x256xf32, #tpu.memory_space<vmem>>, vector<1x16xf32>,
    %get3A_2893 = vector.shape_cast %get3A_2892 : vector<1x16xf32> to vector<16xf32>
    %mul3A_2894 = arith.mulf %get3A_2888, %get3A_2893 : vector<16xf32>
    %add3A_2895 = arith.addf %add3A_2883, %mul3A_2894 : vector<16xf32>
    %get3A_2896 = arith.constant 11 : i32
    %get3A_2897 = arith.index_cast %get3A_2896 : i32 to index
    %get3A_2898 = arith.constant 224 : index
    %get3A_2899 = tpu.vector_load %arg5[%get3A_2897, %get3A_2898] {strides = array<i32>} : memref<16x256xf32, #tpu.memory_space<vmem>>, vector<1x16xf32>,
    %get3A_2900 = vector.shape_cast %get3A_2899 : vector<1x16xf32> to vector<16xf32>
    %get3A_2901 = arith.constant 11 : i32
    %get3A_2902 = arith.index_cast %get3A_2901 : i32 to index
    %get3A_2903 = arith.constant 224 : index
    %get3A_2904 = tpu.vector_load %arg6[%get3A_2902, %get3A_2903] {strides = array<i32>} : memref<16x256xf32, #tpu.memory_space<vmem>>, vector<1x16xf32>,
    %get3A_2905 = vector.shape_cast %get3A_2904 : vector<1x16xf32> to vector<16xf32>
    %mul3A_2906 = arith.mulf %get3A_2900, %get3A_2905 : vector<16xf32>
    %add3A_2907 = arith.addf %add3A_2895, %mul3A_2906 : vector<16xf32>
    %get3A_2908 = arith.constant 11 : i32
    %get3A_2909 = arith.index_cast %get3A_2908 : i32 to index
    %get3A_2910 = arith.constant 240 : index
    %get3A_2911 = tpu.vector_load %arg5[%get3A_2909, %get3A_2910] {strides = array<i32>} : memref<16x256xf32, #tpu.memory_space<vmem>>, vector<1x16xf32>,
    %get3A_2912 = vector.shape_cast %get3A_2911 : vector<1x16xf32> to vector<16xf32>
    %get3A_2913 = arith.constant 11 : i32
    %get3A_2914 = arith.index_cast %get3A_2913 : i32 to index
    %get3A_2915 = arith.constant 240 : index
    %get3A_2916 = tpu.vector_load %arg6[%get3A_2914, %get3A_2915] {strides = array<i32>} : memref<16x256xf32, #tpu.memory_space<vmem>>, vector<1x16xf32>,
    %get3A_2917 = vector.shape_cast %get3A_2916 : vector<1x16xf32> to vector<16xf32>
    %mul3A_2918 = arith.mulf %get3A_2912, %get3A_2917 : vector<16xf32>
    %add3A_2919 = arith.addf %add3A_2907, %mul3A_2918 : vector<16xf32>
    %xor3A_2920 = arith.constant 8 : i32
    %xor3A_2921 = vector.broadcast %xor3A_2920 : i32 to vector<16xi32>
    %xor3A_2922 = arith.xori %iota3A, %xor3A_2921 : vector<16xi32>
    %reshape3A_2923 = vector.shape_cast %xor3A_2922 : vector<16xi32> to vector<16x1xi32>
    %gather3A_2924 = vector.shape_cast %reshape3A_2923 : vector<16x1xi32> to vector<16xi32>
    %gather3A_2925 = tpu.dynamic_gather %add3A_2919[%gather3A_2924] in [0] : vector<16xf32>, vector<16xi32> -> vector<16xf32>
    %add3A_2926 = arith.addf %add3A_2919, %gather3A_2925 : vector<16xf32>
    %xor3A_2927 = arith.constant 4 : i32
    %xor3A_2928 = vector.broadcast %xor3A_2927 : i32 to vector<16xi32>
    %xor3A_2929 = arith.xori %iota3A, %xor3A_2928 : vector<16xi32>
    %reshape3A_2930 = vector.shape_cast %xor3A_2929 : vector<16xi32> to vector<16x1xi32>
    %gather3A_2931 = vector.shape_cast %reshape3A_2930 : vector<16x1xi32> to vector<16xi32>
    %gather3A_2932 = tpu.dynamic_gather %add3A_2926[%gather3A_2931] in [0] : vector<16xf32>, vector<16xi32> -> vector<16xf32>
    %add3A_2933 = arith.addf %add3A_2926, %gather3A_2932 : vector<16xf32>
    %xor3A_2934 = arith.constant 2 : i32
    %xor3A_2935 = vector.broadcast %xor3A_2934 : i32 to vector<16xi32>
    %xor3A_2936 = arith.xori %iota3A, %xor3A_2935 : vector<16xi32>
    %reshape3A_2937 = vector.shape_cast %xor3A_2936 : vector<16xi32> to vector<16x1xi32>
    %gather3A_2938 = vector.shape_cast %reshape3A_2937 : vector<16x1xi32> to vector<16xi32>
    %gather3A_2939 = tpu.dynamic_gather %add3A_2933[%gather3A_2938] in [0] : vector<16xf32>, vector<16xi32> -> vector<16xf32>
    %add3A_2940 = arith.addf %add3A_2933, %gather3A_2939 : vector<16xf32>
    %xor3A_2941 = arith.constant 1 : i32
    %xor3A_2942 = vector.broadcast %xor3A_2941 : i32 to vector<16xi32>
    %xor3A_2943 = arith.xori %iota3A, %xor3A_2942 : vector<16xi32>
    %reshape3A_2944 = vector.shape_cast %xor3A_2943 : vector<16xi32> to vector<16x1xi32>
    %gather3A_2945 = vector.shape_cast %reshape3A_2944 : vector<16x1xi32> to vector<16xi32>
    %gather3A_2946 = tpu.dynamic_gather %add3A_2940[%gather3A_2945] in [0] : vector<16xf32>, vector<16xi32> -> vector<16xf32>
    %add3A_2947 = arith.addf %add3A_2940, %gather3A_2946 : vector<16xf32>
    %broadcast_in_dim3A_2948 = arith.constant 11 : i32
    %broadcast_in_dim3A_2949 = vector.broadcast %broadcast_in_dim3A_2948 : i32 to vector<16xi32>
    %reshape3A_2950 = vector.shape_cast %broadcast_in_dim3A_2949 : vector<16xi32> to vector<16x1xi32>
    %gather3A_2951 = vector.shape_cast %reshape3A_2950 : vector<16x1xi32> to vector<16xi32>
    %gather3A_2952 = tpu.dynamic_gather %add3A_167[%gather3A_2951] in [0] : vector<16xi32>, vector<16xi32> -> vector<16xi32>
    %eq3A_2953 = arith.cmpi eq, %iota3A, %gather3A_2952 : vector<16xi32>
    %jit3A_2954 = arith.constant -1.000000e+30 : f32
    %broadcast_in_dim3A_2955 = vector.broadcast %jit3A_2954 : f32 to vector<16xf32>
    %select_n3A_2956 = arith.select %eq3A_2953, %add3A_2947, %broadcast_in_dim3A_2955 : vector<16xi1>, vector<16xf32>
    %max3A_2957 = arith.maximumf %max3A_2725, %select_n3A_2956 : vector<16xf32>
    %broadcast_in_dim3A_2958 = arith.constant 0.000000e+00 : f32
    %broadcast_in_dim3A_2959 = vector.broadcast %broadcast_in_dim3A_2958 : f32 to vector<16xf32>
    %get3A_2960 = arith.constant 12 : i32
    %get3A_2961 = arith.index_cast %get3A_2960 : i32 to index
    %get3A_2962 = arith.constant 0 : index
    %get3A_2963 = tpu.vector_load %arg5[%get3A_2961, %get3A_2962] {strides = array<i32>} : memref<16x256xf32, #tpu.memory_space<vmem>>, vector<1x16xf32>,
    %get3A_2964 = vector.shape_cast %get3A_2963 : vector<1x16xf32> to vector<16xf32>
    %get3A_2965 = arith.constant 12 : i32
    %get3A_2966 = arith.index_cast %get3A_2965 : i32 to index
    %get3A_2967 = arith.constant 0 : index
    %get3A_2968 = tpu.vector_load %arg6[%get3A_2966, %get3A_2967] {strides = array<i32>} : memref<16x256xf32, #tpu.memory_space<vmem>>, vector<1x16xf32>,
    %get3A_2969 = vector.shape_cast %get3A_2968 : vector<1x16xf32> to vector<16xf32>
    %mul3A_2970 = arith.mulf %get3A_2964, %get3A_2969 : vector<16xf32>
    %add3A_2971 = arith.addf %broadcast_in_dim3A_2959, %mul3A_2970 : vector<16xf32>
    %get3A_2972 = arith.constant 12 : i32
    %get3A_2973 = arith.index_cast %get3A_2972 : i32 to index
    %get3A_2974 = arith.constant 16 : index
    %get3A_2975 = tpu.vector_load %arg5[%get3A_2973, %get3A_2974] {strides = array<i32>} : memref<16x256xf32, #tpu.memory_space<vmem>>, vector<1x16xf32>,
    %get3A_2976 = vector.shape_cast %get3A_2975 : vector<1x16xf32> to vector<16xf32>
    %get3A_2977 = arith.constant 12 : i32
    %get3A_2978 = arith.index_cast %get3A_2977 : i32 to index
    %get3A_2979 = arith.constant 16 : index
    %get3A_2980 = tpu.vector_load %arg6[%get3A_2978, %get3A_2979] {strides = array<i32>} : memref<16x256xf32, #tpu.memory_space<vmem>>, vector<1x16xf32>,
    %get3A_2981 = vector.shape_cast %get3A_2980 : vector<1x16xf32> to vector<16xf32>
    %mul3A_2982 = arith.mulf %get3A_2976, %get3A_2981 : vector<16xf32>
    %add3A_2983 = arith.addf %add3A_2971, %mul3A_2982 : vector<16xf32>
    %get3A_2984 = arith.constant 12 : i32
    %get3A_2985 = arith.index_cast %get3A_2984 : i32 to index
    %get3A_2986 = arith.constant 32 : index
    %get3A_2987 = tpu.vector_load %arg5[%get3A_2985, %get3A_2986] {strides = array<i32>} : memref<16x256xf32, #tpu.memory_space<vmem>>, vector<1x16xf32>,
    %get3A_2988 = vector.shape_cast %get3A_2987 : vector<1x16xf32> to vector<16xf32>
    %get3A_2989 = arith.constant 12 : i32
    %get3A_2990 = arith.index_cast %get3A_2989 : i32 to index
    %get3A_2991 = arith.constant 32 : index
    %get3A_2992 = tpu.vector_load %arg6[%get3A_2990, %get3A_2991] {strides = array<i32>} : memref<16x256xf32, #tpu.memory_space<vmem>>, vector<1x16xf32>,
    %get3A_2993 = vector.shape_cast %get3A_2992 : vector<1x16xf32> to vector<16xf32>
    %mul3A_2994 = arith.mulf %get3A_2988, %get3A_2993 : vector<16xf32>
    %add3A_2995 = arith.addf %add3A_2983, %mul3A_2994 : vector<16xf32>
    %get3A_2996 = arith.constant 12 : i32
    %get3A_2997 = arith.index_cast %get3A_2996 : i32 to index
    %get3A_2998 = arith.constant 48 : index
    %get3A_2999 = tpu.vector_load %arg5[%get3A_2997, %get3A_2998] {strides = array<i32>} : memref<16x256xf32, #tpu.memory_space<vmem>>, vector<1x16xf32>,
    %get3A_3000 = vector.shape_cast %get3A_2999 : vector<1x16xf32> to vector<16xf32>
    %get3A_3001 = arith.constant 12 : i32
    %get3A_3002 = arith.index_cast %get3A_3001 : i32 to index
    %get3A_3003 = arith.constant 48 : index
    %get3A_3004 = tpu.vector_load %arg6[%get3A_3002, %get3A_3003] {strides = array<i32>} : memref<16x256xf32, #tpu.memory_space<vmem>>, vector<1x16xf32>,
    %get3A_3005 = vector.shape_cast %get3A_3004 : vector<1x16xf32> to vector<16xf32>
    %mul3A_3006 = arith.mulf %get3A_3000, %get3A_3005 : vector<16xf32>
    %add3A_3007 = arith.addf %add3A_2995, %mul3A_3006 : vector<16xf32>
    %get3A_3008 = arith.constant 12 : i32
    %get3A_3009 = arith.index_cast %get3A_3008 : i32 to index
    %get3A_3010 = arith.constant 64 : index
    %get3A_3011 = tpu.vector_load %arg5[%get3A_3009, %get3A_3010] {strides = array<i32>} : memref<16x256xf32, #tpu.memory_space<vmem>>, vector<1x16xf32>,
    %get3A_3012 = vector.shape_cast %get3A_3011 : vector<1x16xf32> to vector<16xf32>
    %get3A_3013 = arith.constant 12 : i32
    %get3A_3014 = arith.index_cast %get3A_3013 : i32 to index
    %get3A_3015 = arith.constant 64 : index
    %get3A_3016 = tpu.vector_load %arg6[%get3A_3014, %get3A_3015] {strides = array<i32>} : memref<16x256xf32, #tpu.memory_space<vmem>>, vector<1x16xf32>,
    %get3A_3017 = vector.shape_cast %get3A_3016 : vector<1x16xf32> to vector<16xf32>
    %mul3A_3018 = arith.mulf %get3A_3012, %get3A_3017 : vector<16xf32>
    %add3A_3019 = arith.addf %add3A_3007, %mul3A_3018 : vector<16xf32>
    %get3A_3020 = arith.constant 12 : i32
    %get3A_3021 = arith.index_cast %get3A_3020 : i32 to index
    %get3A_3022 = arith.constant 80 : index
    %get3A_3023 = tpu.vector_load %arg5[%get3A_3021, %get3A_3022] {strides = array<i32>} : memref<16x256xf32, #tpu.memory_space<vmem>>, vector<1x16xf32>,
    %get3A_3024 = vector.shape_cast %get3A_3023 : vector<1x16xf32> to vector<16xf32>
    %get3A_3025 = arith.constant 12 : i32
    %get3A_3026 = arith.index_cast %get3A_3025 : i32 to index
    %get3A_3027 = arith.constant 80 : index
    %get3A_3028 = tpu.vector_load %arg6[%get3A_3026, %get3A_3027] {strides = array<i32>} : memref<16x256xf32, #tpu.memory_space<vmem>>, vector<1x16xf32>,
    %get3A_3029 = vector.shape_cast %get3A_3028 : vector<1x16xf32> to vector<16xf32>
    %mul3A_3030 = arith.mulf %get3A_3024, %get3A_3029 : vector<16xf32>
    %add3A_3031 = arith.addf %add3A_3019, %mul3A_3030 : vector<16xf32>
    %get3A_3032 = arith.constant 12 : i32
    %get3A_3033 = arith.index_cast %get3A_3032 : i32 to index
    %get3A_3034 = arith.constant 96 : index
    %get3A_3035 = tpu.vector_load %arg5[%get3A_3033, %get3A_3034] {strides = array<i32>} : memref<16x256xf32, #tpu.memory_space<vmem>>, vector<1x16xf32>,
    %get3A_3036 = vector.shape_cast %get3A_3035 : vector<1x16xf32> to vector<16xf32>
    %get3A_3037 = arith.constant 12 : i32
    %get3A_3038 = arith.index_cast %get3A_3037 : i32 to index
    %get3A_3039 = arith.constant 96 : index
    %get3A_3040 = tpu.vector_load %arg6[%get3A_3038, %get3A_3039] {strides = array<i32>} : memref<16x256xf32, #tpu.memory_space<vmem>>, vector<1x16xf32>,
    %get3A_3041 = vector.shape_cast %get3A_3040 : vector<1x16xf32> to vector<16xf32>
    %mul3A_3042 = arith.mulf %get3A_3036, %get3A_3041 : vector<16xf32>
    %add3A_3043 = arith.addf %add3A_3031, %mul3A_3042 : vector<16xf32>
    %get3A_3044 = arith.constant 12 : i32
    %get3A_3045 = arith.index_cast %get3A_3044 : i32 to index
    %get3A_3046 = arith.constant 112 : index
    %get3A_3047 = tpu.vector_load %arg5[%get3A_3045, %get3A_3046] {strides = array<i32>} : memref<16x256xf32, #tpu.memory_space<vmem>>, vector<1x16xf32>,
    %get3A_3048 = vector.shape_cast %get3A_3047 : vector<1x16xf32> to vector<16xf32>
    %get3A_3049 = arith.constant 12 : i32
    %get3A_3050 = arith.index_cast %get3A_3049 : i32 to index
    %get3A_3051 = arith.constant 112 : index
    %get3A_3052 = tpu.vector_load %arg6[%get3A_3050, %get3A_3051] {strides = array<i32>} : memref<16x256xf32, #tpu.memory_space<vmem>>, vector<1x16xf32>,
    %get3A_3053 = vector.shape_cast %get3A_3052 : vector<1x16xf32> to vector<16xf32>
    %mul3A_3054 = arith.mulf %get3A_3048, %get3A_3053 : vector<16xf32>
    %add3A_3055 = arith.addf %add3A_3043, %mul3A_3054 : vector<16xf32>
    %get3A_3056 = arith.constant 12 : i32
    %get3A_3057 = arith.index_cast %get3A_3056 : i32 to index
    %get3A_3058 = arith.constant 128 : index
    %get3A_3059 = tpu.vector_load %arg5[%get3A_3057, %get3A_3058] {strides = array<i32>} : memref<16x256xf32, #tpu.memory_space<vmem>>, vector<1x16xf32>,
    %get3A_3060 = vector.shape_cast %get3A_3059 : vector<1x16xf32> to vector<16xf32>
    %get3A_3061 = arith.constant 12 : i32
    %get3A_3062 = arith.index_cast %get3A_3061 : i32 to index
    %get3A_3063 = arith.constant 128 : index
    %get3A_3064 = tpu.vector_load %arg6[%get3A_3062, %get3A_3063] {strides = array<i32>} : memref<16x256xf32, #tpu.memory_space<vmem>>, vector<1x16xf32>,
    %get3A_3065 = vector.shape_cast %get3A_3064 : vector<1x16xf32> to vector<16xf32>
    %mul3A_3066 = arith.mulf %get3A_3060, %get3A_3065 : vector<16xf32>
    %add3A_3067 = arith.addf %add3A_3055, %mul3A_3066 : vector<16xf32>
    %get3A_3068 = arith.constant 12 : i32
    %get3A_3069 = arith.index_cast %get3A_3068 : i32 to index
    %get3A_3070 = arith.constant 144 : index
    %get3A_3071 = tpu.vector_load %arg5[%get3A_3069, %get3A_3070] {strides = array<i32>} : memref<16x256xf32, #tpu.memory_space<vmem>>, vector<1x16xf32>,
    %get3A_3072 = vector.shape_cast %get3A_3071 : vector<1x16xf32> to vector<16xf32>
    %get3A_3073 = arith.constant 12 : i32
    %get3A_3074 = arith.index_cast %get3A_3073 : i32 to index
    %get3A_3075 = arith.constant 144 : index
    %get3A_3076 = tpu.vector_load %arg6[%get3A_3074, %get3A_3075] {strides = array<i32>} : memref<16x256xf32, #tpu.memory_space<vmem>>, vector<1x16xf32>,
    %get3A_3077 = vector.shape_cast %get3A_3076 : vector<1x16xf32> to vector<16xf32>
    %mul3A_3078 = arith.mulf %get3A_3072, %get3A_3077 : vector<16xf32>
    %add3A_3079 = arith.addf %add3A_3067, %mul3A_3078 : vector<16xf32>
    %get3A_3080 = arith.constant 12 : i32
    %get3A_3081 = arith.index_cast %get3A_3080 : i32 to index
    %get3A_3082 = arith.constant 160 : index
    %get3A_3083 = tpu.vector_load %arg5[%get3A_3081, %get3A_3082] {strides = array<i32>} : memref<16x256xf32, #tpu.memory_space<vmem>>, vector<1x16xf32>,
    %get3A_3084 = vector.shape_cast %get3A_3083 : vector<1x16xf32> to vector<16xf32>
    %get3A_3085 = arith.constant 12 : i32
    %get3A_3086 = arith.index_cast %get3A_3085 : i32 to index
    %get3A_3087 = arith.constant 160 : index
    %get3A_3088 = tpu.vector_load %arg6[%get3A_3086, %get3A_3087] {strides = array<i32>} : memref<16x256xf32, #tpu.memory_space<vmem>>, vector<1x16xf32>,
    %get3A_3089 = vector.shape_cast %get3A_3088 : vector<1x16xf32> to vector<16xf32>
    %mul3A_3090 = arith.mulf %get3A_3084, %get3A_3089 : vector<16xf32>
    %add3A_3091 = arith.addf %add3A_3079, %mul3A_3090 : vector<16xf32>
    %get3A_3092 = arith.constant 12 : i32
    %get3A_3093 = arith.index_cast %get3A_3092 : i32 to index
    %get3A_3094 = arith.constant 176 : index
    %get3A_3095 = tpu.vector_load %arg5[%get3A_3093, %get3A_3094] {strides = array<i32>} : memref<16x256xf32, #tpu.memory_space<vmem>>, vector<1x16xf32>,
    %get3A_3096 = vector.shape_cast %get3A_3095 : vector<1x16xf32> to vector<16xf32>
    %get3A_3097 = arith.constant 12 : i32
    %get3A_3098 = arith.index_cast %get3A_3097 : i32 to index
    %get3A_3099 = arith.constant 176 : index
    %get3A_3100 = tpu.vector_load %arg6[%get3A_3098, %get3A_3099] {strides = array<i32>} : memref<16x256xf32, #tpu.memory_space<vmem>>, vector<1x16xf32>,
    %get3A_3101 = vector.shape_cast %get3A_3100 : vector<1x16xf32> to vector<16xf32>
    %mul3A_3102 = arith.mulf %get3A_3096, %get3A_3101 : vector<16xf32>
    %add3A_3103 = arith.addf %add3A_3091, %mul3A_3102 : vector<16xf32>
    %get3A_3104 = arith.constant 12 : i32
    %get3A_3105 = arith.index_cast %get3A_3104 : i32 to index
    %get3A_3106 = arith.constant 192 : index
    %get3A_3107 = tpu.vector_load %arg5[%get3A_3105, %get3A_3106] {strides = array<i32>} : memref<16x256xf32, #tpu.memory_space<vmem>>, vector<1x16xf32>,
    %get3A_3108 = vector.shape_cast %get3A_3107 : vector<1x16xf32> to vector<16xf32>
    %get3A_3109 = arith.constant 12 : i32
    %get3A_3110 = arith.index_cast %get3A_3109 : i32 to index
    %get3A_3111 = arith.constant 192 : index
    %get3A_3112 = tpu.vector_load %arg6[%get3A_3110, %get3A_3111] {strides = array<i32>} : memref<16x256xf32, #tpu.memory_space<vmem>>, vector<1x16xf32>,
    %get3A_3113 = vector.shape_cast %get3A_3112 : vector<1x16xf32> to vector<16xf32>
    %mul3A_3114 = arith.mulf %get3A_3108, %get3A_3113 : vector<16xf32>
    %add3A_3115 = arith.addf %add3A_3103, %mul3A_3114 : vector<16xf32>
    %get3A_3116 = arith.constant 12 : i32
    %get3A_3117 = arith.index_cast %get3A_3116 : i32 to index
    %get3A_3118 = arith.constant 208 : index
    %get3A_3119 = tpu.vector_load %arg5[%get3A_3117, %get3A_3118] {strides = array<i32>} : memref<16x256xf32, #tpu.memory_space<vmem>>, vector<1x16xf32>,
    %get3A_3120 = vector.shape_cast %get3A_3119 : vector<1x16xf32> to vector<16xf32>
    %get3A_3121 = arith.constant 12 : i32
    %get3A_3122 = arith.index_cast %get3A_3121 : i32 to index
    %get3A_3123 = arith.constant 208 : index
    %get3A_3124 = tpu.vector_load %arg6[%get3A_3122, %get3A_3123] {strides = array<i32>} : memref<16x256xf32, #tpu.memory_space<vmem>>, vector<1x16xf32>,
    %get3A_3125 = vector.shape_cast %get3A_3124 : vector<1x16xf32> to vector<16xf32>
    %mul3A_3126 = arith.mulf %get3A_3120, %get3A_3125 : vector<16xf32>
    %add3A_3127 = arith.addf %add3A_3115, %mul3A_3126 : vector<16xf32>
    %get3A_3128 = arith.constant 12 : i32
    %get3A_3129 = arith.index_cast %get3A_3128 : i32 to index
    %get3A_3130 = arith.constant 224 : index
    %get3A_3131 = tpu.vector_load %arg5[%get3A_3129, %get3A_3130] {strides = array<i32>} : memref<16x256xf32, #tpu.memory_space<vmem>>, vector<1x16xf32>,
    %get3A_3132 = vector.shape_cast %get3A_3131 : vector<1x16xf32> to vector<16xf32>
    %get3A_3133 = arith.constant 12 : i32
    %get3A_3134 = arith.index_cast %get3A_3133 : i32 to index
    %get3A_3135 = arith.constant 224 : index
    %get3A_3136 = tpu.vector_load %arg6[%get3A_3134, %get3A_3135] {strides = array<i32>} : memref<16x256xf32, #tpu.memory_space<vmem>>, vector<1x16xf32>,
    %get3A_3137 = vector.shape_cast %get3A_3136 : vector<1x16xf32> to vector<16xf32>
    %mul3A_3138 = arith.mulf %get3A_3132, %get3A_3137 : vector<16xf32>
    %add3A_3139 = arith.addf %add3A_3127, %mul3A_3138 : vector<16xf32>
    %get3A_3140 = arith.constant 12 : i32
    %get3A_3141 = arith.index_cast %get3A_3140 : i32 to index
    %get3A_3142 = arith.constant 240 : index
    %get3A_3143 = tpu.vector_load %arg5[%get3A_3141, %get3A_3142] {strides = array<i32>} : memref<16x256xf32, #tpu.memory_space<vmem>>, vector<1x16xf32>,
    %get3A_3144 = vector.shape_cast %get3A_3143 : vector<1x16xf32> to vector<16xf32>
    %get3A_3145 = arith.constant 12 : i32
    %get3A_3146 = arith.index_cast %get3A_3145 : i32 to index
    %get3A_3147 = arith.constant 240 : index
    %get3A_3148 = tpu.vector_load %arg6[%get3A_3146, %get3A_3147] {strides = array<i32>} : memref<16x256xf32, #tpu.memory_space<vmem>>, vector<1x16xf32>,
    %get3A_3149 = vector.shape_cast %get3A_3148 : vector<1x16xf32> to vector<16xf32>
    %mul3A_3150 = arith.mulf %get3A_3144, %get3A_3149 : vector<16xf32>
    %add3A_3151 = arith.addf %add3A_3139, %mul3A_3150 : vector<16xf32>
    %xor3A_3152 = arith.constant 8 : i32
    %xor3A_3153 = vector.broadcast %xor3A_3152 : i32 to vector<16xi32>
    %xor3A_3154 = arith.xori %iota3A, %xor3A_3153 : vector<16xi32>
    %reshape3A_3155 = vector.shape_cast %xor3A_3154 : vector<16xi32> to vector<16x1xi32>
    %gather3A_3156 = vector.shape_cast %reshape3A_3155 : vector<16x1xi32> to vector<16xi32>
    %gather3A_3157 = tpu.dynamic_gather %add3A_3151[%gather3A_3156] in [0] : vector<16xf32>, vector<16xi32> -> vector<16xf32>
    %add3A_3158 = arith.addf %add3A_3151, %gather3A_3157 : vector<16xf32>
    %xor3A_3159 = arith.constant 4 : i32
    %xor3A_3160 = vector.broadcast %xor3A_3159 : i32 to vector<16xi32>
    %xor3A_3161 = arith.xori %iota3A, %xor3A_3160 : vector<16xi32>
    %reshape3A_3162 = vector.shape_cast %xor3A_3161 : vector<16xi32> to vector<16x1xi32>
    %gather3A_3163 = vector.shape_cast %reshape3A_3162 : vector<16x1xi32> to vector<16xi32>
    %gather3A_3164 = tpu.dynamic_gather %add3A_3158[%gather3A_3163] in [0] : vector<16xf32>, vector<16xi32> -> vector<16xf32>
    %add3A_3165 = arith.addf %add3A_3158, %gather3A_3164 : vector<16xf32>
    %xor3A_3166 = arith.constant 2 : i32
    %xor3A_3167 = vector.broadcast %xor3A_3166 : i32 to vector<16xi32>
    %xor3A_3168 = arith.xori %iota3A, %xor3A_3167 : vector<16xi32>
    %reshape3A_3169 = vector.shape_cast %xor3A_3168 : vector<16xi32> to vector<16x1xi32>
    %gather3A_3170 = vector.shape_cast %reshape3A_3169 : vector<16x1xi32> to vector<16xi32>
    %gather3A_3171 = tpu.dynamic_gather %add3A_3165[%gather3A_3170] in [0] : vector<16xf32>, vector<16xi32> -> vector<16xf32>
    %add3A_3172 = arith.addf %add3A_3165, %gather3A_3171 : vector<16xf32>
    %xor3A_3173 = arith.constant 1 : i32
    %xor3A_3174 = vector.broadcast %xor3A_3173 : i32 to vector<16xi32>
    %xor3A_3175 = arith.xori %iota3A, %xor3A_3174 : vector<16xi32>
    %reshape3A_3176 = vector.shape_cast %xor3A_3175 : vector<16xi32> to vector<16x1xi32>
    %gather3A_3177 = vector.shape_cast %reshape3A_3176 : vector<16x1xi32> to vector<16xi32>
    %gather3A_3178 = tpu.dynamic_gather %add3A_3172[%gather3A_3177] in [0] : vector<16xf32>, vector<16xi32> -> vector<16xf32>
    %add3A_3179 = arith.addf %add3A_3172, %gather3A_3178 : vector<16xf32>
    %broadcast_in_dim3A_3180 = arith.constant 12 : i32
    %broadcast_in_dim3A_3181 = vector.broadcast %broadcast_in_dim3A_3180 : i32 to vector<16xi32>
    %reshape3A_3182 = vector.shape_cast %broadcast_in_dim3A_3181 : vector<16xi32> to vector<16x1xi32>
    %gather3A_3183 = vector.shape_cast %reshape3A_3182 : vector<16x1xi32> to vector<16xi32>
    %gather3A_3184 = tpu.dynamic_gather %add3A_167[%gather3A_3183] in [0] : vector<16xi32>, vector<16xi32> -> vector<16xi32>
    %eq3A_3185 = arith.cmpi eq, %iota3A, %gather3A_3184 : vector<16xi32>
    %jit3A_3186 = arith.constant -1.000000e+30 : f32
    %broadcast_in_dim3A_3187 = vector.broadcast %jit3A_3186 : f32 to vector<16xf32>
    %select_n3A_3188 = arith.select %eq3A_3185, %add3A_3179, %broadcast_in_dim3A_3187 : vector<16xi1>, vector<16xf32>
    %max3A_3189 = arith.maximumf %max3A_2957, %select_n3A_3188 : vector<16xf32>
    %broadcast_in_dim3A_3190 = arith.constant 0.000000e+00 : f32
    %broadcast_in_dim3A_3191 = vector.broadcast %broadcast_in_dim3A_3190 : f32 to vector<16xf32>
    %get3A_3192 = arith.constant 13 : i32
    %get3A_3193 = arith.index_cast %get3A_3192 : i32 to index
    %get3A_3194 = arith.constant 0 : index
    %get3A_3195 = tpu.vector_load %arg5[%get3A_3193, %get3A_3194] {strides = array<i32>} : memref<16x256xf32, #tpu.memory_space<vmem>>, vector<1x16xf32>,
    %get3A_3196 = vector.shape_cast %get3A_3195 : vector<1x16xf32> to vector<16xf32>
    %get3A_3197 = arith.constant 13 : i32
    %get3A_3198 = arith.index_cast %get3A_3197 : i32 to index
    %get3A_3199 = arith.constant 0 : index
    %get3A_3200 = tpu.vector_load %arg6[%get3A_3198, %get3A_3199] {strides = array<i32>} : memref<16x256xf32, #tpu.memory_space<vmem>>, vector<1x16xf32>,
    %get3A_3201 = vector.shape_cast %get3A_3200 : vector<1x16xf32> to vector<16xf32>
    %mul3A_3202 = arith.mulf %get3A_3196, %get3A_3201 : vector<16xf32>
    %add3A_3203 = arith.addf %broadcast_in_dim3A_3191, %mul3A_3202 : vector<16xf32>
    %get3A_3204 = arith.constant 13 : i32
    %get3A_3205 = arith.index_cast %get3A_3204 : i32 to index
    %get3A_3206 = arith.constant 16 : index
    %get3A_3207 = tpu.vector_load %arg5[%get3A_3205, %get3A_3206] {strides = array<i32>} : memref<16x256xf32, #tpu.memory_space<vmem>>, vector<1x16xf32>,
    %get3A_3208 = vector.shape_cast %get3A_3207 : vector<1x16xf32> to vector<16xf32>
    %get3A_3209 = arith.constant 13 : i32
    %get3A_3210 = arith.index_cast %get3A_3209 : i32 to index
    %get3A_3211 = arith.constant 16 : index
    %get3A_3212 = tpu.vector_load %arg6[%get3A_3210, %get3A_3211] {strides = array<i32>} : memref<16x256xf32, #tpu.memory_space<vmem>>, vector<1x16xf32>,
    %get3A_3213 = vector.shape_cast %get3A_3212 : vector<1x16xf32> to vector<16xf32>
    %mul3A_3214 = arith.mulf %get3A_3208, %get3A_3213 : vector<16xf32>
    %add3A_3215 = arith.addf %add3A_3203, %mul3A_3214 : vector<16xf32>
    %get3A_3216 = arith.constant 13 : i32
    %get3A_3217 = arith.index_cast %get3A_3216 : i32 to index
    %get3A_3218 = arith.constant 32 : index
    %get3A_3219 = tpu.vector_load %arg5[%get3A_3217, %get3A_3218] {strides = array<i32>} : memref<16x256xf32, #tpu.memory_space<vmem>>, vector<1x16xf32>,
    %get3A_3220 = vector.shape_cast %get3A_3219 : vector<1x16xf32> to vector<16xf32>
    %get3A_3221 = arith.constant 13 : i32
    %get3A_3222 = arith.index_cast %get3A_3221 : i32 to index
    %get3A_3223 = arith.constant 32 : index
    %get3A_3224 = tpu.vector_load %arg6[%get3A_3222, %get3A_3223] {strides = array<i32>} : memref<16x256xf32, #tpu.memory_space<vmem>>, vector<1x16xf32>,
    %get3A_3225 = vector.shape_cast %get3A_3224 : vector<1x16xf32> to vector<16xf32>
    %mul3A_3226 = arith.mulf %get3A_3220, %get3A_3225 : vector<16xf32>
    %add3A_3227 = arith.addf %add3A_3215, %mul3A_3226 : vector<16xf32>
    %get3A_3228 = arith.constant 13 : i32
    %get3A_3229 = arith.index_cast %get3A_3228 : i32 to index
    %get3A_3230 = arith.constant 48 : index
    %get3A_3231 = tpu.vector_load %arg5[%get3A_3229, %get3A_3230] {strides = array<i32>} : memref<16x256xf32, #tpu.memory_space<vmem>>, vector<1x16xf32>,
    %get3A_3232 = vector.shape_cast %get3A_3231 : vector<1x16xf32> to vector<16xf32>
    %get3A_3233 = arith.constant 13 : i32
    %get3A_3234 = arith.index_cast %get3A_3233 : i32 to index
    %get3A_3235 = arith.constant 48 : index
    %get3A_3236 = tpu.vector_load %arg6[%get3A_3234, %get3A_3235] {strides = array<i32>} : memref<16x256xf32, #tpu.memory_space<vmem>>, vector<1x16xf32>,
    %get3A_3237 = vector.shape_cast %get3A_3236 : vector<1x16xf32> to vector<16xf32>
    %mul3A_3238 = arith.mulf %get3A_3232, %get3A_3237 : vector<16xf32>
    %add3A_3239 = arith.addf %add3A_3227, %mul3A_3238 : vector<16xf32>
    %get3A_3240 = arith.constant 13 : i32
    %get3A_3241 = arith.index_cast %get3A_3240 : i32 to index
    %get3A_3242 = arith.constant 64 : index
    %get3A_3243 = tpu.vector_load %arg5[%get3A_3241, %get3A_3242] {strides = array<i32>} : memref<16x256xf32, #tpu.memory_space<vmem>>, vector<1x16xf32>,
    %get3A_3244 = vector.shape_cast %get3A_3243 : vector<1x16xf32> to vector<16xf32>
    %get3A_3245 = arith.constant 13 : i32
    %get3A_3246 = arith.index_cast %get3A_3245 : i32 to index
    %get3A_3247 = arith.constant 64 : index
    %get3A_3248 = tpu.vector_load %arg6[%get3A_3246, %get3A_3247] {strides = array<i32>} : memref<16x256xf32, #tpu.memory_space<vmem>>, vector<1x16xf32>,
    %get3A_3249 = vector.shape_cast %get3A_3248 : vector<1x16xf32> to vector<16xf32>
    %mul3A_3250 = arith.mulf %get3A_3244, %get3A_3249 : vector<16xf32>
    %add3A_3251 = arith.addf %add3A_3239, %mul3A_3250 : vector<16xf32>
    %get3A_3252 = arith.constant 13 : i32
    %get3A_3253 = arith.index_cast %get3A_3252 : i32 to index
    %get3A_3254 = arith.constant 80 : index
    %get3A_3255 = tpu.vector_load %arg5[%get3A_3253, %get3A_3254] {strides = array<i32>} : memref<16x256xf32, #tpu.memory_space<vmem>>, vector<1x16xf32>,
    %get3A_3256 = vector.shape_cast %get3A_3255 : vector<1x16xf32> to vector<16xf32>
    %get3A_3257 = arith.constant 13 : i32
    %get3A_3258 = arith.index_cast %get3A_3257 : i32 to index
    %get3A_3259 = arith.constant 80 : index
    %get3A_3260 = tpu.vector_load %arg6[%get3A_3258, %get3A_3259] {strides = array<i32>} : memref<16x256xf32, #tpu.memory_space<vmem>>, vector<1x16xf32>,
    %get3A_3261 = vector.shape_cast %get3A_3260 : vector<1x16xf32> to vector<16xf32>
    %mul3A_3262 = arith.mulf %get3A_3256, %get3A_3261 : vector<16xf32>
    %add3A_3263 = arith.addf %add3A_3251, %mul3A_3262 : vector<16xf32>
    %get3A_3264 = arith.constant 13 : i32
    %get3A_3265 = arith.index_cast %get3A_3264 : i32 to index
    %get3A_3266 = arith.constant 96 : index
    %get3A_3267 = tpu.vector_load %arg5[%get3A_3265, %get3A_3266] {strides = array<i32>} : memref<16x256xf32, #tpu.memory_space<vmem>>, vector<1x16xf32>,
    %get3A_3268 = vector.shape_cast %get3A_3267 : vector<1x16xf32> to vector<16xf32>
    %get3A_3269 = arith.constant 13 : i32
    %get3A_3270 = arith.index_cast %get3A_3269 : i32 to index
    %get3A_3271 = arith.constant 96 : index
    %get3A_3272 = tpu.vector_load %arg6[%get3A_3270, %get3A_3271] {strides = array<i32>} : memref<16x256xf32, #tpu.memory_space<vmem>>, vector<1x16xf32>,
    %get3A_3273 = vector.shape_cast %get3A_3272 : vector<1x16xf32> to vector<16xf32>
    %mul3A_3274 = arith.mulf %get3A_3268, %get3A_3273 : vector<16xf32>
    %add3A_3275 = arith.addf %add3A_3263, %mul3A_3274 : vector<16xf32>
    %get3A_3276 = arith.constant 13 : i32
    %get3A_3277 = arith.index_cast %get3A_3276 : i32 to index
    %get3A_3278 = arith.constant 112 : index
    %get3A_3279 = tpu.vector_load %arg5[%get3A_3277, %get3A_3278] {strides = array<i32>} : memref<16x256xf32, #tpu.memory_space<vmem>>, vector<1x16xf32>,
    %get3A_3280 = vector.shape_cast %get3A_3279 : vector<1x16xf32> to vector<16xf32>
    %get3A_3281 = arith.constant 13 : i32
    %get3A_3282 = arith.index_cast %get3A_3281 : i32 to index
    %get3A_3283 = arith.constant 112 : index
    %get3A_3284 = tpu.vector_load %arg6[%get3A_3282, %get3A_3283] {strides = array<i32>} : memref<16x256xf32, #tpu.memory_space<vmem>>, vector<1x16xf32>,
    %get3A_3285 = vector.shape_cast %get3A_3284 : vector<1x16xf32> to vector<16xf32>
    %mul3A_3286 = arith.mulf %get3A_3280, %get3A_3285 : vector<16xf32>
    %add3A_3287 = arith.addf %add3A_3275, %mul3A_3286 : vector<16xf32>
    %get3A_3288 = arith.constant 13 : i32
    %get3A_3289 = arith.index_cast %get3A_3288 : i32 to index
    %get3A_3290 = arith.constant 128 : index
    %get3A_3291 = tpu.vector_load %arg5[%get3A_3289, %get3A_3290] {strides = array<i32>} : memref<16x256xf32, #tpu.memory_space<vmem>>, vector<1x16xf32>,
    %get3A_3292 = vector.shape_cast %get3A_3291 : vector<1x16xf32> to vector<16xf32>
    %get3A_3293 = arith.constant 13 : i32
    %get3A_3294 = arith.index_cast %get3A_3293 : i32 to index
    %get3A_3295 = arith.constant 128 : index
    %get3A_3296 = tpu.vector_load %arg6[%get3A_3294, %get3A_3295] {strides = array<i32>} : memref<16x256xf32, #tpu.memory_space<vmem>>, vector<1x16xf32>,
    %get3A_3297 = vector.shape_cast %get3A_3296 : vector<1x16xf32> to vector<16xf32>
    %mul3A_3298 = arith.mulf %get3A_3292, %get3A_3297 : vector<16xf32>
    %add3A_3299 = arith.addf %add3A_3287, %mul3A_3298 : vector<16xf32>
    %get3A_3300 = arith.constant 13 : i32
    %get3A_3301 = arith.index_cast %get3A_3300 : i32 to index
    %get3A_3302 = arith.constant 144 : index
    %get3A_3303 = tpu.vector_load %arg5[%get3A_3301, %get3A_3302] {strides = array<i32>} : memref<16x256xf32, #tpu.memory_space<vmem>>, vector<1x16xf32>,
    %get3A_3304 = vector.shape_cast %get3A_3303 : vector<1x16xf32> to vector<16xf32>
    %get3A_3305 = arith.constant 13 : i32
    %get3A_3306 = arith.index_cast %get3A_3305 : i32 to index
    %get3A_3307 = arith.constant 144 : index
    %get3A_3308 = tpu.vector_load %arg6[%get3A_3306, %get3A_3307] {strides = array<i32>} : memref<16x256xf32, #tpu.memory_space<vmem>>, vector<1x16xf32>,
    %get3A_3309 = vector.shape_cast %get3A_3308 : vector<1x16xf32> to vector<16xf32>
    %mul3A_3310 = arith.mulf %get3A_3304, %get3A_3309 : vector<16xf32>
    %add3A_3311 = arith.addf %add3A_3299, %mul3A_3310 : vector<16xf32>
    %get3A_3312 = arith.constant 13 : i32
    %get3A_3313 = arith.index_cast %get3A_3312 : i32 to index
    %get3A_3314 = arith.constant 160 : index
    %get3A_3315 = tpu.vector_load %arg5[%get3A_3313, %get3A_3314] {strides = array<i32>} : memref<16x256xf32, #tpu.memory_space<vmem>>, vector<1x16xf32>,
    %get3A_3316 = vector.shape_cast %get3A_3315 : vector<1x16xf32> to vector<16xf32>
    %get3A_3317 = arith.constant 13 : i32
    %get3A_3318 = arith.index_cast %get3A_3317 : i32 to index
    %get3A_3319 = arith.constant 160 : index
    %get3A_3320 = tpu.vector_load %arg6[%get3A_3318, %get3A_3319] {strides = array<i32>} : memref<16x256xf32, #tpu.memory_space<vmem>>, vector<1x16xf32>,
    %get3A_3321 = vector.shape_cast %get3A_3320 : vector<1x16xf32> to vector<16xf32>
    %mul3A_3322 = arith.mulf %get3A_3316, %get3A_3321 : vector<16xf32>
    %add3A_3323 = arith.addf %add3A_3311, %mul3A_3322 : vector<16xf32>
    %get3A_3324 = arith.constant 13 : i32
    %get3A_3325 = arith.index_cast %get3A_3324 : i32 to index
    %get3A_3326 = arith.constant 176 : index
    %get3A_3327 = tpu.vector_load %arg5[%get3A_3325, %get3A_3326] {strides = array<i32>} : memref<16x256xf32, #tpu.memory_space<vmem>>, vector<1x16xf32>,
    %get3A_3328 = vector.shape_cast %get3A_3327 : vector<1x16xf32> to vector<16xf32>
    %get3A_3329 = arith.constant 13 : i32
    %get3A_3330 = arith.index_cast %get3A_3329 : i32 to index
    %get3A_3331 = arith.constant 176 : index
    %get3A_3332 = tpu.vector_load %arg6[%get3A_3330, %get3A_3331] {strides = array<i32>} : memref<16x256xf32, #tpu.memory_space<vmem>>, vector<1x16xf32>,
    %get3A_3333 = vector.shape_cast %get3A_3332 : vector<1x16xf32> to vector<16xf32>
    %mul3A_3334 = arith.mulf %get3A_3328, %get3A_3333 : vector<16xf32>
    %add3A_3335 = arith.addf %add3A_3323, %mul3A_3334 : vector<16xf32>
    %get3A_3336 = arith.constant 13 : i32
    %get3A_3337 = arith.index_cast %get3A_3336 : i32 to index
    %get3A_3338 = arith.constant 192 : index
    %get3A_3339 = tpu.vector_load %arg5[%get3A_3337, %get3A_3338] {strides = array<i32>} : memref<16x256xf32, #tpu.memory_space<vmem>>, vector<1x16xf32>,
    %get3A_3340 = vector.shape_cast %get3A_3339 : vector<1x16xf32> to vector<16xf32>
    %get3A_3341 = arith.constant 13 : i32
    %get3A_3342 = arith.index_cast %get3A_3341 : i32 to index
    %get3A_3343 = arith.constant 192 : index
    %get3A_3344 = tpu.vector_load %arg6[%get3A_3342, %get3A_3343] {strides = array<i32>} : memref<16x256xf32, #tpu.memory_space<vmem>>, vector<1x16xf32>,
    %get3A_3345 = vector.shape_cast %get3A_3344 : vector<1x16xf32> to vector<16xf32>
    %mul3A_3346 = arith.mulf %get3A_3340, %get3A_3345 : vector<16xf32>
    %add3A_3347 = arith.addf %add3A_3335, %mul3A_3346 : vector<16xf32>
    %get3A_3348 = arith.constant 13 : i32
    %get3A_3349 = arith.index_cast %get3A_3348 : i32 to index
    %get3A_3350 = arith.constant 208 : index
    %get3A_3351 = tpu.vector_load %arg5[%get3A_3349, %get3A_3350] {strides = array<i32>} : memref<16x256xf32, #tpu.memory_space<vmem>>, vector<1x16xf32>,
    %get3A_3352 = vector.shape_cast %get3A_3351 : vector<1x16xf32> to vector<16xf32>
    %get3A_3353 = arith.constant 13 : i32
    %get3A_3354 = arith.index_cast %get3A_3353 : i32 to index
    %get3A_3355 = arith.constant 208 : index
    %get3A_3356 = tpu.vector_load %arg6[%get3A_3354, %get3A_3355] {strides = array<i32>} : memref<16x256xf32, #tpu.memory_space<vmem>>, vector<1x16xf32>,
    %get3A_3357 = vector.shape_cast %get3A_3356 : vector<1x16xf32> to vector<16xf32>
    %mul3A_3358 = arith.mulf %get3A_3352, %get3A_3357 : vector<16xf32>
    %add3A_3359 = arith.addf %add3A_3347, %mul3A_3358 : vector<16xf32>
    %get3A_3360 = arith.constant 13 : i32
    %get3A_3361 = arith.index_cast %get3A_3360 : i32 to index
    %get3A_3362 = arith.constant 224 : index
    %get3A_3363 = tpu.vector_load %arg5[%get3A_3361, %get3A_3362] {strides = array<i32>} : memref<16x256xf32, #tpu.memory_space<vmem>>, vector<1x16xf32>,
    %get3A_3364 = vector.shape_cast %get3A_3363 : vector<1x16xf32> to vector<16xf32>
    %get3A_3365 = arith.constant 13 : i32
    %get3A_3366 = arith.index_cast %get3A_3365 : i32 to index
    %get3A_3367 = arith.constant 224 : index
    %get3A_3368 = tpu.vector_load %arg6[%get3A_3366, %get3A_3367] {strides = array<i32>} : memref<16x256xf32, #tpu.memory_space<vmem>>, vector<1x16xf32>,
    %get3A_3369 = vector.shape_cast %get3A_3368 : vector<1x16xf32> to vector<16xf32>
    %mul3A_3370 = arith.mulf %get3A_3364, %get3A_3369 : vector<16xf32>
    %add3A_3371 = arith.addf %add3A_3359, %mul3A_3370 : vector<16xf32>
    %get3A_3372 = arith.constant 13 : i32
    %get3A_3373 = arith.index_cast %get3A_3372 : i32 to index
    %get3A_3374 = arith.constant 240 : index
    %get3A_3375 = tpu.vector_load %arg5[%get3A_3373, %get3A_3374] {strides = array<i32>} : memref<16x256xf32, #tpu.memory_space<vmem>>, vector<1x16xf32>,
    %get3A_3376 = vector.shape_cast %get3A_3375 : vector<1x16xf32> to vector<16xf32>
    %get3A_3377 = arith.constant 13 : i32
    %get3A_3378 = arith.index_cast %get3A_3377 : i32 to index
    %get3A_3379 = arith.constant 240 : index
    %get3A_3380 = tpu.vector_load %arg6[%get3A_3378, %get3A_3379] {strides = array<i32>} : memref<16x256xf32, #tpu.memory_space<vmem>>, vector<1x16xf32>,
    %get3A_3381 = vector.shape_cast %get3A_3380 : vector<1x16xf32> to vector<16xf32>
    %mul3A_3382 = arith.mulf %get3A_3376, %get3A_3381 : vector<16xf32>
    %add3A_3383 = arith.addf %add3A_3371, %mul3A_3382 : vector<16xf32>
    %xor3A_3384 = arith.constant 8 : i32
    %xor3A_3385 = vector.broadcast %xor3A_3384 : i32 to vector<16xi32>
    %xor3A_3386 = arith.xori %iota3A, %xor3A_3385 : vector<16xi32>
    %reshape3A_3387 = vector.shape_cast %xor3A_3386 : vector<16xi32> to vector<16x1xi32>
    %gather3A_3388 = vector.shape_cast %reshape3A_3387 : vector<16x1xi32> to vector<16xi32>
    %gather3A_3389 = tpu.dynamic_gather %add3A_3383[%gather3A_3388] in [0] : vector<16xf32>, vector<16xi32> -> vector<16xf32>
    %add3A_3390 = arith.addf %add3A_3383, %gather3A_3389 : vector<16xf32>
    %xor3A_3391 = arith.constant 4 : i32
    %xor3A_3392 = vector.broadcast %xor3A_3391 : i32 to vector<16xi32>
    %xor3A_3393 = arith.xori %iota3A, %xor3A_3392 : vector<16xi32>
    %reshape3A_3394 = vector.shape_cast %xor3A_3393 : vector<16xi32> to vector<16x1xi32>
    %gather3A_3395 = vector.shape_cast %reshape3A_3394 : vector<16x1xi32> to vector<16xi32>
    %gather3A_3396 = tpu.dynamic_gather %add3A_3390[%gather3A_3395] in [0] : vector<16xf32>, vector<16xi32> -> vector<16xf32>
    %add3A_3397 = arith.addf %add3A_3390, %gather3A_3396 : vector<16xf32>
    %xor3A_3398 = arith.constant 2 : i32
    %xor3A_3399 = vector.broadcast %xor3A_3398 : i32 to vector<16xi32>
    %xor3A_3400 = arith.xori %iota3A, %xor3A_3399 : vector<16xi32>
    %reshape3A_3401 = vector.shape_cast %xor3A_3400 : vector<16xi32> to vector<16x1xi32>
    %gather3A_3402 = vector.shape_cast %reshape3A_3401 : vector<16x1xi32> to vector<16xi32>
    %gather3A_3403 = tpu.dynamic_gather %add3A_3397[%gather3A_3402] in [0] : vector<16xf32>, vector<16xi32> -> vector<16xf32>
    %add3A_3404 = arith.addf %add3A_3397, %gather3A_3403 : vector<16xf32>
    %xor3A_3405 = arith.constant 1 : i32
    %xor3A_3406 = vector.broadcast %xor3A_3405 : i32 to vector<16xi32>
    %xor3A_3407 = arith.xori %iota3A, %xor3A_3406 : vector<16xi32>
    %reshape3A_3408 = vector.shape_cast %xor3A_3407 : vector<16xi32> to vector<16x1xi32>
    %gather3A_3409 = vector.shape_cast %reshape3A_3408 : vector<16x1xi32> to vector<16xi32>
    %gather3A_3410 = tpu.dynamic_gather %add3A_3404[%gather3A_3409] in [0] : vector<16xf32>, vector<16xi32> -> vector<16xf32>
    %add3A_3411 = arith.addf %add3A_3404, %gather3A_3410 : vector<16xf32>
    %broadcast_in_dim3A_3412 = arith.constant 13 : i32
    %broadcast_in_dim3A_3413 = vector.broadcast %broadcast_in_dim3A_3412 : i32 to vector<16xi32>
    %reshape3A_3414 = vector.shape_cast %broadcast_in_dim3A_3413 : vector<16xi32> to vector<16x1xi32>
    %gather3A_3415 = vector.shape_cast %reshape3A_3414 : vector<16x1xi32> to vector<16xi32>
    %gather3A_3416 = tpu.dynamic_gather %add3A_167[%gather3A_3415] in [0] : vector<16xi32>, vector<16xi32> -> vector<16xi32>
    %eq3A_3417 = arith.cmpi eq, %iota3A, %gather3A_3416 : vector<16xi32>
    %jit3A_3418 = arith.constant -1.000000e+30 : f32
    %broadcast_in_dim3A_3419 = vector.broadcast %jit3A_3418 : f32 to vector<16xf32>
    %select_n3A_3420 = arith.select %eq3A_3417, %add3A_3411, %broadcast_in_dim3A_3419 : vector<16xi1>, vector<16xf32>
    %max3A_3421 = arith.maximumf %max3A_3189, %select_n3A_3420 : vector<16xf32>
    %broadcast_in_dim3A_3422 = arith.constant 0.000000e+00 : f32
    %broadcast_in_dim3A_3423 = vector.broadcast %broadcast_in_dim3A_3422 : f32 to vector<16xf32>
    %get3A_3424 = arith.constant 14 : i32
    %get3A_3425 = arith.index_cast %get3A_3424 : i32 to index
    %get3A_3426 = arith.constant 0 : index
    %get3A_3427 = tpu.vector_load %arg5[%get3A_3425, %get3A_3426] {strides = array<i32>} : memref<16x256xf32, #tpu.memory_space<vmem>>, vector<1x16xf32>,
    %get3A_3428 = vector.shape_cast %get3A_3427 : vector<1x16xf32> to vector<16xf32>
    %get3A_3429 = arith.constant 14 : i32
    %get3A_3430 = arith.index_cast %get3A_3429 : i32 to index
    %get3A_3431 = arith.constant 0 : index
    %get3A_3432 = tpu.vector_load %arg6[%get3A_3430, %get3A_3431] {strides = array<i32>} : memref<16x256xf32, #tpu.memory_space<vmem>>, vector<1x16xf32>,
    %get3A_3433 = vector.shape_cast %get3A_3432 : vector<1x16xf32> to vector<16xf32>
    %mul3A_3434 = arith.mulf %get3A_3428, %get3A_3433 : vector<16xf32>
    %add3A_3435 = arith.addf %broadcast_in_dim3A_3423, %mul3A_3434 : vector<16xf32>
    %get3A_3436 = arith.constant 14 : i32
    %get3A_3437 = arith.index_cast %get3A_3436 : i32 to index
    %get3A_3438 = arith.constant 16 : index
    %get3A_3439 = tpu.vector_load %arg5[%get3A_3437, %get3A_3438] {strides = array<i32>} : memref<16x256xf32, #tpu.memory_space<vmem>>, vector<1x16xf32>,
    %get3A_3440 = vector.shape_cast %get3A_3439 : vector<1x16xf32> to vector<16xf32>
    %get3A_3441 = arith.constant 14 : i32
    %get3A_3442 = arith.index_cast %get3A_3441 : i32 to index
    %get3A_3443 = arith.constant 16 : index
    %get3A_3444 = tpu.vector_load %arg6[%get3A_3442, %get3A_3443] {strides = array<i32>} : memref<16x256xf32, #tpu.memory_space<vmem>>, vector<1x16xf32>,
    %get3A_3445 = vector.shape_cast %get3A_3444 : vector<1x16xf32> to vector<16xf32>
    %mul3A_3446 = arith.mulf %get3A_3440, %get3A_3445 : vector<16xf32>
    %add3A_3447 = arith.addf %add3A_3435, %mul3A_3446 : vector<16xf32>
    %get3A_3448 = arith.constant 14 : i32
    %get3A_3449 = arith.index_cast %get3A_3448 : i32 to index
    %get3A_3450 = arith.constant 32 : index
    %get3A_3451 = tpu.vector_load %arg5[%get3A_3449, %get3A_3450] {strides = array<i32>} : memref<16x256xf32, #tpu.memory_space<vmem>>, vector<1x16xf32>,
    %get3A_3452 = vector.shape_cast %get3A_3451 : vector<1x16xf32> to vector<16xf32>
    %get3A_3453 = arith.constant 14 : i32
    %get3A_3454 = arith.index_cast %get3A_3453 : i32 to index
    %get3A_3455 = arith.constant 32 : index
    %get3A_3456 = tpu.vector_load %arg6[%get3A_3454, %get3A_3455] {strides = array<i32>} : memref<16x256xf32, #tpu.memory_space<vmem>>, vector<1x16xf32>,
    %get3A_3457 = vector.shape_cast %get3A_3456 : vector<1x16xf32> to vector<16xf32>
    %mul3A_3458 = arith.mulf %get3A_3452, %get3A_3457 : vector<16xf32>
    %add3A_3459 = arith.addf %add3A_3447, %mul3A_3458 : vector<16xf32>
    %get3A_3460 = arith.constant 14 : i32
    %get3A_3461 = arith.index_cast %get3A_3460 : i32 to index
    %get3A_3462 = arith.constant 48 : index
    %get3A_3463 = tpu.vector_load %arg5[%get3A_3461, %get3A_3462] {strides = array<i32>} : memref<16x256xf32, #tpu.memory_space<vmem>>, vector<1x16xf32>,
    %get3A_3464 = vector.shape_cast %get3A_3463 : vector<1x16xf32> to vector<16xf32>
    %get3A_3465 = arith.constant 14 : i32
    %get3A_3466 = arith.index_cast %get3A_3465 : i32 to index
    %get3A_3467 = arith.constant 48 : index
    %get3A_3468 = tpu.vector_load %arg6[%get3A_3466, %get3A_3467] {strides = array<i32>} : memref<16x256xf32, #tpu.memory_space<vmem>>, vector<1x16xf32>,
    %get3A_3469 = vector.shape_cast %get3A_3468 : vector<1x16xf32> to vector<16xf32>
    %mul3A_3470 = arith.mulf %get3A_3464, %get3A_3469 : vector<16xf32>
    %add3A_3471 = arith.addf %add3A_3459, %mul3A_3470 : vector<16xf32>
    %get3A_3472 = arith.constant 14 : i32
    %get3A_3473 = arith.index_cast %get3A_3472 : i32 to index
    %get3A_3474 = arith.constant 64 : index
    %get3A_3475 = tpu.vector_load %arg5[%get3A_3473, %get3A_3474] {strides = array<i32>} : memref<16x256xf32, #tpu.memory_space<vmem>>, vector<1x16xf32>,
    %get3A_3476 = vector.shape_cast %get3A_3475 : vector<1x16xf32> to vector<16xf32>
    %get3A_3477 = arith.constant 14 : i32
    %get3A_3478 = arith.index_cast %get3A_3477 : i32 to index
    %get3A_3479 = arith.constant 64 : index
    %get3A_3480 = tpu.vector_load %arg6[%get3A_3478, %get3A_3479] {strides = array<i32>} : memref<16x256xf32, #tpu.memory_space<vmem>>, vector<1x16xf32>,
    %get3A_3481 = vector.shape_cast %get3A_3480 : vector<1x16xf32> to vector<16xf32>
    %mul3A_3482 = arith.mulf %get3A_3476, %get3A_3481 : vector<16xf32>
    %add3A_3483 = arith.addf %add3A_3471, %mul3A_3482 : vector<16xf32>
    %get3A_3484 = arith.constant 14 : i32
    %get3A_3485 = arith.index_cast %get3A_3484 : i32 to index
    %get3A_3486 = arith.constant 80 : index
    %get3A_3487 = tpu.vector_load %arg5[%get3A_3485, %get3A_3486] {strides = array<i32>} : memref<16x256xf32, #tpu.memory_space<vmem>>, vector<1x16xf32>,
    %get3A_3488 = vector.shape_cast %get3A_3487 : vector<1x16xf32> to vector<16xf32>
    %get3A_3489 = arith.constant 14 : i32
    %get3A_3490 = arith.index_cast %get3A_3489 : i32 to index
    %get3A_3491 = arith.constant 80 : index
    %get3A_3492 = tpu.vector_load %arg6[%get3A_3490, %get3A_3491] {strides = array<i32>} : memref<16x256xf32, #tpu.memory_space<vmem>>, vector<1x16xf32>,
    %get3A_3493 = vector.shape_cast %get3A_3492 : vector<1x16xf32> to vector<16xf32>
    %mul3A_3494 = arith.mulf %get3A_3488, %get3A_3493 : vector<16xf32>
    %add3A_3495 = arith.addf %add3A_3483, %mul3A_3494 : vector<16xf32>
    %get3A_3496 = arith.constant 14 : i32
    %get3A_3497 = arith.index_cast %get3A_3496 : i32 to index
    %get3A_3498 = arith.constant 96 : index
    %get3A_3499 = tpu.vector_load %arg5[%get3A_3497, %get3A_3498] {strides = array<i32>} : memref<16x256xf32, #tpu.memory_space<vmem>>, vector<1x16xf32>,
    %get3A_3500 = vector.shape_cast %get3A_3499 : vector<1x16xf32> to vector<16xf32>
    %get3A_3501 = arith.constant 14 : i32
    %get3A_3502 = arith.index_cast %get3A_3501 : i32 to index
    %get3A_3503 = arith.constant 96 : index
    %get3A_3504 = tpu.vector_load %arg6[%get3A_3502, %get3A_3503] {strides = array<i32>} : memref<16x256xf32, #tpu.memory_space<vmem>>, vector<1x16xf32>,
    %get3A_3505 = vector.shape_cast %get3A_3504 : vector<1x16xf32> to vector<16xf32>
    %mul3A_3506 = arith.mulf %get3A_3500, %get3A_3505 : vector<16xf32>
    %add3A_3507 = arith.addf %add3A_3495, %mul3A_3506 : vector<16xf32>
    %get3A_3508 = arith.constant 14 : i32
    %get3A_3509 = arith.index_cast %get3A_3508 : i32 to index
    %get3A_3510 = arith.constant 112 : index
    %get3A_3511 = tpu.vector_load %arg5[%get3A_3509, %get3A_3510] {strides = array<i32>} : memref<16x256xf32, #tpu.memory_space<vmem>>, vector<1x16xf32>,
    %get3A_3512 = vector.shape_cast %get3A_3511 : vector<1x16xf32> to vector<16xf32>
    %get3A_3513 = arith.constant 14 : i32
    %get3A_3514 = arith.index_cast %get3A_3513 : i32 to index
    %get3A_3515 = arith.constant 112 : index
    %get3A_3516 = tpu.vector_load %arg6[%get3A_3514, %get3A_3515] {strides = array<i32>} : memref<16x256xf32, #tpu.memory_space<vmem>>, vector<1x16xf32>,
    %get3A_3517 = vector.shape_cast %get3A_3516 : vector<1x16xf32> to vector<16xf32>
    %mul3A_3518 = arith.mulf %get3A_3512, %get3A_3517 : vector<16xf32>
    %add3A_3519 = arith.addf %add3A_3507, %mul3A_3518 : vector<16xf32>
    %get3A_3520 = arith.constant 14 : i32
    %get3A_3521 = arith.index_cast %get3A_3520 : i32 to index
    %get3A_3522 = arith.constant 128 : index
    %get3A_3523 = tpu.vector_load %arg5[%get3A_3521, %get3A_3522] {strides = array<i32>} : memref<16x256xf32, #tpu.memory_space<vmem>>, vector<1x16xf32>,
    %get3A_3524 = vector.shape_cast %get3A_3523 : vector<1x16xf32> to vector<16xf32>
    %get3A_3525 = arith.constant 14 : i32
    %get3A_3526 = arith.index_cast %get3A_3525 : i32 to index
    %get3A_3527 = arith.constant 128 : index
    %get3A_3528 = tpu.vector_load %arg6[%get3A_3526, %get3A_3527] {strides = array<i32>} : memref<16x256xf32, #tpu.memory_space<vmem>>, vector<1x16xf32>,
    %get3A_3529 = vector.shape_cast %get3A_3528 : vector<1x16xf32> to vector<16xf32>
    %mul3A_3530 = arith.mulf %get3A_3524, %get3A_3529 : vector<16xf32>
    %add3A_3531 = arith.addf %add3A_3519, %mul3A_3530 : vector<16xf32>
    %get3A_3532 = arith.constant 14 : i32
    %get3A_3533 = arith.index_cast %get3A_3532 : i32 to index
    %get3A_3534 = arith.constant 144 : index
    %get3A_3535 = tpu.vector_load %arg5[%get3A_3533, %get3A_3534] {strides = array<i32>} : memref<16x256xf32, #tpu.memory_space<vmem>>, vector<1x16xf32>,
    %get3A_3536 = vector.shape_cast %get3A_3535 : vector<1x16xf32> to vector<16xf32>
    %get3A_3537 = arith.constant 14 : i32
    %get3A_3538 = arith.index_cast %get3A_3537 : i32 to index
    %get3A_3539 = arith.constant 144 : index
    %get3A_3540 = tpu.vector_load %arg6[%get3A_3538, %get3A_3539] {strides = array<i32>} : memref<16x256xf32, #tpu.memory_space<vmem>>, vector<1x16xf32>,
    %get3A_3541 = vector.shape_cast %get3A_3540 : vector<1x16xf32> to vector<16xf32>
    %mul3A_3542 = arith.mulf %get3A_3536, %get3A_3541 : vector<16xf32>
    %add3A_3543 = arith.addf %add3A_3531, %mul3A_3542 : vector<16xf32>
    %get3A_3544 = arith.constant 14 : i32
    %get3A_3545 = arith.index_cast %get3A_3544 : i32 to index
    %get3A_3546 = arith.constant 160 : index
    %get3A_3547 = tpu.vector_load %arg5[%get3A_3545, %get3A_3546] {strides = array<i32>} : memref<16x256xf32, #tpu.memory_space<vmem>>, vector<1x16xf32>,
    %get3A_3548 = vector.shape_cast %get3A_3547 : vector<1x16xf32> to vector<16xf32>
    %get3A_3549 = arith.constant 14 : i32
    %get3A_3550 = arith.index_cast %get3A_3549 : i32 to index
    %get3A_3551 = arith.constant 160 : index
    %get3A_3552 = tpu.vector_load %arg6[%get3A_3550, %get3A_3551] {strides = array<i32>} : memref<16x256xf32, #tpu.memory_space<vmem>>, vector<1x16xf32>,
    %get3A_3553 = vector.shape_cast %get3A_3552 : vector<1x16xf32> to vector<16xf32>
    %mul3A_3554 = arith.mulf %get3A_3548, %get3A_3553 : vector<16xf32>
    %add3A_3555 = arith.addf %add3A_3543, %mul3A_3554 : vector<16xf32>
    %get3A_3556 = arith.constant 14 : i32
    %get3A_3557 = arith.index_cast %get3A_3556 : i32 to index
    %get3A_3558 = arith.constant 176 : index
    %get3A_3559 = tpu.vector_load %arg5[%get3A_3557, %get3A_3558] {strides = array<i32>} : memref<16x256xf32, #tpu.memory_space<vmem>>, vector<1x16xf32>,
    %get3A_3560 = vector.shape_cast %get3A_3559 : vector<1x16xf32> to vector<16xf32>
    %get3A_3561 = arith.constant 14 : i32
    %get3A_3562 = arith.index_cast %get3A_3561 : i32 to index
    %get3A_3563 = arith.constant 176 : index
    %get3A_3564 = tpu.vector_load %arg6[%get3A_3562, %get3A_3563] {strides = array<i32>} : memref<16x256xf32, #tpu.memory_space<vmem>>, vector<1x16xf32>,
    %get3A_3565 = vector.shape_cast %get3A_3564 : vector<1x16xf32> to vector<16xf32>
    %mul3A_3566 = arith.mulf %get3A_3560, %get3A_3565 : vector<16xf32>
    %add3A_3567 = arith.addf %add3A_3555, %mul3A_3566 : vector<16xf32>
    %get3A_3568 = arith.constant 14 : i32
    %get3A_3569 = arith.index_cast %get3A_3568 : i32 to index
    %get3A_3570 = arith.constant 192 : index
    %get3A_3571 = tpu.vector_load %arg5[%get3A_3569, %get3A_3570] {strides = array<i32>} : memref<16x256xf32, #tpu.memory_space<vmem>>, vector<1x16xf32>,
    %get3A_3572 = vector.shape_cast %get3A_3571 : vector<1x16xf32> to vector<16xf32>
    %get3A_3573 = arith.constant 14 : i32
    %get3A_3574 = arith.index_cast %get3A_3573 : i32 to index
    %get3A_3575 = arith.constant 192 : index
    %get3A_3576 = tpu.vector_load %arg6[%get3A_3574, %get3A_3575] {strides = array<i32>} : memref<16x256xf32, #tpu.memory_space<vmem>>, vector<1x16xf32>,
    %get3A_3577 = vector.shape_cast %get3A_3576 : vector<1x16xf32> to vector<16xf32>
    %mul3A_3578 = arith.mulf %get3A_3572, %get3A_3577 : vector<16xf32>
    %add3A_3579 = arith.addf %add3A_3567, %mul3A_3578 : vector<16xf32>
    %get3A_3580 = arith.constant 14 : i32
    %get3A_3581 = arith.index_cast %get3A_3580 : i32 to index
    %get3A_3582 = arith.constant 208 : index
    %get3A_3583 = tpu.vector_load %arg5[%get3A_3581, %get3A_3582] {strides = array<i32>} : memref<16x256xf32, #tpu.memory_space<vmem>>, vector<1x16xf32>,
    %get3A_3584 = vector.shape_cast %get3A_3583 : vector<1x16xf32> to vector<16xf32>
    %get3A_3585 = arith.constant 14 : i32
    %get3A_3586 = arith.index_cast %get3A_3585 : i32 to index
    %get3A_3587 = arith.constant 208 : index
    %get3A_3588 = tpu.vector_load %arg6[%get3A_3586, %get3A_3587] {strides = array<i32>} : memref<16x256xf32, #tpu.memory_space<vmem>>, vector<1x16xf32>,
    %get3A_3589 = vector.shape_cast %get3A_3588 : vector<1x16xf32> to vector<16xf32>
    %mul3A_3590 = arith.mulf %get3A_3584, %get3A_3589 : vector<16xf32>
    %add3A_3591 = arith.addf %add3A_3579, %mul3A_3590 : vector<16xf32>
    %get3A_3592 = arith.constant 14 : i32
    %get3A_3593 = arith.index_cast %get3A_3592 : i32 to index
    %get3A_3594 = arith.constant 224 : index
    %get3A_3595 = tpu.vector_load %arg5[%get3A_3593, %get3A_3594] {strides = array<i32>} : memref<16x256xf32, #tpu.memory_space<vmem>>, vector<1x16xf32>,
    %get3A_3596 = vector.shape_cast %get3A_3595 : vector<1x16xf32> to vector<16xf32>
    %get3A_3597 = arith.constant 14 : i32
    %get3A_3598 = arith.index_cast %get3A_3597 : i32 to index
    %get3A_3599 = arith.constant 224 : index
    %get3A_3600 = tpu.vector_load %arg6[%get3A_3598, %get3A_3599] {strides = array<i32>} : memref<16x256xf32, #tpu.memory_space<vmem>>, vector<1x16xf32>,
    %get3A_3601 = vector.shape_cast %get3A_3600 : vector<1x16xf32> to vector<16xf32>
    %mul3A_3602 = arith.mulf %get3A_3596, %get3A_3601 : vector<16xf32>
    %add3A_3603 = arith.addf %add3A_3591, %mul3A_3602 : vector<16xf32>
    %get3A_3604 = arith.constant 14 : i32
    %get3A_3605 = arith.index_cast %get3A_3604 : i32 to index
    %get3A_3606 = arith.constant 240 : index
    %get3A_3607 = tpu.vector_load %arg5[%get3A_3605, %get3A_3606] {strides = array<i32>} : memref<16x256xf32, #tpu.memory_space<vmem>>, vector<1x16xf32>,
    %get3A_3608 = vector.shape_cast %get3A_3607 : vector<1x16xf32> to vector<16xf32>
    %get3A_3609 = arith.constant 14 : i32
    %get3A_3610 = arith.index_cast %get3A_3609 : i32 to index
    %get3A_3611 = arith.constant 240 : index
    %get3A_3612 = tpu.vector_load %arg6[%get3A_3610, %get3A_3611] {strides = array<i32>} : memref<16x256xf32, #tpu.memory_space<vmem>>, vector<1x16xf32>,
    %get3A_3613 = vector.shape_cast %get3A_3612 : vector<1x16xf32> to vector<16xf32>
    %mul3A_3614 = arith.mulf %get3A_3608, %get3A_3613 : vector<16xf32>
    %add3A_3615 = arith.addf %add3A_3603, %mul3A_3614 : vector<16xf32>
    %xor3A_3616 = arith.constant 8 : i32
    %xor3A_3617 = vector.broadcast %xor3A_3616 : i32 to vector<16xi32>
    %xor3A_3618 = arith.xori %iota3A, %xor3A_3617 : vector<16xi32>
    %reshape3A_3619 = vector.shape_cast %xor3A_3618 : vector<16xi32> to vector<16x1xi32>
    %gather3A_3620 = vector.shape_cast %reshape3A_3619 : vector<16x1xi32> to vector<16xi32>
    %gather3A_3621 = tpu.dynamic_gather %add3A_3615[%gather3A_3620] in [0] : vector<16xf32>, vector<16xi32> -> vector<16xf32>
    %add3A_3622 = arith.addf %add3A_3615, %gather3A_3621 : vector<16xf32>
    %xor3A_3623 = arith.constant 4 : i32
    %xor3A_3624 = vector.broadcast %xor3A_3623 : i32 to vector<16xi32>
    %xor3A_3625 = arith.xori %iota3A, %xor3A_3624 : vector<16xi32>
    %reshape3A_3626 = vector.shape_cast %xor3A_3625 : vector<16xi32> to vector<16x1xi32>
    %gather3A_3627 = vector.shape_cast %reshape3A_3626 : vector<16x1xi32> to vector<16xi32>
    %gather3A_3628 = tpu.dynamic_gather %add3A_3622[%gather3A_3627] in [0] : vector<16xf32>, vector<16xi32> -> vector<16xf32>
    %add3A_3629 = arith.addf %add3A_3622, %gather3A_3628 : vector<16xf32>
    %xor3A_3630 = arith.constant 2 : i32
    %xor3A_3631 = vector.broadcast %xor3A_3630 : i32 to vector<16xi32>
    %xor3A_3632 = arith.xori %iota3A, %xor3A_3631 : vector<16xi32>
    %reshape3A_3633 = vector.shape_cast %xor3A_3632 : vector<16xi32> to vector<16x1xi32>
    %gather3A_3634 = vector.shape_cast %reshape3A_3633 : vector<16x1xi32> to vector<16xi32>
    %gather3A_3635 = tpu.dynamic_gather %add3A_3629[%gather3A_3634] in [0] : vector<16xf32>, vector<16xi32> -> vector<16xf32>
    %add3A_3636 = arith.addf %add3A_3629, %gather3A_3635 : vector<16xf32>
    %xor3A_3637 = arith.constant 1 : i32
    %xor3A_3638 = vector.broadcast %xor3A_3637 : i32 to vector<16xi32>
    %xor3A_3639 = arith.xori %iota3A, %xor3A_3638 : vector<16xi32>
    %reshape3A_3640 = vector.shape_cast %xor3A_3639 : vector<16xi32> to vector<16x1xi32>
    %gather3A_3641 = vector.shape_cast %reshape3A_3640 : vector<16x1xi32> to vector<16xi32>
    %gather3A_3642 = tpu.dynamic_gather %add3A_3636[%gather3A_3641] in [0] : vector<16xf32>, vector<16xi32> -> vector<16xf32>
    %add3A_3643 = arith.addf %add3A_3636, %gather3A_3642 : vector<16xf32>
    %broadcast_in_dim3A_3644 = arith.constant 14 : i32
    %broadcast_in_dim3A_3645 = vector.broadcast %broadcast_in_dim3A_3644 : i32 to vector<16xi32>
    %reshape3A_3646 = vector.shape_cast %broadcast_in_dim3A_3645 : vector<16xi32> to vector<16x1xi32>
    %gather3A_3647 = vector.shape_cast %reshape3A_3646 : vector<16x1xi32> to vector<16xi32>
    %gather3A_3648 = tpu.dynamic_gather %add3A_167[%gather3A_3647] in [0] : vector<16xi32>, vector<16xi32> -> vector<16xi32>
    %eq3A_3649 = arith.cmpi eq, %iota3A, %gather3A_3648 : vector<16xi32>
    %jit3A_3650 = arith.constant -1.000000e+30 : f32
    %broadcast_in_dim3A_3651 = vector.broadcast %jit3A_3650 : f32 to vector<16xf32>
    %select_n3A_3652 = arith.select %eq3A_3649, %add3A_3643, %broadcast_in_dim3A_3651 : vector<16xi1>, vector<16xf32>
    %max3A_3653 = arith.maximumf %max3A_3421, %select_n3A_3652 : vector<16xf32>
    %broadcast_in_dim3A_3654 = arith.constant 0.000000e+00 : f32
    %broadcast_in_dim3A_3655 = vector.broadcast %broadcast_in_dim3A_3654 : f32 to vector<16xf32>
    %get3A_3656 = arith.constant 15 : i32
    %get3A_3657 = arith.index_cast %get3A_3656 : i32 to index
    %get3A_3658 = arith.constant 0 : index
    %get3A_3659 = tpu.vector_load %arg5[%get3A_3657, %get3A_3658] {strides = array<i32>} : memref<16x256xf32, #tpu.memory_space<vmem>>, vector<1x16xf32>,
    %get3A_3660 = vector.shape_cast %get3A_3659 : vector<1x16xf32> to vector<16xf32>
    %get3A_3661 = arith.constant 15 : i32
    %get3A_3662 = arith.index_cast %get3A_3661 : i32 to index
    %get3A_3663 = arith.constant 0 : index
    %get3A_3664 = tpu.vector_load %arg6[%get3A_3662, %get3A_3663] {strides = array<i32>} : memref<16x256xf32, #tpu.memory_space<vmem>>, vector<1x16xf32>,
    %get3A_3665 = vector.shape_cast %get3A_3664 : vector<1x16xf32> to vector<16xf32>
    %mul3A_3666 = arith.mulf %get3A_3660, %get3A_3665 : vector<16xf32>
    %add3A_3667 = arith.addf %broadcast_in_dim3A_3655, %mul3A_3666 : vector<16xf32>
    %get3A_3668 = arith.constant 15 : i32
    %get3A_3669 = arith.index_cast %get3A_3668 : i32 to index
    %get3A_3670 = arith.constant 16 : index
    %get3A_3671 = tpu.vector_load %arg5[%get3A_3669, %get3A_3670] {strides = array<i32>} : memref<16x256xf32, #tpu.memory_space<vmem>>, vector<1x16xf32>,
    %get3A_3672 = vector.shape_cast %get3A_3671 : vector<1x16xf32> to vector<16xf32>
    %get3A_3673 = arith.constant 15 : i32
    %get3A_3674 = arith.index_cast %get3A_3673 : i32 to index
    %get3A_3675 = arith.constant 16 : index
    %get3A_3676 = tpu.vector_load %arg6[%get3A_3674, %get3A_3675] {strides = array<i32>} : memref<16x256xf32, #tpu.memory_space<vmem>>, vector<1x16xf32>,
    %get3A_3677 = vector.shape_cast %get3A_3676 : vector<1x16xf32> to vector<16xf32>
    %mul3A_3678 = arith.mulf %get3A_3672, %get3A_3677 : vector<16xf32>
    %add3A_3679 = arith.addf %add3A_3667, %mul3A_3678 : vector<16xf32>
    %get3A_3680 = arith.constant 15 : i32
    %get3A_3681 = arith.index_cast %get3A_3680 : i32 to index
    %get3A_3682 = arith.constant 32 : index
    %get3A_3683 = tpu.vector_load %arg5[%get3A_3681, %get3A_3682] {strides = array<i32>} : memref<16x256xf32, #tpu.memory_space<vmem>>, vector<1x16xf32>,
    %get3A_3684 = vector.shape_cast %get3A_3683 : vector<1x16xf32> to vector<16xf32>
    %get3A_3685 = arith.constant 15 : i32
    %get3A_3686 = arith.index_cast %get3A_3685 : i32 to index
    %get3A_3687 = arith.constant 32 : index
    %get3A_3688 = tpu.vector_load %arg6[%get3A_3686, %get3A_3687] {strides = array<i32>} : memref<16x256xf32, #tpu.memory_space<vmem>>, vector<1x16xf32>,
    %get3A_3689 = vector.shape_cast %get3A_3688 : vector<1x16xf32> to vector<16xf32>
    %mul3A_3690 = arith.mulf %get3A_3684, %get3A_3689 : vector<16xf32>
    %add3A_3691 = arith.addf %add3A_3679, %mul3A_3690 : vector<16xf32>
    %get3A_3692 = arith.constant 15 : i32
    %get3A_3693 = arith.index_cast %get3A_3692 : i32 to index
    %get3A_3694 = arith.constant 48 : index
    %get3A_3695 = tpu.vector_load %arg5[%get3A_3693, %get3A_3694] {strides = array<i32>} : memref<16x256xf32, #tpu.memory_space<vmem>>, vector<1x16xf32>,
    %get3A_3696 = vector.shape_cast %get3A_3695 : vector<1x16xf32> to vector<16xf32>
    %get3A_3697 = arith.constant 15 : i32
    %get3A_3698 = arith.index_cast %get3A_3697 : i32 to index
    %get3A_3699 = arith.constant 48 : index
    %get3A_3700 = tpu.vector_load %arg6[%get3A_3698, %get3A_3699] {strides = array<i32>} : memref<16x256xf32, #tpu.memory_space<vmem>>, vector<1x16xf32>,
    %get3A_3701 = vector.shape_cast %get3A_3700 : vector<1x16xf32> to vector<16xf32>
    %mul3A_3702 = arith.mulf %get3A_3696, %get3A_3701 : vector<16xf32>
    %add3A_3703 = arith.addf %add3A_3691, %mul3A_3702 : vector<16xf32>
    %get3A_3704 = arith.constant 15 : i32
    %get3A_3705 = arith.index_cast %get3A_3704 : i32 to index
    %get3A_3706 = arith.constant 64 : index
    %get3A_3707 = tpu.vector_load %arg5[%get3A_3705, %get3A_3706] {strides = array<i32>} : memref<16x256xf32, #tpu.memory_space<vmem>>, vector<1x16xf32>,
    %get3A_3708 = vector.shape_cast %get3A_3707 : vector<1x16xf32> to vector<16xf32>
    %get3A_3709 = arith.constant 15 : i32
    %get3A_3710 = arith.index_cast %get3A_3709 : i32 to index
    %get3A_3711 = arith.constant 64 : index
    %get3A_3712 = tpu.vector_load %arg6[%get3A_3710, %get3A_3711] {strides = array<i32>} : memref<16x256xf32, #tpu.memory_space<vmem>>, vector<1x16xf32>,
    %get3A_3713 = vector.shape_cast %get3A_3712 : vector<1x16xf32> to vector<16xf32>
    %mul3A_3714 = arith.mulf %get3A_3708, %get3A_3713 : vector<16xf32>
    %add3A_3715 = arith.addf %add3A_3703, %mul3A_3714 : vector<16xf32>
    %get3A_3716 = arith.constant 15 : i32
    %get3A_3717 = arith.index_cast %get3A_3716 : i32 to index
    %get3A_3718 = arith.constant 80 : index
    %get3A_3719 = tpu.vector_load %arg5[%get3A_3717, %get3A_3718] {strides = array<i32>} : memref<16x256xf32, #tpu.memory_space<vmem>>, vector<1x16xf32>,
    %get3A_3720 = vector.shape_cast %get3A_3719 : vector<1x16xf32> to vector<16xf32>
    %get3A_3721 = arith.constant 15 : i32
    %get3A_3722 = arith.index_cast %get3A_3721 : i32 to index
    %get3A_3723 = arith.constant 80 : index
    %get3A_3724 = tpu.vector_load %arg6[%get3A_3722, %get3A_3723] {strides = array<i32>} : memref<16x256xf32, #tpu.memory_space<vmem>>, vector<1x16xf32>,
    %get3A_3725 = vector.shape_cast %get3A_3724 : vector<1x16xf32> to vector<16xf32>
    %mul3A_3726 = arith.mulf %get3A_3720, %get3A_3725 : vector<16xf32>
    %add3A_3727 = arith.addf %add3A_3715, %mul3A_3726 : vector<16xf32>
    %get3A_3728 = arith.constant 15 : i32
    %get3A_3729 = arith.index_cast %get3A_3728 : i32 to index
    %get3A_3730 = arith.constant 96 : index
    %get3A_3731 = tpu.vector_load %arg5[%get3A_3729, %get3A_3730] {strides = array<i32>} : memref<16x256xf32, #tpu.memory_space<vmem>>, vector<1x16xf32>,
    %get3A_3732 = vector.shape_cast %get3A_3731 : vector<1x16xf32> to vector<16xf32>
    %get3A_3733 = arith.constant 15 : i32
    %get3A_3734 = arith.index_cast %get3A_3733 : i32 to index
    %get3A_3735 = arith.constant 96 : index
    %get3A_3736 = tpu.vector_load %arg6[%get3A_3734, %get3A_3735] {strides = array<i32>} : memref<16x256xf32, #tpu.memory_space<vmem>>, vector<1x16xf32>,
    %get3A_3737 = vector.shape_cast %get3A_3736 : vector<1x16xf32> to vector<16xf32>
    %mul3A_3738 = arith.mulf %get3A_3732, %get3A_3737 : vector<16xf32>
    %add3A_3739 = arith.addf %add3A_3727, %mul3A_3738 : vector<16xf32>
    %get3A_3740 = arith.constant 15 : i32
    %get3A_3741 = arith.index_cast %get3A_3740 : i32 to index
    %get3A_3742 = arith.constant 112 : index
    %get3A_3743 = tpu.vector_load %arg5[%get3A_3741, %get3A_3742] {strides = array<i32>} : memref<16x256xf32, #tpu.memory_space<vmem>>, vector<1x16xf32>,
    %get3A_3744 = vector.shape_cast %get3A_3743 : vector<1x16xf32> to vector<16xf32>
    %get3A_3745 = arith.constant 15 : i32
    %get3A_3746 = arith.index_cast %get3A_3745 : i32 to index
    %get3A_3747 = arith.constant 112 : index
    %get3A_3748 = tpu.vector_load %arg6[%get3A_3746, %get3A_3747] {strides = array<i32>} : memref<16x256xf32, #tpu.memory_space<vmem>>, vector<1x16xf32>,
    %get3A_3749 = vector.shape_cast %get3A_3748 : vector<1x16xf32> to vector<16xf32>
    %mul3A_3750 = arith.mulf %get3A_3744, %get3A_3749 : vector<16xf32>
    %add3A_3751 = arith.addf %add3A_3739, %mul3A_3750 : vector<16xf32>
    %get3A_3752 = arith.constant 15 : i32
    %get3A_3753 = arith.index_cast %get3A_3752 : i32 to index
    %get3A_3754 = arith.constant 128 : index
    %get3A_3755 = tpu.vector_load %arg5[%get3A_3753, %get3A_3754] {strides = array<i32>} : memref<16x256xf32, #tpu.memory_space<vmem>>, vector<1x16xf32>,
    %get3A_3756 = vector.shape_cast %get3A_3755 : vector<1x16xf32> to vector<16xf32>
    %get3A_3757 = arith.constant 15 : i32
    %get3A_3758 = arith.index_cast %get3A_3757 : i32 to index
    %get3A_3759 = arith.constant 128 : index
    %get3A_3760 = tpu.vector_load %arg6[%get3A_3758, %get3A_3759] {strides = array<i32>} : memref<16x256xf32, #tpu.memory_space<vmem>>, vector<1x16xf32>,
    %get3A_3761 = vector.shape_cast %get3A_3760 : vector<1x16xf32> to vector<16xf32>
    %mul3A_3762 = arith.mulf %get3A_3756, %get3A_3761 : vector<16xf32>
    %add3A_3763 = arith.addf %add3A_3751, %mul3A_3762 : vector<16xf32>
    %get3A_3764 = arith.constant 15 : i32
    %get3A_3765 = arith.index_cast %get3A_3764 : i32 to index
    %get3A_3766 = arith.constant 144 : index
    %get3A_3767 = tpu.vector_load %arg5[%get3A_3765, %get3A_3766] {strides = array<i32>} : memref<16x256xf32, #tpu.memory_space<vmem>>, vector<1x16xf32>,
    %get3A_3768 = vector.shape_cast %get3A_3767 : vector<1x16xf32> to vector<16xf32>
    %get3A_3769 = arith.constant 15 : i32
    %get3A_3770 = arith.index_cast %get3A_3769 : i32 to index
    %get3A_3771 = arith.constant 144 : index
    %get3A_3772 = tpu.vector_load %arg6[%get3A_3770, %get3A_3771] {strides = array<i32>} : memref<16x256xf32, #tpu.memory_space<vmem>>, vector<1x16xf32>,
    %get3A_3773 = vector.shape_cast %get3A_3772 : vector<1x16xf32> to vector<16xf32>
    %mul3A_3774 = arith.mulf %get3A_3768, %get3A_3773 : vector<16xf32>
    %add3A_3775 = arith.addf %add3A_3763, %mul3A_3774 : vector<16xf32>
    %get3A_3776 = arith.constant 15 : i32
    %get3A_3777 = arith.index_cast %get3A_3776 : i32 to index
    %get3A_3778 = arith.constant 160 : index
    %get3A_3779 = tpu.vector_load %arg5[%get3A_3777, %get3A_3778] {strides = array<i32>} : memref<16x256xf32, #tpu.memory_space<vmem>>, vector<1x16xf32>,
    %get3A_3780 = vector.shape_cast %get3A_3779 : vector<1x16xf32> to vector<16xf32>
    %get3A_3781 = arith.constant 15 : i32
    %get3A_3782 = arith.index_cast %get3A_3781 : i32 to index
    %get3A_3783 = arith.constant 160 : index
    %get3A_3784 = tpu.vector_load %arg6[%get3A_3782, %get3A_3783] {strides = array<i32>} : memref<16x256xf32, #tpu.memory_space<vmem>>, vector<1x16xf32>,
    %get3A_3785 = vector.shape_cast %get3A_3784 : vector<1x16xf32> to vector<16xf32>
    %mul3A_3786 = arith.mulf %get3A_3780, %get3A_3785 : vector<16xf32>
    %add3A_3787 = arith.addf %add3A_3775, %mul3A_3786 : vector<16xf32>
    %get3A_3788 = arith.constant 15 : i32
    %get3A_3789 = arith.index_cast %get3A_3788 : i32 to index
    %get3A_3790 = arith.constant 176 : index
    %get3A_3791 = tpu.vector_load %arg5[%get3A_3789, %get3A_3790] {strides = array<i32>} : memref<16x256xf32, #tpu.memory_space<vmem>>, vector<1x16xf32>,
    %get3A_3792 = vector.shape_cast %get3A_3791 : vector<1x16xf32> to vector<16xf32>
    %get3A_3793 = arith.constant 15 : i32
    %get3A_3794 = arith.index_cast %get3A_3793 : i32 to index
    %get3A_3795 = arith.constant 176 : index
    %get3A_3796 = tpu.vector_load %arg6[%get3A_3794, %get3A_3795] {strides = array<i32>} : memref<16x256xf32, #tpu.memory_space<vmem>>, vector<1x16xf32>,
    %get3A_3797 = vector.shape_cast %get3A_3796 : vector<1x16xf32> to vector<16xf32>
    %mul3A_3798 = arith.mulf %get3A_3792, %get3A_3797 : vector<16xf32>
    %add3A_3799 = arith.addf %add3A_3787, %mul3A_3798 : vector<16xf32>
    %get3A_3800 = arith.constant 15 : i32
    %get3A_3801 = arith.index_cast %get3A_3800 : i32 to index
    %get3A_3802 = arith.constant 192 : index
    %get3A_3803 = tpu.vector_load %arg5[%get3A_3801, %get3A_3802] {strides = array<i32>} : memref<16x256xf32, #tpu.memory_space<vmem>>, vector<1x16xf32>,
    %get3A_3804 = vector.shape_cast %get3A_3803 : vector<1x16xf32> to vector<16xf32>
    %get3A_3805 = arith.constant 15 : i32
    %get3A_3806 = arith.index_cast %get3A_3805 : i32 to index
    %get3A_3807 = arith.constant 192 : index
    %get3A_3808 = tpu.vector_load %arg6[%get3A_3806, %get3A_3807] {strides = array<i32>} : memref<16x256xf32, #tpu.memory_space<vmem>>, vector<1x16xf32>,
    %get3A_3809 = vector.shape_cast %get3A_3808 : vector<1x16xf32> to vector<16xf32>
    %mul3A_3810 = arith.mulf %get3A_3804, %get3A_3809 : vector<16xf32>
    %add3A_3811 = arith.addf %add3A_3799, %mul3A_3810 : vector<16xf32>
    %get3A_3812 = arith.constant 15 : i32
    %get3A_3813 = arith.index_cast %get3A_3812 : i32 to index
    %get3A_3814 = arith.constant 208 : index
    %get3A_3815 = tpu.vector_load %arg5[%get3A_3813, %get3A_3814] {strides = array<i32>} : memref<16x256xf32, #tpu.memory_space<vmem>>, vector<1x16xf32>,
    %get3A_3816 = vector.shape_cast %get3A_3815 : vector<1x16xf32> to vector<16xf32>
    %get3A_3817 = arith.constant 15 : i32
    %get3A_3818 = arith.index_cast %get3A_3817 : i32 to index
    %get3A_3819 = arith.constant 208 : index
    %get3A_3820 = tpu.vector_load %arg6[%get3A_3818, %get3A_3819] {strides = array<i32>} : memref<16x256xf32, #tpu.memory_space<vmem>>, vector<1x16xf32>,
    %get3A_3821 = vector.shape_cast %get3A_3820 : vector<1x16xf32> to vector<16xf32>
    %mul3A_3822 = arith.mulf %get3A_3816, %get3A_3821 : vector<16xf32>
    %add3A_3823 = arith.addf %add3A_3811, %mul3A_3822 : vector<16xf32>
    %get3A_3824 = arith.constant 15 : i32
    %get3A_3825 = arith.index_cast %get3A_3824 : i32 to index
    %get3A_3826 = arith.constant 224 : index
    %get3A_3827 = tpu.vector_load %arg5[%get3A_3825, %get3A_3826] {strides = array<i32>} : memref<16x256xf32, #tpu.memory_space<vmem>>, vector<1x16xf32>,
    %get3A_3828 = vector.shape_cast %get3A_3827 : vector<1x16xf32> to vector<16xf32>
    %get3A_3829 = arith.constant 15 : i32
    %get3A_3830 = arith.index_cast %get3A_3829 : i32 to index
    %get3A_3831 = arith.constant 224 : index
    %get3A_3832 = tpu.vector_load %arg6[%get3A_3830, %get3A_3831] {strides = array<i32>} : memref<16x256xf32, #tpu.memory_space<vmem>>, vector<1x16xf32>,
    %get3A_3833 = vector.shape_cast %get3A_3832 : vector<1x16xf32> to vector<16xf32>
    %mul3A_3834 = arith.mulf %get3A_3828, %get3A_3833 : vector<16xf32>
    %add3A_3835 = arith.addf %add3A_3823, %mul3A_3834 : vector<16xf32>
    %get3A_3836 = arith.constant 15 : i32
    %get3A_3837 = arith.index_cast %get3A_3836 : i32 to index
    %get3A_3838 = arith.constant 240 : index
    %get3A_3839 = tpu.vector_load %arg5[%get3A_3837, %get3A_3838] {strides = array<i32>} : memref<16x256xf32, #tpu.memory_space<vmem>>, vector<1x16xf32>,
    %get3A_3840 = vector.shape_cast %get3A_3839 : vector<1x16xf32> to vector<16xf32>
    %get3A_3841 = arith.constant 15 : i32
    %get3A_3842 = arith.index_cast %get3A_3841 : i32 to index
    %get3A_3843 = arith.constant 240 : index
    %get3A_3844 = tpu.vector_load %arg6[%get3A_3842, %get3A_3843] {strides = array<i32>} : memref<16x256xf32, #tpu.memory_space<vmem>>, vector<1x16xf32>,
    %get3A_3845 = vector.shape_cast %get3A_3844 : vector<1x16xf32> to vector<16xf32>
    %mul3A_3846 = arith.mulf %get3A_3840, %get3A_3845 : vector<16xf32>
    %add3A_3847 = arith.addf %add3A_3835, %mul3A_3846 : vector<16xf32>
    %xor3A_3848 = arith.constant 8 : i32
    %xor3A_3849 = vector.broadcast %xor3A_3848 : i32 to vector<16xi32>
    %xor3A_3850 = arith.xori %iota3A, %xor3A_3849 : vector<16xi32>
    %reshape3A_3851 = vector.shape_cast %xor3A_3850 : vector<16xi32> to vector<16x1xi32>
    %gather3A_3852 = vector.shape_cast %reshape3A_3851 : vector<16x1xi32> to vector<16xi32>
    %gather3A_3853 = tpu.dynamic_gather %add3A_3847[%gather3A_3852] in [0] : vector<16xf32>, vector<16xi32> -> vector<16xf32>
    %add3A_3854 = arith.addf %add3A_3847, %gather3A_3853 : vector<16xf32>
    %xor3A_3855 = arith.constant 4 : i32
    %xor3A_3856 = vector.broadcast %xor3A_3855 : i32 to vector<16xi32>
    %xor3A_3857 = arith.xori %iota3A, %xor3A_3856 : vector<16xi32>
    %reshape3A_3858 = vector.shape_cast %xor3A_3857 : vector<16xi32> to vector<16x1xi32>
    %gather3A_3859 = vector.shape_cast %reshape3A_3858 : vector<16x1xi32> to vector<16xi32>
    %gather3A_3860 = tpu.dynamic_gather %add3A_3854[%gather3A_3859] in [0] : vector<16xf32>, vector<16xi32> -> vector<16xf32>
    %add3A_3861 = arith.addf %add3A_3854, %gather3A_3860 : vector<16xf32>
    %xor3A_3862 = arith.constant 2 : i32
    %xor3A_3863 = vector.broadcast %xor3A_3862 : i32 to vector<16xi32>
    %xor3A_3864 = arith.xori %iota3A, %xor3A_3863 : vector<16xi32>
    %reshape3A_3865 = vector.shape_cast %xor3A_3864 : vector<16xi32> to vector<16x1xi32>
    %gather3A_3866 = vector.shape_cast %reshape3A_3865 : vector<16x1xi32> to vector<16xi32>
    %gather3A_3867 = tpu.dynamic_gather %add3A_3861[%gather3A_3866] in [0] : vector<16xf32>, vector<16xi32> -> vector<16xf32>
    %add3A_3868 = arith.addf %add3A_3861, %gather3A_3867 : vector<16xf32>
    %xor3A_3869 = arith.constant 1 : i32
    %xor3A_3870 = vector.broadcast %xor3A_3869 : i32 to vector<16xi32>
    %xor3A_3871 = arith.xori %iota3A, %xor3A_3870 : vector<16xi32>
    %reshape3A_3872 = vector.shape_cast %xor3A_3871 : vector<16xi32> to vector<16x1xi32>
    %gather3A_3873 = vector.shape_cast %reshape3A_3872 : vector<16x1xi32> to vector<16xi32>
    %gather3A_3874 = tpu.dynamic_gather %add3A_3868[%gather3A_3873] in [0] : vector<16xf32>, vector<16xi32> -> vector<16xf32>
    %add3A_3875 = arith.addf %add3A_3868, %gather3A_3874 : vector<16xf32>
    %broadcast_in_dim3A_3876 = arith.constant 15 : i32
    %broadcast_in_dim3A_3877 = vector.broadcast %broadcast_in_dim3A_3876 : i32 to vector<16xi32>
    %reshape3A_3878 = vector.shape_cast %broadcast_in_dim3A_3877 : vector<16xi32> to vector<16x1xi32>
    %gather3A_3879 = vector.shape_cast %reshape3A_3878 : vector<16x1xi32> to vector<16xi32>
    %gather3A_3880 = tpu.dynamic_gather %add3A_167[%gather3A_3879] in [0] : vector<16xi32>, vector<16xi32> -> vector<16xi32>
    %eq3A_3881 = arith.cmpi eq, %iota3A, %gather3A_3880 : vector<16xi32>
    %jit3A_3882 = arith.constant -1.000000e+30 : f32
    %broadcast_in_dim3A_3883 = vector.broadcast %jit3A_3882 : f32 to vector<16xf32>
    %select_n3A_3884 = arith.select %eq3A_3881, %add3A_3875, %broadcast_in_dim3A_3883 : vector<16xi1>, vector<16xf32>
    %max3A_3885 = arith.maximumf %max3A_3653, %select_n3A_3884 : vector<16xf32>
    %swap3A = arith.constant 0 : index
    %swap3A_3886 = tpu.vector_load %arg8[%swap3A] {strides = array<i32>} : memref<16xf32, #tpu.memory_space<vmem>>, vector<16xf32>,
    %swap3A_3887 = vector.shape_cast %swap3A_3886 : vector<16xf32> to vector<16xf32>
    %swap3A_3888 = vector.shape_cast %max3A_3885 : vector<16xf32> to vector<16xf32>
    tpu.vector_store %arg8[%swap3A], %swap3A_3888 {strides = array<i32>} : memref<16xf32, #tpu.memory_space<vmem>>, vector<16xf32>,
    "tpu.region"() ({
      %run_scoped3A = tpu.sem_alloc : memref<!tpu.dma_semaphore, #tpu.memory_space<semaphore_mem>>
      %dma_start3A_3889 = arith.constant 0 : i32
      %dma_start3A_3890 = tpu.memref_slice %arg4[%add3A, %dma_start3A_3889] : memref<32x16xf32, #tpu.memory_space<hbm>> -> memref<1x16xf32, #tpu.memory_space<hbm>>
      %dma_start3A_3891 = tpu.memref_squeeze %dma_start3A_3890 : memref<1x16xf32, #tpu.memory_space<hbm>> -> memref<16xf32, #tpu.memory_space<hbm>>
      %dma_start3A_3892 = arith.constant 0 : i32
      %dma_start3A_3893 = tpu.memref_slice %arg4[%add3A, %dma_start3A_3892] : memref<32x16xf32, #tpu.memory_space<hbm>> -> memref<1x16xf32, #tpu.memory_space<hbm>>
      %dma_start3A_3894 = tpu.memref_squeeze %dma_start3A_3893 : memref<1x16xf32, #tpu.memory_space<hbm>> -> memref<16xf32, #tpu.memory_space<hbm>>
      tpu.enqueue_dma source(%arg8 : memref<16xf32, #tpu.memory_space<vmem>>) target(%dma_start3A_3894 : memref<16xf32, #tpu.memory_space<hbm>>) target_semaphore(%run_scoped3A : memref<!tpu.dma_semaphore, #tpu.memory_space<semaphore_mem>>)
      %dma_wait3A_3895 = arith.constant 0 : i32
      %dma_wait3A_3896 = tpu.memref_slice %arg4[%add3A, %dma_wait3A_3895] : memref<32x16xf32, #tpu.memory_space<hbm>> -> memref<1x16xf32, #tpu.memory_space<hbm>>
      %dma_wait3A_3897 = tpu.memref_squeeze %dma_wait3A_3896 : memref<1x16xf32, #tpu.memory_space<hbm>> -> memref<16xf32, #tpu.memory_space<hbm>>
      %dma_wait3A_3898 = arith.constant 0 : i32
      %dma_wait3A_3899 = tpu.memref_slice %arg4[%add3A, %dma_wait3A_3898] : memref<32x16xf32, #tpu.memory_space<hbm>> -> memref<1x16xf32, #tpu.memory_space<hbm>>
      %dma_wait3A_3900 = tpu.memref_squeeze %dma_wait3A_3899 : memref<1x16xf32, #tpu.memory_space<hbm>> -> memref<16xf32, #tpu.memory_space<hbm>>
      tpu.wait_dma2 semaphore(%run_scoped3A : memref<!tpu.dma_semaphore, #tpu.memory_space<semaphore_mem>>) src(%arg8 : memref<16xf32, #tpu.memory_space<vmem>>) dst(%dma_wait3A_3900 : memref<16xf32, #tpu.memory_space<hbm>>)
      tpu.yield
    }) : () -> ()
    return
  }
}

module attributes {stable_mosaic.version = 14 : i64} {
  func.func @_loss_body(%arg0: memref<32x16xf32, #tpu.memory_space<vmem>>, %arg1: memref<1x16xf32, #tpu.memory_space<vmem>>, %arg2: memref<1x1xf32, #tpu.memory_space<vmem>>) attributes {dimension_semantics = [], scalar_prefetch = 0 : i64, scratch_operands = 0 : i64, tpu.core_type = #tpu.core_type<tc>} {
    %get3A = arith.constant 0 : index
    %get3A_0 = arith.constant 0 : index
    %get3A_1 = vector.load %arg0[%get3A, %get3A_0] : memref<32x16xf32, #tpu.memory_space<vmem>>, vector<32x16xf32>
    %reduce_max3A = arith.constant dense<0xFF800000> : vector<16xf32>
    %reduce_max3A_2 = vector.multi_reduction <maximumf>, %get3A_1, %reduce_max3A [0] : vector<32x16xf32> to vector<16xf32>
    %get3A_3 = arith.constant 0 : index
    %get3A_4 = arith.constant 0 : index
    %get3A_5 = vector.load %arg1[%get3A_3, %get3A_4] : memref<1x16xf32, #tpu.memory_space<vmem>>, vector<1x16xf32>
    %get3A_6 = vector.shape_cast %get3A_5 : vector<1x16xf32> to vector<16xf32>
    %gt3A = arith.constant 0.000000e+00 : f32
    %gt3A_7 = vector.broadcast %gt3A : f32 to vector<16xf32>
    %gt3A_8 = arith.cmpf ogt, %get3A_6, %gt3A_7 : vector<16xf32>
    %sub3A = arith.constant 1.000000e+00 : f32
    %sub3A_9 = vector.broadcast %sub3A : f32 to vector<16xf32>
    %sub3A_10 = arith.subf %sub3A_9, %reduce_max3A_2 : vector<16xf32>
    %jit3A = arith.constant 0.000000e+00 : f32
    %broadcast_in_dim3A = vector.broadcast %jit3A : f32 to vector<16xf32>
    %select_n3A = arith.select %gt3A_8, %sub3A_10, %broadcast_in_dim3A : vector<16xi1>, vector<16xf32>
    %lt3A = arith.constant 0.000000e+00 : f32
    %lt3A_11 = vector.broadcast %lt3A : f32 to vector<16xf32>
    %lt3A_12 = arith.cmpf olt, %get3A_6, %lt3A_11 : vector<16xf32>
    %max3A = arith.constant 0.000000e+00 : f32
    %max3A_13 = vector.broadcast %max3A : f32 to vector<16xf32>
    %max3A_14 = arith.maximumf %reduce_max3A_2, %max3A_13 : vector<16xf32>
    %jit3A_15 = arith.constant 0.000000e+00 : f32
    %broadcast_in_dim3A_16 = vector.broadcast %jit3A_15 : f32 to vector<16xf32>
    %select_n3A_17 = arith.select %lt3A_12, %max3A_14, %broadcast_in_dim3A_16 : vector<16xi1>, vector<16xf32>
    %reduce_sum3A = vector.shape_cast %select_n3A : vector<16xf32> to vector<1x16xf32>
    %reduce_sum3A_18 = arith.constant dense<0.000000e+00> : vector<1xf32>
    %reduce_sum3A_19 = vector.multi_reduction <add>, %reduce_sum3A, %reduce_sum3A_18 [1] : vector<1x16xf32> to vector<1xf32>
    %reduce_sum3A_20 = vector.shape_cast %reduce_sum3A_19 : vector<1xf32> to vector<1x1xf32>
    %reduce_sum3A_21 = vector.extract %reduce_sum3A_20[0, 0] : f32 from vector<1x1xf32>
    %reduce_sum3A_22 = vector.shape_cast %select_n3A_17 : vector<16xf32> to vector<1x16xf32>
    %reduce_sum3A_23 = arith.constant dense<0.000000e+00> : vector<1xf32>
    %reduce_sum3A_24 = vector.multi_reduction <add>, %reduce_sum3A_22, %reduce_sum3A_23 [1] : vector<1x16xf32> to vector<1xf32>
    %reduce_sum3A_25 = vector.shape_cast %reduce_sum3A_24 : vector<1xf32> to vector<1x1xf32>
    %reduce_sum3A_26 = vector.extract %reduce_sum3A_25[0, 0] : f32 from vector<1x1xf32>
    %add3A = arith.addf %reduce_sum3A_21, %reduce_sum3A_26 : f32
    %div3A = arith.constant 1.600000e+01 : f32
    %div3A_27 = arith.divf %add3A, %div3A : f32
    %reshape3A = vector.broadcast %div3A_27 : f32 to vector<1x1xf32>
    %swap3A = arith.constant 0 : index
    %swap3A_28 = arith.constant 0 : index
    %swap3A_29 = vector.load %arg2[%swap3A, %swap3A_28] : memref<1x1xf32, #tpu.memory_space<vmem>>, vector<1x1xf32>
    tpu.vector_store %arg2[%swap3A, %swap3A_28], %reshape3A {strides = array<i32>} : memref<1x1xf32, #tpu.memory_space<vmem>>, vector<1x1xf32>,
    return
  }
}

module attributes {stable_mosaic.version = 14 : i64} {
  func.func @_emb_body(%arg0: i32, %arg1: memref<16x128x1024xf32, #tpu.memory_space<vmem>>, %arg2: memref<1024x256xf32, #tpu.memory_space<vmem>>, %arg3: memref<1x256xf32, #tpu.memory_space<vmem>>, %arg4: memref<16x256xf32, #tpu.memory_space<vmem>>) attributes {dimension_semantics = [#tpu.dimension_semantics<arbitrary>], iteration_bounds = array<i64: 33>, scalar_prefetch = 0 : i64, scratch_operands = 0 : i64, tpu.core_type = #tpu.core_type<tc>, window_params = [{transform_indices = @transform_0, window_bounds = array<i64: 16, 128, 1024>}, {pipeline_mode = #tpu.pipeline_mode<synchronous>, transform_indices = @transform_1, window_bounds = array<i64: 1024, 256>}, {pipeline_mode = #tpu.pipeline_mode<synchronous>, transform_indices = @transform_2, window_bounds = array<i64: 1, 256>}, {transform_indices = @transform_3, window_bounds = array<i64: 16, 256>}]} {
    %get3A = arith.constant 0 : index
    %get3A_0 = arith.constant 0 : index
    %get3A_1 = arith.constant 0 : index
    %get3A_2 = vector.load %arg1[%get3A, %get3A_0, %get3A_1] : memref<16x128x1024xf32, #tpu.memory_space<vmem>>, vector<16x128x1024xf32>
    %reduce_sum3A = arith.constant dense<0.000000e+00> : vector<16x1024xf32>
    %reduce_sum3A_3 = vector.multi_reduction <add>, %get3A_2, %reduce_sum3A [1] : vector<16x128x1024xf32> to vector<16x1024xf32>
    %mul3A = arith.constant 7.812500e-03 : f32
    %mul3A_4 = vector.broadcast %mul3A : f32 to vector<16x1024xf32>
    %mul3A_5 = arith.mulf %reduce_sum3A_3, %mul3A_4 : vector<16x1024xf32>
    %get3A_6 = arith.constant 0 : index
    %get3A_7 = arith.constant 0 : index
    %get3A_8 = vector.load %arg2[%get3A_6, %get3A_7] : memref<1024x256xf32, #tpu.memory_space<vmem>>, vector<1024x256xf32>
    %dot_general3A = arith.constant dense<0.000000e+00> : vector<16x256xf32>
    %dot_general3A_9 = tpu.matmul %mul3A_5, %get3A_8, %dot_general3A {dimension_numbers = #tpu.dot_dimension_numbers<[1], [0], [0], [1], [0, 0, 1, 1], [], []>, transpose_lhs_hint = false} : vector<16x1024xf32>, vector<1024x256xf32>, vector<16x256xf32> -> vector<16x256xf32>
    %get3A_10 = arith.constant 0 : index
    %get3A_11 = arith.constant 0 : index
    %get3A_12 = vector.load %arg3[%get3A_10, %get3A_11] : memref<1x256xf32, #tpu.memory_space<vmem>>, vector<1x256xf32>
    %add3A = vector.broadcast %get3A_12 : vector<1x256xf32> to vector<16x256xf32>
    %add3A_13 = arith.addf %dot_general3A_9, %add3A : vector<16x256xf32>
    %mul3A_14 = arith.mulf %add3A_13, %add3A_13 : vector<16x256xf32>
    %reduce_sum3A_15 = arith.constant dense<0.000000e+00> : vector<16xf32>
    %reduce_sum3A_16 = vector.multi_reduction <add>, %mul3A_14, %reduce_sum3A_15 [1] : vector<16x256xf32> to vector<16xf32>
    %broadcast_in_dim3A = vector.shape_cast %reduce_sum3A_16 : vector<16xf32> to vector<16x1xf32>
    %sqrt3A = math.sqrt %broadcast_in_dim3A : vector<16x1xf32>
    %add3A_17 = arith.constant 9.99999993E-9 : f32
    %add3A_18 = vector.broadcast %add3A_17 : f32 to vector<16x1xf32>
    %add3A_19 = arith.addf %sqrt3A, %add3A_18 : vector<16x1xf32>
    %div3A = vector.broadcast %add3A_19 : vector<16x1xf32> to vector<16x256xf32>
    %div3A_20 = arith.divf %add3A_13, %div3A : vector<16x256xf32>
    %swap3A = arith.constant 0 : index
    %swap3A_21 = arith.constant 0 : index
    %swap3A_22 = vector.load %arg4[%swap3A, %swap3A_21] : memref<16x256xf32, #tpu.memory_space<vmem>>, vector<16x256xf32>
    tpu.vector_store %arg4[%swap3A, %swap3A_21], %div3A_20 {strides = array<i32>} : memref<16x256xf32, #tpu.memory_space<vmem>>, vector<16x256xf32>,
    return
  }
  func.func @transform_0(%arg0: i32) -> (i32, i32, i32) {
    %c0_i32 = arith.constant 0 : i32
    %c0_i32_0 = arith.constant 0 : i32
    %c0_i32_1 = arith.constant 0 : i32
    return %arg0, %c0_i32, %c0_i32_0 : i32, i32, i32
  }
  func.func @transform_1(%arg0: i32) -> (i32, i32) {
    %c0_i32 = arith.constant 0 : i32
    %c0_i32_0 = arith.constant 0 : i32
    %c0_i32_1 = arith.constant 0 : i32
    return %c0_i32, %c0_i32_0 : i32, i32
  }
  func.func @transform_2(%arg0: i32) -> (i32, i32) {
    %c0_i32 = arith.constant 0 : i32
    %c0_i32_0 = arith.constant 0 : i32
    %c0_i32_1 = arith.constant 0 : i32
    return %c0_i32, %c0_i32_0 : i32, i32
  }
  func.func @transform_3(%arg0: i32) -> (i32, i32) {
    %c0_i32 = arith.constant 0 : i32
    %c0_i32_0 = arith.constant 0 : i32
    return %arg0, %c0_i32 : i32, i32
  }
}

</mosaic_0001>

<sc_bundles>
// kernel: kernel.5.cloned.1.call-start
scs
__scs_entry_jumppad:
0x0: {  	(pc) =	sbr.rel $0x88, $3  }
0x1: {  	(tag) =	ssettag $0x0;
	lr =	simm.s32 $0x1  }
0x2: {  	[smem:$0x3F9C] =	sst lr;
	_ =	strace $0xD0000000  }
0x3: {  	_ = 	snop  }
0x4: {  	_ = 	snop  }
0x5: {  	_ = 	snop  }
0x6: {  	_ = 	snop  }
0x7: {  	_ = 	snop  }
__scs_overlays_trampoline_lowered:
0x8: {  	[smem:$0x3FAB] =	sst s0  }
0x9: {  	[smem:$0x3FAC] =	sst s1  }
0xa: {  	[smem:$0x3FAD] =	sst s2  }
0xb: {  	[smem:$0x3FAE] =	sst s3  }
0xc: {  	[smem:$0x3FAF] =	sst s4  }
0xd: {  	[smem:$0x3FB0] =	sst s5  }
0xe: {  	[smem:$0x3FB1] =	sst s6  }
0xf: {  	[smem:$0x3FB2] =	sst s7  }
0x10: {  	[smem:$0x3FB3] =	sst s8  }
0x11: {  	[smem:$0x3FB4] =	sst s9;
	s0 =	simm.s32 @!p0 $0x0  }
0x12: {  	s1 =	sld [smem:$0x3F9A];
	s0 =	simm.s32 @p0 $0x1  }
0x13: {  	[smem:$0x3FB5] =	sst s0;
	s0 =	simm.s32 @!p1 $0x0  }
0x14: {  	s2 =	sld [smem:$0x3F99];
	s0 =	simm.s32 @p1 $0x1  }
0x15: {  	[smem:$0x3FB6] =	sst s0;
	s0 =	simm.s32 @!p2 $0x0  }
0x16: {  	s3 =	sld [smem:$0x3FDB];
	s0 =	simm.s32 @p2 $0x1  }
0x17: {  	s4 =	simm.s32 $0x1BF5;
	[smem:$0x3FB8] =	sst s0  }
0x18: {  	s0 =	sld [smem:$0x3F9B];
	_ =	swait.ge [sflag:s4], $0x0  }
0x19: {  	s7 =	sld [smem:$0x3F9C]  }
0x1a: {  	s8 =	sadd.s32 $0xFFFFE003, lr  }
0x1b: {  	s9 =	sadd.s32 $0xFFFFFEF7, lr;
	s5 =	simm.s32 $0xFFFFFFFF;
	p2 =	slt.u32 s8, $0xFFFFF086  }
0x1c: {  	p1 =	slt.u32 s9, $0xF7A;
	s5 =	simm.s32 @!p2 $0x0  }
0x1d: {  	s5 =	simm.s32 @p1 $0x1;
	p0 =	seq.s32 s7, s2  }
0x1e: {  	s7 =	smul.u32 @!p0 $0xF7A, s2;
	p2 =	seq.s32 @!p0 s5, $0x0  }
0x1f: {  	s9 =	smul.u32 $0xF7A, s1;
	s8 =	simm.s32 @!p0 $0x1BF5;
	p2 =	por !p2, p0  }
0x20: {  	[sflag:s8] =	ssyncset.s32 @!p0 $0xFFFFF086;
	s6 =	sadd.s32 @!p0 s3, s7;
	s7 =	simm.s32 @!p0 $0x108  }
0x21: {  	s3 =	sadd.s32 s3, s9;
	s6 =	sadd.s32 @!p0 $0x88, s6;
	s7 =	simm.s32 @p2 $0x1082  }
0x22: {  	[simem:s7], [sflag:s8] =	dma.local @!p0 [hbm:s6], $0xF7A  }
0x23: {  	s9 =	sor.u32 $0xD0000000, s2;
	s6 =	simm.s32 $0x108;
	_ =	swait.ge @!p0 [sflag:s8], $0x0  }
0x24: {  	s3 =	sadd.s32 $0x88, s3;
	s6 =	simm.s32 @!p1 $0x1082;
	[sflag:s4] =	ssyncset.s32 $0xFFFFF086  }
0x25: {  	[simem:s6], [sflag:s4] =	dma.local [hbm:s3], $0xF7A  }
0x26: {  	[smem:$0x3F9C] =	sst s1;
	(tag) =	ssettag s2;
	_ =	strace s9  }
0x27: {  	s1 =	sld [smem:$0x3FAC]  }
0x28: {  	s2 =	sld [smem:$0x3FAD]  }
0x29: {  	s4 =	sld [smem:$0x3FAF]  }
0x2a: {  	p0 =	seq.s32 s5, $0x0;
	s5 =	sld [smem:$0x3FB0]  }
0x2b: {  	s6 =	sld [smem:$0x3FB1]  }
0x2c: {  	s7 =	sld [smem:$0x3FB2]  }
0x2d: {  	s3 =	simm.s32 $0x108;
	s8 =	sld [smem:$0x3FB3]  }
0x2e: {  	s3 =	simm.s32 @!p0 $0x1082;
	s9 =	sld [smem:$0x3FB4]  }
0x2f: {  	lr =	sadd.s32 s0, s3;
	s0 =	sld [smem:$0x3FAB]  }
0x30: {  	s3 =	sld [smem:$0x3FAE]  }
0x31: {  	[smem:$0x3FB7] =	sst s10  }
0x32: {  	s10 =	sld [smem:$0x3FB5];
	_ =	sdelay $0x3  }
0x33: {  	p0 =	seq.s32 s10, $0x1;
	s10 =	sld [smem:$0x3FB7];
	_ =	sdelay $0x3  }
0x34: {  	[smem:$0x3FB7] =	sst s10  }
0x35: {  	s10 =	sld [smem:$0x3FB6];
	_ =	sdelay $0x3  }
0x36: {  	p1 =	seq.s32 s10, $0x1;
	s10 =	sld [smem:$0x3FB7];
	_ =	sdelay $0x3  }
0x37: {  	[smem:$0x3FB7] =	sst s10  }
0x38: {  	s10 =	sld [smem:$0x3FB8]  }
0x39: {  	_ = 	snop;
	(pc) =	sbr.ind lr, $3  }
0x3a: {  	_ = 	snop  }
0x3b: {  	_ = 	snop  }
0x3c: {  	p2 =	seq.s32 s10, $0x1;
	s10 =	sld [smem:$0x3FB7]  }
0x3d: {  	_ =	shalt  }
0x3e: {  	_ =	shalt  }
0x3f: {  	_ =	shalt  }
0x40: {  	_ =	shalt  }
0x41: {  	_ =	shalt  }
0x42: {  	_ =	shalt  }
0x43: {  	_ =	shalt  }
0x44: {  	_ =	shalt  }
0x45: {  	_ =	shalt  }
0x46: {  	_ =	shalt  }
0x47: {  	_ =	shalt  }
0x48: {  	_ =	shalt  }
0x49: {  	_ =	shalt  }
0x4a: {  	_ =	shalt  }
0x4b: {  	_ =	shalt  }
0x4c: {  	_ =	shalt  }
0x4d: {  	_ =	shalt  }
0x4e: {  	_ =	shalt  }
0x4f: {  	_ =	shalt  }
0x50: {  	_ =	shalt  }
0x51: {  	_ =	shalt  }
0x52: {  	_ =	shalt  }
0x53: {  	_ =	shalt  }
0x54: {  	_ =	shalt  }
0x55: {  	_ =	shalt  }
0x56: {  	_ =	shalt  }
0x57: {  	_ =	shalt  }
0x58: {  	_ =	shalt  }
0x59: {  	_ =	shalt  }
0x5a: {  	_ =	shalt  }
0x5b: {  	_ =	shalt  }
0x5c: {  	_ =	shalt  }
0x5d: {  	_ =	shalt  }
0x5e: {  	_ =	shalt  }
0x5f: {  	_ =	shalt  }
0x60: {  	_ =	shalt  }
0x61: {  	_ =	shalt  }
0x62: {  	_ =	shalt  }
0x63: {  	_ =	shalt  }
0x64: {  	_ =	shalt  }
0x65: {  	_ =	shalt  }
0x66: {  	_ =	shalt  }
0x67: {  	_ =	shalt  }
0x68: {  	_ =	shalt  }
0x69: {  	_ =	shalt  }
0x6a: {  	_ =	shalt  }
0x6b: {  	_ =	shalt  }
0x6c: {  	_ =	shalt  }
0x6d: {  	_ =	shalt  }
0x6e: {  	_ =	shalt  }
0x6f: {  	_ =	shalt  }
0x70: {  	_ =	shalt  }
0x71: {  	_ =	shalt  }
0x72: {  	_ =	shalt  }
0x73: {  	_ =	shalt  }
0x74: {  	_ =	shalt  }
0x75: {  	_ =	shalt  }
0x76: {  	_ =	shalt  }
0x77: {  	_ =	shalt  }
0x78: {  	_ =	shalt  }
0x79: {  	_ =	shalt  }
0x7a: {  	_ =	shalt  }
0x7b: {  	_ =	shalt  }
0x7c: {  	_ =	shalt  }
0x7d: {  	_ =	shalt  }
0x7e: {  	_ =	shalt  }
0x7f: {  	_ =	shalt  }
0x80: {  	_ =	shalt  }
0x81: {  	_ =	shalt  }
0x82: {  	_ =	shalt  }
0x83: {  	_ =	shalt  }
0x84: {  	_ =	shalt  }
0x85: {  	_ =	shalt  }
0x86: {  	_ =	shalt  }
0x87: {  	_ =	shalt  }
.Lfunc_end0:
.L_simem_size_0:
called_computation_lowered:
.L_overlay_start_0:
0x88: {  	s2 =	sld [smem:$0x3FD9]  }
0x89: {  	s3 =	sld [smem:$0x3FFE];
	_ =	sdelay $0x1  }
0x8a: {  	s1 =	srdreg.scid  }
0x8b: {  	s0 =	sand.u32 $0x1, s1  }
0x8c: {  	s17 =	sshll.u32 s0, $0xA;
	s2 =	sadd.s32 s3, s2  }
0x8d: {  	s2 =	sadd.s32 s2, s17  }
0x8e: {  	[smem:$0x3FC3] =	sst s2  }
0x8f: {  	_ = 	snop  }
0x90: {  	s2 =	sld [smem:$0x3FD0];
	(tm) =	ssettm $0x1  }
0x91: {  	s18 =	sld [smem:$0x3FFB];
	_ =	sdelay $0x3  }
0x92: {  	_ =	strace s18  }
0x93: {  	s3 =	sld [smem:$0x3FFC];
	_ =	sdelay $0x3  }
0x94: {  	_ =	strace s3  }
0x95: {  	s3 =	sld [smem:$0x3FFD];
	_ =	sdelay $0x3  }
0x96: {  	_ =	strace s3  }
0x97: {  	_ =	strace $0x8FFFFFFF  }
0x98: {  	s19 =	sld [smem:$0x3FDB];
	_ =	sdelay $0x1  }
0x99: {  	s4 =	simm.s32 $_scs_section_size  }
0x9a: {  	s5 =	simm.s32 $_size__tile_overlayer_lowered;
	s6 =	simm.s32 $_tile_overlayer_lowered  }
0x9b: {  	s22 =	simm.s32 $0x1BFF;
	s21 =	sshll.u32 s6, $0x1;
	s3 =	sadd.s32 s4, s19  }
0x9c: {  	s7 =	simm.s32 $0x0;
	s20 =	sshll.u32 s5, $0x1;
	s5 =	sadd.s32 s21, s3  }
0x9d: {  	[timem:s7], [sflag:s22] =	dma.local [hbm:s5], s20  }
0x9e: {  	_ =	swait.ge [sflag:s22], s20  }
0x9f: {  	s4 =	ssub.s32 $0x0, s20;
	[sflag:s22] =	ssyncset.done $0x0  }
0xa0: {  	[sflag:s22] =	ssyncadd.s32 s4;
	_ =	sdelay $0x1  }
0xa1: {  	s23 =	simm.s32 $0x1B8B  }
0xa2: {  	_ =	swait.ge [sflag:s23], $0x1  }
0xa3: {  	[sflag:s23] =	ssyncset.done $0x0  }
0xa4: {  	s25 =	simm.s32 $0x1B8E;
	s24 =	sld [smem:$0x3FFE];
	[sflag:s23] =	ssyncadd.s32 $0xFFFFFFFF  }
0xa5: {  	s26 =	simm.s32 $execute0_lowered;
	[smem:$0x3FD2] =	sst s25  }
0xa6: {  	s5 =	sshll.u32 s26, $0x1;
	_ =	strace $0x80000046;
	[dreg:$0x1] =	wrdreg $0xFFFFFFFF  }
0xa7: {  	s28 =	simm.s32 $_size_execute0_lowered;
	s3 =	sadd.s32 s3, s5;
	[dreg:$0x0] =	wrdreg $0x0  }
0xa8: {  	s5 =	sshll.u32 s28, $0x1;
	[dreg:$0x2] =	wrdreg s3  }
0xa9: {  	[dreg:$0x3] =	wrdreg s5  }
0xaa: {  	[dreg:$0x4] =	wrdreg $0xC0  }
0xab: {  	_ =	task [dreg:s7], $0x5FFFF  }
0xac: {  	[dreg:$0x1] =	wrdreg $0xFFFFFFFF  }
0xad: {  	[dreg:$0x0] =	wrdreg $0x60  }
0xae: {  	[dreg:$0x2] =	wrdreg s24  }
0xaf: {  	[dreg:$0x3] =	wrdreg s2  }
0xb0: {  	[dreg:$0x4] =	wrdreg $0x9  }
0xb1: {  	_ =	task.clear_ibuf [dreg:s7], $0x5FFFF;
	_ =	strace $0x90000046  }
0xb2: {  	s29 =	simm.s32 $0x9;
	_ =	strace $0x80000048  }
0xb3: {  	_ =	swait.ge [sflag:s29], $0x1  }
0xb4: {  	[sflag:s29] =	ssyncadd.s32 $0xFFFFFFFF  }
0xb5: {  	_ =	strace $0x90000048  }
0xb6: {  	_ =	sfence  }
0xb7: {  	s30 =	sld [smem:$0x0];
	_ =	sdelay $0x2  }
0xb8: {  	s31 =	sshll.u32 s1, $0xD;
	s1 =	sshrl.u32 s1, $0x2  }
0xb9: {  	s3 =	sand.u32 $0x4000, s31;
	s1 =	sadd.s32 s1, s30  }
0xba: {  	s0 =	sor.u32 s3, s0;
	s1 =	sshll.u32 s1, $0x11  }
0xbb: {  	s0 =	sor.u32 s1, s0  }
0xbc: {  	s0 =	sadd.s32 $0x8F2B, s0  }
0xbd: {  	[sflag:s0] =	ssyncadd.remote.s32 $0x1  }
0xbe: {  	_ =	sfence.sel $0xFFFF  }
0xbf: {  	[dreg:$0x0] =	wrdreg $0xFFFFFFFF;
	(pc) =	sbr.abs _section_cstart, $3  }
0xc0: {  	[dreg:$0x1] =	wrdreg $0xFFFFFFFF  }
0xc1: {  	_ =	task.clear_ibuf [dreg:s7], $0x2FFFF;
	_ =	strace $0x9FFFFFFF  }
0xc2: {  	(tm) =	ssettm $0x7FFFFFFF  }
0xc3: {  	_ =	shalt  }
tec
execute0_lowered:
.L_overlay_start_1:
0x0: {  	(tag) =	ssettag $0x1  }
0x1: {  	v8 =	vlaneseq.u32  }
0x2: {  	v54 =	vimm.s32 $0xFEDCBA98;
	v2 =	vimm.s32 $0x76543210;
	v57 =	vimm.s32 $0xBA98FEDC  }
0x3: {  	s0 =	srdreg.scid;
	v3 =	vimm.s32 $0x32107654;
	v4 =	vimm.s32 $0xDCFE98BA;
	v5 =	vimm.s32 $0x54761032  }
0x4: {  	v6 =	vimm.s32 $0xEFCDAB89;
	v7 =	vimm.s32 $0x67452301;
	s5 =	sand.u32 $0x1, s0;
	v1 =	vand.u32 $0x7, v8  }
0x5: {  	s0 =	stileid.u32;
	v55 =	vshrl.u32 v8, $0x3;
	v56 =	vunpack.c.l.s4.s8 v2;
	v2 =	vunpack.c.l.s4.s8 v57;
	s1 =	sshll.u32 s5, $0x4  }
0x6: {  	v3 =	vunpack.c.l.s4.s8 v3;
	v4 =	vunpack.c.l.s4.s8 v4;
	v5 =	vunpack.c.l.s4.s8 v5;
	s6 =	sor.u32 s0, s1  }
0x7: {  	s8 =	rddreg [dreg:$0x0];
	v6 =	vunpack.c.l.s4.s8 v6;
	v7 =	vunpack.c.l.s4.s8 v7;
	[tilespmem:$0x1FF90] =	vst v1;
	v1 =	vmul.u32 $0x8, v55;
	s7 =	sshll.u32 s6, $0x4  }
0x8: {  	s2 =	rddreg [dreg:$0x1];
	s3 =	simm.s32 $0x0;
	v2 =	vunpack.c.0.s8.s32 v2;
	v3 =	vunpack.c.0.s8.s32 v3;
	v0 =	vor.u32 s7, v8  }
0x9: {  	s10 =	simm.s32 $0x1000;
	s11 =	simm.s32 $0x1800;
	s12 =	simm.s32 $0x2;
	v4 =	vunpack.c.0.s8.s32 v4;
	v5 =	vunpack.c.0.s8.s32 v5;
	[tilespmem:$0x1FF80] =	vst v0;
	v0 =	vunpack.c.l.s4.s8 v54  }
0xa: {  	s13 =	simm.s32 $0x1;
	s14 =	simm.s32 $0x2080;
	[smem:$0x7FF] =	sst s3;
	v6 =	vunpack.c.0.s8.s32 v6;
	v7 =	vunpack.c.0.s8.s32 v7;
	v2 =	vcombine.low v3, v2  }
0xb: {  	s4 =	sadd.s32 $0xE00, s8;
	v60 =	vor.u32 $0x8, v8;
	s9 =	sshll.u32 s0, $0x4;
	s5 =	ssub.s32 $0x2, s5;
	[tilespmem:$0x1FFA0] =	vst v1;
	v58 =	vcombine.low v5, v4;
	v0 =	vunpack.c.0.s8.s32 v0  }
0xc: {  	s1 =	rddreg [dreg:$0x2];
	s9 =	sand.u32 $0x70, s9;
	v1 =	vunpack.c.0.s8.s32 v56;
	v59 =	vcombine.low v7, v6;
	_ =	strace $0x80000047;
	[tilespmem:$0x1FFB0] =	vst v60;
	v61 =	vand.u32 $0xF, v2  }
0xd: {  	s30 =	sshrl.u32 s5, $0x1;
	s8 =	sadd.s32 s9, s8;
	s6 =	sshll.u32 s6, $0x9;
	v62 =	vand.u32 $0xF, v58;
	[tilespmem:$0x1FFD0] =	vst v61;
	v0 =	vand.u32 $0xF, v0  }
0xe: {  	s9 =	ssub.s32 s5, s30;
	s6 =	sadd.s32 s6, s4;
	s7 =	sand.u32 $0x180, s7;
	v63 =	vand.u32 $0xF, v59;
	[tilespmem:$0x1FFE0] =	vst v62;
	v0 =	vcombine.low v0, v1  }
0xf: {  	s5 =	sadd.s32 $0x200, s6;
	s31 =	sadd.s32 s7, s8;
	s7 =	smax.u32 s9, $0x1;
	[tilespmem:$0x1FFF0] =	vst v63  }
0x10: {  	vm0 =	vmmov $0xffff;
	s8 =	simm.s32 $0x2000;
	s9 =	simm.s32 $0x3;
	s6 =	sadd.s32 $0x5000, s31;
	[tilespmem:$0x1FFC0] =	vst v0  }
.LBB2_1:
0x11: {  	[tilespmem:s3], [sflag:$0x1] =	stream.linear.gather [hbm4b:s5+s3], $0x1000, $0x38;
	[tilespmem:$0x2100] =	vst v63  }
0x12: {  	_ = 	snop  }
0x13: {  	[tilespmem:s8], [sflag:$0x3] =	stream.linear.gather [hbm4b:s2+s3], $0x80, $0x38;
	[tilespmem:$0x2100] =	vst v63  }
0x14: {  	_ =	swait.ge [sflag:s9], $0x80  }
0x15: {  	[sflag:s9] =	ssyncset.done $0x0  }
0x16: {  	[sflag:s9] =	ssyncadd.s32 $0xFFFFFF80  }
0x17: {  	v0 =	vld [tilespmem:$0x2000];
	_ =	sdelay $0x4  }
0x18: {  	v1 =	vbroadcast v0, $0x0  }
0x19: {  	v2 =	vbroadcast v0, $0x1;
	v59 =	vbroadcast v0, $0x2  }
0x1a: {  	v4 =	vbroadcast v0, $0x3;
	v61 =	vbroadcast v0, $0x4  }
0x1b: {  	v5 =	vld [tilespmem:$0x1FF80];
	v63 =	vbroadcast v0, $0x5;
	v9 =	vbroadcast v0, $0x6  }
0x1c: {  	v11 =	vbroadcast v0, $0x7;
	v13 =	vbroadcast v0, $0x8  }
0x1d: {  	v15 =	vbroadcast v0, $0x9;
	v17 =	vbroadcast v0, $0xA  }
0x1e: {  	v19 =	vbroadcast v0, $0xB;
	v21 =	vbroadcast v0, $0xC  }
0x1f: {  	v45 =	vimm.s32 $0x0;
	v23 =	vbroadcast v0, $0xD;
	v24 =	vbroadcast v0, $0xE  }
0x20: {  	v0 =	vbroadcast v0, $0xF;
	vm1 =	vle.s32 v1, v5;
	vm2 =	vle.s32 v2, v5  }
0x21: {  	v60 =	vsel vm1, $0x1, v45;
	v3 =	vsel vm2, $0x1, v45;
	vm1 =	vle.s32 v59, v5  }
0x22: {  	v2 =	vadd.s32 v3, v60;
	v1 =	vsel vm1, $0x1, v45;
	vm1 =	vle.s32 v4, v5  }
0x23: {  	v1 =	vadd.s32 v1, v2;
	v62 =	vsel vm1, $0x1, v45;
	vm1 =	vle.s32 v61, v5  }
0x24: {  	v1 =	vadd.s32 v62, v1;
	v8 =	vsel vm1, $0x1, v45;
	vm1 =	vle.s32 v63, v5  }
0x25: {  	v1 =	vadd.s32 v8, v1;
	v10 =	vsel vm1, $0x1, v45;
	vm1 =	vle.s32 v9, v5  }
0x26: {  	v1 =	vadd.s32 v10, v1;
	v12 =	vsel vm1, $0x1, v45;
	vm1 =	vle.s32 v11, v5  }
0x27: {  	v1 =	vadd.s32 v12, v1;
	v14 =	vsel vm1, $0x1, v45;
	vm1 =	vle.s32 v13, v5  }
0x28: {  	v1 =	vadd.s32 v14, v1;
	v16 =	vsel vm1, $0x1, v45;
	vm1 =	vle.s32 v15, v5  }
0x29: {  	v1 =	vadd.s32 v16, v1;
	v18 =	vsel vm1, $0x1, v45;
	vm1 =	vle.s32 v17, v5  }
0x2a: {  	v1 =	vadd.s32 v18, v1;
	v20 =	vsel vm1, $0x1, v45;
	vm1 =	vle.s32 v19, v5  }
0x2b: {  	v1 =	vadd.s32 v20, v1;
	v22 =	vsel vm1, $0x1, v45;
	vm1 =	vle.s32 v21, v5  }
0x2c: {  	v1 =	vadd.s32 v22, v1;
	v3 =	vsel vm1, $0x1, v45;
	vm1 =	vle.s32 v23, v5  }
0x2d: {  	v1 =	vadd.s32 v3, v1;
	v25 =	vsel vm1, $0x1, v45;
	vm1 =	vle.s32 v24, v5  }
0x2e: {  	v1 =	vadd.s32 v25, v1;
	v2 =	vsel vm1, $0x1, v45;
	vm1 =	vle.s32 v0, v5  }
0x2f: {  	v28 =	vld [tilespmem:$0x1FF90];
	v26 =	vadd.s32 v2, v1;
	v27 =	vsel vm1, $0x1, v45  }
0x30: {  	v29 =	vld [tilespmem:$0x1FFA0];
	v55 =	vadd.s32 v27, v26  }
0x31: {  	v30 =	vld [tilespmem:$0x1FFB0];
	v0 =	vshll.u32 v55, $0x1  }
0x32: {  	v1 =	vand.u32 $0x7, v55;
	v0 =	vand.u32 $0x7FFFFFF0, v0  }
0x33: {  	v0 =	vor.u32 v1, v0  }
0x34: {  	v1 =	vperm.xlane v0, v28;
	_ =	sdelay $0x1  }
0x35: {  	v0 =	vperm.xlane v0, v30;
	v1 =	vadd.s32 v29, v1;
	_ =	sdelay $0x1  }
0x36: {  	v0 =	vadd.s32 v29, v0;
	_ =	sdelay $0x2  }
0x37: {  	[tilespmem:s10], [sflag:$0x2] =	stream.indirect_vreg.gather [hbm4b:s4+s3], $0x80, v1, vm0, $0xb8;
	[tilespmem:$0x2100] =	vst v63  }
0x38: {  	_ = 	snop  }
0x39: {  	[tilespmem:s11], [sflag:$0x2] =	stream.indirect_vreg.gather [hbm4b:s4+s3], $0x80, v0, vm0, $0xb8;
	[tilespmem:$0x2100] =	vst v63  }
0x3a: {  	_ =	swait.ge [sflag:s12], $0x1000  }
0x3b: {  	[sflag:s12] =	ssyncset.done $0x0  }
0x3c: {  	[sflag:s12] =	ssyncadd.s32 $0xFFFFF000  }
0x3d: {  	_ =	swait.ge [sflag:s13], $0x1000  }
0x3e: {  	[sflag:s13] =	ssyncset.done $0x0  }
0x3f: {  	[sflag:s13] =	ssyncadd.s32 $0xFFFFF000  }
0x40: {  	v33 =	vld [tilespmem:$0x0]  }
0x41: {  	v48 =	vld [tilespmem:$0x1000]  }
0x42: {  	v36 =	vld [tilespmem:$0x10]  }
0x43: {  	v42 =	vld [tilespmem:$0x1010]  }
0x44: {  	v41 =	vld [tilespmem:$0x20]  }
0x45: {  	v44 =	vld [tilespmem:$0x1020]  }
0x46: {  	v17 =	vld [tilespmem:$0x30]  }
0x47: {  	v15 =	vld [tilespmem:$0x1030]  }
0x48: {  	v20 =	vld [tilespmem:$0x40]  }
0x49: {  	v19 =	vld [tilespmem:$0x1040]  }
0x4a: {  	v29 =	vld [tilespmem:$0x50]  }
0x4b: {  	v24 =	vld [tilespmem:$0x1050]  }
0x4c: {  	v63 =	vld [tilespmem:$0x60]  }
0x4d: {  	v60 =	vld [tilespmem:$0x1060]  }
0x4e: {  	v54 =	vld [tilespmem:$0x70]  }
0x4f: {  	v51 =	vld [tilespmem:$0x1070]  }
0x50: {  	v46 =	vld [tilespmem:$0x450]  }
0x51: {  	v43 =	vld [tilespmem:$0x400]  }
0x52: {  	v58 =	vld [tilespmem:$0x1400]  }
0x53: {  	v31 =	vld [tilespmem:$0x410]  }
0x54: {  	v32 =	vld [tilespmem:$0x1410]  }
0x55: {  	[tilespmem:$0x1EB40] =	vst v46;
	v46 =	vld [tilespmem:$0x170]  }
0x56: {  	v34 =	vld [tilespmem:$0x420]  }
0x57: {  	v35 =	vld [tilespmem:$0x1420]  }
0x58: {  	v37 =	vld [tilespmem:$0x430]  }
0x59: {  	v38 =	vld [tilespmem:$0x1430]  }
0x5a: {  	[tilespmem:$0x1EC40] =	vst v46;
	v46 =	vld [tilespmem:$0x1530]  }
0x5b: {  	v39 =	vld [tilespmem:$0x440]  }
0x5c: {  	v40 =	vld [tilespmem:$0x1440]  }
0x5d: {  	v47 =	vld [tilespmem:$0x1450]  }
0x5e: {  	v49 =	vld [tilespmem:$0x460]  }
0x5f: {  	[tilespmem:$0x1ED30] =	vst v46;
	v46 =	vld [tilespmem:$0x1C0]  }
0x60: {  	v50 =	vld [tilespmem:$0x1460]  }
0x61: {  	v11 =	vld [tilespmem:$0x470]  }
0x62: {  	v25 =	vld [tilespmem:$0x1470]  }
0x63: {  	v2 =	vld [tilespmem:$0x80]  }
0x64: {  	[tilespmem:$0x1ECC0] =	vst v46;
	v46 =	vld [tilespmem:$0x11C0]  }
0x65: {  	v0 =	vld [tilespmem:$0x1080]  }
0x66: {  	v4 =	vld [tilespmem:$0x90]  }
0x67: {  	v3 =	vld [tilespmem:$0x1090]  }
0x68: {  	v6 =	vld [tilespmem:$0xA0]  }
0x69: {  	[tilespmem:$0x1ECD0] =	vst v46;
	v46 =	vld [tilespmem:$0x1D0]  }
0x6a: {  	v5 =	vld [tilespmem:$0x10A0]  }
0x6b: {  	v12 =	vld [tilespmem:$0xB0]  }
0x6c: {  	v7 =	vld [tilespmem:$0x10B0]  }
0x6d: {  	v8 =	vld [tilespmem:$0x10C0]  }
0x6e: {  	[tilespmem:$0x1ED00] =	vst v46;
	v46 =	vld [tilespmem:$0x11D0]  }
0x6f: {  	v16 =	vld [tilespmem:$0xE0]  }
0x70: {  	v14 =	vld [tilespmem:$0x10E0]  }
0x71: {  	v22 =	vld [tilespmem:$0xF0]  }
0x72: {  	v21 =	vld [tilespmem:$0x10F0]  }
0x73: {  	[tilespmem:$0x1ED10] =	vst v46;
	v46 =	vld [tilespmem:$0x1E0]  }
0x74: {  	v30 =	vld [tilespmem:$0x1480]  }
0x75: {  	v59 =	vld [tilespmem:$0x4A0]  }
0x76: {  	v57 =	vld [tilespmem:$0x14A0]  }
0x77: {  	v52 =	vld [tilespmem:$0x4B0]  }
0x78: {  	[tilespmem:$0x1ED40] =	vst v46;
	v46 =	vld [tilespmem:$0x11E0]  }
0x79: {  	v53 =	vld [tilespmem:$0x14B0]  }
0x7a: {  	v56 =	vld [tilespmem:$0x4C0]  }
0x7b: {  	v61 =	vld [tilespmem:$0x14C0]  }
0x7c: {  	v62 =	vld [tilespmem:$0x4D0]  }
0x7d: {  	[tilespmem:$0x1ED50] =	vst v46;
	v46 =	vld [tilespmem:$0x1F0]  }
0x7e: {  	v9 =	vld [tilespmem:$0x14D0]  }
0x7f: {  	v10 =	vld [tilespmem:$0x4E0]  }
0x80: {  	v13 =	vld [tilespmem:$0x14E0]  }
0x81: {  	v18 =	vld [tilespmem:$0x4F0]  }
0x82: {  	[tilespmem:$0x1ED80] =	vst v46;
	v46 =	vld [tilespmem:$0x11F0]  }
0x83: {  	v23 =	vld [tilespmem:$0x14F0]  }
0x84: {  	v27 =	vld [tilespmem:$0x120]  }
0x85: {  	v1 =	vld [tilespmem:$0x130]  }
0x86: {  	v26 =	vld [tilespmem:$0x1150];
	[tilespmem:$0x1EAC0] =	vst v31  }
0x87: {  	[tilespmem:$0x1ED90] =	vst v46;
	v46 =	vld [tilespmem:$0x580]  }
0x88: {  	v28 =	vld [tilespmem:$0x160];
	[tilespmem:$0x1EAD0] =	vst v32  }
0x89: {  	[tilespmem:$0x1EB30] =	vst v40;
	v40 =	vld [tilespmem:$0xC0]  }
0x8a: {  	[tilespmem:$0x1EB50] =	vst v47;
	v47 =	vld [tilespmem:$0xD0]  }
0x8b: {  	[tilespmem:$0x1EB10] =	vst v38;
	v38 =	vld [tilespmem:$0x10D0]  }
0x8c: {  	[tilespmem:$0x1EDC0] =	vst v46;
	v46 =	vld [tilespmem:$0x1580]  }
0x8d: {  	[tilespmem:$0x1EAE0] =	vst v34;
	v31 =	vld [tilespmem:$0x480]  }
0x8e: {  	[tilespmem:$0x1EB90] =	vst v50;
	v50 =	vld [tilespmem:$0x490]  }
0x8f: {  	[tilespmem:$0x1EB80] =	vst v49;
	v49 =	vld [tilespmem:$0x1490]  }
0x90: {  	[tilespmem:$0x1EC30] =	vst v13;
	v13 =	vld [tilespmem:$0x100]  }
0x91: {  	[tilespmem:$0x1EDD0] =	vst v46;
	v46 =	vld [tilespmem:$0x590]  }
0x92: {  	[tilespmem:$0x1EAF0] =	vst v35;
	v34 =	vld [tilespmem:$0x1100]  }
0x93: {  	[tilespmem:$0x1EB00] =	vst v37;
	v37 =	vld [tilespmem:$0x110]  }
0x94: {  	[tilespmem:$0x1EB20] =	vst v39;
	v35 =	vld [tilespmem:$0x1110]  }
0x95: {  	[tilespmem:$0x1EC90] =	vst v23;
	v23 =	vld [tilespmem:$0x1120]  }
0x96: {  	[tilespmem:$0x1EE00] =	vst v46;
	v46 =	vld [tilespmem:$0x1590]  }
0x97: {  	[tilespmem:$0x1EB60] =	vst v52;
	v32 =	vld [tilespmem:$0x1130]  }
0x98: {  	[tilespmem:$0x1EBA0] =	vst v56;
	v56 =	vld [tilespmem:$0x140]  }
0x99: {  	[tilespmem:$0x1EBD0] =	vst v9;
	v9 =	vld [tilespmem:$0x1140]  }
0x9a: {  	[tilespmem:$0x1EC20] =	vst v10;
	v10 =	vld [tilespmem:$0x150]  }
0x9b: {  	[tilespmem:$0x1EE10] =	vst v46;
	v46 =	vld [tilespmem:$0x5A0]  }
0x9c: {  	[tilespmem:$0x1EB70] =	vst v53;
	v39 =	vld [tilespmem:$0x1160]  }
0x9d: {  	[tilespmem:$0x1EBB0] =	vst v61;
	v52 =	vld [tilespmem:$0x1170]  }
0x9e: {  	[tilespmem:$0x1EBC0] =	vst v62;
	v53 =	vld [tilespmem:$0x500]  }
0x9f: {  	[tilespmem:$0x1EC80] =	vst v18;
	v61 =	vld [tilespmem:$0x1500]  }
0xa0: {  	[tilespmem:$0x1EE60] =	vst v46;
	v46 =	vld [tilespmem:$0x15A0]  }
0xa1: {  	[tilespmem:$0x1EBF0] =	vst v26;
	v62 =	vld [tilespmem:$0x510]  }
0xa2: {  	[tilespmem:$0x1EC00] =	vst v28;
	v18 =	vld [tilespmem:$0x1510]  }
0xa3: {  	v26 =	vld [tilespmem:$0x520];
	[tilespmem:$0x1EBE0] =	vst v10  }
0xa4: {  	v28 =	vld [tilespmem:$0x1520];
	[tilespmem:$0x1EC10] =	vst v39  }
0xa5: {  	[tilespmem:$0x1EE70] =	vst v46;
	v46 =	vld [tilespmem:$0x5B0]  }
0xa6: {  	[tilespmem:$0x1EC50] =	vst v52;
	v39 =	vld [tilespmem:$0x530]  }
0xa7: {  	[tilespmem:$0x1EC60] =	vst v53;
	v52 =	vld [tilespmem:$0x540]  }
0xa8: {  	[tilespmem:$0x1EC70] =	vst v61;
	v53 =	vld [tilespmem:$0x1540]  }
0xa9: {  	[tilespmem:$0x1ECA0] =	vst v62;
	v61 =	vld [tilespmem:$0x550]  }
0xaa: {  	[tilespmem:$0x1EEC0] =	vst v46;
	v46 =	vld [tilespmem:$0x15B0]  }
0xab: {  	[tilespmem:$0x1ECB0] =	vst v18;
	v62 =	vld [tilespmem:$0x1550]  }
0xac: {  	[tilespmem:$0x1ECE0] =	vst v26;
	v18 =	vld [tilespmem:$0x560]  }
0xad: {  	[tilespmem:$0x1ECF0] =	vst v28;
	v28 =	vld [tilespmem:$0x570]  }
0xae: {  	v26 =	vld [tilespmem:$0x1560];
	[tilespmem:$0x1ED20] =	vst v39  }
0xaf: {  	[tilespmem:$0x1EED0] =	vst v46;
	v46 =	vld [tilespmem:$0x5C0]  }
0xb0: {  	[tilespmem:$0x1ED60] =	vst v52;
	v39 =	vld [tilespmem:$0x1570]  }
0xb1: {  	[tilespmem:$0x1EE20] =	vst v18;
	v18 =	vld [tilespmem:$0x1180]  }
0xb2: {  	[tilespmem:$0x1EEA0] =	vst v28;
	v28 =	vld [tilespmem:$0x190]  }
0xb3: {  	[tilespmem:$0x1EE30] =	vst v26;
	v26 =	vld [tilespmem:$0x1190]  }
0xb4: {  	[tilespmem:$0x1EF00] =	vst v46;
	v46 =	vld [tilespmem:$0x15C0]  }
0xb5: {  	[tilespmem:$0x1ED70] =	vst v53;
	v53 =	vld [tilespmem:$0x1A0]  }
0xb6: {  	[tilespmem:$0x1EDA0] =	vst v61;
	v52 =	vld [tilespmem:$0x11A0]  }
0xb7: {  	[tilespmem:$0x1EDB0] =	vst v62;
	v62 =	vld [tilespmem:$0x1B0]  }
0xb8: {  	v61 =	vld [tilespmem:$0x11B0];
	[tilespmem:$0x1EEB0] =	vst v39  }
0xb9: {  	v39 =	vld [tilespmem:$0x180];
	[tilespmem:$0x1EF10] =	vst v46  }
0xba: {  	v10 =	vld [tilespmem:$0x5D0]  }
0xbb: {  	v46 =	vld [tilespmem:$0x15D0];
	_ =	sdelay $0x4  }
0xbc: {  	[tilespmem:$0x1EF50] =	vst v46;
	v46 =	vld [tilespmem:$0x5E0];
	_ =	sdelay $0x4  }
0xbd: {  	[tilespmem:$0x1EF80] =	vst v46;
	v46 =	vld [tilespmem:$0x15E0];
	_ =	sdelay $0x4  }
0xbe: {  	[tilespmem:$0x1EF90] =	vst v46;
	v46 =	vld [tilespmem:$0x5F0];
	_ =	sdelay $0x4  }
0xbf: {  	[tilespmem:$0x1F000] =	vst v46;
	v46 =	vld [tilespmem:$0x15F0];
	_ =	sdelay $0x4  }
0xc0: {  	[tilespmem:$0x1F010] =	vst v46;
	v46 =	vld [tilespmem:$0x200];
	_ =	sdelay $0x4  }
0xc1: {  	[tilespmem:$0x1EDE0] =	vst v46;
	v46 =	vld [tilespmem:$0x1200];
	_ =	sdelay $0x4  }
0xc2: {  	[tilespmem:$0x1EDF0] =	vst v46;
	v46 =	vld [tilespmem:$0x210];
	_ =	sdelay $0x4  }
0xc3: {  	[tilespmem:$0x1EE40] =	vst v46;
	v46 =	vld [tilespmem:$0x1210];
	_ =	sdelay $0x4  }
0xc4: {  	[tilespmem:$0x1EE50] =	vst v46;
	v46 =	vld [tilespmem:$0x220];
	_ =	sdelay $0x4  }
0xc5: {  	[tilespmem:$0x1EE80] =	vst v46;
	v46 =	vld [tilespmem:$0x1220];
	_ =	sdelay $0x4  }
0xc6: {  	[tilespmem:$0x1EE90] =	vst v46;
	v46 =	vld [tilespmem:$0x230];
	_ =	sdelay $0x4  }
0xc7: {  	[tilespmem:$0x1EEE0] =	vst v46;
	v46 =	vld [tilespmem:$0x1230];
	_ =	sdelay $0x4  }
0xc8: {  	[tilespmem:$0x1EEF0] =	vst v46;
	v46 =	vld [tilespmem:$0x240];
	_ =	sdelay $0x4  }
0xc9: {  	[tilespmem:$0x1EF20] =	vst v46;
	v46 =	vld [tilespmem:$0x1240];
	_ =	sdelay $0x4  }
0xca: {  	[tilespmem:$0x1EF30] =	vst v46;
	v46 =	vld [tilespmem:$0x250];
	_ =	sdelay $0x4  }
0xcb: {  	[tilespmem:$0x1EF60] =	vst v46;
	v46 =	vld [tilespmem:$0x1250];
	_ =	sdelay $0x4  }
0xcc: {  	[tilespmem:$0x1EF70] =	vst v46;
	v46 =	vld [tilespmem:$0x260];
	_ =	sdelay $0x4  }
0xcd: {  	[tilespmem:$0x1EFA0] =	vst v46;
	v46 =	vld [tilespmem:$0x1260];
	_ =	sdelay $0x4  }
0xce: {  	[tilespmem:$0x1EFB0] =	vst v46;
	v46 =	vld [tilespmem:$0x270];
	_ =	sdelay $0x4  }
0xcf: {  	[tilespmem:$0x1EFC0] =	vst v46;
	v46 =	vld [tilespmem:$0x1270];
	_ =	sdelay $0x4  }
0xd0: {  	[tilespmem:$0x1EFD0] =	vst v46;
	v46 =	vld [tilespmem:$0x600];
	_ =	sdelay $0x4  }
0xd1: {  	[tilespmem:$0x1F020] =	vst v46;
	v46 =	vld [tilespmem:$0x1600];
	_ =	sdelay $0x4  }
0xd2: {  	[tilespmem:$0x1F030] =	vst v46;
	v46 =	vld [tilespmem:$0x610];
	_ =	sdelay $0x4  }
0xd3: {  	[tilespmem:$0x1F060] =	vst v46;
	v46 =	vld [tilespmem:$0x1610];
	_ =	sdelay $0x4  }
0xd4: {  	[tilespmem:$0x1F070] =	vst v46;
	v46 =	vld [tilespmem:$0x620];
	_ =	sdelay $0x4  }
0xd5: {  	[tilespmem:$0x1F0A0] =	vst v46;
	v46 =	vld [tilespmem:$0x1620];
	_ =	sdelay $0x4  }
0xd6: {  	[tilespmem:$0x1F0B0] =	vst v46;
	v46 =	vld [tilespmem:$0x630];
	_ =	sdelay $0x4  }
0xd7: {  	[tilespmem:$0x1F0E0] =	vst v46;
	v46 =	vld [tilespmem:$0x1630];
	_ =	sdelay $0x4  }
0xd8: {  	[tilespmem:$0x1F0F0] =	vst v46;
	v46 =	vld [tilespmem:$0x640];
	_ =	sdelay $0x4  }
0xd9: {  	[tilespmem:$0x1F120] =	vst v46;
	v46 =	vld [tilespmem:$0x1640];
	_ =	sdelay $0x4  }
0xda: {  	[tilespmem:$0x1F130] =	vst v46;
	v46 =	vld [tilespmem:$0x650];
	_ =	sdelay $0x4  }
0xdb: {  	[tilespmem:$0x1F160] =	vst v46;
	v46 =	vld [tilespmem:$0x1650];
	_ =	sdelay $0x4  }
0xdc: {  	[tilespmem:$0x1F170] =	vst v46;
	v46 =	vld [tilespmem:$0x660];
	_ =	sdelay $0x4  }
0xdd: {  	[tilespmem:$0x1F1A0] =	vst v46;
	v46 =	vld [tilespmem:$0x1660];
	_ =	sdelay $0x4  }
0xde: {  	[tilespmem:$0x1F1B0] =	vst v46;
	v46 =	vld [tilespmem:$0x670];
	_ =	sdelay $0x4  }
0xdf: {  	[tilespmem:$0x1F240] =	vst v46;
	v46 =	vld [tilespmem:$0x1670];
	_ =	sdelay $0x4  }
0xe0: {  	[tilespmem:$0x1F250] =	vst v46;
	v46 =	vld [tilespmem:$0x280];
	_ =	sdelay $0x4  }
0xe1: {  	[tilespmem:$0x1EFE0] =	vst v46;
	v46 =	vld [tilespmem:$0x1280];
	_ =	sdelay $0x4  }
0xe2: {  	[tilespmem:$0x1EFF0] =	vst v46;
	v46 =	vld [tilespmem:$0x290];
	_ =	sdelay $0x4  }
0xe3: {  	[tilespmem:$0x1F040] =	vst v46;
	v46 =	vld [tilespmem:$0x1290];
	_ =	sdelay $0x4  }
0xe4: {  	[tilespmem:$0x1F050] =	vst v46;
	v46 =	vld [tilespmem:$0x2A0];
	_ =	sdelay $0x4  }
0xe5: {  	[tilespmem:$0x1F080] =	vst v46;
	v46 =	vld [tilespmem:$0x12A0];
	_ =	sdelay $0x4  }
0xe6: {  	[tilespmem:$0x1F090] =	vst v46;
	v46 =	vld [tilespmem:$0x2B0];
	_ =	sdelay $0x4  }
0xe7: {  	[tilespmem:$0x1F0C0] =	vst v46;
	v46 =	vld [tilespmem:$0x12B0];
	_ =	sdelay $0x4  }
0xe8: {  	[tilespmem:$0x1F0D0] =	vst v46;
	v46 =	vld [tilespmem:$0x2C0];
	_ =	sdelay $0x4  }
0xe9: {  	[tilespmem:$0x1F100] =	vst v46;
	v46 =	vld [tilespmem:$0x12C0];
	_ =	sdelay $0x4  }
0xea: {  	[tilespmem:$0x1F110] =	vst v46;
	v46 =	vld [tilespmem:$0x2D0];
	_ =	sdelay $0x4  }
0xeb: {  	[tilespmem:$0x1F140] =	vst v46;
	v46 =	vld [tilespmem:$0x12D0];
	_ =	sdelay $0x4  }
0xec: {  	[tilespmem:$0x1F150] =	vst v46;
	v46 =	vld [tilespmem:$0x2E0];
	_ =	sdelay $0x4  }
0xed: {  	[tilespmem:$0x1F180] =	vst v46;
	v46 =	vld [tilespmem:$0x12E0];
	_ =	sdelay $0x4  }
0xee: {  	[tilespmem:$0x1F190] =	vst v46;
	v46 =	vld [tilespmem:$0x2F0];
	_ =	sdelay $0x4  }
0xef: {  	[tilespmem:$0x1F1C0] =	vst v46;
	v46 =	vld [tilespmem:$0x12F0];
	_ =	sdelay $0x4  }
0xf0: {  	[tilespmem:$0x1F1D0] =	vst v46;
	v46 =	vld [tilespmem:$0x680];
	_ =	sdelay $0x4  }
0xf1: {  	[tilespmem:$0x1F200] =	vst v46;
	v46 =	vld [tilespmem:$0x1680];
	_ =	sdelay $0x4  }
0xf2: {  	[tilespmem:$0x1F210] =	vst v46;
	v46 =	vld [tilespmem:$0x690];
	_ =	sdelay $0x4  }
0xf3: {  	[tilespmem:$0x1F260] =	vst v46;
	v46 =	vld [tilespmem:$0x1690];
	_ =	sdelay $0x4  }
0xf4: {  	[tilespmem:$0x1F270] =	vst v46;
	v46 =	vld [tilespmem:$0x6A0];
	_ =	sdelay $0x4  }
0xf5: {  	[tilespmem:$0x1F2A0] =	vst v46;
	v46 =	vld [tilespmem:$0x16A0];
	_ =	sdelay $0x4  }
0xf6: {  	[tilespmem:$0x1F2B0] =	vst v46;
	v46 =	vld [tilespmem:$0x6B0];
	_ =	sdelay $0x4  }
0xf7: {  	[tilespmem:$0x1F2E0] =	vst v46;
	v46 =	vld [tilespmem:$0x16B0];
	_ =	sdelay $0x4  }
0xf8: {  	[tilespmem:$0x1F2F0] =	vst v46;
	v46 =	vld [tilespmem:$0x6C0];
	_ =	sdelay $0x4  }
0xf9: {  	[tilespmem:$0x1F320] =	vst v46;
	v46 =	vld [tilespmem:$0x16C0];
	_ =	sdelay $0x4  }
0xfa: {  	[tilespmem:$0x1F330] =	vst v46;
	v46 =	vld [tilespmem:$0x6D0];
	_ =	sdelay $0x4  }
0xfb: {  	[tilespmem:$0x1F360] =	vst v46;
	v46 =	vld [tilespmem:$0x16D0];
	_ =	sdelay $0x4  }
0xfc: {  	[tilespmem:$0x1F370] =	vst v46;
	v46 =	vld [tilespmem:$0x6E0];
	_ =	sdelay $0x4  }
0xfd: {  	[tilespmem:$0x1F3A0] =	vst v46;
	v46 =	vld [tilespmem:$0x16E0];
	_ =	sdelay $0x4  }
0xfe: {  	[tilespmem:$0x1F3B0] =	vst v46;
	v46 =	vld [tilespmem:$0x6F0];
	_ =	sdelay $0x4  }
0xff: {  	[tilespmem:$0x1F420] =	vst v46;
	v46 =	vld [tilespmem:$0x16F0];
	_ =	sdelay $0x4  }
0x100: {  	[tilespmem:$0x1F430] =	vst v46;
	v46 =	vld [tilespmem:$0x300];
	_ =	sdelay $0x4  }
0x101: {  	[tilespmem:$0x1F1E0] =	vst v46;
	v46 =	vld [tilespmem:$0x1300];
	_ =	sdelay $0x4  }
0x102: {  	[tilespmem:$0x1F1F0] =	vst v46;
	v46 =	vld [tilespmem:$0x310];
	_ =	sdelay $0x4  }
0x103: {  	[tilespmem:$0x1F220] =	vst v46;
	v46 =	vld [tilespmem:$0x1310];
	_ =	sdelay $0x4  }
0x104: {  	[tilespmem:$0x1F230] =	vst v46;
	v46 =	vld [tilespmem:$0x320];
	_ =	sdelay $0x4  }
0x105: {  	[tilespmem:$0x1F280] =	vst v46;
	v46 =	vld [tilespmem:$0x1320];
	_ =	sdelay $0x4  }
0x106: {  	[tilespmem:$0x1F290] =	vst v46;
	v46 =	vld [tilespmem:$0x330];
	_ =	sdelay $0x4  }
0x107: {  	[tilespmem:$0x1F2C0] =	vst v46;
	v46 =	vld [tilespmem:$0x1330];
	_ =	sdelay $0x4  }
0x108: {  	[tilespmem:$0x1F2D0] =	vst v46;
	v46 =	vld [tilespmem:$0x340];
	_ =	sdelay $0x4  }
0x109: {  	[tilespmem:$0x1F300] =	vst v46;
	v46 =	vld [tilespmem:$0x1340];
	_ =	sdelay $0x4  }
0x10a: {  	[tilespmem:$0x1F310] =	vst v46;
	v46 =	vld [tilespmem:$0x350];
	_ =	sdelay $0x4  }
0x10b: {  	[tilespmem:$0x1F340] =	vst v46;
	v46 =	vld [tilespmem:$0x1350];
	_ =	sdelay $0x4  }
0x10c: {  	[tilespmem:$0x1F350] =	vst v46;
	v46 =	vld [tilespmem:$0x360];
	_ =	sdelay $0x4  }
0x10d: {  	[tilespmem:$0x1F380] =	vst v46;
	v46 =	vld [tilespmem:$0x1360];
	_ =	sdelay $0x4  }
0x10e: {  	[tilespmem:$0x1F390] =	vst v46;
	v46 =	vld [tilespmem:$0x370];
	_ =	sdelay $0x4  }
0x10f: {  	[tilespmem:$0x1F3E0] =	vst v46;
	v46 =	vld [tilespmem:$0x1370];
	_ =	sdelay $0x4  }
0x110: {  	[tilespmem:$0x1F3F0] =	vst v46;
	v46 =	vld [tilespmem:$0x700];
	_ =	sdelay $0x4  }
0x111: {  	[tilespmem:$0x1F440] =	vst v46;
	v46 =	vld [tilespmem:$0x1700];
	_ =	sdelay $0x4  }
0x112: {  	[tilespmem:$0x1F450] =	vst v46;
	v46 =	vld [tilespmem:$0x710];
	_ =	sdelay $0x4  }
0x113: {  	[tilespmem:$0x1F480] =	vst v46;
	v46 =	vld [tilespmem:$0x1710];
	_ =	sdelay $0x4  }
0x114: {  	[tilespmem:$0x1F490] =	vst v46;
	v46 =	vld [tilespmem:$0x720];
	_ =	sdelay $0x4  }
0x115: {  	[tilespmem:$0x1F4C0] =	vst v46;
	v46 =	vld [tilespmem:$0x1720];
	_ =	sdelay $0x4  }
0x116: {  	[tilespmem:$0x1F4D0] =	vst v46;
	v46 =	vld [tilespmem:$0x730];
	_ =	sdelay $0x4  }
0x117: {  	[tilespmem:$0x1F500] =	vst v46;
	v46 =	vld [tilespmem:$0x1730];
	_ =	sdelay $0x4  }
0x118: {  	[tilespmem:$0x1F510] =	vst v46;
	v46 =	vld [tilespmem:$0x740];
	_ =	sdelay $0x4  }
0x119: {  	[tilespmem:$0x1F540] =	vst v46;
	v46 =	vld [tilespmem:$0x1740];
	_ =	sdelay $0x4  }
0x11a: {  	[tilespmem:$0x1F550] =	vst v46;
	v46 =	vld [tilespmem:$0x750];
	_ =	sdelay $0x4  }
0x11b: {  	[tilespmem:$0x1F580] =	vst v46;
	v46 =	vld [tilespmem:$0x1750];
	_ =	sdelay $0x4  }
0x11c: {  	[tilespmem:$0x1F590] =	vst v46;
	v46 =	vld [tilespmem:$0x760];
	_ =	sdelay $0x4  }
0x11d: {  	[tilespmem:$0x1F5C0] =	vst v46;
	v46 =	vld [tilespmem:$0x1760];
	_ =	sdelay $0x4  }
0x11e: {  	[tilespmem:$0x1F5D0] =	vst v46;
	v46 =	vld [tilespmem:$0x770];
	_ =	sdelay $0x4  }
0x11f: {  	[tilespmem:$0x1F660] =	vst v46;
	v46 =	vld [tilespmem:$0x1770];
	_ =	sdelay $0x4  }
0x120: {  	[tilespmem:$0x1F670] =	vst v46;
	v46 =	vld [tilespmem:$0x380];
	_ =	sdelay $0x4  }
0x121: {  	[tilespmem:$0x1F3C0] =	vst v46;
	v46 =	vld [tilespmem:$0x1380];
	_ =	sdelay $0x4  }
0x122: {  	[tilespmem:$0x1F3D0] =	vst v46;
	v46 =	vld [tilespmem:$0x390];
	_ =	sdelay $0x4  }
0x123: {  	[tilespmem:$0x1F400] =	vst v46;
	v46 =	vld [tilespmem:$0x1390];
	_ =	sdelay $0x4  }
0x124: {  	[tilespmem:$0x1F410] =	vst v46;
	v46 =	vld [tilespmem:$0x3A0];
	_ =	sdelay $0x4  }
0x125: {  	[tilespmem:$0x1F460] =	vst v46;
	v46 =	vld [tilespmem:$0x13A0];
	_ =	sdelay $0x4  }
0x126: {  	[tilespmem:$0x1F470] =	vst v46;
	v46 =	vld [tilespmem:$0x3B0];
	_ =	sdelay $0x4  }
0x127: {  	[tilespmem:$0x1F4A0] =	vst v46;
	v46 =	vld [tilespmem:$0x13B0];
	_ =	sdelay $0x4  }
0x128: {  	[tilespmem:$0x1F4B0] =	vst v46;
	v46 =	vld [tilespmem:$0x3C0];
	_ =	sdelay $0x4  }
0x129: {  	[tilespmem:$0x1F4E0] =	vst v46;
	v46 =	vld [tilespmem:$0x13C0];
	_ =	sdelay $0x4  }
0x12a: {  	[tilespmem:$0x1F4F0] =	vst v46;
	v46 =	vld [tilespmem:$0x3D0];
	_ =	sdelay $0x4  }
0x12b: {  	[tilespmem:$0x1F520] =	vst v46;
	v46 =	vld [tilespmem:$0x13D0];
	_ =	sdelay $0x4  }
0x12c: {  	[tilespmem:$0x1F530] =	vst v46;
	v46 =	vld [tilespmem:$0x3E0];
	_ =	sdelay $0x4  }
0x12d: {  	[tilespmem:$0x1F560] =	vst v46;
	v46 =	vld [tilespmem:$0x13E0];
	_ =	sdelay $0x4  }
0x12e: {  	[tilespmem:$0x1F570] =	vst v46;
	v46 =	vld [tilespmem:$0x3F0];
	_ =	sdelay $0x4  }
0x12f: {  	[tilespmem:$0x1F5A0] =	vst v46;
	v46 =	vld [tilespmem:$0x13F0];
	_ =	sdelay $0x4  }
0x130: {  	[tilespmem:$0x1F5B0] =	vst v46;
	v46 =	vld [tilespmem:$0x780];
	_ =	sdelay $0x4  }
0x131: {  	[tilespmem:$0x1F5E0] =	vst v46;
	v46 =	vld [tilespmem:$0x1780];
	_ =	sdelay $0x4  }
0x132: {  	[tilespmem:$0x1F5F0] =	vst v46;
	v46 =	vld [tilespmem:$0x790];
	_ =	sdelay $0x4  }
0x133: {  	[tilespmem:$0x1F620] =	vst v46;
	v46 =	vld [tilespmem:$0x1790];
	_ =	sdelay $0x4  }
0x134: {  	[tilespmem:$0x1F630] =	vst v46;
	v46 =	vld [tilespmem:$0x7A0];
	_ =	sdelay $0x4  }
0x135: {  	[tilespmem:$0x1F680] =	vst v46;
	v46 =	vld [tilespmem:$0x17A0];
	_ =	sdelay $0x4  }
0x136: {  	[tilespmem:$0x1F690] =	vst v46;
	v46 =	vld [tilespmem:$0x7B0];
	_ =	sdelay $0x4  }
0x137: {  	[tilespmem:$0x1F6C0] =	vst v46;
	v46 =	vld [tilespmem:$0x17B0];
	_ =	sdelay $0x4  }
0x138: {  	[tilespmem:$0x1F6D0] =	vst v46;
	v46 =	vld [tilespmem:$0x7C0];
	_ =	sdelay $0x4  }
0x139: {  	[tilespmem:$0x1F700] =	vst v46;
	v46 =	vld [tilespmem:$0x17C0];
	_ =	sdelay $0x4  }
0x13a: {  	[tilespmem:$0x1F710] =	vst v46;
	v46 =	vld [tilespmem:$0x7D0];
	_ =	sdelay $0x4  }
0x13b: {  	[tilespmem:$0x1F740] =	vst v46;
	v46 =	vld [tilespmem:$0x17D0];
	_ =	sdelay $0x4  }
0x13c: {  	[tilespmem:$0x1F750] =	vst v46;
	v46 =	vld [tilespmem:$0x7E0];
	_ =	sdelay $0x4  }
0x13d: {  	[tilespmem:$0x1F780] =	vst v46;
	v46 =	vld [tilespmem:$0x17E0];
	_ =	sdelay $0x2  }
0x13e: {  	v33 =	vmul.f32 v48, v33;
	_ =	sdelay $0x1  }
0x13f: {  	v36 =	vmul.f32 v42, v36;
	v33 =	vadd.f32 $0.0e+00, v33;
	[tilespmem:$0x1F790] =	vst v46;
	v46 =	vld [tilespmem:$0x7F0]  }
0x140: {  	v48 =	vld [tilespmem:$0xC70]  }
0x141: {  	v41 =	vmul.f32 v44, v41;
	v33 =	vadd.f32 v36, v33;
	v42 =	vld [tilespmem:$0x880]  }
0x142: {  	v44 =	vld [tilespmem:$0x1890]  }
0x143: {  	v33 =	vadd.f32 v41, v33;
	v41 =	vld [tilespmem:$0x8A0]  }
0x144: {  	[tilespmem:$0x1F7C0] =	vst v46;
	v46 =	vld [tilespmem:$0x17F0]  }
0x145: {  	v36 =	vld [tilespmem:$0x8C0]  }
0x146: {  	v15 =	vmul.f32 v15, v17;
	v17 =	vmul.f32 v7, v12;
	v12 =	vld [tilespmem:$0x1EB00]  }
0x147: {  	v1 =	vmul.f32 v32, v1;
	v32 =	vld [tilespmem:$0x1EC10]  }
0x148: {  	[tilespmem:$0x1EF40] =	vst v10;
	v10 =	vld [tilespmem:$0x1C60]  }
0x149: {  	[tilespmem:$0x1F7D0] =	vst v46;
	v46 =	vld [tilespmem:$0x800]  }
0x14a: {  	[tilespmem:$0x1F7E0] =	vst v42;
	v42 =	vld [tilespmem:$0x1880]  }
0x14b: {  	[tilespmem:$0x1F830] =	vst v44;
	v44 =	vmul.f32 v19, v20;
	v20 =	vld [tilespmem:$0x8B0]  }
0x14c: {  	[tilespmem:$0x1F8C0] =	vst v36;
	v36 =	vmul.f32 v24, v29;
	v24 =	vld [tilespmem:$0x8D0]  }
0x14d: {  	v19 =	vld [tilespmem:$0x8E0]  }
0x14e: {  	[tilespmem:$0x1F600] =	vst v46;
	v46 =	vld [tilespmem:$0x1800]  }
0x14f: {  	v29 =	vmul.f32 v51, v54;
	v51 =	vld [tilespmem:$0x1EAC0]  }
0x150: {  	v54 =	vld [tilespmem:$0x1EAD0]  }
0x151: {  	[tilespmem:$0x1F990] =	vst v10;
	v10 =	vld [tilespmem:$0x1C90]  }
0x152: {  	[tilespmem:$0x1F7F0] =	vst v42;
	v42 =	vld [tilespmem:$0x890]  }
0x153: {  	[tilespmem:$0x1F610] =	vst v46;
	v46 =	vld [tilespmem:$0x810]  }
0x154: {  	[tilespmem:$0x1F930] =	vst v19;
	v19 =	vld [tilespmem:$0x1EB30]  }
0x155: {  	v3 =	vmul.f32 v3, v4;
	v4 =	vmul.f32 v54, v51;
	v54 =	vld [tilespmem:$0xCE0]  }
0x156: {  	v51 =	vld [tilespmem:$0x1EB80]  }
0x157: {  	[tilespmem:$0x1F9C0] =	vst v10;
	v10 =	vld [tilespmem:$0x1C70]  }
0x158: {  	v0 =	vmul.f32 v0, v2;
	[tilespmem:$0x1F640] =	vst v46;
	v46 =	vld [tilespmem:$0x1810]  }
0x159: {  	[tilespmem:$0x1F820] =	vst v42;
	v42 =	vadd.f32 v15, v33;
	v33 =	vld [tilespmem:$0x18A0]  }
0x15a: {  	v0 =	vadd.f32 $0.0e+00, v0;
	v15 =	vmul.f32 v60, v63;
	v60 =	vld [tilespmem:$0x1EAE0]  }
0x15b: {  	v63 =	vld [tilespmem:$0x1EAF0]  }
0x15c: {  	v0 =	vadd.f32 v3, v0;
	v2 =	vadd.f32 v44, v42;
	v42 =	vld [tilespmem:$0x18B0];
	v44 =	vmul.f32 v5, v6  }
0x15d: {  	[tilespmem:$0x1F650] =	vst v46;
	v46 =	vld [tilespmem:$0x820]  }
0x15e: {  	v2 =	vadd.f32 v36, v2;
	v0 =	vadd.f32 v44, v0;
	v36 =	vmul.f32 v8, v40;
	v44 =	vld [tilespmem:$0x8F0]  }
0x15f: {  	v40 =	vmul.f32 v58, v43;
	v43 =	vmul.f32 v38, v47;
	v47 =	vld [tilespmem:$0x1C80]  }
0x160: {  	v58 =	vmul.f32 v14, v16;
	v14 =	vld [tilespmem:$0x1EB10]  }
0x161: {  	v8 =	vmul.f32 v21, v22;
	v21 =	vmul.f32 v49, v50;
	v50 =	vld [tilespmem:$0x1CD0]  }
0x162: {  	[tilespmem:$0x1F6A0] =	vst v46;
	v46 =	vld [tilespmem:$0x1820]  }
0x163: {  	v16 =	vmul.f32 v34, v13;
	v34 =	vld [tilespmem:$0x1EB50]  }
0x164: {  	v38 =	vld [tilespmem:$0xCF0]  }
0x165: {  	v49 =	vld [tilespmem:$0x1EB70]  }
0x166: {  	v22 =	vmul.f32 v35, v37;
	v35 =	vmul.f32 v23, v27;
	v27 =	vld [tilespmem:$0x1EC00]  }
0x167: {  	[tilespmem:$0x1F6B0] =	vst v46;
	v46 =	vld [tilespmem:$0x830]  }
0x168: {  	v13 =	vmul.f32 v9, v56;
	v56 =	vld [tilespmem:$0x930]  }
0x169: {  	v37 =	vld [tilespmem:$0x1EC20]  }
0x16a: {  	v23 =	vmul.f32 v18, v39;
	v39 =	vld [tilespmem:$0x1EC30]  }
0x16b: {  	v18 =	vld [tilespmem:$0x1ECA0]  }
0x16c: {  	[tilespmem:$0x1F6E0] =	vst v46;
	v46 =	vld [tilespmem:$0x1830]  }
0x16d: {  	v9 =	vld [tilespmem:$0x1D00]  }
0x16e: {  	[tilespmem:$0x1F9A0] =	vst v10;
	v10 =	vld [tilespmem:$0x18C0]  }
0x16f: {  	[tilespmem:$0x1F860] =	vst v33;
	v33 =	vld [tilespmem:$0x18E0]  }
0x170: {  	v0 =	vadd.f32 v17, v0;
	v17 =	vld [tilespmem:$0x1EB20]  }
0x171: {  	[tilespmem:$0x1F6F0] =	vst v46;
	v46 =	vld [tilespmem:$0x840]  }
0x172: {  	v2 =	vadd.f32 v15, v2;
	v15 =	vmul.f32 v30, v31;
	v30 =	vmul.f32 v57, v59;
	v57 =	vld [tilespmem:$0x1CE0]  }
0x173: {  	v31 =	vld [tilespmem:$0x1EB40]  }
0x174: {  	v59 =	vld [tilespmem:$0x1EB90]  }
0x175: {  	[tilespmem:$0x1F890] =	vst v42;
	v42 =	vld [tilespmem:$0x18F0]  }
0x176: {  	[tilespmem:$0x1F720] =	vst v46;
	v46 =	vld [tilespmem:$0x1840]  }
0x177: {  	v2 =	vadd.f32 v29, v2;
	v29 =	vld [tilespmem:$0xC80]  }
0x178: {  	v0 =	vadd.f32 v36, v0;
	v36 =	vld [tilespmem:$0x1930]  }
0x179: {  	v7 =	vmul.f32 v39, v37;
	v37 =	vld [tilespmem:$0x1970]  }
0x17a: {  	v39 =	vld [tilespmem:$0x1ED20]  }
0x17b: {  	[tilespmem:$0x1F730] =	vst v46;
	v46 =	vld [tilespmem:$0x850]  }
0x17c: {  	[tilespmem:$0x1FAB0] =	vst v9;
	v9 =	vld [tilespmem:$0x1FFF0]  }
0x17d: {  	[tilespmem:$0x1F940] =	vst v33;
	v33 =	vld [tilespmem:$0x1CA0]  }
0x17e: {  	[tilespmem:$0x1F8D0] =	vst v10;
	v10 =	vld [tilespmem:$0x1CB0]  }
0x17f: {  	v0 =	vadd.f32 v43, v0;
	v43 =	vld [tilespmem:$0x1EB60]  }
0x180: {  	[tilespmem:$0x1F760] =	vst v46;
	v46 =	vld [tilespmem:$0x1850]  }
0x181: {  	v2 =	vadd.f32 v40, v2;
	v40 =	vld [tilespmem:$0x1CF0]  }
0x182: {  	v5 =	vmul.f32 v19, v17;
	v17 =	vld [tilespmem:$0x1EBD0]  }
0x183: {  	v19 =	vld [tilespmem:$0x1EBE0]  }
0x184: {  	v2 =	vadd.f32 v4, v2;
	v4 =	vmul.f32 v63, v60;
	v60 =	vld [tilespmem:$0xCB0]  }
0x185: {  	[tilespmem:$0x1F770] =	vst v46;
	v46 =	vld [tilespmem:$0x860]  }
0x186: {  	v0 =	vadd.f32 v58, v0;
	v58 =	vld [tilespmem:$0xCC0]  }
0x187: {  	v63 =	vld [tilespmem:$0x1CC0]  }
0x188: {  	[tilespmem:$0x1F970] =	vst v42;
	v42 =	vld [tilespmem:$0xCD0]  }
0x189: {  	v2 =	vadd.f32 v4, v2;
	v4 =	vmul.f32 v14, v12;
	v12 =	vld [tilespmem:$0x1EBB0]  }
0x18a: {  	[tilespmem:$0x1F7A0] =	vst v46;
	v46 =	vld [tilespmem:$0x1860]  }
0x18b: {  	v14 =	vmul.f32 v25, v11;
	v25 =	vld [tilespmem:$0x1920]  }
0x18c: {  	v11 =	vld [tilespmem:$0x1EC60]  }
0x18d: {  	[tilespmem:$0x1FA80] =	vst v37;
	v37 =	vld [tilespmem:$0x1EE10]  }
0x18e: {  	[tilespmem:$0x1FA00] =	vst v10;
	v10 =	vld [tilespmem:$0x1EBA0]  }
0x18f: {  	[tilespmem:$0x1F7B0] =	vst v46;
	v46 =	vld [tilespmem:$0x870]  }
0x190: {  	v0 =	vadd.f32 v8, v0;
	v3 =	vmul.f32 v49, v43;
	v49 =	vld [tilespmem:$0x910]  }
0x191: {  	v43 =	vld [tilespmem:$0x1EC40]  }
0x192: {  	v0 =	vadd.f32 v15, v0;
	v15 =	vld [tilespmem:$0x1910]  }
0x193: {  	v2 =	vadd.f32 v4, v2;
	v4 =	vadd.f32 $0.0e+00, v16;
	v16 =	vld [tilespmem:$0x1EBC0]  }
0x194: {  	[tilespmem:$0x1F800] =	vst v46;
	v46 =	vld [tilespmem:$0x1870]  }
0x195: {  	v2 =	vadd.f32 v5, v2;
	v5 =	vmul.f32 v34, v31;
	v31 =	vld [tilespmem:$0x1900]  }
0x196: {  	v0 =	vadd.f32 v21, v0;
	v21 =	vld [tilespmem:$0x1EBF0]  }
0x197: {  	v4 =	vadd.f32 v22, v4;
	v22 =	vld [tilespmem:$0x920]  }
0x198: {  	v34 =	vmul.f32 v26, v28;
	v26 =	vld [tilespmem:$0x1960]  }
0x199: {  	[tilespmem:$0x1F810] =	vst v46;
	v46 =	vld [tilespmem:$0xC00]  }
0x19a: {  	v28 =	vld [tilespmem:$0x1ECF0]  }
0x19b: {  	[tilespmem:$0x1F9F0] =	vst v25;
	v25 =	vld [tilespmem:$0x1FFC0]  }
0x19c: {  	v0 =	vadd.f32 v30, v0;
	v30 =	vld [tilespmem:$0x900]  }
0x19d: {  	v2 =	vadd.f32 v5, v2;
	v5 =	vmul.f32 v59, v51;
	v51 =	vld [tilespmem:$0x1EC50]  }
0x19e: {  	[tilespmem:$0x1F840] =	vst v46;
	v46 =	vld [tilespmem:$0x1C00]  }
0x19f: {  	v59 =	vld [tilespmem:$0x940]  }
0x1a0: {  	[tilespmem:$0x1F9D0] =	vst v15;
	v15 =	vld [tilespmem:$0x1EC90]  }
0x1a1: {  	v0 =	vadd.f32 v3, v0;
	v3 =	vmul.f32 v12, v10;
	v10 =	vmul.f32 v52, v53;
	v53 =	vld [tilespmem:$0x1940]  }
0x1a2: {  	v12 =	vld [tilespmem:$0x1EC70]  }
0x1a3: {  	v4 =	vadd.f32 v35, v4;
	[tilespmem:$0x1F850] =	vst v46;
	v46 =	vld [tilespmem:$0xC10]  }
0x1a4: {  	v2 =	vadd.f32 v5, v2;
	v5 =	vadd.f32 $0.0e+00, v23;
	v23 =	vld [tilespmem:$0x1ECD0]  }
0x1a5: {  	v52 =	vld [tilespmem:$0x1ED40]  }
0x1a6: {  	v1 =	vadd.f32 v1, v4;
	v4 =	vmul.f32 v21, v19;
	v19 =	vld [tilespmem:$0x1ECB0]  }
0x1a7: {  	[tilespmem:$0x1F9E0] =	vst v22;
	v22 =	vld [tilespmem:$0x1ECC0]  }
0x1a8: {  	[tilespmem:$0x1F870] =	vst v46;
	v46 =	vld [tilespmem:$0x1C10]  }
0x1a9: {  	[tilespmem:$0x1FA50] =	vst v26;
	v26 =	vld [tilespmem:$0x1EDC0]  }
0x1aa: {  	v1 =	vadd.f32 v13, v1;
	v13 =	vld [tilespmem:$0x950]  }
0x1ab: {  	v2 =	vadd.f32 v14, v2;
	v14 =	vld [tilespmem:$0x1EC80]  }
0x1ac: {  	v0 =	vadd.f32 v3, v0;
	v3 =	vmul.f32 v17, v16;
	v17 =	vld [tilespmem:$0x1950]  }
0x1ad: {  	[tilespmem:$0x1F880] =	vst v46;
	v46 =	vld [tilespmem:$0xC20]  }
0x1ae: {  	v16 =	vmul.f32 v61, v62;
	v62 =	vld [tilespmem:$0xD00]  }
0x1af: {  	v61 =	vld [tilespmem:$0x1ED50]  }
0x1b0: {  	[tilespmem:$0x1FA20] =	vst v59;
	v59 =	vld [tilespmem:$0x960]  }
0x1b1: {  	v0 =	vadd.f32 v3, v0;
	v3 =	vmul.f32 v32, v27;
	v27 =	vld [tilespmem:$0x1ECE0]  }
0x1b2: {  	[tilespmem:$0x1F8A0] =	vst v46;
	v46 =	vld [tilespmem:$0x1C50]  }
0x1b3: {  	v1 =	vadd.f32 v4, v1;
	v4 =	vadd.f32 v34, v5;
	v32 =	vld [tilespmem:$0x970]  }
0x1b4: {  	v35 =	vperm.xlane v2, v25;
	v34 =	vld [tilespmem:$0x1ED00]  }
0x1b5: {  	v4 =	vadd.f32 v10, v4;
	v10 =	vld [tilespmem:$0x1FFD0]  }
0x1b6: {  	v2 =	vadd.f32 v2, v35;
	v35 =	vld [tilespmem:$0x1ED10]  }
0x1b7: {  	[tilespmem:$0x1F950] =	vst v46;
	v46 =	vld [tilespmem:$0x1C20]  }
0x1b8: {  	v1 =	vadd.f32 v3, v1;
	v3 =	vmul.f32 v51, v43;
	v43 =	vld [tilespmem:$0x1ED30]  }
0x1b9: {  	v5 =	vmul.f32 v23, v22;
	v23 =	vld [tilespmem:$0xD20]  }
0x1ba: {  	[tilespmem:$0x1FA30] =	vst v13;
	v13 =	vld [tilespmem:$0x1ED70]  }
0x1bb: {  	v6 =	vmul.f32 v15, v14;
	v14 =	vld [tilespmem:$0xD10]  }
0x1bc: {  	[tilespmem:$0x1F8B0] =	vst v46;
	v46 =	vld [tilespmem:$0xC30]  }
0x1bd: {  	v15 =	vld [tilespmem:$0x1ED80]  }
0x1be: {  	v1 =	vadd.f32 v3, v1;
	v3 =	vmul.f32 v12, v11;
	v11 =	vld [tilespmem:$0x1FFE0]  }
0x1bf: {  	v12 =	vld [tilespmem:$0x1ED60]  }
0x1c0: {  	v4 =	vadd.f32 v16, v4;
	v16 =	vld [tilespmem:$0x1ED90]  }
0x1c1: {  	[tilespmem:$0x1F8E0] =	vst v46;
	v46 =	vld [tilespmem:$0x1C30]  }
0x1c2: {  	[tilespmem:$0x1FA70] =	vst v32;
	v32 =	vld [tilespmem:$0x1EDE0]  }
0x1c3: {  	v1 =	vadd.f32 v3, v1;
	v3 =	vmul.f32 v19, v18;
	v18 =	vld [tilespmem:$0x1D10]  }
0x1c4: {  	v19 =	vld [tilespmem:$0x1EDA0]  }
0x1c5: {  	v0 =	vadd.f32 v7, v0;
	v4 =	vadd.f32 v5, v4;
	v5 =	vmul.f32 v35, v34;
	v34 =	vld [tilespmem:$0x1EDF0]  }
0x1c6: {  	[tilespmem:$0x1F8F0] =	vst v46;
	v46 =	vld [tilespmem:$0x18D0]  }
0x1c7: {  	v0 =	vadd.f32 v6, v0;
	v35 =	vld [tilespmem:$0xD30]  }
0x1c8: {  	v21 =	vperm.xlane v2, v10;
	v1 =	vadd.f32 v3, v1;
	v3 =	vmul.f32 v28, v27;
	v27 =	vld [tilespmem:$0x1EDD0]  }
0x1c9: {  	v28 =	vld [tilespmem:$0x1D20]  }
0x1ca: {  	[tilespmem:$0x1FA10] =	vst v36;
	v36 =	vperm.xlane v0, v25;
	v2 =	vadd.f32 v2, v21;
	v21 =	vld [tilespmem:$0x1EDB0]  }
0x1cb: {  	[tilespmem:$0x1F900] =	vst v46;
	v46 =	vld [tilespmem:$0xC40]  }
0x1cc: {  	v0 =	vadd.f32 v0, v36;
	v36 =	vld [tilespmem:$0x1EE00]  }
0x1cd: {  	v4 =	vadd.f32 v5, v4;
	v5 =	vmul.f32 v61, v52;
	v52 =	vld [tilespmem:$0x1EE30]  }
0x1ce: {  	v61 =	vld [tilespmem:$0x1EE40]  }
0x1cf: {  	v1 =	vadd.f32 v3, v1;
	v3 =	vmul.f32 v43, v39;
	v43 =	vld [tilespmem:$0x1D30]  }
0x1d0: {  	[tilespmem:$0x1F910] =	vst v46;
	v46 =	vld [tilespmem:$0x1C40]  }
0x1d1: {  	v4 =	vadd.f32 v5, v4;
	v5 =	vmul.f32 v16, v15;
	v16 =	vld [tilespmem:$0x1EE50]  }
0x1d2: {  	v51 =	vperm.xlane v2, v11;
	[tilespmem:$0x1FAF0] =	vst v18;
	v18 =	vld [tilespmem:$0x1EE60]  }
0x1d3: {  	[tilespmem:$0x1FB60] =	vst v35;
	v35 =	vld [tilespmem:$0x1D50]  }
0x1d4: {  	[tilespmem:$0x1FA40] =	vst v17;
	v17 =	vperm.xlane v0, v10;
	v2 =	vadd.f32 v2, v51;
	v51 =	vld [tilespmem:$0x1EE20]  }
0x1d5: {  	[tilespmem:$0x1F920] =	vst v46;
	v46 =	vld [tilespmem:$0xC50]  }
0x1d6: {  	v0 =	vadd.f32 v0, v17;
	v17 =	vld [tilespmem:$0xD40]  }
0x1d7: {  	v4 =	vadd.f32 v5, v4;
	v5 =	vmul.f32 v27, v26;
	v26 =	vld [tilespmem:$0xD50]  }
0x1d8: {  	v27 =	vld [tilespmem:$0x1EEA0]  }
0x1d9: {  	v1 =	vadd.f32 v3, v1;
	v3 =	vmul.f32 v13, v12;
	[tilespmem:$0x1FB30] =	vst v28;
	v28 =	vld [tilespmem:$0x1EEB0]  }
0x1da: {  	[tilespmem:$0x1F960] =	vst v46;
	v46 =	vld [tilespmem:$0xC90]  }
0x1db: {  	v1 =	vadd.f32 v3, v1;
	v3 =	vmul.f32 v21, v19;
	v19 =	vld [tilespmem:$0x1EE70]  }
0x1dc: {  	[tilespmem:$0x1FB20] =	vst v23;
	v21 =	vld [tilespmem:$0x1D40]  }
0x1dd: {  	[tilespmem:$0x1FAE0] =	vst v14;
	v23 =	vld [tilespmem:$0x1EE90]  }
0x1de: {  	[tilespmem:$0x1FB70] =	vst v43;
	v43 =	vld [tilespmem:$0xD60]  }
0x1df: {  	[tilespmem:$0x1F9B0] =	vst v46;
	v46 =	vld [tilespmem:$0xC60]  }
0x1e0: {  	v22 =	vperm.xlane v2, v9;
	v1 =	vadd.f32 v3, v1;
	v3 =	vmul.f32 v34, v32;
	v32 =	vld [tilespmem:$0x1EEC0];
	[tilespmem:$0x1FBF0] =	vst v35  }
0x1e1: {  	v34 =	vld [tilespmem:$0x1EED0];
	[tilespmem:$0x1FBA0] =	vst v17  }
0x1e2: {  	v2 =	vadd.f32 v2, v22;
	v22 =	vld [tilespmem:$0x1EE80];
	[tilespmem:$0x1FBE0] =	vst v26  }
0x1e3: {  	v4 =	vadd.f32 v5, v4;
	v5 =	vmul.f32 v37, v36;
	[tilespmem:$0x1FBB0] =	vst v21;
	v36 =	vld [tilespmem:$0x1EEE0]  }
0x1e4: {  	v37 =	vld [tilespmem:$0x1EEF0];
	[tilespmem:$0x1F980] =	vst v46  }
0x1e5: {  	v46 =	vld [tilespmem:$0xCA0];
	[tilespmem:$0x1FC20] =	vst v43  }
0x1e6: {  	v7 =	vmul.f32 v52, v51;
	v51 =	vld [tilespmem:$0x1EF00]  }
0x1e7: {  	v12 =	vmul.f32 v16, v61;
	v3 =	vadd.f32 $0.0e+00, v3;
	v52 =	vld [tilespmem:$0x1EF10]  }
0x1e8: {  	v61 =	vld [tilespmem:$0x1D60]  }
0x1e9: {  	v3 =	vadd.f32 v12, v3;
	v12 =	vld [tilespmem:$0x1EF20]  }
0x1ea: {  	v13 =	vld [tilespmem:$0x1EF30]  }
0x1eb: {  	v14 =	vld [tilespmem:$0xD70]  }
0x1ec: {  	v15 =	vld [tilespmem:$0x1EF40]  }
0x1ed: {  	v16 =	vld [tilespmem:$0x1EF50]  }
0x1ee: {  	v8 =	vld [tilespmem:$0x1D70]  }
0x1ef: {  	v4 =	vadd.f32 v5, v4;
	v5 =	vmul.f32 v19, v18;
	v6 =	vmul.f32 v23, v22;
	v18 =	vld [tilespmem:$0x1EF60]  }
0x1f0: {  	v1 =	vadd.f32 v7, v1;
	v19 =	vld [tilespmem:$0x1EF70]  }
0x1f1: {  	v7 =	vmul.f32 v28, v27;
	v3 =	vadd.f32 v6, v3;
	v6 =	vmul.f32 v37, v36;
	v37 =	vld [tilespmem:$0x980]  }
0x1f2: {  	v23 =	vld [tilespmem:$0x1EF80]  }
0x1f3: {  	v1 =	vadd.f32 v7, v1;
	v26 =	vld [tilespmem:$0x1EF90]  }
0x1f4: {  	v28 =	vld [tilespmem:$0x990]  }
0x1f5: {  	v4 =	vadd.f32 v5, v4;
	v5 =	vmul.f32 v34, v32;
	v17 =	vperm.xlane v1, v25;
	v32 =	vld [tilespmem:$0x1EFA0]  }
0x1f6: {  	v34 =	vld [tilespmem:$0x1EFB0]  }
0x1f7: {  	v1 =	vadd.f32 v1, v17;
	v36 =	vld [tilespmem:$0x9A0]  }
0x1f8: {  	v21 =	vperm.xlane v55, v45;
	v43 =	vld [tilespmem:$0x1EFC0]  }
0x1f9: {  	v27 =	vlaneseq.u32;
	v35 =	vperm.xlane v1, v10;
	v17 =	vld [tilespmem:$0x1F020]  }
0x1fa: {  	vm1 =	veq.s32 v21, v27;
	v21 =	vld [tilespmem:$0x1F040]  }
0x1fb: {  	v1 =	vadd.f32 v1, v35;
	v35 =	vld [tilespmem:$0x1F090]  }
0x1fc: {  	v63 =	vmul.f32 v63, v58;
	v58 =	vld [tilespmem:$0x1FA50]  }
0x1fd: {  	v40 =	vmul.f32 v40, v38;
	v38 =	vld [tilespmem:$0x1FAE0]  }
0x1fe: {  	v4 =	vadd.f32 v5, v4;
	v5 =	vmul.f32 v52, v51;
	v51 =	vld [tilespmem:$0x1980]  }
0x1ff: {  	v52 =	vld [tilespmem:$0x1990]  }
0x200: {  	[tilespmem:$0x1FC30] =	vst v61;
	v61 =	vld [tilespmem:$0x1EFD0]  }
0x201: {  	[tilespmem:$0x1FC90] =	vst v8;
	v8 =	vld [tilespmem:$0x19A0]  }
0x202: {  	v3 =	vadd.f32 v6, v3;
	v6 =	vmul.f32 v13, v12;
	v12 =	vld [tilespmem:$0x1EFE0]  }
0x203: {  	v13 =	vld [tilespmem:$0x1EFF0]  }
0x204: {  	[tilespmem:$0x1FC80] =	vst v14;
	v14 =	vld [tilespmem:$0x9B0]  }
0x205: {  	v7 =	vmul.f32 v26, v23;
	v26 =	vld [tilespmem:$0x9C0]  }
0x206: {  	[tilespmem:$0x1FA60] =	vst v28;
	v28 =	vld [tilespmem:$0x1F070]  }
0x207: {  	[tilespmem:$0x1FA90] =	vst v36;
	v36 =	vld [tilespmem:$0x9D0]  }
0x208: {  	v4 =	vadd.f32 v5, v4;
	v5 =	vmul.f32 v16, v15;
	v15 =	vld [tilespmem:$0x1F000]  }
0x209: {  	v16 =	vld [tilespmem:$0x1F010]  }
0x20a: {  	v23 =	vperm.xlane v1, v11;
	v3 =	vadd.f32 v6, v3;
	v6 =	vmul.f32 v19, v18;
	v18 =	vld [tilespmem:$0x1F030]  }
0x20b: {  	v19 =	vld [tilespmem:$0x19B0]  }
0x20c: {  	v22 =	vimm.s32 $0x1;
	v1 =	vadd.f32 v1, v23;
	v23 =	vld [tilespmem:$0x1F100]  }
0x20d: {  	v4 =	vadd.f32 v5, v4;
	v5 =	vperm.xlane v55, v22;
	v22 =	vld [tilespmem:$0x1F050]  }
0x20e: {  	[tilespmem:$0x1FB00] =	vst v26;
	v26 =	vld [tilespmem:$0x1F110]  }
0x20f: {  	[tilespmem:$0x1FB40] =	vst v36;
	v36 =	vld [tilespmem:$0x1F140]  }
0x210: {  	[tilespmem:$0x1FAC0] =	vst v14;
	v14 =	vld [tilespmem:$0x1F160]  }
0x211: {  	[tilespmem:$0x1FAA0] =	vst v8;
	v8 =	vld [tilespmem:$0x1A10]  }
0x212: {  	v39 =	vperm.xlane v0, v11;
	vm2 =	veq.s32 v5, v27;
	v27 =	vld [tilespmem:$0x1F060]  }
0x213: {  	v5 =	vmul.f32 v34, v32;
	v32 =	vld [tilespmem:$0x19C0]  }
0x214: {  	v0 =	vadd.f32 v0, v39;
	v34 =	vld [tilespmem:$0x1F080]  }
0x215: {  	v3 =	vadd.f32 v6, v3;
	v6 =	vmul.f32 v16, v15;
	v15 =	vld [tilespmem:$0x19D0]  }
0x216: {  	v39 =	vperm.xlane v0, v9;
	v16 =	vld [tilespmem:$0x1F0C0]  }
0x217: {  	[tilespmem:$0x1FAD0] =	vst v19;
	v19 =	vld [tilespmem:$0x1F0E0]  }
0x218: {  	v0 =	vadd.f32 v0, v39;
	v39 =	vadd.f32 v5, v3;
	v3 =	vmul.f32 v61, v43;
	v43 =	vld [tilespmem:$0x1F0B0]  }
0x219: {  	v5 =	vmul.f32 v13, v12;
	v13 =	vld [tilespmem:$0xD80]  }
0x21a: {  	v2 =	vmax.f32 v2, $-1.000000020e+30;
	v4 =	vadd.f32 v7, v4;
	v7 =	vmul.f32 v22, v21;
	v21 =	vld [tilespmem:$0x1F0F0]  }
0x21b: {  	v2 =	vnsel vm1, $0xF149F2CA, v2;
	v0 =	vnsel vm2, $0xF149F2CA, v0;
	v22 =	vld [tilespmem:$0x19E0]  }
0x21c: {  	v0 =	vmax.f32 v2, v0;
	v2 =	vadd.f32 v3, v39;
	v39 =	vld [tilespmem:$0x1F0A0]  }
0x21d: {  	v12 =	vperm.xlane v1, v9;
	v3 =	vmul.f32 v18, v17;
	v17 =	vld [tilespmem:$0x1F0D0]  }
0x21e: {  	v18 =	vld [tilespmem:$0x9E0]  }
0x21f: {  	v1 =	vadd.f32 v1, v12;
	v12 =	vld [tilespmem:$0x1F210]  }
0x220: {  	[tilespmem:$0x1FB10] =	vst v32;
	v32 =	vld [tilespmem:$0x1F130]  }
0x221: {  	v4 =	vadd.f32 v6, v4;
	v6 =	vmul.f32 v35, v34;
	v35 =	vld [tilespmem:$0x19F0]  }
0x222: {  	v2 =	vadd.f32 v3, v2;
	v3 =	vmul.f32 v28, v27;
	v27 =	vld [tilespmem:$0x9F0]  }
0x223: {  	v28 =	vld [tilespmem:$0x1F120]  }
0x224: {  	v5 =	vadd.f32 $0.0e+00, v5;
	[tilespmem:$0x1FB50] =	vst v15;
	v15 =	vld [tilespmem:$0x1F170]  }
0x225: {  	[tilespmem:$0x1FC00] =	vst v13;
	v13 =	vld [tilespmem:$0xDB0]  }
0x226: {  	v5 =	vadd.f32 v7, v5;
	[tilespmem:$0x1FB90] =	vst v22;
	v22 =	vld [tilespmem:$0x1F1B0]  }
0x227: {  	v2 =	vadd.f32 v3, v2;
	v3 =	vmul.f32 v43, v39;
	v39 =	vld [tilespmem:$0x1F150]  }
0x228: {  	v5 =	vadd.f32 v6, v5;
	v6 =	vmul.f32 v17, v16;
	v16 =	vld [tilespmem:$0x1D80]  }
0x229: {  	v17 =	vld [tilespmem:$0x1F180]  }
0x22a: {  	[tilespmem:$0x1FB80] =	vst v18;
	v18 =	vld [tilespmem:$0x1F190]  }
0x22b: {  	v61 =	vperm.xlane v4, v25;
	[tilespmem:$0x1FBD0] =	vst v35;
	v35 =	vld [tilespmem:$0x1F1E0]  }
0x22c: {  	v2 =	vadd.f32 v3, v2;
	v3 =	vmul.f32 v21, v19;
	v19 =	vld [tilespmem:$0xD90]  }
0x22d: {  	v4 =	vadd.f32 v4, v61;
	v43 =	vimm.s32 $0x2;
	v21 =	vld [tilespmem:$0x1F1A0]  }
0x22e: {  	v61 =	vperm.xlane v55, v43;
	v5 =	vadd.f32 v6, v5;
	v6 =	vmul.f32 v26, v23;
	v26 =	vld [tilespmem:$0x1D90]  }
0x22f: {  	v45 =	vlaneseq.u32;
	[tilespmem:$0x1FBC0] =	vst v27;
	v27 =	vld [tilespmem:$0x1F1C0]  }
0x230: {  	vm1 =	veq.s32 v61, v45;
	v61 =	vld [tilespmem:$0x1F200]  }
0x231: {  	[tilespmem:$0x1FCB0] =	vst v13;
	v13 =	vld [tilespmem:$0x1F2F0]  }
0x232: {  	v34 =	vperm.xlane v4, v10;
	v2 =	vadd.f32 v3, v2;
	v3 =	vmul.f32 v32, v28;
	v28 =	vld [tilespmem:$0x1F1D0]  }
0x233: {  	v32 =	vld [tilespmem:$0xDA0]  }
0x234: {  	v4 =	vadd.f32 v4, v34;
	v5 =	vadd.f32 v6, v5;
	v6 =	vmul.f32 v39, v36;
	v36 =	vld [tilespmem:$0x1F1F0]  }
0x235: {  	v39 =	vld [tilespmem:$0x1DA0]  }
0x236: {  	v23 =	vperm.xlane v4, v11;
	v2 =	vadd.f32 v3, v2;
	v3 =	vmul.f32 v15, v14;
	v14 =	vld [tilespmem:$0x1F220]  }
0x237: {  	v15 =	vld [tilespmem:$0x1F230]  }
0x238: {  	v34 =	vadd.f32 v4, v23;
	v23 =	vld [tilespmem:$0xDC0]  }
0x239: {  	v5 =	vadd.f32 v6, v5;
	v6 =	vmul.f32 v18, v17;
	v17 =	vld [tilespmem:$0x1DB0]  }
0x23a: {  	v18 =	vld [tilespmem:$0x1F240]  }
0x23b: {  	[tilespmem:$0x1FC40] =	vst v19;
	v19 =	vld [tilespmem:$0x1F250]  }
0x23c: {  	[tilespmem:$0x1FC50] =	vst v26;
	v26 =	vld [tilespmem:$0x1F280]  }
0x23d: {  	v2 =	vadd.f32 v3, v2;
	v3 =	vmul.f32 v22, v21;
	v21 =	vld [tilespmem:$0x1F260]  }
0x23e: {  	v22 =	vld [tilespmem:$0x1F270]  }
0x23f: {  	v5 =	vadd.f32 v6, v5;
	v6 =	vmul.f32 v28, v27;
	v27 =	vld [tilespmem:$0x1F290]  }
0x240: {  	[tilespmem:$0x1FC10] =	vst v16;
	v16 =	vperm.xlane v34, v9;
	v28 =	vld [tilespmem:$0x1DC0]  }
0x241: {  	v1 =	vnsel vm1, $0xF149F2CA, v1;
	[tilespmem:$0x1FC60] =	vst v32;
	v32 =	vld [tilespmem:$0x1F2A0]  }
0x242: {  	v0 =	vmax.f32 v0, v1;
	v1 =	vadd.f32 v34, v16;
	v34 =	vld [tilespmem:$0x1F2B0]  }
0x243: {  	v4 =	vmul.f32 v36, v35;
	v35 =	vld [tilespmem:$0xDD0]  }
0x244: {  	v36 =	vld [tilespmem:$0x1F2C0]  }
0x245: {  	[tilespmem:$0x1FC70] =	vst v39;
	v39 =	vld [tilespmem:$0x1F2D0]  }
0x246: {  	v16 =	vld [tilespmem:$0x1F310]  }
0x247: {  	v43 =	vadd.f32 v6, v5;
	v5 =	vmul.f32 v12, v61;
	v61 =	vld [tilespmem:$0x1DD0]  }
0x248: {  	v6 =	vmul.f32 v15, v14;
	v14 =	vld [tilespmem:$0xDE0]  }
0x249: {  	v15 =	vld [tilespmem:$0x1F300]  }
0x24a: {  	[tilespmem:$0x1FCE0] =	vst v23;
	v23 =	vld [tilespmem:$0x1F350]  }
0x24b: {  	[tilespmem:$0x1FCC0] =	vst v17;
	v17 =	vld [tilespmem:$0x1DE0]  }
0x24c: {  	v12 =	vmul.f32 v19, v18;
	v18 =	vld [tilespmem:$0x1F320]  }
0x24d: {  	v19 =	vld [tilespmem:$0x1F330]  }
0x24e: {  	v2 =	vadd.f32 v3, v2;
	v3 =	vadd.f32 v5, v43;
	v5 =	vmul.f32 v22, v21;
	v21 =	vld [tilespmem:$0xDF0]  }
0x24f: {  	v4 =	vadd.f32 $0.0e+00, v4;
	v22 =	vld [tilespmem:$0x1F340]  }
0x250: {  	v2 =	vadd.f32 v12, v2;
	v12 =	vld [tilespmem:$0x1F2E0]  }
0x251: {  	v4 =	vadd.f32 v6, v4;
	v6 =	vmul.f32 v27, v26;
	v26 =	vld [tilespmem:$0x1DF0]  }
0x252: {  	v43 =	vimm.s32 $0x3;
	[tilespmem:$0x1FCF0] =	vst v28;
	v28 =	vld [tilespmem:$0x1F360]  }
0x253: {  	v7 =	vperm.xlane v55, v43;
	v43 =	vld [tilespmem:$0xA00]  }
0x254: {  	v3 =	vadd.f32 v5, v3;
	v5 =	vmul.f32 v34, v32;
	v32 =	vld [tilespmem:$0x1F370]  }
0x255: {  	v34 =	vld [tilespmem:$0x1F380]  }
0x256: {  	[tilespmem:$0x1FD10] =	vst v35;
	v35 =	vld [tilespmem:$0x1F390]  }
0x257: {  	v4 =	vadd.f32 v6, v4;
	v6 =	vmul.f32 v39, v36;
	v39 =	vld [tilespmem:$0x1F3A0]  }
0x258: {  	[tilespmem:$0x1FD20] =	vst v61;
	v61 =	vld [tilespmem:$0x1F3B0]  }
0x259: {  	[tilespmem:$0x1FD60] =	vst v14;
	v14 =	vld [tilespmem:$0x1F3D0]  }
0x25a: {  	[tilespmem:$0x1FD70] =	vst v17;
	v17 =	vld [tilespmem:$0x1F400]  }
0x25b: {  	v4 =	vadd.f32 v6, v4;
	v6 =	vmul.f32 v16, v15;
	v15 =	vld [tilespmem:$0x1F3E0]  }
0x25c: {  	v16 =	vld [tilespmem:$0x1F3F0]  }
0x25d: {  	[tilespmem:$0x1FDD0] =	vst v21;
	v21 =	vld [tilespmem:$0xA20]  }
0x25e: {  	v3 =	vadd.f32 v5, v3;
	v5 =	vmul.f32 v13, v12;
	v13 =	vld [tilespmem:$0x1A00]  }
0x25f: {  	[tilespmem:$0x1FDE0] =	vst v26;
	v26 =	vld [tilespmem:$0x1F440]  }
0x260: {  	v12 =	vperm.xlane v2, v25;
	v4 =	vadd.f32 v6, v4;
	v6 =	vmul.f32 v23, v22;
	v22 =	vld [tilespmem:$0x1F420]  }
0x261: {  	v23 =	vld [tilespmem:$0x1F430]  }
0x262: {  	v2 =	vadd.f32 v2, v12;
	v3 =	vadd.f32 v5, v3;
	v5 =	vmul.f32 v19, v18;
	v12 =	vld [tilespmem:$0x1F3C0]  }
0x263: {  	v18 =	vld [tilespmem:$0x1F410]  }
0x264: {  	v27 =	vadd.f32 v5, v3;
	v5 =	vmul.f32 v35, v34;
	v35 =	vld [tilespmem:$0x1A20]  }
0x265: {  	vm1 =	veq.s32 v7, v45;
	v3 =	vmul.f32 v32, v28;
	v28 =	vld [tilespmem:$0x1F460]  }
0x266: {  	v1 =	vnsel vm1, $0xF149F2CA, v1;
	v32 =	vld [tilespmem:$0x1F470]  }
0x267: {  	v0 =	vmax.f32 v0, v1;
	v43 =	vmul.f32 v13, v43;
	v13 =	vld [tilespmem:$0x1FC40]  }
0x268: {  	v36 =	vperm.xlane v2, v10;
	v1 =	vadd.f32 v3, v27;
	v3 =	vmul.f32 v61, v39;
	v61 =	vld [tilespmem:$0xA10]  }
0x269: {  	v27 =	vld [tilespmem:$0x1F450]  }
0x26a: {  	v4 =	vadd.f32 v6, v4;
	v2 =	vadd.f32 v2, v36;
	v36 =	vld [tilespmem:$0xA30]  }
0x26b: {  	v39 =	vld [tilespmem:$0x1F480]  }
0x26c: {  	v4 =	vadd.f32 v5, v4;
	v5 =	vmul.f32 v16, v15;
	v15 =	vld [tilespmem:$0x1F4A0]  }
0x26d: {  	v16 =	vld [tilespmem:$0x1F4B0]  }
0x26e: {  	v7 =	vmul.f32 v14, v12;
	v14 =	vld [tilespmem:$0x1F490]  }
0x26f: {  	v1 =	vadd.f32 v3, v1;
	v3 =	vmul.f32 v18, v17;
	v17 =	vld [tilespmem:$0xA40]  }
0x270: {  	v18 =	vld [tilespmem:$0x1F4C0]  }
0x271: {  	v19 =	vadd.f32 $0.0e+00, v7;
	v7 =	vmul.f32 v23, v22;
	v22 =	vld [tilespmem:$0x1F4E0]  }
0x272: {  	v23 =	vld [tilespmem:$0x1F4F0]  }
0x273: {  	v34 =	vperm.xlane v2, v11;
	v6 =	vmul.f32 v32, v28;
	v28 =	vld [tilespmem:$0x1F500]  }
0x274: {  	v32 =	vld [tilespmem:$0x1F510]  }
0x275: {  	v2 =	vadd.f32 v2, v34;
	v34 =	vld [tilespmem:$0x1A40]  }
0x276: {  	v3 =	vadd.f32 v3, v19;
	v19 =	vld [tilespmem:$0x1F4D0]  }
0x277: {  	v4 =	vadd.f32 v5, v4;
	v5 =	vmul.f32 v27, v26;
	v27 =	vld [tilespmem:$0xA50]  }
0x278: {  	[tilespmem:$0x1FCD0] =	vst v36;
	v36 =	vld [tilespmem:$0x1A50]  }
0x279: {  	v61 =	vmul.f32 v8, v61;
	v8 =	vld [tilespmem:$0x1FC70]  }
0x27a: {  	v4 =	vadd.f32 v5, v4;
	v5 =	vmul.f32 v14, v39;
	v14 =	vld [tilespmem:$0x1F520]  }
0x27b: {  	v1 =	vadd.f32 v7, v1;
	v3 =	vadd.f32 v6, v3;
	v6 =	vmul.f32 v16, v15;
	v15 =	vld [tilespmem:$0x1F530]  }
0x27c: {  	[tilespmem:$0x1FCA0] =	vst v21;
	v26 =	vperm.xlane v2, v9;
	v16 =	vld [tilespmem:$0xA60]  }
0x27d: {  	[tilespmem:$0x1FD00] =	vst v17;
	v21 =	vperm.xlane v1, v25;
	v17 =	vld [tilespmem:$0x1F540]  }
0x27e: {  	v2 =	vadd.f32 v2, v26;
	v26 =	vld [tilespmem:$0xA70]  }
0x27f: {  	v1 =	vadd.f32 v1, v21;
	v21 =	vld [tilespmem:$0x1F560]  }
0x280: {  	v3 =	vadd.f32 v6, v3;
	v6 =	vmul.f32 v23, v22;
	v22 =	vld [tilespmem:$0x1F570]  }
0x281: {  	v4 =	vadd.f32 v5, v4;
	v5 =	vmul.f32 v19, v18;
	v18 =	vld [tilespmem:$0x1F550]  }
0x282: {  	v23 =	vimm.s32 $0x4;
	[tilespmem:$0x1FD30] =	vst v27;
	v27 =	vld [tilespmem:$0x1F580]  }
0x283: {  	v12 =	vperm.xlane v55, v23;
	v23 =	vld [tilespmem:$0xE10]  }
0x284: {  	v4 =	vadd.f32 v5, v4;
	v5 =	vmul.f32 v32, v28;
	v28 =	vld [tilespmem:$0x1F590]  }
0x285: {  	v32 =	vld [tilespmem:$0x1A70]  }
0x286: {  	vm1 =	veq.s32 v12, v45;
	v12 =	vld [tilespmem:$0x1F5A0]  }
0x287: {  	v3 =	vadd.f32 v6, v3;
	v6 =	vmul.f32 v15, v14;
	v14 =	vld [tilespmem:$0x1F5B0]  }
0x288: {  	v19 =	vperm.xlane v1, v10;
	v15 =	vld [tilespmem:$0xE00]  }
0x289: {  	[tilespmem:$0x1FD50] =	vst v16;
	v16 =	vld [tilespmem:$0x1F5C0]  }
0x28a: {  	v1 =	vadd.f32 v1, v19;
	v19 =	vld [tilespmem:$0x1E00]  }
0x28b: {  	[tilespmem:$0x1FD80] =	vst v26;
	v26 =	vld [tilespmem:$0x1F600]  }
0x28c: {  	v3 =	vadd.f32 v6, v3;
	v6 =	vmul.f32 v22, v21;
	v21 =	vld [tilespmem:$0x1F5E0]  }
0x28d: {  	v22 =	vld [tilespmem:$0x1F5F0]  }
0x28e: {  	v4 =	vadd.f32 v5, v4;
	v5 =	vmul.f32 v18, v17;
	v17 =	vld [tilespmem:$0x1F5D0]  }
0x28f: {  	[tilespmem:$0x1FE00] =	vst v23;
	v23 =	vld [tilespmem:$0x1F690]  }
0x290: {  	v4 =	vadd.f32 v5, v4;
	v5 =	vmul.f32 v28, v27;
	v27 =	vld [tilespmem:$0x1F610]  }
0x291: {  	v28 =	vld [tilespmem:$0x1E10]  }
0x292: {  	[tilespmem:$0x1FD90] =	vst v32;
	v32 =	vld [tilespmem:$0x1F620]  }
0x293: {  	v3 =	vadd.f32 v6, v3;
	v6 =	vmul.f32 v14, v12;
	v12 =	vld [tilespmem:$0x1F630]  }
0x294: {  	v18 =	vperm.xlane v1, v11;
	v14 =	vld [tilespmem:$0xE20]  }
0x295: {  	[tilespmem:$0x1FDB0] =	vst v15;
	v15 =	vld [tilespmem:$0x1F640]  }
0x296: {  	v1 =	vadd.f32 v1, v18;
	v18 =	vld [tilespmem:$0x1E20]  }
0x297: {  	[tilespmem:$0x1FDC0] =	vst v19;
	v19 =	vld [tilespmem:$0x1F660]  }
0x298: {  	v3 =	vadd.f32 v6, v3;
	v6 =	vmul.f32 v22, v21;
	v21 =	vld [tilespmem:$0x1F670]  }
0x299: {  	v22 =	vld [tilespmem:$0x1F680]  }
0x29a: {  	v2 =	vnsel vm1, $0xF149F2CA, v2;
	v4 =	vadd.f32 v5, v4;
	v5 =	vmul.f32 v17, v16;
	v16 =	vld [tilespmem:$0x1F650]  }
0x29b: {  	v0 =	vmax.f32 v0, v2;
	v2 =	vmul.f32 v27, v26;
	v26 =	vld [tilespmem:$0xE30]  }
0x29c: {  	v27 =	vld [tilespmem:$0x1F6A0]  }
0x29d: {  	[tilespmem:$0x1FE10] =	vst v28;
	v28 =	vld [tilespmem:$0x1F6B0]  }
0x29e: {  	v17 =	vperm.xlane v1, v9;
	v4 =	vadd.f32 v5, v4;
	v5 =	vmul.f32 v12, v32;
	v32 =	vld [tilespmem:$0x1E30]  }
0x29f: {  	[tilespmem:$0x1FE30] =	vst v14;
	v14 =	vld [tilespmem:$0x1F6D0]  }
0x2a0: {  	[tilespmem:$0x1FE40] =	vst v18;
	v1 =	vadd.f32 v1, v17;
	v17 =	vld [tilespmem:$0x1F6F0];
	v18 =	vimm.s32 $0x5  }
0x2a1: {  	v7 =	vperm.xlane v55, v18;
	v18 =	vld [tilespmem:$0x1F770]  }
0x2a2: {  	v3 =	vadd.f32 v6, v3;
	v12 =	vmul.f32 v21, v19;
	v19 =	vld [tilespmem:$0x1E40]  }
0x2a3: {  	v21 =	vld [tilespmem:$0x1F700]  }
0x2a4: {  	v3 =	vadd.f32 v5, v3;
	v5 =	vmul.f32 v23, v22;
	v22 =	vld [tilespmem:$0x1F710]  }
0x2a5: {  	v6 =	vmul.f32 v16, v15;
	v15 =	vld [tilespmem:$0xE40]  }
0x2a6: {  	v16 =	vld [tilespmem:$0x1F6E0]  }
0x2a7: {  	v2 =	vadd.f32 $0.0e+00, v2;
	v4 =	vadd.f32 v12, v4;
	v12 =	vld [tilespmem:$0x1F6C0]  }
0x2a8: {  	[tilespmem:$0x1FE60] =	vst v26;
	v26 =	vld [tilespmem:$0xE50]  }
0x2a9: {  	v2 =	vadd.f32 v6, v2;
	v6 =	vmul.f32 v28, v27;
	v27 =	vld [tilespmem:$0x1F720]  }
0x2aa: {  	v28 =	vld [tilespmem:$0x1F730]  }
0x2ab: {  	[tilespmem:$0x1FE70] =	vst v32;
	v32 =	vld [tilespmem:$0x1E50]  }
0x2ac: {  	[tilespmem:$0x1FEC0] =	vst v19;
	v19 =	vld [tilespmem:$0x1E60]  }
0x2ad: {  	[tilespmem:$0x1FEB0] =	vst v15;
	v15 =	vld [tilespmem:$0x1F750]  }
0x2ae: {  	v23 =	vperm.xlane v4, v25;
	v2 =	vadd.f32 v6, v2;
	v6 =	vmul.f32 v17, v16;
	v16 =	vld [tilespmem:$0xE60]  }
0x2af: {  	v17 =	vld [tilespmem:$0x1F760]  }
0x2b0: {  	v4 =	vadd.f32 v4, v23;
	v23 =	vld [tilespmem:$0x1F790]  }
0x2b1: {  	v3 =	vadd.f32 v5, v3;
	v5 =	vmul.f32 v14, v12;
	v14 =	vld [tilespmem:$0x1F740]  }
0x2b2: {  	v12 =	vld [tilespmem:$0x1E70]  }
0x2b3: {  	[tilespmem:$0x1FEE0] =	vst v26;
	v26 =	vld [tilespmem:$0xE70]  }
0x2b4: {  	v2 =	vadd.f32 v6, v2;
	v6 =	vmul.f32 v28, v27;
	v27 =	vld [tilespmem:$0x1F7A0]  }
0x2b5: {  	v28 =	vld [tilespmem:$0x1F7B0]  }
0x2b6: {  	v3 =	vadd.f32 v5, v3;
	v5 =	vmul.f32 v22, v21;
	v22 =	vld [tilespmem:$0x1F780]  }
0x2b7: {  	[tilespmem:$0x1FF20] =	vst v19;
	v19 =	vld [tilespmem:$0x1F810]  }
0x2b8: {  	[tilespmem:$0x1FF10] =	vst v16;
	v16 =	vld [tilespmem:$0x1F7E0]  }
0x2b9: {  	v2 =	vadd.f32 v6, v2;
	v6 =	vmul.f32 v18, v17;
	v17 =	vld [tilespmem:$0x1F7F0]  }
0x2ba: {  	v18 =	vld [tilespmem:$0x1F800]  }
0x2bb: {  	v3 =	vadd.f32 v5, v3;
	v5 =	vmul.f32 v15, v14;
	v14 =	vld [tilespmem:$0x1F7C0]  }
0x2bc: {  	[tilespmem:$0x1FF30] =	vst v26;
	v26 =	vld [tilespmem:$0x1F850]  }
0x2bd: {  	v21 =	vadd.f32 v5, v3;
	v3 =	vmul.f32 v23, v22;
	v23 =	vld [tilespmem:$0x1F840]  }
0x2be: {  	v15 =	vld [tilespmem:$0x1F7D0];
	v2 =	vadd.f32 v6, v2;
	v5 =	vmul.f32 v28, v27  }
0x2bf: {  	vm1 =	veq.s32 v7, v45;
	v22 =	vld [tilespmem:$0x1F830]  }
0x2c0: {  	v1 =	vnsel vm1, $0xF149F2CA, v1;
	v28 =	vld [tilespmem:$0x1F860];
	v2 =	vadd.f32 v5, v2;
	v5 =	vmul.f32 v19, v18  }
0x2c1: {  	v1 =	vmax.f32 v0, v1;
	[tilespmem:$0x1FEF0] =	vst v32;
	v32 =	vperm.xlane v4, v10;
	v0 =	vadd.f32 v3, v21;
	v21 =	vld [tilespmem:$0x1F820]  }
0x2c2: {  	v2 =	vadd.f32 v5, v2;
	v5 =	vmul.f32 v26, v23;
	v23 =	vld [tilespmem:$0x1F870]  }
0x2c3: {  	v4 =	vadd.f32 v4, v32;
	v26 =	vld [tilespmem:$0x1F880]  }
0x2c4: {  	v39 =	vld [tilespmem:$0x1A30];
	[tilespmem:$0x1FF40] =	vst v12;
	v12 =	vmul.f32 v17, v16  }
0x2c5: {  	v27 =	vperm.xlane v4, v11;
	v32 =	vmul.f32 v28, v41;
	v28 =	vld [tilespmem:$0x1F890]  }
0x2c6: {  	[tilespmem:$0x1FD40] =	vst v36;
	v36 =	vld [tilespmem:$0x1A60];
	v12 =	vadd.f32 $0.0e+00, v12;
	v6 =	vmul.f32 v22, v21  }
0x2c7: {  	v7 =	vld [tilespmem:$0x1A80];
	v4 =	vadd.f32 v4, v27  }
0x2c8: {  	v3 =	vmul.f32 v15, v14;
	v6 =	vadd.f32 v6, v12;
	v27 =	vmul.f32 v26, v23;
	v23 =	vld [tilespmem:$0x1F8A0]  }
0x2c9: {  	v26 =	vld [tilespmem:$0x1F8B0]  }
0x2ca: {  	v3 =	vadd.f32 v3, v0;
	v22 =	vld [tilespmem:$0xAA0];
	v6 =	vadd.f32 v32, v6;
	v32 =	vmul.f32 v28, v20  }
0x2cb: {  	v12 =	vld [tilespmem:$0x1F8D0];
	v28 =	vperm.xlane v4, v9  }
0x2cc: {  	v21 =	vperm.xlane v3, v25;
	v5 =	vadd.f32 v5, v2;
	v6 =	vadd.f32 v32, v6;
	v32 =	vld [tilespmem:$0x1F8C0]  }
0x2cd: {  	v20 =	vadd.f32 v4, v28;
	v28 =	vld [tilespmem:$0x1F8F0]  }
0x2ce: {  	v15 =	vadd.f32 v3, v21;
	v5 =	vadd.f32 v27, v5;
	v27 =	vmul.f32 v26, v23;
	v23 =	vld [tilespmem:$0x1F900]  }
0x2cf: {  	v26 =	vld [tilespmem:$0xAC0]  }
0x2d0: {  	v14 =	vperm.xlane v15, v10;
	v5 =	vadd.f32 v27, v5;
	v27 =	vld [tilespmem:$0x1F8E0]  }
0x2d1: {  	[tilespmem:$0x1FDA0] =	vst v22;
	v22 =	vld [tilespmem:$0xAB0];
	v12 =	vmul.f32 v12, v32  }
0x2d2: {  	v21 =	vadd.f32 v15, v14;
	v15 =	vld [tilespmem:$0xAE0]  }
0x2d3: {  	v6 =	vadd.f32 v12, v6;
	v12 =	vmul.f32 v23, v24;
	v24 =	vld [tilespmem:$0xAD0]  }
0x2d4: {  	[tilespmem:$0x1FE20] =	vst v26;
	v26 =	vld [tilespmem:$0x1F910]  }
0x2d5: {  	v32 =	vmul.f32 v28, v27;
	v27 =	vld [tilespmem:$0x1F920]  }
0x2d6: {  	v28 =	vimm.s32 $0x6;
	v12 =	vadd.f32 v12, v6;
	v6 =	vld [tilespmem:$0x1F940]  }
0x2d7: {  	[tilespmem:$0x1FDF0] =	vst v22;
	v22 =	vadd.f32 v32, v5;
	v32 =	vperm.xlane v55, v28;
	v5 =	vld [tilespmem:$0x1F930]  }
0x2d8: {  	v14 =	vperm.xlane v21, v11;
	v28 =	vld [tilespmem:$0x1F950]  }
0x2d9: {  	vm1 =	veq.s32 v32, v45;
	v32 =	vld [tilespmem:$0x1F960]  }
0x2da: {  	[tilespmem:$0x1FE50] =	vst v24;
	v24 =	vadd.f32 v21, v14;
	v14 =	vld [tilespmem:$0x1F970]  }
0x2db: {  	v17 =	vld [tilespmem:$0xA80]  }
0x2dc: {  	v19 =	vld [tilespmem:$0xA90];
	v23 =	vmul.f32 v27, v26  }
0x2dd: {  	v18 =	vld [tilespmem:$0x1A90]  }
0x2de: {  	v26 =	vmul.f32 v6, v5;
	v22 =	vadd.f32 v23, v22;
	v6 =	vld [tilespmem:$0x1AE0];
	v5 =	vmul.f32 v28, v32  }
0x2df: {  	[tilespmem:$0x1FE80] =	vst v15;
	v15 =	vmul.f32 v14, v44;
	v44 =	vld [tilespmem:$0x1F980]  }
0x2e0: {  	v22 =	vadd.f32 v5, v22;
	v5 =	vld [tilespmem:$0x1F990]  }
0x2e1: {  	v16 =	vld [tilespmem:$0x1AD0]  }
0x2e2: {  	v41 =	vld [tilespmem:$0x1AA0]  }
0x2e3: {  	v2 =	vld [tilespmem:$0x1B00];
	v26 =	vadd.f32 v26, v12  }
0x2e4: {  	v14 =	vld [tilespmem:$0xE80]  }
0x2e5: {  	v12 =	vmul.f32 v47, v29;
	v26 =	vadd.f32 v15, v26;
	[tilespmem:$0x1FE90] =	vst v6;
	v6 =	vmul.f32 v5, v44;
	v44 =	vld [tilespmem:$0x1F9A0]  }
0x2e6: {  	v32 =	vld [tilespmem:$0xAF0]  }
0x2e7: {  	v27 =	vadd.f32 v12, v26;
	v12 =	vld [tilespmem:$0x1F9D0]  }
0x2e8: {  	v3 =	vld [tilespmem:$0x1AB0]  }
0x2e9: {  	v15 =	vperm.xlane v24, v9;
	v5 =	vld [tilespmem:$0x1F9C0]  }
0x2ea: {  	v28 =	vadd.f32 v6, v22;
	v22 =	vmul.f32 v31, v30;
	v47 =	vmul.f32 v44, v48;
	v48 =	vld [tilespmem:$0x1F9B0]  }
0x2eb: {  	v4 =	vld [tilespmem:$0x1AC0];
	v20 =	vnsel vm1, $0xF149F2CA, v20;
	[tilespmem:$0x1FED0] =	vst v14  }
0x2ec: {  	v21 =	vld [tilespmem:$0x1AF0];
	[tilespmem:$0x1FEA0] =	vst v32;
	v32 =	vadd.f32 v24, v15;
	v14 =	vmul.f32 v12, v49;
	v15 =	vadd.f32 $0.0e+00, v22  }
0x2ed: {  	v1 =	vmax.f32 v1, v20;
	v20 =	vmul.f32 v33, v46;
	v46 =	vld [tilespmem:$0xEB0]  }
0x2ee: {  	v33 =	vadd.f32 v14, v15;
	v14 =	vld [tilespmem:$0x1FA00]  }
0x2ef: {  	v49 =	vld [tilespmem:$0x1F9F0];
	v6 =	vmul.f32 v5, v48  }
0x2f0: {  	v48 =	vld [tilespmem:$0x1F9E0]  }
0x2f1: {  	v23 =	vld [tilespmem:$0x1E80];
	v27 =	vadd.f32 v6, v27  }
0x2f2: {  	v26 =	vld [tilespmem:$0xE90];
	v30 =	vadd.f32 v47, v28  }
0x2f3: {  	v24 =	vld [tilespmem:$0x1EA0];
	v15 =	vmul.f32 v14, v60;
	v31 =	vadd.f32 v20, v27  }
0x2f4: {  	v47 =	vld [tilespmem:$0x1FA10];
	v20 =	vperm.xlane v30, v25  }
0x2f5: {  	v5 =	vmul.f32 v49, v48;
	v48 =	vadd.f32 v15, v31;
	v15 =	vld [tilespmem:$0x1FA30]  }
0x2f6: {  	v60 =	vadd.f32 v30, v20;
	v20 =	vld [tilespmem:$0x1FA40]  }
0x2f7: {  	v22 =	vld [tilespmem:$0x1E90];
	v6 =	vimm.s32 $0x7  }
0x2f8: {  	v12 =	vperm.xlane v55, v6;
	v33 =	vadd.f32 v5, v33;
	v5 =	vld [tilespmem:$0x1FA20]  }
0x2f9: {  	v28 =	vld [tilespmem:$0xEA0]  }
0x2fa: {  	vm1 =	veq.s32 v12, v45;
	v12 =	vadd.f32 v63, v48;
	v63 =	vld [tilespmem:$0x1EE0]  }
0x2fb: {  	v56 =	vmul.f32 v47, v56;
	v29 =	vmul.f32 v20, v15;
	v15 =	vld [tilespmem:$0x1FA70]  }
0x2fc: {  	v14 =	vmul.f32 v50, v42;
	v32 =	vnsel vm1, $0xF149F2CA, v32;
	v20 =	vld [tilespmem:$0x1FA80]  }
0x2fd: {  	[tilespmem:$0x1FF00] =	vst v46;
	v46 =	vperm.xlane v60, v10;
	v33 =	vadd.f32 v56, v33;
	v6 =	vmul.f32 v53, v5;
	v5 =	vld [tilespmem:$0x1FA60]  }
0x2fe: {  	v27 =	vld [tilespmem:$0x1EB0];
	v56 =	vmul.f32 v57, v54;
	v53 =	vmax.f32 v1, v32;
	v1 =	vadd.f32 v14, v12  }
0x2ff: {  	v14 =	vld [tilespmem:$0xEF0];
	v33 =	vadd.f32 v6, v33  }
0x300: {  	v51 =	vmul.f32 v51, v37;
	v47 =	vadd.f32 v60, v46;
	[tilespmem:$0x1FF60] =	vst v63;
	v63 =	vld [tilespmem:$0x1FAA0];
	v49 =	vadd.f32 v56, v1  }
0x301: {  	v60 =	vmul.f32 v58, v59;
	v33 =	vadd.f32 v29, v33;
	v29 =	vmul.f32 v20, v15;
	v20 =	vld [tilespmem:$0x1FAC0]  }
0x302: {  	v12 =	vadd.f32 $0.0e+00, v51;
	v51 =	vadd.f32 v40, v49;
	v40 =	vld [tilespmem:$0x1FAF0];
	v6 =	vmul.f32 v52, v5  }
0x303: {  	v44 =	vadd.f32 v60, v33;
	v60 =	vld [tilespmem:$0x1FA90]  }
0x304: {  	v50 =	vadd.f32 v6, v12;
	v6 =	vld [tilespmem:$0x1FAB0]  }
0x305: {  	v44 =	vadd.f32 v29, v44;
	v29 =	vld [tilespmem:$0x1FAD0]  }
0x306: {  	v31 =	vld [tilespmem:$0xEC0]  }
0x307: {  	v30 =	vld [tilespmem:$0x1EC0];
	v37 =	vperm.xlane v47, v11  }
0x308: {  	v42 =	vmul.f32 v40, v38;
	v38 =	vld [tilespmem:$0x1FB50];
	v5 =	vmul.f32 v63, v60  }
0x309: {  	v63 =	vld [tilespmem:$0x1FB10];
	v12 =	vmul.f32 v6, v62  }
0x30a: {  	[tilespmem:$0x1FF70] =	vst v14;
	v52 =	vadd.f32 v47, v37;
	v62 =	vld [tilespmem:$0x1FB00];
	v14 =	vadd.f32 v5, v50;
	v37 =	vmul.f32 v29, v20  }
0x30b: {  	v44 =	vadd.f32 v12, v44;
	v12 =	vld [tilespmem:$0x1FB20]  }
0x30c: {  	v50 =	vadd.f32 v37, v14;
	v14 =	vld [tilespmem:$0x1FB30]  }
0x30d: {  	v37 =	vld [tilespmem:$0x1FB40]  }
0x30e: {  	v48 =	vld [tilespmem:$0xED0]  }
0x30f: {  	v57 =	vld [tilespmem:$0xEE0]  }
0x310: {  	v54 =	vld [tilespmem:$0xB10];
	v5 =	vmul.f32 v63, v62  }
0x311: {  	v58 =	vld [tilespmem:$0x1FBA0];
	v44 =	vadd.f32 v42, v44  }
0x312: {  	v32 =	vld [tilespmem:$0x1ED0];
	v29 =	vadd.f32 v5, v50;
	v20 =	vmul.f32 v14, v12;
	v40 =	vmul.f32 v38, v37  }
0x313: {  	v37 =	vld [tilespmem:$0x1FB90]  }
0x314: {  	v44 =	vadd.f32 v20, v44;
	v20 =	vadd.f32 v40, v29;
	v29 =	vld [tilespmem:$0x1FB80]  }
0x315: {  	v63 =	vld [tilespmem:$0x1FB60]  }
0x316: {  	v5 =	vld [tilespmem:$0x1FB70]  }
0x317: {  	v56 =	vld [tilespmem:$0x1B20];
	v12 =	vimm.s32 $0x8  }
0x318: {  	v62 =	vld [tilespmem:$0x1FBB0];
	v14 =	vperm.xlane v55, v12  }
0x319: {  	[tilespmem:$0x1FF50] =	vst v57;
	v57 =	vld [tilespmem:$0x1B30];
	v6 =	vperm.xlane v51, v25;
	v0 =	vmul.f32 v37, v29  }
0x31a: {  	vm1 =	veq.s32 v14, v45;
	v14 =	vld [tilespmem:$0x1FBC0]  }
0x31b: {  	v59 =	vadd.f32 v51, v6;
	v6 =	vmul.f32 v5, v63;
	v0 =	vadd.f32 v0, v20;
	v20 =	vld [tilespmem:$0x1FBD0]  }
0x31c: {  	v1 =	vld [tilespmem:$0x1FE80]  }
0x31d: {  	v15 =	vld [tilespmem:$0xB00];
	v12 =	vmul.f32 v62, v58;
	v44 =	vadd.f32 v6, v44  }
0x31e: {  	v49 =	vld [tilespmem:$0xB20]  }
0x31f: {  	v44 =	vadd.f32 v12, v44;
	v12 =	vld [tilespmem:$0x1FC00]  }
0x320: {  	v29 =	vmul.f32 v20, v14;
	v14 =	vld [tilespmem:$0x1FC10]  }
0x321: {  	v47 =	vld [tilespmem:$0x1B10];
	v38 =	vperm.xlane v59, v10  }
0x322: {  	v33 =	vld [tilespmem:$0x1EF0]  }
0x323: {  	v42 =	vadd.f32 v59, v38;
	v38 =	vld [tilespmem:$0x1FBE0]  }
0x324: {  	v40 =	vld [tilespmem:$0x1FBF0]  }
0x325: {  	v20 =	vmul.f32 v14, v12;
	v14 =	vld [tilespmem:$0x1FC50]  }
0x326: {  	v24 =	vmul.f32 v24, v28;
	v28 =	vld [tilespmem:$0x1FF70];
	v60 =	vperm.xlane v52, v9  }
0x327: {  	v56 =	vmul.f32 v56, v49;
	v49 =	vld [tilespmem:$0x1BD0]  }
0x328: {  	v60 =	vadd.f32 v52, v60;
	v52 =	vld [tilespmem:$0xB50];
	v0 =	vadd.f32 v29, v0  }
0x329: {  	v51 =	vld [tilespmem:$0xB40];
	v46 =	vmul.f32 v40, v38  }
0x32a: {  	v40 =	vld [tilespmem:$0x1FC20];
	v0 =	vadd.f32 v20, v0;
	v20 =	vmul.f32 v14, v13  }
0x32b: {  	v44 =	vadd.f32 v46, v44;
	v46 =	vld [tilespmem:$0x1FC30]  }
0x32c: {  	v0 =	vadd.f32 v20, v0;
	v20 =	vld [tilespmem:$0x1FCA0]  }
0x32d: {  	v63 =	vld [tilespmem:$0x1FC60];
	v29 =	vperm.xlane v42, v11  }
0x32e: {  	v13 =	vld [tilespmem:$0x1FC80]  }
0x32f: {  	v42 =	vadd.f32 v42, v29;
	v29 =	vadd.f32 $0.0e+00, v43;
	v14 =	vld [tilespmem:$0x1FC90]  }
0x330: {  	v50 =	vld [tilespmem:$0xB30];
	v12 =	vmul.f32 v46, v40  }
0x331: {  	v46 =	vld [tilespmem:$0x1FCC0];
	v62 =	vadd.f32 v61, v29;
	v29 =	vmul.f32 v35, v20  }
0x332: {  	v37 =	vadd.f32 v12, v44;
	v44 =	vld [tilespmem:$0x1FCB0]  }
0x333: {  	v40 =	vadd.f32 v29, v62;
	v29 =	vld [tilespmem:$0x1FCD0]  }
0x334: {  	v12 =	vmul.f32 v8, v63;
	v63 =	vmul.f32 v14, v13;
	v13 =	vld [tilespmem:$0x1FCE0]  }
0x335: {  	v14 =	vld [tilespmem:$0x1FCF0]  }
0x336: {  	v58 =	vld [tilespmem:$0x1B40]  }
0x337: {  	v59 =	vld [tilespmem:$0x1B50];
	v8 =	vmul.f32 v46, v44  }
0x338: {  	v20 =	vperm.xlane v42, v9;
	v46 =	vmul.f32 v39, v29;
	v29 =	vld [tilespmem:$0x1FD00]  }
0x339: {  	v5 =	vld [tilespmem:$0xF00]  }
0x33a: {  	v35 =	vadd.f32 v42, v20;
	v20 =	vmul.f32 v14, v13;
	v13 =	vld [tilespmem:$0x1FD20]  }
0x33b: {  	v37 =	vadd.f32 v63, v37;
	v40 =	vadd.f32 v46, v40;
	v46 =	vld [tilespmem:$0x1FD10]  }
0x33c: {  	v60 =	vnsel vm1, $0xF149F2CA, v60;
	v6 =	vld [tilespmem:$0xB70];
	v0 =	vadd.f32 v12, v0  }
0x33d: {  	v38 =	vmax.f32 v53, v60;
	v53 =	vld [tilespmem:$0xB60];
	v39 =	vperm.xlane v37, v25;
	v44 =	vmul.f32 v34, v29  }
0x33e: {  	v60 =	vld [tilespmem:$0x1B60];
	v0 =	vadd.f32 v8, v0  }
0x33f: {  	v34 =	vadd.f32 v37, v39;
	v37 =	vadd.f32 v44, v40;
	v44 =	vld [tilespmem:$0x1FD30]  }
0x340: {  	v8 =	vmul.f32 v13, v46;
	v46 =	vld [tilespmem:$0x1FD40]  }
0x341: {  	v43 =	vld [tilespmem:$0x1B70];
	v0 =	vadd.f32 v20, v0;
	v20 =	vimm.s32 $0x9  }
0x342: {  	v61 =	vld [tilespmem:$0x1F00];
	v29 =	vperm.xlane v55, v20  }
0x343: {  	v40 =	vld [tilespmem:$0x1FD50]  }
0x344: {  	vm1 =	veq.s32 v29, v45;
	v45 =	vld [tilespmem:$0x1FD60]  }
0x345: {  	v29 =	vmul.f32 v7, v17;
	v20 =	vmul.f32 v46, v44;
	v46 =	vld [tilespmem:$0x1FD70]  }
0x346: {  	v12 =	vld [tilespmem:$0xF10]  }
0x347: {  	v18 =	vmul.f32 v18, v19;
	v63 =	vld [tilespmem:$0x1F20];
	v29 =	vadd.f32 $0.0e+00, v29  }
0x348: {  	v39 =	vld [tilespmem:$0x1FD80]  }
0x349: {  	v19 =	vadd.f32 v18, v29;
	v29 =	vld [tilespmem:$0x1FDA0]  }
0x34a: {  	v36 =	vmul.f32 v36, v40;
	v40 =	vmul.f32 v46, v45;
	v45 =	vld [tilespmem:$0x1FD90]  }
0x34b: {  	v62 =	vld [tilespmem:$0x1F10]  }
0x34c: {  	v42 =	vld [tilespmem:$0xF30];
	v0 =	vadd.f32 v8, v0  }
0x34d: {  	v14 =	vld [tilespmem:$0xF20]  }
0x34e: {  	v0 =	vadd.f32 v40, v0;
	v40 =	vmul.f32 v41, v29;
	v41 =	vld [tilespmem:$0x1FDC0]  }
0x34f: {  	v46 =	vmul.f32 v45, v39;
	v39 =	vld [tilespmem:$0x1FDB0]  }
0x350: {  	v6 =	vmul.f32 v43, v6;
	v43 =	vmul.f32 v62, v12;
	v62 =	vld [tilespmem:$0x1FE0];
	v13 =	vadd.f32 v20, v37  }
0x351: {  	v7 =	vld [tilespmem:$0xF40];
	v37 =	vperm.xlane v34, v10  }
0x352: {  	v17 =	vld [tilespmem:$0x1F40];
	v13 =	vadd.f32 v36, v13  }
0x353: {  	v8 =	vld [tilespmem:$0xF50];
	v34 =	vadd.f32 v34, v37  }
0x354: {  	v45 =	vld [tilespmem:$0x1FDD0];
	v13 =	vadd.f32 v46, v13;
	v37 =	vmul.f32 v41, v39  }
0x355: {  	v46 =	vld [tilespmem:$0x1FDE0];
	v39 =	vperm.xlane v34, v11  }
0x356: {  	v13 =	vadd.f32 v37, v13;
	v37 =	vld [tilespmem:$0x1FE00]  }
0x357: {  	v34 =	vadd.f32 v34, v39;
	v39 =	vld [tilespmem:$0x1FE10]  }
0x358: {  	v40 =	vadd.f32 v40, v19;
	v19 =	vld [tilespmem:$0x1FDF0]  }
0x359: {  	v18 =	vld [tilespmem:$0x1F60]  }
0x35a: {  	v20 =	vld [tilespmem:$0xF60]  }
0x35b: {  	v41 =	vmul.f32 v46, v45;
	v45 =	vld [tilespmem:$0x1FE40]  }
0x35c: {  	v46 =	vmul.f32 v39, v37;
	v37 =	vld [tilespmem:$0x1FE30]  }
0x35d: {  	v36 =	vld [tilespmem:$0x1F50];
	v29 =	vmul.f32 v3, v19  }
0x35e: {  	v3 =	vld [tilespmem:$0xF70]  }
0x35f: {  	v40 =	vadd.f32 v29, v40;
	v29 =	vld [tilespmem:$0x1FE20]  }
0x360: {  	v19 =	vld [tilespmem:$0x1F70]  }
0x361: {  	v39 =	vadd.f32 v41, v0;
	v0 =	vld [tilespmem:$0x1FE60];
	v13 =	vadd.f32 v46, v13;
	v46 =	vmul.f32 v45, v37  }
0x362: {  	v45 =	vld [tilespmem:$0x1FE50]  }
0x363: {  	v13 =	vadd.f32 v46, v13;
	v46 =	vld [tilespmem:$0x1FE70]  }
0x364: {  	v4 =	vmul.f32 v4, v29;
	v29 =	vnsel vm1, $0xF149F2CA, v35;
	v35 =	vld [tilespmem:$0x1B80]  }
0x365: {  	v41 =	vld [tilespmem:$0xB80]  }
0x366: {  	v29 =	vmax.f32 v38, v29;
	v38 =	vld [tilespmem:$0xB90]  }
0x367: {  	v4 =	vadd.f32 v4, v40;
	v37 =	vperm.xlane v34, v9;
	v16 =	vmul.f32 v16, v45;
	v45 =	vld [tilespmem:$0x1B90]  }
0x368: {  	v40 =	vperm.xlane v39, v25;
	v0 =	vmul.f32 v46, v0;
	v46 =	vld [tilespmem:$0x1FE90]  }
0x369: {  	v15 =	vmul.f32 v2, v15;
	v16 =	vadd.f32 v16, v4;
	v4 =	vadd.f32 v34, v37;
	v37 =	vld [tilespmem:$0x1BA0]  }
0x36a: {  	v34 =	vadd.f32 v39, v40;
	v40 =	vld [tilespmem:$0x1BB0]  }
0x36b: {  	v15 =	vadd.f32 $0.0e+00, v15;
	v39 =	vmul.f32 v47, v54;
	v47 =	vld [tilespmem:$0x1FEB0]  }
0x36c: {  	v54 =	vld [tilespmem:$0x1FEC0]  }
0x36d: {  	v15 =	vadd.f32 v39, v15;
	v39 =	vld [tilespmem:$0x1BC0]  }
0x36e: {  	v38 =	vmul.f32 v45, v38;
	v45 =	vld [tilespmem:$0xBC0]  }
0x36f: {  	v15 =	vadd.f32 v56, v15;
	v56 =	vld [tilespmem:$0x1BE0];
	v46 =	vmul.f32 v46, v1  }
0x370: {  	v1 =	vld [tilespmem:$0xBA0]  }
0x371: {  	v0 =	vadd.f32 v0, v13;
	v13 =	vadd.f32 v46, v16;
	v16 =	vmul.f32 v35, v41;
	v35 =	vld [tilespmem:$0xBB0]  }
0x372: {  	v46 =	vld [tilespmem:$0x1FEA0]  }
0x373: {  	v41 =	vmul.f32 v54, v47;
	v47 =	vmul.f32 v57, v50;
	v57 =	vld [tilespmem:$0x1FEE0]  }
0x374: {  	v54 =	vmul.f32 v58, v51;
	v58 =	vld [tilespmem:$0x1FEF0]  }
0x375: {  	v51 =	vmul.f32 v60, v53;
	v60 =	vld [tilespmem:$0x1FF20]  }
0x376: {  	v2 =	vmul.f32 v39, v45;
	v45 =	vld [tilespmem:$0xBF0]  }
0x377: {  	v15 =	vadd.f32 v47, v15;
	v47 =	vld [tilespmem:$0x1BF0]  }
0x378: {  	v16 =	vadd.f32 $0.0e+00, v16;
	v0 =	vadd.f32 v41, v0;
	v41 =	vld [tilespmem:$0xFB0]  }
0x379: {  	v1 =	vmul.f32 v37, v1;
	v37 =	vld [tilespmem:$0xBD0]  }
0x37a: {  	v16 =	vadd.f32 v38, v16;
	v21 =	vmul.f32 v21, v46;
	v46 =	vld [tilespmem:$0x1FED0]  }
0x37b: {  	v15 =	vadd.f32 v54, v15;
	v54 =	vld [tilespmem:$0xF90]  }
0x37c: {  	v38 =	vld [tilespmem:$0x1FA0];
	v50 =	vmul.f32 v40, v35;
	v1 =	vadd.f32 v1, v16  }
0x37d: {  	v35 =	vmul.f32 v58, v57;
	v58 =	vld [tilespmem:$0x1F90]  }
0x37e: {  	v1 =	vadd.f32 v50, v1;
	v50 =	vld [tilespmem:$0xF80]  }
0x37f: {  	v13 =	vadd.f32 v21, v13;
	v49 =	vmul.f32 v49, v37;
	v37 =	vld [tilespmem:$0xFA0];
	v23 =	vmul.f32 v23, v46  }
0x380: {  	v46 =	vmul.f32 v59, v52;
	v52 =	vld [tilespmem:$0x1F80]  }
0x381: {  	v22 =	vmul.f32 v22, v26;
	v13 =	vadd.f32 v23, v13;
	v23 =	vld [tilespmem:$0xBE0]  }
0x382: {  	v5 =	vmul.f32 v61, v5;
	v61 =	vmul.f32 v17, v7;
	v59 =	vld [tilespmem:$0x1FF10]  }
0x383: {  	v8 =	vmul.f32 v36, v8;
	v1 =	vadd.f32 v2, v1;
	v2 =	vmul.f32 v47, v45;
	v45 =	vld [tilespmem:$0x1FB0]  }
0x384: {  	v3 =	vmul.f32 v19, v3;
	v39 =	vmul.f32 v30, v31;
	v47 =	vld [tilespmem:$0xFC0];
	v15 =	vadd.f32 v46, v15  }
0x385: {  	v30 =	vmul.f32 v33, v28;
	v46 =	vmul.f32 v58, v54;
	v58 =	vld [tilespmem:$0x1FF50]  }
0x386: {  	v1 =	vadd.f32 v49, v1;
	v15 =	vadd.f32 v51, v15;
	v51 =	vld [tilespmem:$0x1FC0];
	v53 =	vmul.f32 v56, v23  }
0x387: {  	v0 =	vadd.f32 v35, v0;
	v35 =	vperm.xlane v34, v10;
	v26 =	vmul.f32 v60, v59;
	v59 =	vld [tilespmem:$0x1FF60]  }
0x388: {  	v49 =	vmul.f32 v32, v48;
	v32 =	vmul.f32 v18, v20;
	v56 =	vld [tilespmem:$0x1FF00];
	v1 =	vadd.f32 v53, v1  }
0x389: {  	v13 =	vadd.f32 v22, v13;
	v40 =	vmul.f32 v52, v50;
	v60 =	vld [tilespmem:$0xFE0];
	v6 =	vadd.f32 v6, v15  }
0x38a: {  	v44 =	vld [tilespmem:$0x1F30];
	v50 =	vmul.f32 v63, v14;
	v12 =	vmul.f32 v45, v41;
	v1 =	vadd.f32 v2, v1  }
0x38b: {  	v52 =	vld [tilespmem:$0x1FF30];
	v13 =	vadd.f32 v24, v13;
	v15 =	vmul.f32 v38, v37;
	v5 =	vadd.f32 v5, v6  }
0x38c: {  	v37 =	vimm.s32 $0xA;
	v0 =	vadd.f32 v26, v0;
	v53 =	vld [tilespmem:$0x1FF40];
	v1 =	vadd.f32 v40, v1  }
0x38d: {  	v63 =	vmul.f32 v51, v47;
	v5 =	vadd.f32 v43, v5;
	v57 =	vmul.f32 v27, v56  }
0x38e: {  	v54 =	vld [tilespmem:$0xFD0];
	v23 =	vmul.f32 v59, v58;
	v7 =	vmul.f32 v62, v60;
	v1 =	vadd.f32 v46, v1  }
0x38f: {  	v5 =	vadd.f32 v50, v5;
	v56 =	vmul.f32 v44, v42;
	v13 =	vadd.f32 v57, v13;
	v57 =	vld [tilespmem:$0x1FD0]  }
0x390: {  	v58 =	vimm.s32 $0xD;
	v60 =	vimm.s32 $0xE;
	v1 =	vadd.f32 v15, v1  }
0x391: {  	v62 =	vimm.s32 $0xF;
	v24 =	vmul.f32 v53, v52;
	v5 =	vadd.f32 v56, v5  }
0x392: {  	v27 =	vld [tilespmem:$0x1FF0];
	v53 =	vimm.s32 $0xC;
	v13 =	vadd.f32 v39, v13;
	v1 =	vadd.f32 v12, v1  }
0x393: {  	v0 =	vadd.f32 v24, v0;
	v24 =	vld [tilespmem:$0xFF0];
	v5 =	vadd.f32 v61, v5;
	v39 =	vlaneseq.u32  }
0x394: {  	v13 =	vadd.f32 v49, v13;
	v31 =	vmul.f32 v57, v54;
	v1 =	vadd.f32 v63, v1  }
0x395: {  	v26 =	vperm.xlane v0, v25;
	v5 =	vadd.f32 v8, v5;
	v8 =	vperm.xlane v55, v37  }
0x396: {  	v49 =	vimm.s32 $0xB;
	v13 =	vadd.f32 v23, v13;
	v1 =	vadd.f32 v31, v1  }
0x397: {  	v12 =	vperm.xlane v55, v49;
	v0 =	vadd.f32 v0, v26;
	v2 =	vadd.f32 v32, v5  }
0x398: {  	v36 =	vmul.f32 v27, v24;
	v33 =	vadd.f32 v30, v13;
	v1 =	vadd.f32 v7, v1  }
0x399: {  	v5 =	vadd.f32 v34, v35;
	vm1 =	veq.s32 v8, v39;
	v2 =	vadd.f32 v3, v2  }
0x39a: {  	v38 =	vperm.xlane v0, v10;
	v40 =	vperm.xlane v33, v25;
	v1 =	vadd.f32 v36, v1  }
0x39b: {  	v4 =	vnsel vm1, $0xF149F2CA, v4;
	v41 =	vperm.xlane v5, v11;
	v42 =	vperm.xlane v2, v25  }
0x39c: {  	v0 =	vadd.f32 v0, v38;
	v6 =	vadd.f32 v33, v40;
	v43 =	vperm.xlane v1, v25  }
0x39d: {  	vm1 =	veq.s32 v12, v39;
	v5 =	vadd.f32 v5, v41;
	v2 =	vadd.f32 v2, v42  }
0x39e: {  	v44 =	vperm.xlane v0, v11;
	v46 =	vperm.xlane v6, v10;
	v1 =	vadd.f32 v1, v43  }
0x39f: {  	v45 =	vmax.f32 v29, v4;
	v47 =	vperm.xlane v5, v9;
	v48 =	vperm.xlane v2, v10  }
0x3a0: {  	v0 =	vadd.f32 v0, v44;
	v4 =	vadd.f32 v6, v46;
	v50 =	vperm.xlane v1, v10  }
0x3a1: {  	v63 =	vlaneseq.u32;
	v5 =	vadd.f32 v5, v47;
	v2 =	vadd.f32 v2, v48  }
0x3a2: {  	v51 =	vperm.xlane v0, v9;
	v52 =	vperm.xlane v4, v11;
	v1 =	vadd.f32 v1, v50  }
0x3a3: {  	v6 =	vperm.xlane v55, v53;
	v5 =	vnsel vm1, $0xF149F2CA, v5;
	v54 =	vperm.xlane v2, v11  }
0x3a4: {  	v0 =	vadd.f32 v0, v51;
	v4 =	vadd.f32 v4, v52;
	v56 =	vperm.xlane v1, v11  }
0x3a5: {  	v3 =	vmax.f32 v45, v5;
	vm1 =	veq.s32 v6, v39;
	v2 =	vadd.f32 v2, v54  }
0x3a6: {  	v0 =	vnsel vm1, $0xF149F2CA, v0;
	v57 =	vperm.xlane v4, v9;
	v1 =	vadd.f32 v1, v56  }
0x3a7: {  	v0 =	vmax.f32 v3, v0;
	v3 =	vperm.xlane v55, v58;
	v59 =	vperm.xlane v2, v9  }
0x3a8: {  	v5 =	vperm.xlane v55, v60;
	v4 =	vadd.f32 v4, v57;
	v61 =	vperm.xlane v1, v9  }
0x3a9: {  	vm1 =	veq.s32 v3, v39;
	v3 =	vperm.xlane v55, v62;
	v2 =	vadd.f32 v2, v59  }
0x3aa: {  	v4 =	vnsel vm1, $0xF149F2CA, v4;
	vm1 =	veq.s32 v5, v39;
	v1 =	vadd.f32 v1, v61  }
0x3ab: {  	v0 =	vmax.f32 v0, v4;
	v2 =	vnsel vm1, $0xF149F2CA, v2;
	vm1 =	veq.s32 v3, v63  }
0x3ac: {  	v0 =	vmax.f32 v0, v2;
	v1 =	vnsel vm1, $0xF149F2CA, v1  }
0x3ad: {  	p0 =	sne.s32 s7, $0x1;
	v0 =	vmax.f32 v0, v1  }
.Ltmp0:
0x3ae: {  	[tilespmem:$0x2080] =	vst v0;
	(pc) =	sbr.rel @p0 .LBB2_1-.Ltmp0, $4  }
0x3af: {  	[hbm4b:s6+s3] =	stream.linear.scatter [tilespmem:s14], [sflag:$0x3], $0x80, $0x38;
	[tilespmem:$0x2100] =	vst v63  }
0x3b0: {  	_ =	swait.ge [sflag:s9], $0x80  }
0x3b1: {  	[sflag:s9] =	ssyncset.done $0x0  }
0x3b2: {  	s7 =	sadd.s32 $0xFFFFFFFF, s7;
	[sflag:s9] =	ssyncadd.s32 $0xFFFFFF80  }
0x3b3: {  	_ =	sfence.sel $0x180000  }
0x3b4: {  	[bflag:$0x0] =	sbarrier.arrive $0xFFFF  }
0x3b5: {  	p0 =	sne.s32 s0, $0x0;
	_ =	strace $0x90000047  }
0x3b6: {  	s0 =	sadd.s32 @!p0 $0x100000, s1;
	[bflag:$0x2] =	sbarrier.arrive $0xFFFF  }
0x3b7: {  	[sflag:s0] =	ssyncadd.tile.s32 @!p0 $0x1;
	_ =	shalt  }
.Lfunc_end2:
_tile_overlayer_lowered:
.L_overlay_start_2:
0x3b8: {  	(tag) =	ssettag $0x2  }
0x3b9: {  	s0 =	rddreg [dreg:$0x0];
	s2 =	stileid.u32  }
0x3ba: {  	s1 =	rddreg [dreg:$0x1];
	p0 =	sne.s32 s2, $0x0  }
0x3bb: {  	s3 =	rddreg [dreg:$0x2];
	[bflag:$0x3] =	sbarrier.arrive $0xFFFF;
	s2 =	simm.s32 @!p0 $0x1C03  }
0x3bc: {  	[timem:s3], [sflag:s2] =	dma.local @!p0 [hbm:s0], s1  }
0x3bd: {  	s0 =	simm.s32 @!p0 $0x3  }
0x3be: {  	_ =	swait.ge @!p0 [sflag:s0], s1  }
0x3bf: {  	s1 =	ssub.s32 @!p0 $0x0, s1;
	[sflag:s0] =	ssyncset.done @!p0 $0x0  }
0x3c0: {  	[sflag:s0] =	ssyncadd.s32 @!p0 s1  }
0x3c1: {  	[bflag:$0x3] =	sbarrier.arrive $0xFFFF  }
0x3c2: {  	_ =	shalt  }

</sc_bundles>
